<compile_context>
chip_gen: v7x
topology: tpu7x:2x2x1
jax: 0.10.2.dev20260603
libtpu: 0.0.44.dev20260713+nightly
codegen_flags: <defaults>
</compile_context>

<pallas_src>
import jax
import jax.numpy as jnp
from jax import lax
from jax.experimental import pallas as pl
from jax.experimental.pallas import tpu as pltpu
from jax.experimental.pallas import tpu_sc as plsc

B = 128
D = 2048
H = D // 2
CACHE = 16384

NB = 3
NC = 32
RB = CACHE // NC

SC_NW = 32
SC_ROWS = 9216
SC_RP = SC_ROWS // SC_NW
SC_CH = 32
SC_NCH = SC_RP // SC_CH
TAIL_NC = (CACHE - SC_ROWS) // 512


def _sc_copy_body(lf2_hbm, new2_hbm, b0, b1, rs0, rs1, ws0, ws1):
    wid = lax.axis_index("s") * 2 + lax.axis_index("c")
    base = wid * SC_RP
    bufs = (b0, b1)
    rsem = (rs0, rs1)
    wsem = (ws0, ws1)

    def rd(k, i):
        return pltpu.async_copy(
            lf2_hbm.at[pl.ds(base + k * SC_CH, SC_CH)], bufs[i], rsem[i])

    def wr(k, i):
        return pltpu.async_copy(
            bufs[i], new2_hbm.at[pl.ds(base + k * SC_CH, SC_CH)], wsem[i])

    h_r = [None] * SC_NCH
    h_w = [None] * SC_NCH
    h_r[0] = rd(0, 0)
    for k in range(SC_NCH):
        cur, oth = k % 2, (k + 1) % 2
        h_r[k].wait()
        if k + 1 < SC_NCH:
            if k >= 1:
                h_w[k - 1].wait()
            h_r[k + 1] = rd(k + 1, oth)
        h_w[k] = wr(k, cur)
    h_w[SC_NCH - 1].wait()
    if SC_NCH >= 2:
        h_w[SC_NCH - 2].wait()


def _lf_kernel(x_ref, pre_ref, out_idx_ref, idx_row_ref, idx_col_ref,
               b1_ref, b2_ref, nw_ref,
               w1_hbm, w2_hbm, lf1_ref, lf2_ref,
               out_ref, new1_ref, v2_out_ref,
               w1_ref, w2_ref, g1_ref, g2_ref, v1_ref, out1_ref,
               buf1, r1, w1s, gsem, wa_sem, wb_sem, ssem):
    def rd1(k, b):
        return pltpu.make_async_copy(lf1_ref.at[pl.ds(k * RB, RB)],
                                     buf1.at[b], r1.at[b])

    def wr1(k, b):
        return pltpu.make_async_copy(buf1.at[b],
                                     new1_ref.at[pl.ds(k * RB, RB)], w1s.at[b])

    pltpu.make_async_copy(w1_hbm, w1_ref, wa_sem).start()
    pltpu.make_async_copy(w2_hbm, w2_ref, wb_sem).start()
    for b in range(NB):
        rd1(b, b).start()

    def gather_start(i, _):
        j = pre_ref[0, i]
        pltpu.make_async_copy(lf1_ref.at[j], g1_ref.at[i], gsem).start()
        pltpu.make_async_copy(lf2_ref.at[j], g2_ref.at[i], gsem).start()
        return 0

    jax.lax.fori_loop(0, B, gather_start, 0)

    SL1 = 4
    SL2 = 8
    C1 = H // SL1
    C2 = D // SL2

    def piece_gather_wait():
        def gather_wait(i, _):
            j = pre_ref[0, i]
            pltpu.make_async_copy(lf1_ref.at[j], g1_ref.at[i], gsem).wait()
            pltpu.make_async_copy(lf2_ref.at[j], g2_ref.at[i], gsem).wait()
            return 0
        jax.lax.fori_loop(0, B, gather_wait, 0)

    def _pmat():
        col = idx_col_ref[...]
        row = idx_row_ref[...]
        eq = col == row
        jj = jax.lax.broadcasted_iota(jnp.int32, (B, B), 1)
        last = jnp.max(jnp.where(eq, jj, -1), axis=1, keepdims=True)
        return (jj == last).astype(jnp.float32)

    def piece_p():
        v1_ref[...] = jnp.dot(_pmat(), x_ref[...],
                              preferred_element_type=jnp.float32)

    def piece_scat1_start():
        def s1(i, _):
            pltpu.make_async_copy(v1_ref.at[i],
                                  new1_ref.at[out_idx_ref[0, i]],
                                  ssem).start()
            return 0
        jax.lax.fori_loop(0, B, s1, 0)

    def piece_w1_wait():
        pltpu.make_async_copy(w1_hbm, w1_ref, wa_sem).wait()

    def piece_stage1(s):
        c = pl.ds(s * C1, C1)
        cb = pl.ds(H + s * C1, C1)
        out1_ref[:, c] = (
            jnp.dot(g1_ref[...], w1_ref[:, c],
                    preferred_element_type=jnp.float32)
            + jnp.dot(x_ref[...], w1_ref[:, cb],
                      preferred_element_type=jnp.float32)
            + b1_ref[:, c])

    def piece_v2():
        v2_out_ref[...] = jnp.dot(_pmat(), out1_ref[...],
                                  preferred_element_type=jnp.float32)

    def piece_w2_wait():
        pltpu.make_async_copy(w2_hbm, w2_ref, wb_sem).wait()

    def piece_stage2(s):
        c = pl.ds(s * C2, C2)
        cb = pl.ds(D + s * C2, C2)
        out_ref[:, c] = (
            jnp.dot(g2_ref[...], w2_ref[:, c],
                    preferred_element_type=jnp.float32)
            + jnp.dot(out1_ref[...], w2_ref[:, cb],
                      preferred_element_type=jnp.float32)
            + b2_ref[:, c])

    def piece_norm():
        out3 = out_ref[...] + x_ref[...]
        var = jnp.mean(out3 * out3, axis=-1, keepdims=True)
        out_ref[...] = out3 * jax.lax.rsqrt(var + 1e-6) * nw_ref[...]

    pieces = ([piece_gather_wait, piece_p, piece_w1_wait]
              + [lambda s=s: piece_stage1(s) for s in range(SL1)]
              + [piece_v2, piece_w2_wait]
              + [lambda s=s: piece_stage2(s) for s in range(SL2)]
              + [piece_norm])
    first_piece_at = 4

    pc = 0
    for j in range(NC):
        if j >= 1 and j - 1 + NB < NC:
            pk = j - 1
            nk = pk + NB
            wr1(pk, pk % NB).wait()
            rd1(nk, nk % NB).start()
        b = j % NB
        rd1(j, b).wait()
        wr1(j, b).start()
        if j >= first_piece_at and pc < len(pieces):
            pieces[pc]()
            pc += 1
    while pc < len(pieces):
        pieces[pc]()
        pc += 1
    for j in range(max(0, NC - NB), NC):
        wr1(j, j % NB).wait()

    piece_scat1_start()

    def scat_wait(i, _):
        pltpu.make_async_copy(v1_ref.at[i], new1_ref.at[out_idx_ref[0, i]],
                              ssem).wait()
        return 0

    jax.lax.fori_loop(0, B, scat_wait, 0)


def _scat2_kernel(out_idx_ref, v2_ref, lf2_ref, new2in_ref, new2_ref,
                  tbuf, tr, tw, ssem):
    del new2in_ref
    TNB = 3

    def trd(k, b):
        return pltpu.make_async_copy(
            lf2_ref.at[pl.ds(SC_ROWS + k * 512, 512)], tbuf.at[b], tr.at[b])

    def twr(k, b):
        return pltpu.make_async_copy(
            tbuf.at[b], new2_ref.at[pl.ds(SC_ROWS + k * 512, 512)], tw.at[b])

    for b in range(min(TNB, TAIL_NC)):
        trd(b, b).start()
    for j in range(TAIL_NC):
        if j >= 1 and j - 1 + TNB < TAIL_NC:
            pk = j - 1
            nk = pk + TNB
            twr(pk, pk % TNB).wait()
            trd(nk, nk % TNB).start()
        b = j % TNB
        trd(j, b).wait()
        twr(j, b).start()
    for j in range(max(0, TAIL_NC - TNB), TAIL_NC):
        twr(j, j % TNB).wait()

    def s2(i, _):
        pltpu.make_async_copy(v2_ref.at[i], new2_ref.at[out_idx_ref[0, i]],
                              ssem).start()
        return 0

    jax.lax.fori_loop(0, B, s2, 0)

    def s2w(i, _):
        pltpu.make_async_copy(v2_ref.at[i], new2_ref.at[out_idx_ref[0, i]],
                              ssem).wait()
        return 0

    jax.lax.fori_loop(0, B, s2w, 0)


def kernel(inputs, pre_lf_indexs, out_lf_indexs, input_lf_loc, out_lf_loc,
           inputs_loc, outputs_loc, kv_cache, conv1_weight, conv1_bias,
           conv2_weight, conv2_bias, lf1_caches, lf2_caches, norm_weight):
    pre_i32 = pre_lf_indexs.astype(jnp.int32)
    out_i32 = out_lf_indexs.astype(jnp.int32)
    pre_sm = pre_i32.reshape(1, B)
    out_sm = out_i32.reshape(1, B)
    idx_row = out_i32.reshape(1, B)
    idx_col = out_i32.reshape(B, 1)

    vmem = pl.BlockSpec(memory_space=pltpu.MemorySpace.VMEM)
    smem = pl.BlockSpec(memory_space=pltpu.MemorySpace.SMEM)
    anym = pl.BlockSpec(memory_space=pl.ANY)

    sc_copy = pl.kernel(
        _sc_copy_body,
        out_type=jax.ShapeDtypeStruct((CACHE, H), jnp.float32),
        mesh=plsc.VectorSubcoreMesh(core_axis_name="c", subcore_axis_name="s"),
        scratch_types=[
            pltpu.VMEM((SC_CH, H), jnp.float32),
            pltpu.VMEM((SC_CH, H), jnp.float32),
            pltpu.SemaphoreType.DMA,
            pltpu.SemaphoreType.DMA,
            pltpu.SemaphoreType.DMA,
            pltpu.SemaphoreType.DMA,
        ],
    )
    new2_bulk = sc_copy(lf2_caches)

    out, new1, v2 = pl.pallas_call(
        _lf_kernel,
        out_shape=[
            jax.ShapeDtypeStruct((B, D), jnp.float32),
            jax.ShapeDtypeStruct((CACHE, D), jnp.float32),
            jax.ShapeDtypeStruct((B, H), jnp.float32),
        ],
        in_specs=[vmem, smem, smem, vmem, vmem,
                  vmem, vmem, vmem,
                  anym, anym, anym, anym],
        out_specs=[vmem, anym, vmem],
        scratch_shapes=[
            pltpu.VMEM((D, D), jnp.float32),
            pltpu.VMEM((H, 2 * D), jnp.float32),
            pltpu.VMEM((B, D), jnp.float32),
            pltpu.VMEM((B, H), jnp.float32),
            pltpu.VMEM((B, D), jnp.float32),
            pltpu.VMEM((B, H), jnp.float32),
            pltpu.VMEM((NB, RB, D), jnp.float32),
            pltpu.SemaphoreType.DMA((NB,)),
            pltpu.SemaphoreType.DMA((NB,)),
            pltpu.SemaphoreType.DMA,
            pltpu.SemaphoreType.DMA,
            pltpu.SemaphoreType.DMA,
            pltpu.SemaphoreType.DMA,
        ],
        compiler_params=pltpu.CompilerParams(
            vmem_limit_bytes=110 * 1024 * 1024,
        ),
    )(inputs, pre_sm, out_sm, idx_row, idx_col,
      conv1_bias.reshape(1, H), conv2_bias.reshape(1, D),
      norm_weight.reshape(1, D),
      conv1_weight, conv2_weight, lf1_caches, lf2_caches)

    new2 = pl.pallas_call(
        _scat2_kernel,
        out_shape=jax.ShapeDtypeStruct((CACHE, H), jnp.float32),
        in_specs=[smem, vmem, anym, anym],
        out_specs=anym,
        scratch_shapes=[
            pltpu.VMEM((3, 512, H), jnp.float32),
            pltpu.SemaphoreType.DMA((3,)),
            pltpu.SemaphoreType.DMA((3,)),
            pltpu.SemaphoreType.DMA,
        ],
        input_output_aliases={3: 0},
        compiler_params=pltpu.CompilerParams(
            vmem_limit_bytes=110 * 1024 * 1024,
        ),
    )(out_sm, v2, lf2_caches, new2_bulk)

    return out, new1, new2

# --- scband reference (transcript-rebuilt; emitter-appended) ---
"""Pipeline reference for scband-localized-filtering-9483287790026 (READ-ONLY COPY).

The authoritative reference and input builder live on the scoring server;
editing this copy changes nothing except your own understanding.
"""

import jax, jax.numpy as jnp
import numpy as np

B = 128
D = 2048
CACHE = 16384
EPS = 1e-06


def _rmsnorm(x, w, eps=EPS):
    var = jnp.mean(x * x, axis=-1, keepdims=True)
    return x * jax.lax.rsqrt(var + eps) * w


def _fused_cat_conv2d(inputs, pre_lf_indexs, out_lf_indexs, input_lf_loc, out_lf_loc,
                      inputs_loc, outputs_loc, lf_caches, conv_weight):
    bs = pre_lf_indexs.shape[0]
    lf_cache = lf_caches[pre_lf_indexs]                      # gather cached states
    inputs_t = jnp.zeros((inputs.shape[0] + bs, inputs.shape[1]), dtype=inputs.dtype)
    inputs_t = inputs_t.at[inputs_loc].set(inputs)           # scatter new tokens
    inputs_t = inputs_t.at[input_lf_loc].set(lf_cache)       # scatter cached states
    new_caches = lf_caches.at[out_lf_indexs].set(inputs_t[out_lf_loc])  # cache write-back (index_put_)
    combined_out = inputs_t @ conv_weight
    h = combined_out.shape[1] // 2
    output_t = combined_out[:-1, :h] + combined_out[1:, h:]
    return output_t[outputs_loc], new_caches


def setup_inputs(seed: int = 0):
    key = jax.random.key(seed)
    ks = jax.random.split(key, 10)
    ar = jnp.arange(B, dtype=jnp.int32)
    return {
        "inputs": jax.random.normal(ks[0], (B, D), dtype=jnp.float32),
        "pre_lf_indexs": jax.random.randint(ks[1], (B,), 0, CACHE),
        "out_lf_indexs": jax.random.randint(ks[2], (B,), 0, CACHE),
        "input_lf_loc": 2 * ar,        # cached state goes at even rows
        "out_lf_loc": 2 * ar + 1,      # new token state written back to cache
        "inputs_loc": 2 * ar + 1,      # new tokens at odd rows
        "outputs_loc": 2 * ar,         # output combines cache row j with token row j+1
        "kv_cache": jnp.zeros((0,), dtype=jnp.float32),
        "conv1_weight": jax.random.normal(ks[3], (D, D), dtype=jnp.float32) * 0.02,
        "conv1_bias": jax.random.normal(ks[4], (D // 2,), dtype=jnp.float32) * 0.02,
        "conv2_weight": jax.random.normal(ks[5], (D // 2, 2 * D), dtype=jnp.float32) * 0.02,
        "conv2_bias": jax.random.normal(ks[6], (D,), dtype=jnp.float32) * 0.02,
        "lf1_caches": jax.random.normal(ks[7], (CACHE, D), dtype=jnp.float32) * 0.02,
        "lf2_caches": jax.random.normal(ks[8], (CACHE, D // 2), dtype=jnp.float32) * 0.02,
        "norm_weight": jnp.ones((D,), dtype=jnp.float32),
    }


def reference(inputs, pre_lf_indexs, out_lf_indexs, input_lf_loc, out_lf_loc,
              inputs_loc, outputs_loc, kv_cache, conv1_weight, conv1_bias,
              conv2_weight, conv2_bias, lf1_caches, lf2_caches, norm_weight):
    # tp_size == 1: chunk(1)[0] is identity
    output1, new_lf1 = _fused_cat_conv2d(inputs, pre_lf_indexs, out_lf_indexs,
                                         input_lf_loc, out_lf_loc, inputs_loc,
                                         outputs_loc, lf1_caches, conv1_weight)
    output1 = output1 + conv1_bias
    output2, new_lf2 = _fused_cat_conv2d(output1, pre_lf_indexs, out_lf_indexs,
                                         input_lf_loc, out_lf_loc, inputs_loc,
                                         outputs_loc, lf2_caches, conv2_weight)
    output2 = output2 + conv2_bias
    output3 = output2 + inputs
    output = _rmsnorm(output3, norm_weight)
    return output, new_lf1, new_lf2

if __name__ == "__main__":
    import jax
    _d = setup_inputs()
    print(jax.jit(kernel)(*tuple(_d.values())))

</pallas_src>

<mosaic_0001>
#map = affine_map<(d0, d1) -> (0, 0)>
module attributes {stable_mosaic.version = 14 : i64} {
  func.func @_sc_copy_body(%arg0: i32, %arg1: i32, %arg2: memref<16384x1024xf32, #tpu.memory_space<hbm>>, %arg3: memref<16384x1024xf32, #tpu.memory_space<hbm>>, %arg4: memref<32x1024xf32, #tpu.memory_space<vmem>>, %arg5: memref<32x1024xf32, #tpu.memory_space<vmem>>, %arg6: memref<!tpu.dma_semaphore, #tpu.memory_space<semaphore_mem>>, %arg7: memref<!tpu.dma_semaphore, #tpu.memory_space<semaphore_mem>>, %arg8: memref<!tpu.dma_semaphore, #tpu.memory_space<semaphore_mem>>, %arg9: memref<!tpu.dma_semaphore, #tpu.memory_space<semaphore_mem>>) attributes {dimension_semantics = [#tpu.dimension_semantics<core_parallel>, #tpu.dimension_semantics<subcore_parallel>], iteration_bounds = array<i64: 2, 16>, scalar_prefetch = 0 : i64, scratch_operands = 6 : i64, tpu.core_type = #tpu.core_type<sc_vector_subcore>, window_params = [{transform_indices = #map}, {transform_indices = #map}]} {
    %mul3A = arith.constant 2 : i32
    %mul3A_0 = arith.muli %arg1, %mul3A : i32
    %add3A = arith.addi %mul3A_0, %arg0 : i32
    %mul3A_1 = arith.constant 288 : i32
    %mul3A_2 = arith.muli %add3A, %mul3A_1 : i32
    %add3A_3 = arith.constant 0 : i32
    %add3A_4 = arith.addi %mul3A_2, %add3A_3 : i32
    %dma_start3A = arith.constant 0 : i32
    %dma_start3A_5 = tpu.memref_slice %arg2[%add3A_4, %dma_start3A] : memref<16384x1024xf32, #tpu.memory_space<hbm>> -> memref<32x1024xf32, #tpu.memory_space<hbm>>
    %dma_start3A_6 = arith.constant 0 : i32
    %dma_start3A_7 = tpu.memref_slice %arg2[%add3A_4, %dma_start3A_6] : memref<16384x1024xf32, #tpu.memory_space<hbm>> -> memref<32x1024xf32, #tpu.memory_space<hbm>>
    tpu.enqueue_dma source(%dma_start3A_7 : memref<32x1024xf32, #tpu.memory_space<hbm>>) target(%arg4 : memref<32x1024xf32, #tpu.memory_space<vmem>>) target_semaphore(%arg6 : memref<!tpu.dma_semaphore, #tpu.memory_space<semaphore_mem>>)
    %dma_wait3A = arith.constant 0 : i32
    %dma_wait3A_8 = tpu.memref_slice %arg2[%add3A_4, %dma_wait3A] : memref<16384x1024xf32, #tpu.memory_space<hbm>> -> memref<32x1024xf32, #tpu.memory_space<hbm>>
    %dma_wait3A_9 = arith.constant 0 : i32
    %dma_wait3A_10 = tpu.memref_slice %arg2[%add3A_4, %dma_wait3A_9] : memref<16384x1024xf32, #tpu.memory_space<hbm>> -> memref<32x1024xf32, #tpu.memory_space<hbm>>
    tpu.wait_dma2 semaphore(%arg6 : memref<!tpu.dma_semaphore, #tpu.memory_space<semaphore_mem>>) src(%dma_wait3A_10 : memref<32x1024xf32, #tpu.memory_space<hbm>>) dst(%arg4 : memref<32x1024xf32, #tpu.memory_space<vmem>>)
    %add3A_11 = arith.constant 32 : i32
    %add3A_12 = arith.addi %mul3A_2, %add3A_11 : i32
    %dma_start3A_13 = arith.constant 0 : i32
    %dma_start3A_14 = tpu.memref_slice %arg2[%add3A_12, %dma_start3A_13] : memref<16384x1024xf32, #tpu.memory_space<hbm>> -> memref<32x1024xf32, #tpu.memory_space<hbm>>
    %dma_start3A_15 = arith.constant 0 : i32
    %dma_start3A_16 = tpu.memref_slice %arg2[%add3A_12, %dma_start3A_15] : memref<16384x1024xf32, #tpu.memory_space<hbm>> -> memref<32x1024xf32, #tpu.memory_space<hbm>>
    tpu.enqueue_dma source(%dma_start3A_16 : memref<32x1024xf32, #tpu.memory_space<hbm>>) target(%arg5 : memref<32x1024xf32, #tpu.memory_space<vmem>>) target_semaphore(%arg7 : memref<!tpu.dma_semaphore, #tpu.memory_space<semaphore_mem>>)
    %add3A_17 = arith.constant 0 : i32
    %add3A_18 = arith.addi %mul3A_2, %add3A_17 : i32
    %dma_start3A_19 = arith.constant 0 : i32
    %dma_start3A_20 = tpu.memref_slice %arg3[%add3A_18, %dma_start3A_19] : memref<16384x1024xf32, #tpu.memory_space<hbm>> -> memref<32x1024xf32, #tpu.memory_space<hbm>>
    %dma_start3A_21 = arith.constant 0 : i32
    %dma_start3A_22 = tpu.memref_slice %arg3[%add3A_18, %dma_start3A_21] : memref<16384x1024xf32, #tpu.memory_space<hbm>> -> memref<32x1024xf32, #tpu.memory_space<hbm>>
    tpu.enqueue_dma source(%arg4 : memref<32x1024xf32, #tpu.memory_space<vmem>>) target(%dma_start3A_22 : memref<32x1024xf32, #tpu.memory_space<hbm>>) target_semaphore(%arg8 : memref<!tpu.dma_semaphore, #tpu.memory_space<semaphore_mem>>)
    %dma_wait3A_23 = arith.constant 0 : i32
    %dma_wait3A_24 = tpu.memref_slice %arg2[%add3A_12, %dma_wait3A_23] : memref<16384x1024xf32, #tpu.memory_space<hbm>> -> memref<32x1024xf32, #tpu.memory_space<hbm>>
    %dma_wait3A_25 = arith.constant 0 : i32
    %dma_wait3A_26 = tpu.memref_slice %arg2[%add3A_12, %dma_wait3A_25] : memref<16384x1024xf32, #tpu.memory_space<hbm>> -> memref<32x1024xf32, #tpu.memory_space<hbm>>
    tpu.wait_dma2 semaphore(%arg7 : memref<!tpu.dma_semaphore, #tpu.memory_space<semaphore_mem>>) src(%dma_wait3A_26 : memref<32x1024xf32, #tpu.memory_space<hbm>>) dst(%arg5 : memref<32x1024xf32, #tpu.memory_space<vmem>>)
    %dma_wait3A_27 = arith.constant 0 : i32
    %dma_wait3A_28 = tpu.memref_slice %arg3[%add3A_18, %dma_wait3A_27] : memref<16384x1024xf32, #tpu.memory_space<hbm>> -> memref<32x1024xf32, #tpu.memory_space<hbm>>
    %dma_wait3A_29 = arith.constant 0 : i32
    %dma_wait3A_30 = tpu.memref_slice %arg3[%add3A_18, %dma_wait3A_29] : memref<16384x1024xf32, #tpu.memory_space<hbm>> -> memref<32x1024xf32, #tpu.memory_space<hbm>>
    tpu.wait_dma2 semaphore(%arg8 : memref<!tpu.dma_semaphore, #tpu.memory_space<semaphore_mem>>) src(%arg4 : memref<32x1024xf32, #tpu.memory_space<vmem>>) dst(%dma_wait3A_30 : memref<32x1024xf32, #tpu.memory_space<hbm>>)
    %add3A_31 = arith.constant 64 : i32
    %add3A_32 = arith.addi %mul3A_2, %add3A_31 : i32
    %dma_start3A_33 = arith.constant 0 : i32
    %dma_start3A_34 = tpu.memref_slice %arg2[%add3A_32, %dma_start3A_33] : memref<16384x1024xf32, #tpu.memory_space<hbm>> -> memref<32x1024xf32, #tpu.memory_space<hbm>>
    %dma_start3A_35 = arith.constant 0 : i32
    %dma_start3A_36 = tpu.memref_slice %arg2[%add3A_32, %dma_start3A_35] : memref<16384x1024xf32, #tpu.memory_space<hbm>> -> memref<32x1024xf32, #tpu.memory_space<hbm>>
    tpu.enqueue_dma source(%dma_start3A_36 : memref<32x1024xf32, #tpu.memory_space<hbm>>) target(%arg4 : memref<32x1024xf32, #tpu.memory_space<vmem>>) target_semaphore(%arg6 : memref<!tpu.dma_semaphore, #tpu.memory_space<semaphore_mem>>)
    %add3A_37 = arith.constant 32 : i32
    %add3A_38 = arith.addi %mul3A_2, %add3A_37 : i32
    %dma_start3A_39 = arith.constant 0 : i32
    %dma_start3A_40 = tpu.memref_slice %arg3[%add3A_38, %dma_start3A_39] : memref<16384x1024xf32, #tpu.memory_space<hbm>> -> memref<32x1024xf32, #tpu.memory_space<hbm>>
    %dma_start3A_41 = arith.constant 0 : i32
    %dma_start3A_42 = tpu.memref_slice %arg3[%add3A_38, %dma_start3A_41] : memref<16384x1024xf32, #tpu.memory_space<hbm>> -> memref<32x1024xf32, #tpu.memory_space<hbm>>
    tpu.enqueue_dma source(%arg5 : memref<32x1024xf32, #tpu.memory_space<vmem>>) target(%dma_start3A_42 : memref<32x1024xf32, #tpu.memory_space<hbm>>) target_semaphore(%arg9 : memref<!tpu.dma_semaphore, #tpu.memory_space<semaphore_mem>>)
    %dma_wait3A_43 = arith.constant 0 : i32
    %dma_wait3A_44 = tpu.memref_slice %arg2[%add3A_32, %dma_wait3A_43] : memref<16384x1024xf32, #tpu.memory_space<hbm>> -> memref<32x1024xf32, #tpu.memory_space<hbm>>
    %dma_wait3A_45 = arith.constant 0 : i32
    %dma_wait3A_46 = tpu.memref_slice %arg2[%add3A_32, %dma_wait3A_45] : memref<16384x1024xf32, #tpu.memory_space<hbm>> -> memref<32x1024xf32, #tpu.memory_space<hbm>>
    tpu.wait_dma2 semaphore(%arg6 : memref<!tpu.dma_semaphore, #tpu.memory_space<semaphore_mem>>) src(%dma_wait3A_46 : memref<32x1024xf32, #tpu.memory_space<hbm>>) dst(%arg4 : memref<32x1024xf32, #tpu.memory_space<vmem>>)
    %dma_wait3A_47 = arith.constant 0 : i32
    %dma_wait3A_48 = tpu.memref_slice %arg3[%add3A_38, %dma_wait3A_47] : memref<16384x1024xf32, #tpu.memory_space<hbm>> -> memref<32x1024xf32, #tpu.memory_space<hbm>>
    %dma_wait3A_49 = arith.constant 0 : i32
    %dma_wait3A_50 = tpu.memref_slice %arg3[%add3A_38, %dma_wait3A_49] : memref<16384x1024xf32, #tpu.memory_space<hbm>> -> memref<32x1024xf32, #tpu.memory_space<hbm>>
    tpu.wait_dma2 semaphore(%arg9 : memref<!tpu.dma_semaphore, #tpu.memory_space<semaphore_mem>>) src(%arg5 : memref<32x1024xf32, #tpu.memory_space<vmem>>) dst(%dma_wait3A_50 : memref<32x1024xf32, #tpu.memory_space<hbm>>)
    %add3A_51 = arith.constant 96 : i32
    %add3A_52 = arith.addi %mul3A_2, %add3A_51 : i32
    %dma_start3A_53 = arith.constant 0 : i32
    %dma_start3A_54 = tpu.memref_slice %arg2[%add3A_52, %dma_start3A_53] : memref<16384x1024xf32, #tpu.memory_space<hbm>> -> memref<32x1024xf32, #tpu.memory_space<hbm>>
    %dma_start3A_55 = arith.constant 0 : i32
    %dma_start3A_56 = tpu.memref_slice %arg2[%add3A_52, %dma_start3A_55] : memref<16384x1024xf32, #tpu.memory_space<hbm>> -> memref<32x1024xf32, #tpu.memory_space<hbm>>
    tpu.enqueue_dma source(%dma_start3A_56 : memref<32x1024xf32, #tpu.memory_space<hbm>>) target(%arg5 : memref<32x1024xf32, #tpu.memory_space<vmem>>) target_semaphore(%arg7 : memref<!tpu.dma_semaphore, #tpu.memory_space<semaphore_mem>>)
    %add3A_57 = arith.constant 64 : i32
    %add3A_58 = arith.addi %mul3A_2, %add3A_57 : i32
    %dma_start3A_59 = arith.constant 0 : i32
    %dma_start3A_60 = tpu.memref_slice %arg3[%add3A_58, %dma_start3A_59] : memref<16384x1024xf32, #tpu.memory_space<hbm>> -> memref<32x1024xf32, #tpu.memory_space<hbm>>
    %dma_start3A_61 = arith.constant 0 : i32
    %dma_start3A_62 = tpu.memref_slice %arg3[%add3A_58, %dma_start3A_61] : memref<16384x1024xf32, #tpu.memory_space<hbm>> -> memref<32x1024xf32, #tpu.memory_space<hbm>>
    tpu.enqueue_dma source(%arg4 : memref<32x1024xf32, #tpu.memory_space<vmem>>) target(%dma_start3A_62 : memref<32x1024xf32, #tpu.memory_space<hbm>>) target_semaphore(%arg8 : memref<!tpu.dma_semaphore, #tpu.memory_space<semaphore_mem>>)
    %dma_wait3A_63 = arith.constant 0 : i32
    %dma_wait3A_64 = tpu.memref_slice %arg2[%add3A_52, %dma_wait3A_63] : memref<16384x1024xf32, #tpu.memory_space<hbm>> -> memref<32x1024xf32, #tpu.memory_space<hbm>>
    %dma_wait3A_65 = arith.constant 0 : i32
    %dma_wait3A_66 = tpu.memref_slice %arg2[%add3A_52, %dma_wait3A_65] : memref<16384x1024xf32, #tpu.memory_space<hbm>> -> memref<32x1024xf32, #tpu.memory_space<hbm>>
    tpu.wait_dma2 semaphore(%arg7 : memref<!tpu.dma_semaphore, #tpu.memory_space<semaphore_mem>>) src(%dma_wait3A_66 : memref<32x1024xf32, #tpu.memory_space<hbm>>) dst(%arg5 : memref<32x1024xf32, #tpu.memory_space<vmem>>)
    %dma_wait3A_67 = arith.constant 0 : i32
    %dma_wait3A_68 = tpu.memref_slice %arg3[%add3A_58, %dma_wait3A_67] : memref<16384x1024xf32, #tpu.memory_space<hbm>> -> memref<32x1024xf32, #tpu.memory_space<hbm>>
    %dma_wait3A_69 = arith.constant 0 : i32
    %dma_wait3A_70 = tpu.memref_slice %arg3[%add3A_58, %dma_wait3A_69] : memref<16384x1024xf32, #tpu.memory_space<hbm>> -> memref<32x1024xf32, #tpu.memory_space<hbm>>
    tpu.wait_dma2 semaphore(%arg8 : memref<!tpu.dma_semaphore, #tpu.memory_space<semaphore_mem>>) src(%arg4 : memref<32x1024xf32, #tpu.memory_space<vmem>>) dst(%dma_wait3A_70 : memref<32x1024xf32, #tpu.memory_space<hbm>>)
    %add3A_71 = arith.constant 128 : i32
    %add3A_72 = arith.addi %mul3A_2, %add3A_71 : i32
    %dma_start3A_73 = arith.constant 0 : i32
    %dma_start3A_74 = tpu.memref_slice %arg2[%add3A_72, %dma_start3A_73] : memref<16384x1024xf32, #tpu.memory_space<hbm>> -> memref<32x1024xf32, #tpu.memory_space<hbm>>
    %dma_start3A_75 = arith.constant 0 : i32
    %dma_start3A_76 = tpu.memref_slice %arg2[%add3A_72, %dma_start3A_75] : memref<16384x1024xf32, #tpu.memory_space<hbm>> -> memref<32x1024xf32, #tpu.memory_space<hbm>>
    tpu.enqueue_dma source(%dma_start3A_76 : memref<32x1024xf32, #tpu.memory_space<hbm>>) target(%arg4 : memref<32x1024xf32, #tpu.memory_space<vmem>>) target_semaphore(%arg6 : memref<!tpu.dma_semaphore, #tpu.memory_space<semaphore_mem>>)
    %add3A_77 = arith.constant 96 : i32
    %add3A_78 = arith.addi %mul3A_2, %add3A_77 : i32
    %dma_start3A_79 = arith.constant 0 : i32
    %dma_start3A_80 = tpu.memref_slice %arg3[%add3A_78, %dma_start3A_79] : memref<16384x1024xf32, #tpu.memory_space<hbm>> -> memref<32x1024xf32, #tpu.memory_space<hbm>>
    %dma_start3A_81 = arith.constant 0 : i32
    %dma_start3A_82 = tpu.memref_slice %arg3[%add3A_78, %dma_start3A_81] : memref<16384x1024xf32, #tpu.memory_space<hbm>> -> memref<32x1024xf32, #tpu.memory_space<hbm>>
    tpu.enqueue_dma source(%arg5 : memref<32x1024xf32, #tpu.memory_space<vmem>>) target(%dma_start3A_82 : memref<32x1024xf32, #tpu.memory_space<hbm>>) target_semaphore(%arg9 : memref<!tpu.dma_semaphore, #tpu.memory_space<semaphore_mem>>)
    %dma_wait3A_83 = arith.constant 0 : i32
    %dma_wait3A_84 = tpu.memref_slice %arg2[%add3A_72, %dma_wait3A_83] : memref<16384x1024xf32, #tpu.memory_space<hbm>> -> memref<32x1024xf32, #tpu.memory_space<hbm>>
    %dma_wait3A_85 = arith.constant 0 : i32
    %dma_wait3A_86 = tpu.memref_slice %arg2[%add3A_72, %dma_wait3A_85] : memref<16384x1024xf32, #tpu.memory_space<hbm>> -> memref<32x1024xf32, #tpu.memory_space<hbm>>
    tpu.wait_dma2 semaphore(%arg6 : memref<!tpu.dma_semaphore, #tpu.memory_space<semaphore_mem>>) src(%dma_wait3A_86 : memref<32x1024xf32, #tpu.memory_space<hbm>>) dst(%arg4 : memref<32x1024xf32, #tpu.memory_space<vmem>>)
    %dma_wait3A_87 = arith.constant 0 : i32
    %dma_wait3A_88 = tpu.memref_slice %arg3[%add3A_78, %dma_wait3A_87] : memref<16384x1024xf32, #tpu.memory_space<hbm>> -> memref<32x1024xf32, #tpu.memory_space<hbm>>
    %dma_wait3A_89 = arith.constant 0 : i32
    %dma_wait3A_90 = tpu.memref_slice %arg3[%add3A_78, %dma_wait3A_89] : memref<16384x1024xf32, #tpu.memory_space<hbm>> -> memref<32x1024xf32, #tpu.memory_space<hbm>>
    tpu.wait_dma2 semaphore(%arg9 : memref<!tpu.dma_semaphore, #tpu.memory_space<semaphore_mem>>) src(%arg5 : memref<32x1024xf32, #tpu.memory_space<vmem>>) dst(%dma_wait3A_90 : memref<32x1024xf32, #tpu.memory_space<hbm>>)
    %add3A_91 = arith.constant 160 : i32
    %add3A_92 = arith.addi %mul3A_2, %add3A_91 : i32
    %dma_start3A_93 = arith.constant 0 : i32
    %dma_start3A_94 = tpu.memref_slice %arg2[%add3A_92, %dma_start3A_93] : memref<16384x1024xf32, #tpu.memory_space<hbm>> -> memref<32x1024xf32, #tpu.memory_space<hbm>>
    %dma_start3A_95 = arith.constant 0 : i32
    %dma_start3A_96 = tpu.memref_slice %arg2[%add3A_92, %dma_start3A_95] : memref<16384x1024xf32, #tpu.memory_space<hbm>> -> memref<32x1024xf32, #tpu.memory_space<hbm>>
    tpu.enqueue_dma source(%dma_start3A_96 : memref<32x1024xf32, #tpu.memory_space<hbm>>) target(%arg5 : memref<32x1024xf32, #tpu.memory_space<vmem>>) target_semaphore(%arg7 : memref<!tpu.dma_semaphore, #tpu.memory_space<semaphore_mem>>)
    %add3A_97 = arith.constant 128 : i32
    %add3A_98 = arith.addi %mul3A_2, %add3A_97 : i32
    %dma_start3A_99 = arith.constant 0 : i32
    %dma_start3A_100 = tpu.memref_slice %arg3[%add3A_98, %dma_start3A_99] : memref<16384x1024xf32, #tpu.memory_space<hbm>> -> memref<32x1024xf32, #tpu.memory_space<hbm>>
    %dma_start3A_101 = arith.constant 0 : i32
    %dma_start3A_102 = tpu.memref_slice %arg3[%add3A_98, %dma_start3A_101] : memref<16384x1024xf32, #tpu.memory_space<hbm>> -> memref<32x1024xf32, #tpu.memory_space<hbm>>
    tpu.enqueue_dma source(%arg4 : memref<32x1024xf32, #tpu.memory_space<vmem>>) target(%dma_start3A_102 : memref<32x1024xf32, #tpu.memory_space<hbm>>) target_semaphore(%arg8 : memref<!tpu.dma_semaphore, #tpu.memory_space<semaphore_mem>>)
    %dma_wait3A_103 = arith.constant 0 : i32
    %dma_wait3A_104 = tpu.memref_slice %arg2[%add3A_92, %dma_wait3A_103] : memref<16384x1024xf32, #tpu.memory_space<hbm>> -> memref<32x1024xf32, #tpu.memory_space<hbm>>
    %dma_wait3A_105 = arith.constant 0 : i32
    %dma_wait3A_106 = tpu.memref_slice %arg2[%add3A_92, %dma_wait3A_105] : memref<16384x1024xf32, #tpu.memory_space<hbm>> -> memref<32x1024xf32, #tpu.memory_space<hbm>>
    tpu.wait_dma2 semaphore(%arg7 : memref<!tpu.dma_semaphore, #tpu.memory_space<semaphore_mem>>) src(%dma_wait3A_106 : memref<32x1024xf32, #tpu.memory_space<hbm>>) dst(%arg5 : memref<32x1024xf32, #tpu.memory_space<vmem>>)
    %dma_wait3A_107 = arith.constant 0 : i32
    %dma_wait3A_108 = tpu.memref_slice %arg3[%add3A_98, %dma_wait3A_107] : memref<16384x1024xf32, #tpu.memory_space<hbm>> -> memref<32x1024xf32, #tpu.memory_space<hbm>>
    %dma_wait3A_109 = arith.constant 0 : i32
    %dma_wait3A_110 = tpu.memref_slice %arg3[%add3A_98, %dma_wait3A_109] : memref<16384x1024xf32, #tpu.memory_space<hbm>> -> memref<32x1024xf32, #tpu.memory_space<hbm>>
    tpu.wait_dma2 semaphore(%arg8 : memref<!tpu.dma_semaphore, #tpu.memory_space<semaphore_mem>>) src(%arg4 : memref<32x1024xf32, #tpu.memory_space<vmem>>) dst(%dma_wait3A_110 : memref<32x1024xf32, #tpu.memory_space<hbm>>)
    %add3A_111 = arith.constant 192 : i32
    %add3A_112 = arith.addi %mul3A_2, %add3A_111 : i32
    %dma_start3A_113 = arith.constant 0 : i32
    %dma_start3A_114 = tpu.memref_slice %arg2[%add3A_112, %dma_start3A_113] : memref<16384x1024xf32, #tpu.memory_space<hbm>> -> memref<32x1024xf32, #tpu.memory_space<hbm>>
    %dma_start3A_115 = arith.constant 0 : i32
    %dma_start3A_116 = tpu.memref_slice %arg2[%add3A_112, %dma_start3A_115] : memref<16384x1024xf32, #tpu.memory_space<hbm>> -> memref<32x1024xf32, #tpu.memory_space<hbm>>
    tpu.enqueue_dma source(%dma_start3A_116 : memref<32x1024xf32, #tpu.memory_space<hbm>>) target(%arg4 : memref<32x1024xf32, #tpu.memory_space<vmem>>) target_semaphore(%arg6 : memref<!tpu.dma_semaphore, #tpu.memory_space<semaphore_mem>>)
    %add3A_117 = arith.constant 160 : i32
    %add3A_118 = arith.addi %mul3A_2, %add3A_117 : i32
    %dma_start3A_119 = arith.constant 0 : i32
    %dma_start3A_120 = tpu.memref_slice %arg3[%add3A_118, %dma_start3A_119] : memref<16384x1024xf32, #tpu.memory_space<hbm>> -> memref<32x1024xf32, #tpu.memory_space<hbm>>
    %dma_start3A_121 = arith.constant 0 : i32
    %dma_start3A_122 = tpu.memref_slice %arg3[%add3A_118, %dma_start3A_121] : memref<16384x1024xf32, #tpu.memory_space<hbm>> -> memref<32x1024xf32, #tpu.memory_space<hbm>>
    tpu.enqueue_dma source(%arg5 : memref<32x1024xf32, #tpu.memory_space<vmem>>) target(%dma_start3A_122 : memref<32x1024xf32, #tpu.memory_space<hbm>>) target_semaphore(%arg9 : memref<!tpu.dma_semaphore, #tpu.memory_space<semaphore_mem>>)
    %dma_wait3A_123 = arith.constant 0 : i32
    %dma_wait3A_124 = tpu.memref_slice %arg2[%add3A_112, %dma_wait3A_123] : memref<16384x1024xf32, #tpu.memory_space<hbm>> -> memref<32x1024xf32, #tpu.memory_space<hbm>>
    %dma_wait3A_125 = arith.constant 0 : i32
    %dma_wait3A_126 = tpu.memref_slice %arg2[%add3A_112, %dma_wait3A_125] : memref<16384x1024xf32, #tpu.memory_space<hbm>> -> memref<32x1024xf32, #tpu.memory_space<hbm>>
    tpu.wait_dma2 semaphore(%arg6 : memref<!tpu.dma_semaphore, #tpu.memory_space<semaphore_mem>>) src(%dma_wait3A_126 : memref<32x1024xf32, #tpu.memory_space<hbm>>) dst(%arg4 : memref<32x1024xf32, #tpu.memory_space<vmem>>)
    %dma_wait3A_127 = arith.constant 0 : i32
    %dma_wait3A_128 = tpu.memref_slice %arg3[%add3A_118, %dma_wait3A_127] : memref<16384x1024xf32, #tpu.memory_space<hbm>> -> memref<32x1024xf32, #tpu.memory_space<hbm>>
    %dma_wait3A_129 = arith.constant 0 : i32
    %dma_wait3A_130 = tpu.memref_slice %arg3[%add3A_118, %dma_wait3A_129] : memref<16384x1024xf32, #tpu.memory_space<hbm>> -> memref<32x1024xf32, #tpu.memory_space<hbm>>
    tpu.wait_dma2 semaphore(%arg9 : memref<!tpu.dma_semaphore, #tpu.memory_space<semaphore_mem>>) src(%arg5 : memref<32x1024xf32, #tpu.memory_space<vmem>>) dst(%dma_wait3A_130 : memref<32x1024xf32, #tpu.memory_space<hbm>>)
    %add3A_131 = arith.constant 224 : i32
    %add3A_132 = arith.addi %mul3A_2, %add3A_131 : i32
    %dma_start3A_133 = arith.constant 0 : i32
    %dma_start3A_134 = tpu.memref_slice %arg2[%add3A_132, %dma_start3A_133] : memref<16384x1024xf32, #tpu.memory_space<hbm>> -> memref<32x1024xf32, #tpu.memory_space<hbm>>
    %dma_start3A_135 = arith.constant 0 : i32
    %dma_start3A_136 = tpu.memref_slice %arg2[%add3A_132, %dma_start3A_135] : memref<16384x1024xf32, #tpu.memory_space<hbm>> -> memref<32x1024xf32, #tpu.memory_space<hbm>>
    tpu.enqueue_dma source(%dma_start3A_136 : memref<32x1024xf32, #tpu.memory_space<hbm>>) target(%arg5 : memref<32x1024xf32, #tpu.memory_space<vmem>>) target_semaphore(%arg7 : memref<!tpu.dma_semaphore, #tpu.memory_space<semaphore_mem>>)
    %add3A_137 = arith.constant 192 : i32
    %add3A_138 = arith.addi %mul3A_2, %add3A_137 : i32
    %dma_start3A_139 = arith.constant 0 : i32
    %dma_start3A_140 = tpu.memref_slice %arg3[%add3A_138, %dma_start3A_139] : memref<16384x1024xf32, #tpu.memory_space<hbm>> -> memref<32x1024xf32, #tpu.memory_space<hbm>>
    %dma_start3A_141 = arith.constant 0 : i32
    %dma_start3A_142 = tpu.memref_slice %arg3[%add3A_138, %dma_start3A_141] : memref<16384x1024xf32, #tpu.memory_space<hbm>> -> memref<32x1024xf32, #tpu.memory_space<hbm>>
    tpu.enqueue_dma source(%arg4 : memref<32x1024xf32, #tpu.memory_space<vmem>>) target(%dma_start3A_142 : memref<32x1024xf32, #tpu.memory_space<hbm>>) target_semaphore(%arg8 : memref<!tpu.dma_semaphore, #tpu.memory_space<semaphore_mem>>)
    %dma_wait3A_143 = arith.constant 0 : i32
    %dma_wait3A_144 = tpu.memref_slice %arg2[%add3A_132, %dma_wait3A_143] : memref<16384x1024xf32, #tpu.memory_space<hbm>> -> memref<32x1024xf32, #tpu.memory_space<hbm>>
    %dma_wait3A_145 = arith.constant 0 : i32
    %dma_wait3A_146 = tpu.memref_slice %arg2[%add3A_132, %dma_wait3A_145] : memref<16384x1024xf32, #tpu.memory_space<hbm>> -> memref<32x1024xf32, #tpu.memory_space<hbm>>
    tpu.wait_dma2 semaphore(%arg7 : memref<!tpu.dma_semaphore, #tpu.memory_space<semaphore_mem>>) src(%dma_wait3A_146 : memref<32x1024xf32, #tpu.memory_space<hbm>>) dst(%arg5 : memref<32x1024xf32, #tpu.memory_space<vmem>>)
    %dma_wait3A_147 = arith.constant 0 : i32
    %dma_wait3A_148 = tpu.memref_slice %arg3[%add3A_138, %dma_wait3A_147] : memref<16384x1024xf32, #tpu.memory_space<hbm>> -> memref<32x1024xf32, #tpu.memory_space<hbm>>
    %dma_wait3A_149 = arith.constant 0 : i32
    %dma_wait3A_150 = tpu.memref_slice %arg3[%add3A_138, %dma_wait3A_149] : memref<16384x1024xf32, #tpu.memory_space<hbm>> -> memref<32x1024xf32, #tpu.memory_space<hbm>>
    tpu.wait_dma2 semaphore(%arg8 : memref<!tpu.dma_semaphore, #tpu.memory_space<semaphore_mem>>) src(%arg4 : memref<32x1024xf32, #tpu.memory_space<vmem>>) dst(%dma_wait3A_150 : memref<32x1024xf32, #tpu.memory_space<hbm>>)
    %add3A_151 = arith.constant 256 : i32
    %add3A_152 = arith.addi %mul3A_2, %add3A_151 : i32
    %dma_start3A_153 = arith.constant 0 : i32
    %dma_start3A_154 = tpu.memref_slice %arg2[%add3A_152, %dma_start3A_153] : memref<16384x1024xf32, #tpu.memory_space<hbm>> -> memref<32x1024xf32, #tpu.memory_space<hbm>>
    %dma_start3A_155 = arith.constant 0 : i32
    %dma_start3A_156 = tpu.memref_slice %arg2[%add3A_152, %dma_start3A_155] : memref<16384x1024xf32, #tpu.memory_space<hbm>> -> memref<32x1024xf32, #tpu.memory_space<hbm>>
    tpu.enqueue_dma source(%dma_start3A_156 : memref<32x1024xf32, #tpu.memory_space<hbm>>) target(%arg4 : memref<32x1024xf32, #tpu.memory_space<vmem>>) target_semaphore(%arg6 : memref<!tpu.dma_semaphore, #tpu.memory_space<semaphore_mem>>)
    %add3A_157 = arith.constant 224 : i32
    %add3A_158 = arith.addi %mul3A_2, %add3A_157 : i32
    %dma_start3A_159 = arith.constant 0 : i32
    %dma_start3A_160 = tpu.memref_slice %arg3[%add3A_158, %dma_start3A_159] : memref<16384x1024xf32, #tpu.memory_space<hbm>> -> memref<32x1024xf32, #tpu.memory_space<hbm>>
    %dma_start3A_161 = arith.constant 0 : i32
    %dma_start3A_162 = tpu.memref_slice %arg3[%add3A_158, %dma_start3A_161] : memref<16384x1024xf32, #tpu.memory_space<hbm>> -> memref<32x1024xf32, #tpu.memory_space<hbm>>
    tpu.enqueue_dma source(%arg5 : memref<32x1024xf32, #tpu.memory_space<vmem>>) target(%dma_start3A_162 : memref<32x1024xf32, #tpu.memory_space<hbm>>) target_semaphore(%arg9 : memref<!tpu.dma_semaphore, #tpu.memory_space<semaphore_mem>>)
    %dma_wait3A_163 = arith.constant 0 : i32
    %dma_wait3A_164 = tpu.memref_slice %arg2[%add3A_152, %dma_wait3A_163] : memref<16384x1024xf32, #tpu.memory_space<hbm>> -> memref<32x1024xf32, #tpu.memory_space<hbm>>
    %dma_wait3A_165 = arith.constant 0 : i32
    %dma_wait3A_166 = tpu.memref_slice %arg2[%add3A_152, %dma_wait3A_165] : memref<16384x1024xf32, #tpu.memory_space<hbm>> -> memref<32x1024xf32, #tpu.memory_space<hbm>>
    tpu.wait_dma2 semaphore(%arg6 : memref<!tpu.dma_semaphore, #tpu.memory_space<semaphore_mem>>) src(%dma_wait3A_166 : memref<32x1024xf32, #tpu.memory_space<hbm>>) dst(%arg4 : memref<32x1024xf32, #tpu.memory_space<vmem>>)
    %add3A_167 = arith.constant 256 : i32
    %add3A_168 = arith.addi %mul3A_2, %add3A_167 : i32
    %dma_start3A_169 = arith.constant 0 : i32
    %dma_start3A_170 = tpu.memref_slice %arg3[%add3A_168, %dma_start3A_169] : memref<16384x1024xf32, #tpu.memory_space<hbm>> -> memref<32x1024xf32, #tpu.memory_space<hbm>>
    %dma_start3A_171 = arith.constant 0 : i32
    %dma_start3A_172 = tpu.memref_slice %arg3[%add3A_168, %dma_start3A_171] : memref<16384x1024xf32, #tpu.memory_space<hbm>> -> memref<32x1024xf32, #tpu.memory_space<hbm>>
    tpu.enqueue_dma source(%arg4 : memref<32x1024xf32, #tpu.memory_space<vmem>>) target(%dma_start3A_172 : memref<32x1024xf32, #tpu.memory_space<hbm>>) target_semaphore(%arg8 : memref<!tpu.dma_semaphore, #tpu.memory_space<semaphore_mem>>)
    %dma_wait3A_173 = arith.constant 0 : i32
    %dma_wait3A_174 = tpu.memref_slice %arg3[%add3A_168, %dma_wait3A_173] : memref<16384x1024xf32, #tpu.memory_space<hbm>> -> memref<32x1024xf32, #tpu.memory_space<hbm>>
    %dma_wait3A_175 = arith.constant 0 : i32
    %dma_wait3A_176 = tpu.memref_slice %arg3[%add3A_168, %dma_wait3A_175] : memref<16384x1024xf32, #tpu.memory_space<hbm>> -> memref<32x1024xf32, #tpu.memory_space<hbm>>
    tpu.wait_dma2 semaphore(%arg8 : memref<!tpu.dma_semaphore, #tpu.memory_space<semaphore_mem>>) src(%arg4 : memref<32x1024xf32, #tpu.memory_space<vmem>>) dst(%dma_wait3A_176 : memref<32x1024xf32, #tpu.memory_space<hbm>>)
    %dma_wait3A_177 = arith.constant 0 : i32
    %dma_wait3A_178 = tpu.memref_slice %arg3[%add3A_158, %dma_wait3A_177] : memref<16384x1024xf32, #tpu.memory_space<hbm>> -> memref<32x1024xf32, #tpu.memory_space<hbm>>
    %dma_wait3A_179 = arith.constant 0 : i32
    %dma_wait3A_180 = tpu.memref_slice %arg3[%add3A_158, %dma_wait3A_179] : memref<16384x1024xf32, #tpu.memory_space<hbm>> -> memref<32x1024xf32, #tpu.memory_space<hbm>>
    tpu.wait_dma2 semaphore(%arg9 : memref<!tpu.dma_semaphore, #tpu.memory_space<semaphore_mem>>) src(%arg5 : memref<32x1024xf32, #tpu.memory_space<vmem>>) dst(%dma_wait3A_180 : memref<32x1024xf32, #tpu.memory_space<hbm>>)
    return
  }
}

module attributes {stable_mosaic.version = 14 : i64} {
  func.func @_scat2_kernel(%arg0: memref<1x128xi32, #tpu.memory_space<smem>>, %arg1: memref<128x1024xf32, #tpu.memory_space<vmem>>, %arg2: memref<16384x1024xf32, #tpu.memory_space<any>>, %arg3: memref<16384x1024xf32, #tpu.memory_space<any>>, %arg4: memref<16384x1024xf32, #tpu.memory_space<any>>, %arg5: memref<3x512x1024xf32, #tpu.memory_space<vmem>>, %arg6: memref<3x!tpu.dma_semaphore, #tpu.memory_space<semaphore_mem>>, %arg7: memref<3x!tpu.dma_semaphore, #tpu.memory_space<semaphore_mem>>, %arg8: memref<!tpu.dma_semaphore, #tpu.memory_space<semaphore_mem>>) attributes {dimension_semantics = [], scalar_prefetch = 0 : i64, scratch_operands = 4 : i64, tpu.core_type = #tpu.core_type<tc>} {
    %dma_start3A = arith.constant 0 : i32
    %dma_start3A_0 = arith.constant 0 : i32
    %dma_start3A_1 = tpu.memref_slice %arg6[%dma_start3A_0] : memref<3x!tpu.dma_semaphore, #tpu.memory_space<semaphore_mem>> -> memref<1x!tpu.dma_semaphore, #tpu.memory_space<semaphore_mem>>
    %dma_start3A_2 = tpu.memref_squeeze %dma_start3A_1 : memref<1x!tpu.dma_semaphore, #tpu.memory_space<semaphore_mem>> -> memref<!tpu.dma_semaphore, #tpu.memory_space<semaphore_mem>>
    %dma_start3A_3 = arith.constant 0 : i32
    %dma_start3A_4 = arith.constant 0 : i32
    %dma_start3A_5 = tpu.memref_slice %arg5[%dma_start3A, %dma_start3A_3, %dma_start3A_4] : memref<3x512x1024xf32, #tpu.memory_space<vmem>> -> memref<1x512x1024xf32, #tpu.memory_space<vmem>>
    %dma_start3A_6 = tpu.memref_squeeze %dma_start3A_5 : memref<1x512x1024xf32, #tpu.memory_space<vmem>> -> memref<512x1024xf32, #tpu.memory_space<vmem>>
    %dma_start3A_7 = arith.constant 9216 : i32
    %dma_start3A_8 = arith.constant 0 : i32
    %dma_start3A_9 = tpu.memref_slice %arg2[%dma_start3A_7, %dma_start3A_8] : memref<16384x1024xf32, #tpu.memory_space<any>> -> memref<512x1024xf32, #tpu.memory_space<any>>
    tpu.enqueue_dma source(%dma_start3A_9 : memref<512x1024xf32, #tpu.memory_space<any>>) target(%dma_start3A_6 : memref<512x1024xf32, #tpu.memory_space<vmem>>) target_semaphore(%dma_start3A_2 : memref<!tpu.dma_semaphore, #tpu.memory_space<semaphore_mem>>)
    %dma_start3A_10 = arith.constant 1 : i32
    %dma_start3A_11 = arith.constant 1 : i32
    %dma_start3A_12 = tpu.memref_slice %arg6[%dma_start3A_11] : memref<3x!tpu.dma_semaphore, #tpu.memory_space<semaphore_mem>> -> memref<1x!tpu.dma_semaphore, #tpu.memory_space<semaphore_mem>>
    %dma_start3A_13 = tpu.memref_squeeze %dma_start3A_12 : memref<1x!tpu.dma_semaphore, #tpu.memory_space<semaphore_mem>> -> memref<!tpu.dma_semaphore, #tpu.memory_space<semaphore_mem>>
    %dma_start3A_14 = arith.constant 0 : i32
    %dma_start3A_15 = arith.constant 0 : i32
    %dma_start3A_16 = tpu.memref_slice %arg5[%dma_start3A_10, %dma_start3A_14, %dma_start3A_15] : memref<3x512x1024xf32, #tpu.memory_space<vmem>> -> memref<1x512x1024xf32, #tpu.memory_space<vmem>>
    %dma_start3A_17 = tpu.memref_squeeze %dma_start3A_16 : memref<1x512x1024xf32, #tpu.memory_space<vmem>> -> memref<512x1024xf32, #tpu.memory_space<vmem>>
    %dma_start3A_18 = arith.constant 9728 : i32
    %dma_start3A_19 = arith.constant 0 : i32
    %dma_start3A_20 = tpu.memref_slice %arg2[%dma_start3A_18, %dma_start3A_19] : memref<16384x1024xf32, #tpu.memory_space<any>> -> memref<512x1024xf32, #tpu.memory_space<any>>
    tpu.enqueue_dma source(%dma_start3A_20 : memref<512x1024xf32, #tpu.memory_space<any>>) target(%dma_start3A_17 : memref<512x1024xf32, #tpu.memory_space<vmem>>) target_semaphore(%dma_start3A_13 : memref<!tpu.dma_semaphore, #tpu.memory_space<semaphore_mem>>)
    %dma_start3A_21 = arith.constant 2 : i32
    %dma_start3A_22 = arith.constant 2 : i32
    %dma_start3A_23 = tpu.memref_slice %arg6[%dma_start3A_22] : memref<3x!tpu.dma_semaphore, #tpu.memory_space<semaphore_mem>> -> memref<1x!tpu.dma_semaphore, #tpu.memory_space<semaphore_mem>>
    %dma_start3A_24 = tpu.memref_squeeze %dma_start3A_23 : memref<1x!tpu.dma_semaphore, #tpu.memory_space<semaphore_mem>> -> memref<!tpu.dma_semaphore, #tpu.memory_space<semaphore_mem>>
    %dma_start3A_25 = arith.constant 0 : i32
    %dma_start3A_26 = arith.constant 0 : i32
    %dma_start3A_27 = tpu.memref_slice %arg5[%dma_start3A_21, %dma_start3A_25, %dma_start3A_26] : memref<3x512x1024xf32, #tpu.memory_space<vmem>> -> memref<1x512x1024xf32, #tpu.memory_space<vmem>>
    %dma_start3A_28 = tpu.memref_squeeze %dma_start3A_27 : memref<1x512x1024xf32, #tpu.memory_space<vmem>> -> memref<512x1024xf32, #tpu.memory_space<vmem>>
    %dma_start3A_29 = arith.constant 10240 : i32
    %dma_start3A_30 = arith.constant 0 : i32
    %dma_start3A_31 = tpu.memref_slice %arg2[%dma_start3A_29, %dma_start3A_30] : memref<16384x1024xf32, #tpu.memory_space<any>> -> memref<512x1024xf32, #tpu.memory_space<any>>
    tpu.enqueue_dma source(%dma_start3A_31 : memref<512x1024xf32, #tpu.memory_space<any>>) target(%dma_start3A_28 : memref<512x1024xf32, #tpu.memory_space<vmem>>) target_semaphore(%dma_start3A_24 : memref<!tpu.dma_semaphore, #tpu.memory_space<semaphore_mem>>)
    %dma_wait3A = arith.constant 0 : i32
    %dma_wait3A_32 = arith.constant 0 : i32
    %dma_wait3A_33 = tpu.memref_slice %arg6[%dma_wait3A_32] : memref<3x!tpu.dma_semaphore, #tpu.memory_space<semaphore_mem>> -> memref<1x!tpu.dma_semaphore, #tpu.memory_space<semaphore_mem>>
    %dma_wait3A_34 = tpu.memref_squeeze %dma_wait3A_33 : memref<1x!tpu.dma_semaphore, #tpu.memory_space<semaphore_mem>> -> memref<!tpu.dma_semaphore, #tpu.memory_space<semaphore_mem>>
    %dma_wait3A_35 = arith.constant 0 : i32
    %dma_wait3A_36 = arith.constant 0 : i32
    %dma_wait3A_37 = tpu.memref_slice %arg5[%dma_wait3A, %dma_wait3A_35, %dma_wait3A_36] : memref<3x512x1024xf32, #tpu.memory_space<vmem>> -> memref<1x512x1024xf32, #tpu.memory_space<vmem>>
    %dma_wait3A_38 = tpu.memref_squeeze %dma_wait3A_37 : memref<1x512x1024xf32, #tpu.memory_space<vmem>> -> memref<512x1024xf32, #tpu.memory_space<vmem>>
    %dma_wait3A_39 = arith.constant 9216 : i32
    %dma_wait3A_40 = arith.constant 0 : i32
    %dma_wait3A_41 = tpu.memref_slice %arg2[%dma_wait3A_39, %dma_wait3A_40] : memref<16384x1024xf32, #tpu.memory_space<any>> -> memref<512x1024xf32, #tpu.memory_space<any>>
    tpu.wait_dma2 semaphore(%dma_wait3A_34 : memref<!tpu.dma_semaphore, #tpu.memory_space<semaphore_mem>>) src(%dma_wait3A_41 : memref<512x1024xf32, #tpu.memory_space<any>>) dst(%dma_wait3A_38 : memref<512x1024xf32, #tpu.memory_space<vmem>>)
    %dma_start3A_42 = arith.constant 0 : i32
    %dma_start3A_43 = arith.constant 0 : i32
    %dma_start3A_44 = tpu.memref_slice %arg7[%dma_start3A_43] : memref<3x!tpu.dma_semaphore, #tpu.memory_space<semaphore_mem>> -> memref<1x!tpu.dma_semaphore, #tpu.memory_space<semaphore_mem>>
    %dma_start3A_45 = tpu.memref_squeeze %dma_start3A_44 : memref<1x!tpu.dma_semaphore, #tpu.memory_space<semaphore_mem>> -> memref<!tpu.dma_semaphore, #tpu.memory_space<semaphore_mem>>
    %dma_start3A_46 = arith.constant 9216 : i32
    %dma_start3A_47 = arith.constant 0 : i32
    %dma_start3A_48 = tpu.memref_slice %arg4[%dma_start3A_46, %dma_start3A_47] : memref<16384x1024xf32, #tpu.memory_space<any>> -> memref<512x1024xf32, #tpu.memory_space<any>>
    %dma_start3A_49 = arith.constant 0 : i32
    %dma_start3A_50 = arith.constant 0 : i32
    %dma_start3A_51 = tpu.memref_slice %arg5[%dma_start3A_42, %dma_start3A_49, %dma_start3A_50] : memref<3x512x1024xf32, #tpu.memory_space<vmem>> -> memref<1x512x1024xf32, #tpu.memory_space<vmem>>
    %dma_start3A_52 = tpu.memref_squeeze %dma_start3A_51 : memref<1x512x1024xf32, #tpu.memory_space<vmem>> -> memref<512x1024xf32, #tpu.memory_space<vmem>>
    tpu.enqueue_dma source(%dma_start3A_52 : memref<512x1024xf32, #tpu.memory_space<vmem>>) target(%dma_start3A_48 : memref<512x1024xf32, #tpu.memory_space<any>>) target_semaphore(%dma_start3A_45 : memref<!tpu.dma_semaphore, #tpu.memory_space<semaphore_mem>>)
    %dma_wait3A_53 = arith.constant 0 : i32
    %dma_wait3A_54 = arith.constant 0 : i32
    %dma_wait3A_55 = tpu.memref_slice %arg7[%dma_wait3A_54] : memref<3x!tpu.dma_semaphore, #tpu.memory_space<semaphore_mem>> -> memref<1x!tpu.dma_semaphore, #tpu.memory_space<semaphore_mem>>
    %dma_wait3A_56 = tpu.memref_squeeze %dma_wait3A_55 : memref<1x!tpu.dma_semaphore, #tpu.memory_space<semaphore_mem>> -> memref<!tpu.dma_semaphore, #tpu.memory_space<semaphore_mem>>
    %dma_wait3A_57 = arith.constant 9216 : i32
    %dma_wait3A_58 = arith.constant 0 : i32
    %dma_wait3A_59 = tpu.memref_slice %arg4[%dma_wait3A_57, %dma_wait3A_58] : memref<16384x1024xf32, #tpu.memory_space<any>> -> memref<512x1024xf32, #tpu.memory_space<any>>
    %dma_wait3A_60 = arith.constant 0 : i32
    %dma_wait3A_61 = arith.constant 0 : i32
    %dma_wait3A_62 = tpu.memref_slice %arg5[%dma_wait3A_53, %dma_wait3A_60, %dma_wait3A_61] : memref<3x512x1024xf32, #tpu.memory_space<vmem>> -> memref<1x512x1024xf32, #tpu.memory_space<vmem>>
    %dma_wait3A_63 = tpu.memref_squeeze %dma_wait3A_62 : memref<1x512x1024xf32, #tpu.memory_space<vmem>> -> memref<512x1024xf32, #tpu.memory_space<vmem>>
    tpu.wait_dma2 semaphore(%dma_wait3A_56 : memref<!tpu.dma_semaphore, #tpu.memory_space<semaphore_mem>>) src(%dma_wait3A_63 : memref<512x1024xf32, #tpu.memory_space<vmem>>) dst(%dma_wait3A_59 : memref<512x1024xf32, #tpu.memory_space<any>>)
    %dma_start3A_64 = arith.constant 0 : i32
    %dma_start3A_65 = arith.constant 0 : i32
    %dma_start3A_66 = tpu.memref_slice %arg6[%dma_start3A_65] : memref<3x!tpu.dma_semaphore, #tpu.memory_space<semaphore_mem>> -> memref<1x!tpu.dma_semaphore, #tpu.memory_space<semaphore_mem>>
    %dma_start3A_67 = tpu.memref_squeeze %dma_start3A_66 : memref<1x!tpu.dma_semaphore, #tpu.memory_space<semaphore_mem>> -> memref<!tpu.dma_semaphore, #tpu.memory_space<semaphore_mem>>
    %dma_start3A_68 = arith.constant 0 : i32
    %dma_start3A_69 = arith.constant 0 : i32
    %dma_start3A_70 = tpu.memref_slice %arg5[%dma_start3A_64, %dma_start3A_68, %dma_start3A_69] : memref<3x512x1024xf32, #tpu.memory_space<vmem>> -> memref<1x512x1024xf32, #tpu.memory_space<vmem>>
    %dma_start3A_71 = tpu.memref_squeeze %dma_start3A_70 : memref<1x512x1024xf32, #tpu.memory_space<vmem>> -> memref<512x1024xf32, #tpu.memory_space<vmem>>
    %dma_start3A_72 = arith.constant 10752 : i32
    %dma_start3A_73 = arith.constant 0 : i32
    %dma_start3A_74 = tpu.memref_slice %arg2[%dma_start3A_72, %dma_start3A_73] : memref<16384x1024xf32, #tpu.memory_space<any>> -> memref<512x1024xf32, #tpu.memory_space<any>>
    tpu.enqueue_dma source(%dma_start3A_74 : memref<512x1024xf32, #tpu.memory_space<any>>) target(%dma_start3A_71 : memref<512x1024xf32, #tpu.memory_space<vmem>>) target_semaphore(%dma_start3A_67 : memref<!tpu.dma_semaphore, #tpu.memory_space<semaphore_mem>>)
    %dma_wait3A_75 = arith.constant 1 : i32
    %dma_wait3A_76 = arith.constant 1 : i32
    %dma_wait3A_77 = tpu.memref_slice %arg6[%dma_wait3A_76] : memref<3x!tpu.dma_semaphore, #tpu.memory_space<semaphore_mem>> -> memref<1x!tpu.dma_semaphore, #tpu.memory_space<semaphore_mem>>
    %dma_wait3A_78 = tpu.memref_squeeze %dma_wait3A_77 : memref<1x!tpu.dma_semaphore, #tpu.memory_space<semaphore_mem>> -> memref<!tpu.dma_semaphore, #tpu.memory_space<semaphore_mem>>
    %dma_wait3A_79 = arith.constant 0 : i32
    %dma_wait3A_80 = arith.constant 0 : i32
    %dma_wait3A_81 = tpu.memref_slice %arg5[%dma_wait3A_75, %dma_wait3A_79, %dma_wait3A_80] : memref<3x512x1024xf32, #tpu.memory_space<vmem>> -> memref<1x512x1024xf32, #tpu.memory_space<vmem>>
    %dma_wait3A_82 = tpu.memref_squeeze %dma_wait3A_81 : memref<1x512x1024xf32, #tpu.memory_space<vmem>> -> memref<512x1024xf32, #tpu.memory_space<vmem>>
    %dma_wait3A_83 = arith.constant 9728 : i32
    %dma_wait3A_84 = arith.constant 0 : i32
    %dma_wait3A_85 = tpu.memref_slice %arg2[%dma_wait3A_83, %dma_wait3A_84] : memref<16384x1024xf32, #tpu.memory_space<any>> -> memref<512x1024xf32, #tpu.memory_space<any>>
    tpu.wait_dma2 semaphore(%dma_wait3A_78 : memref<!tpu.dma_semaphore, #tpu.memory_space<semaphore_mem>>) src(%dma_wait3A_85 : memref<512x1024xf32, #tpu.memory_space<any>>) dst(%dma_wait3A_82 : memref<512x1024xf32, #tpu.memory_space<vmem>>)
    %dma_start3A_86 = arith.constant 1 : i32
    %dma_start3A_87 = arith.constant 1 : i32
    %dma_start3A_88 = tpu.memref_slice %arg7[%dma_start3A_87] : memref<3x!tpu.dma_semaphore, #tpu.memory_space<semaphore_mem>> -> memref<1x!tpu.dma_semaphore, #tpu.memory_space<semaphore_mem>>
    %dma_start3A_89 = tpu.memref_squeeze %dma_start3A_88 : memref<1x!tpu.dma_semaphore, #tpu.memory_space<semaphore_mem>> -> memref<!tpu.dma_semaphore, #tpu.memory_space<semaphore_mem>>
    %dma_start3A_90 = arith.constant 9728 : i32
    %dma_start3A_91 = arith.constant 0 : i32
    %dma_start3A_92 = tpu.memref_slice %arg4[%dma_start3A_90, %dma_start3A_91] : memref<16384x1024xf32, #tpu.memory_space<any>> -> memref<512x1024xf32, #tpu.memory_space<any>>
    %dma_start3A_93 = arith.constant 0 : i32
    %dma_start3A_94 = arith.constant 0 : i32
    %dma_start3A_95 = tpu.memref_slice %arg5[%dma_start3A_86, %dma_start3A_93, %dma_start3A_94] : memref<3x512x1024xf32, #tpu.memory_space<vmem>> -> memref<1x512x1024xf32, #tpu.memory_space<vmem>>
    %dma_start3A_96 = tpu.memref_squeeze %dma_start3A_95 : memref<1x512x1024xf32, #tpu.memory_space<vmem>> -> memref<512x1024xf32, #tpu.memory_space<vmem>>
    tpu.enqueue_dma source(%dma_start3A_96 : memref<512x1024xf32, #tpu.memory_space<vmem>>) target(%dma_start3A_92 : memref<512x1024xf32, #tpu.memory_space<any>>) target_semaphore(%dma_start3A_89 : memref<!tpu.dma_semaphore, #tpu.memory_space<semaphore_mem>>)
    %dma_wait3A_97 = arith.constant 1 : i32
    %dma_wait3A_98 = arith.constant 1 : i32
    %dma_wait3A_99 = tpu.memref_slice %arg7[%dma_wait3A_98] : memref<3x!tpu.dma_semaphore, #tpu.memory_space<semaphore_mem>> -> memref<1x!tpu.dma_semaphore, #tpu.memory_space<semaphore_mem>>
    %dma_wait3A_100 = tpu.memref_squeeze %dma_wait3A_99 : memref<1x!tpu.dma_semaphore, #tpu.memory_space<semaphore_mem>> -> memref<!tpu.dma_semaphore, #tpu.memory_space<semaphore_mem>>
    %dma_wait3A_101 = arith.constant 9728 : i32
    %dma_wait3A_102 = arith.constant 0 : i32
    %dma_wait3A_103 = tpu.memref_slice %arg4[%dma_wait3A_101, %dma_wait3A_102] : memref<16384x1024xf32, #tpu.memory_space<any>> -> memref<512x1024xf32, #tpu.memory_space<any>>
    %dma_wait3A_104 = arith.constant 0 : i32
    %dma_wait3A_105 = arith.constant 0 : i32
    %dma_wait3A_106 = tpu.memref_slice %arg5[%dma_wait3A_97, %dma_wait3A_104, %dma_wait3A_105] : memref<3x512x1024xf32, #tpu.memory_space<vmem>> -> memref<1x512x1024xf32, #tpu.memory_space<vmem>>
    %dma_wait3A_107 = tpu.memref_squeeze %dma_wait3A_106 : memref<1x512x1024xf32, #tpu.memory_space<vmem>> -> memref<512x1024xf32, #tpu.memory_space<vmem>>
    tpu.wait_dma2 semaphore(%dma_wait3A_100 : memref<!tpu.dma_semaphore, #tpu.memory_space<semaphore_mem>>) src(%dma_wait3A_107 : memref<512x1024xf32, #tpu.memory_space<vmem>>) dst(%dma_wait3A_103 : memref<512x1024xf32, #tpu.memory_space<any>>)
    %dma_start3A_108 = arith.constant 1 : i32
    %dma_start3A_109 = arith.constant 1 : i32
    %dma_start3A_110 = tpu.memref_slice %arg6[%dma_start3A_109] : memref<3x!tpu.dma_semaphore, #tpu.memory_space<semaphore_mem>> -> memref<1x!tpu.dma_semaphore, #tpu.memory_space<semaphore_mem>>
    %dma_start3A_111 = tpu.memref_squeeze %dma_start3A_110 : memref<1x!tpu.dma_semaphore, #tpu.memory_space<semaphore_mem>> -> memref<!tpu.dma_semaphore, #tpu.memory_space<semaphore_mem>>
    %dma_start3A_112 = arith.constant 0 : i32
    %dma_start3A_113 = arith.constant 0 : i32
    %dma_start3A_114 = tpu.memref_slice %arg5[%dma_start3A_108, %dma_start3A_112, %dma_start3A_113] : memref<3x512x1024xf32, #tpu.memory_space<vmem>> -> memref<1x512x1024xf32, #tpu.memory_space<vmem>>
    %dma_start3A_115 = tpu.memref_squeeze %dma_start3A_114 : memref<1x512x1024xf32, #tpu.memory_space<vmem>> -> memref<512x1024xf32, #tpu.memory_space<vmem>>
    %dma_start3A_116 = arith.constant 11264 : i32
    %dma_start3A_117 = arith.constant 0 : i32
    %dma_start3A_118 = tpu.memref_slice %arg2[%dma_start3A_116, %dma_start3A_117] : memref<16384x1024xf32, #tpu.memory_space<any>> -> memref<512x1024xf32, #tpu.memory_space<any>>
    tpu.enqueue_dma source(%dma_start3A_118 : memref<512x1024xf32, #tpu.memory_space<any>>) target(%dma_start3A_115 : memref<512x1024xf32, #tpu.memory_space<vmem>>) target_semaphore(%dma_start3A_111 : memref<!tpu.dma_semaphore, #tpu.memory_space<semaphore_mem>>)
    %dma_wait3A_119 = arith.constant 2 : i32
    %dma_wait3A_120 = arith.constant 2 : i32
    %dma_wait3A_121 = tpu.memref_slice %arg6[%dma_wait3A_120] : memref<3x!tpu.dma_semaphore, #tpu.memory_space<semaphore_mem>> -> memref<1x!tpu.dma_semaphore, #tpu.memory_space<semaphore_mem>>
    %dma_wait3A_122 = tpu.memref_squeeze %dma_wait3A_121 : memref<1x!tpu.dma_semaphore, #tpu.memory_space<semaphore_mem>> -> memref<!tpu.dma_semaphore, #tpu.memory_space<semaphore_mem>>
    %dma_wait3A_123 = arith.constant 0 : i32
    %dma_wait3A_124 = arith.constant 0 : i32
    %dma_wait3A_125 = tpu.memref_slice %arg5[%dma_wait3A_119, %dma_wait3A_123, %dma_wait3A_124] : memref<3x512x1024xf32, #tpu.memory_space<vmem>> -> memref<1x512x1024xf32, #tpu.memory_space<vmem>>
    %dma_wait3A_126 = tpu.memref_squeeze %dma_wait3A_125 : memref<1x512x1024xf32, #tpu.memory_space<vmem>> -> memref<512x1024xf32, #tpu.memory_space<vmem>>
    %dma_wait3A_127 = arith.constant 10240 : i32
    %dma_wait3A_128 = arith.constant 0 : i32
    %dma_wait3A_129 = tpu.memref_slice %arg2[%dma_wait3A_127, %dma_wait3A_128] : memref<16384x1024xf32, #tpu.memory_space<any>> -> memref<512x1024xf32, #tpu.memory_space<any>>
    tpu.wait_dma2 semaphore(%dma_wait3A_122 : memref<!tpu.dma_semaphore, #tpu.memory_space<semaphore_mem>>) src(%dma_wait3A_129 : memref<512x1024xf32, #tpu.memory_space<any>>) dst(%dma_wait3A_126 : memref<512x1024xf32, #tpu.memory_space<vmem>>)
    %dma_start3A_130 = arith.constant 2 : i32
    %dma_start3A_131 = arith.constant 2 : i32
    %dma_start3A_132 = tpu.memref_slice %arg7[%dma_start3A_131] : memref<3x!tpu.dma_semaphore, #tpu.memory_space<semaphore_mem>> -> memref<1x!tpu.dma_semaphore, #tpu.memory_space<semaphore_mem>>
    %dma_start3A_133 = tpu.memref_squeeze %dma_start3A_132 : memref<1x!tpu.dma_semaphore, #tpu.memory_space<semaphore_mem>> -> memref<!tpu.dma_semaphore, #tpu.memory_space<semaphore_mem>>
    %dma_start3A_134 = arith.constant 10240 : i32
    %dma_start3A_135 = arith.constant 0 : i32
    %dma_start3A_136 = tpu.memref_slice %arg4[%dma_start3A_134, %dma_start3A_135] : memref<16384x1024xf32, #tpu.memory_space<any>> -> memref<512x1024xf32, #tpu.memory_space<any>>
    %dma_start3A_137 = arith.constant 0 : i32
    %dma_start3A_138 = arith.constant 0 : i32
    %dma_start3A_139 = tpu.memref_slice %arg5[%dma_start3A_130, %dma_start3A_137, %dma_start3A_138] : memref<3x512x1024xf32, #tpu.memory_space<vmem>> -> memref<1x512x1024xf32, #tpu.memory_space<vmem>>
    %dma_start3A_140 = tpu.memref_squeeze %dma_start3A_139 : memref<1x512x1024xf32, #tpu.memory_space<vmem>> -> memref<512x1024xf32, #tpu.memory_space<vmem>>
    tpu.enqueue_dma source(%dma_start3A_140 : memref<512x1024xf32, #tpu.memory_space<vmem>>) target(%dma_start3A_136 : memref<512x1024xf32, #tpu.memory_space<any>>) target_semaphore(%dma_start3A_133 : memref<!tpu.dma_semaphore, #tpu.memory_space<semaphore_mem>>)
    %dma_wait3A_141 = arith.constant 2 : i32
    %dma_wait3A_142 = arith.constant 2 : i32
    %dma_wait3A_143 = tpu.memref_slice %arg7[%dma_wait3A_142] : memref<3x!tpu.dma_semaphore, #tpu.memory_space<semaphore_mem>> -> memref<1x!tpu.dma_semaphore, #tpu.memory_space<semaphore_mem>>
    %dma_wait3A_144 = tpu.memref_squeeze %dma_wait3A_143 : memref<1x!tpu.dma_semaphore, #tpu.memory_space<semaphore_mem>> -> memref<!tpu.dma_semaphore, #tpu.memory_space<semaphore_mem>>
    %dma_wait3A_145 = arith.constant 10240 : i32
    %dma_wait3A_146 = arith.constant 0 : i32
    %dma_wait3A_147 = tpu.memref_slice %arg4[%dma_wait3A_145, %dma_wait3A_146] : memref<16384x1024xf32, #tpu.memory_space<any>> -> memref<512x1024xf32, #tpu.memory_space<any>>
    %dma_wait3A_148 = arith.constant 0 : i32
    %dma_wait3A_149 = arith.constant 0 : i32
    %dma_wait3A_150 = tpu.memref_slice %arg5[%dma_wait3A_141, %dma_wait3A_148, %dma_wait3A_149] : memref<3x512x1024xf32, #tpu.memory_space<vmem>> -> memref<1x512x1024xf32, #tpu.memory_space<vmem>>
    %dma_wait3A_151 = tpu.memref_squeeze %dma_wait3A_150 : memref<1x512x1024xf32, #tpu.memory_space<vmem>> -> memref<512x1024xf32, #tpu.memory_space<vmem>>
    tpu.wait_dma2 semaphore(%dma_wait3A_144 : memref<!tpu.dma_semaphore, #tpu.memory_space<semaphore_mem>>) src(%dma_wait3A_151 : memref<512x1024xf32, #tpu.memory_space<vmem>>) dst(%dma_wait3A_147 : memref<512x1024xf32, #tpu.memory_space<any>>)
    %dma_start3A_152 = arith.constant 2 : i32
    %dma_start3A_153 = arith.constant 2 : i32
    %dma_start3A_154 = tpu.memref_slice %arg6[%dma_start3A_153] : memref<3x!tpu.dma_semaphore, #tpu.memory_space<semaphore_mem>> -> memref<1x!tpu.dma_semaphore, #tpu.memory_space<semaphore_mem>>
    %dma_start3A_155 = tpu.memref_squeeze %dma_start3A_154 : memref<1x!tpu.dma_semaphore, #tpu.memory_space<semaphore_mem>> -> memref<!tpu.dma_semaphore, #tpu.memory_space<semaphore_mem>>
    %dma_start3A_156 = arith.constant 0 : i32
    %dma_start3A_157 = arith.constant 0 : i32
    %dma_start3A_158 = tpu.memref_slice %arg5[%dma_start3A_152, %dma_start3A_156, %dma_start3A_157] : memref<3x512x1024xf32, #tpu.memory_space<vmem>> -> memref<1x512x1024xf32, #tpu.memory_space<vmem>>
    %dma_start3A_159 = tpu.memref_squeeze %dma_start3A_158 : memref<1x512x1024xf32, #tpu.memory_space<vmem>> -> memref<512x1024xf32, #tpu.memory_space<vmem>>
    %dma_start3A_160 = arith.constant 11776 : i32
    %dma_start3A_161 = arith.constant 0 : i32
    %dma_start3A_162 = tpu.memref_slice %arg2[%dma_start3A_160, %dma_start3A_161] : memref<16384x1024xf32, #tpu.memory_space<any>> -> memref<512x1024xf32, #tpu.memory_space<any>>
    tpu.enqueue_dma source(%dma_start3A_162 : memref<512x1024xf32, #tpu.memory_space<any>>) target(%dma_start3A_159 : memref<512x1024xf32, #tpu.memory_space<vmem>>) target_semaphore(%dma_start3A_155 : memref<!tpu.dma_semaphore, #tpu.memory_space<semaphore_mem>>)
    %dma_wait3A_163 = arith.constant 0 : i32
    %dma_wait3A_164 = arith.constant 0 : i32
    %dma_wait3A_165 = tpu.memref_slice %arg6[%dma_wait3A_164] : memref<3x!tpu.dma_semaphore, #tpu.memory_space<semaphore_mem>> -> memref<1x!tpu.dma_semaphore, #tpu.memory_space<semaphore_mem>>
    %dma_wait3A_166 = tpu.memref_squeeze %dma_wait3A_165 : memref<1x!tpu.dma_semaphore, #tpu.memory_space<semaphore_mem>> -> memref<!tpu.dma_semaphore, #tpu.memory_space<semaphore_mem>>
    %dma_wait3A_167 = arith.constant 0 : i32
    %dma_wait3A_168 = arith.constant 0 : i32
    %dma_wait3A_169 = tpu.memref_slice %arg5[%dma_wait3A_163, %dma_wait3A_167, %dma_wait3A_168] : memref<3x512x1024xf32, #tpu.memory_space<vmem>> -> memref<1x512x1024xf32, #tpu.memory_space<vmem>>
    %dma_wait3A_170 = tpu.memref_squeeze %dma_wait3A_169 : memref<1x512x1024xf32, #tpu.memory_space<vmem>> -> memref<512x1024xf32, #tpu.memory_space<vmem>>
    %dma_wait3A_171 = arith.constant 10752 : i32
    %dma_wait3A_172 = arith.constant 0 : i32
    %dma_wait3A_173 = tpu.memref_slice %arg2[%dma_wait3A_171, %dma_wait3A_172] : memref<16384x1024xf32, #tpu.memory_space<any>> -> memref<512x1024xf32, #tpu.memory_space<any>>
    tpu.wait_dma2 semaphore(%dma_wait3A_166 : memref<!tpu.dma_semaphore, #tpu.memory_space<semaphore_mem>>) src(%dma_wait3A_173 : memref<512x1024xf32, #tpu.memory_space<any>>) dst(%dma_wait3A_170 : memref<512x1024xf32, #tpu.memory_space<vmem>>)
    %dma_start3A_174 = arith.constant 0 : i32
    %dma_start3A_175 = arith.constant 0 : i32
    %dma_start3A_176 = tpu.memref_slice %arg7[%dma_start3A_175] : memref<3x!tpu.dma_semaphore, #tpu.memory_space<semaphore_mem>> -> memref<1x!tpu.dma_semaphore, #tpu.memory_space<semaphore_mem>>
    %dma_start3A_177 = tpu.memref_squeeze %dma_start3A_176 : memref<1x!tpu.dma_semaphore, #tpu.memory_space<semaphore_mem>> -> memref<!tpu.dma_semaphore, #tpu.memory_space<semaphore_mem>>
    %dma_start3A_178 = arith.constant 10752 : i32
    %dma_start3A_179 = arith.constant 0 : i32
    %dma_start3A_180 = tpu.memref_slice %arg4[%dma_start3A_178, %dma_start3A_179] : memref<16384x1024xf32, #tpu.memory_space<any>> -> memref<512x1024xf32, #tpu.memory_space<any>>
    %dma_start3A_181 = arith.constant 0 : i32
    %dma_start3A_182 = arith.constant 0 : i32
    %dma_start3A_183 = tpu.memref_slice %arg5[%dma_start3A_174, %dma_start3A_181, %dma_start3A_182] : memref<3x512x1024xf32, #tpu.memory_space<vmem>> -> memref<1x512x1024xf32, #tpu.memory_space<vmem>>
    %dma_start3A_184 = tpu.memref_squeeze %dma_start3A_183 : memref<1x512x1024xf32, #tpu.memory_space<vmem>> -> memref<512x1024xf32, #tpu.memory_space<vmem>>
    tpu.enqueue_dma source(%dma_start3A_184 : memref<512x1024xf32, #tpu.memory_space<vmem>>) target(%dma_start3A_180 : memref<512x1024xf32, #tpu.memory_space<any>>) target_semaphore(%dma_start3A_177 : memref<!tpu.dma_semaphore, #tpu.memory_space<semaphore_mem>>)
    %dma_wait3A_185 = arith.constant 0 : i32
    %dma_wait3A_186 = arith.constant 0 : i32
    %dma_wait3A_187 = tpu.memref_slice %arg7[%dma_wait3A_186] : memref<3x!tpu.dma_semaphore, #tpu.memory_space<semaphore_mem>> -> memref<1x!tpu.dma_semaphore, #tpu.memory_space<semaphore_mem>>
    %dma_wait3A_188 = tpu.memref_squeeze %dma_wait3A_187 : memref<1x!tpu.dma_semaphore, #tpu.memory_space<semaphore_mem>> -> memref<!tpu.dma_semaphore, #tpu.memory_space<semaphore_mem>>
    %dma_wait3A_189 = arith.constant 10752 : i32
    %dma_wait3A_190 = arith.constant 0 : i32
    %dma_wait3A_191 = tpu.memref_slice %arg4[%dma_wait3A_189, %dma_wait3A_190] : memref<16384x1024xf32, #tpu.memory_space<any>> -> memref<512x1024xf32, #tpu.memory_space<any>>
    %dma_wait3A_192 = arith.constant 0 : i32
    %dma_wait3A_193 = arith.constant 0 : i32
    %dma_wait3A_194 = tpu.memref_slice %arg5[%dma_wait3A_185, %dma_wait3A_192, %dma_wait3A_193] : memref<3x512x1024xf32, #tpu.memory_space<vmem>> -> memref<1x512x1024xf32, #tpu.memory_space<vmem>>
    %dma_wait3A_195 = tpu.memref_squeeze %dma_wait3A_194 : memref<1x512x1024xf32, #tpu.memory_space<vmem>> -> memref<512x1024xf32, #tpu.memory_space<vmem>>
    tpu.wait_dma2 semaphore(%dma_wait3A_188 : memref<!tpu.dma_semaphore, #tpu.memory_space<semaphore_mem>>) src(%dma_wait3A_195 : memref<512x1024xf32, #tpu.memory_space<vmem>>) dst(%dma_wait3A_191 : memref<512x1024xf32, #tpu.memory_space<any>>)
    %dma_start3A_196 = arith.constant 0 : i32
    %dma_start3A_197 = arith.constant 0 : i32
    %dma_start3A_198 = tpu.memref_slice %arg6[%dma_start3A_197] : memref<3x!tpu.dma_semaphore, #tpu.memory_space<semaphore_mem>> -> memref<1x!tpu.dma_semaphore, #tpu.memory_space<semaphore_mem>>
    %dma_start3A_199 = tpu.memref_squeeze %dma_start3A_198 : memref<1x!tpu.dma_semaphore, #tpu.memory_space<semaphore_mem>> -> memref<!tpu.dma_semaphore, #tpu.memory_space<semaphore_mem>>
    %dma_start3A_200 = arith.constant 0 : i32
    %dma_start3A_201 = arith.constant 0 : i32
    %dma_start3A_202 = tpu.memref_slice %arg5[%dma_start3A_196, %dma_start3A_200, %dma_start3A_201] : memref<3x512x1024xf32, #tpu.memory_space<vmem>> -> memref<1x512x1024xf32, #tpu.memory_space<vmem>>
    %dma_start3A_203 = tpu.memref_squeeze %dma_start3A_202 : memref<1x512x1024xf32, #tpu.memory_space<vmem>> -> memref<512x1024xf32, #tpu.memory_space<vmem>>
    %dma_start3A_204 = arith.constant 12288 : i32
    %dma_start3A_205 = arith.constant 0 : i32
    %dma_start3A_206 = tpu.memref_slice %arg2[%dma_start3A_204, %dma_start3A_205] : memref<16384x1024xf32, #tpu.memory_space<any>> -> memref<512x1024xf32, #tpu.memory_space<any>>
    tpu.enqueue_dma source(%dma_start3A_206 : memref<512x1024xf32, #tpu.memory_space<any>>) target(%dma_start3A_203 : memref<512x1024xf32, #tpu.memory_space<vmem>>) target_semaphore(%dma_start3A_199 : memref<!tpu.dma_semaphore, #tpu.memory_space<semaphore_mem>>)
    %dma_wait3A_207 = arith.constant 1 : i32
    %dma_wait3A_208 = arith.constant 1 : i32
    %dma_wait3A_209 = tpu.memref_slice %arg6[%dma_wait3A_208] : memref<3x!tpu.dma_semaphore, #tpu.memory_space<semaphore_mem>> -> memref<1x!tpu.dma_semaphore, #tpu.memory_space<semaphore_mem>>
    %dma_wait3A_210 = tpu.memref_squeeze %dma_wait3A_209 : memref<1x!tpu.dma_semaphore, #tpu.memory_space<semaphore_mem>> -> memref<!tpu.dma_semaphore, #tpu.memory_space<semaphore_mem>>
    %dma_wait3A_211 = arith.constant 0 : i32
    %dma_wait3A_212 = arith.constant 0 : i32
    %dma_wait3A_213 = tpu.memref_slice %arg5[%dma_wait3A_207, %dma_wait3A_211, %dma_wait3A_212] : memref<3x512x1024xf32, #tpu.memory_space<vmem>> -> memref<1x512x1024xf32, #tpu.memory_space<vmem>>
    %dma_wait3A_214 = tpu.memref_squeeze %dma_wait3A_213 : memref<1x512x1024xf32, #tpu.memory_space<vmem>> -> memref<512x1024xf32, #tpu.memory_space<vmem>>
    %dma_wait3A_215 = arith.constant 11264 : i32
    %dma_wait3A_216 = arith.constant 0 : i32
    %dma_wait3A_217 = tpu.memref_slice %arg2[%dma_wait3A_215, %dma_wait3A_216] : memref<16384x1024xf32, #tpu.memory_space<any>> -> memref<512x1024xf32, #tpu.memory_space<any>>
    tpu.wait_dma2 semaphore(%dma_wait3A_210 : memref<!tpu.dma_semaphore, #tpu.memory_space<semaphore_mem>>) src(%dma_wait3A_217 : memref<512x1024xf32, #tpu.memory_space<any>>) dst(%dma_wait3A_214 : memref<512x1024xf32, #tpu.memory_space<vmem>>)
    %dma_start3A_218 = arith.constant 1 : i32
    %dma_start3A_219 = arith.constant 1 : i32
    %dma_start3A_220 = tpu.memref_slice %arg7[%dma_start3A_219] : memref<3x!tpu.dma_semaphore, #tpu.memory_space<semaphore_mem>> -> memref<1x!tpu.dma_semaphore, #tpu.memory_space<semaphore_mem>>
    %dma_start3A_221 = tpu.memref_squeeze %dma_start3A_220 : memref<1x!tpu.dma_semaphore, #tpu.memory_space<semaphore_mem>> -> memref<!tpu.dma_semaphore, #tpu.memory_space<semaphore_mem>>
    %dma_start3A_222 = arith.constant 11264 : i32
    %dma_start3A_223 = arith.constant 0 : i32
    %dma_start3A_224 = tpu.memref_slice %arg4[%dma_start3A_222, %dma_start3A_223] : memref<16384x1024xf32, #tpu.memory_space<any>> -> memref<512x1024xf32, #tpu.memory_space<any>>
    %dma_start3A_225 = arith.constant 0 : i32
    %dma_start3A_226 = arith.constant 0 : i32
    %dma_start3A_227 = tpu.memref_slice %arg5[%dma_start3A_218, %dma_start3A_225, %dma_start3A_226] : memref<3x512x1024xf32, #tpu.memory_space<vmem>> -> memref<1x512x1024xf32, #tpu.memory_space<vmem>>
    %dma_start3A_228 = tpu.memref_squeeze %dma_start3A_227 : memref<1x512x1024xf32, #tpu.memory_space<vmem>> -> memref<512x1024xf32, #tpu.memory_space<vmem>>
    tpu.enqueue_dma source(%dma_start3A_228 : memref<512x1024xf32, #tpu.memory_space<vmem>>) target(%dma_start3A_224 : memref<512x1024xf32, #tpu.memory_space<any>>) target_semaphore(%dma_start3A_221 : memref<!tpu.dma_semaphore, #tpu.memory_space<semaphore_mem>>)
    %dma_wait3A_229 = arith.constant 1 : i32
    %dma_wait3A_230 = arith.constant 1 : i32
    %dma_wait3A_231 = tpu.memref_slice %arg7[%dma_wait3A_230] : memref<3x!tpu.dma_semaphore, #tpu.memory_space<semaphore_mem>> -> memref<1x!tpu.dma_semaphore, #tpu.memory_space<semaphore_mem>>
    %dma_wait3A_232 = tpu.memref_squeeze %dma_wait3A_231 : memref<1x!tpu.dma_semaphore, #tpu.memory_space<semaphore_mem>> -> memref<!tpu.dma_semaphore, #tpu.memory_space<semaphore_mem>>
    %dma_wait3A_233 = arith.constant 11264 : i32
    %dma_wait3A_234 = arith.constant 0 : i32
    %dma_wait3A_235 = tpu.memref_slice %arg4[%dma_wait3A_233, %dma_wait3A_234] : memref<16384x1024xf32, #tpu.memory_space<any>> -> memref<512x1024xf32, #tpu.memory_space<any>>
    %dma_wait3A_236 = arith.constant 0 : i32
    %dma_wait3A_237 = arith.constant 0 : i32
    %dma_wait3A_238 = tpu.memref_slice %arg5[%dma_wait3A_229, %dma_wait3A_236, %dma_wait3A_237] : memref<3x512x1024xf32, #tpu.memory_space<vmem>> -> memref<1x512x1024xf32, #tpu.memory_space<vmem>>
    %dma_wait3A_239 = tpu.memref_squeeze %dma_wait3A_238 : memref<1x512x1024xf32, #tpu.memory_space<vmem>> -> memref<512x1024xf32, #tpu.memory_space<vmem>>
    tpu.wait_dma2 semaphore(%dma_wait3A_232 : memref<!tpu.dma_semaphore, #tpu.memory_space<semaphore_mem>>) src(%dma_wait3A_239 : memref<512x1024xf32, #tpu.memory_space<vmem>>) dst(%dma_wait3A_235 : memref<512x1024xf32, #tpu.memory_space<any>>)
    %dma_start3A_240 = arith.constant 1 : i32
    %dma_start3A_241 = arith.constant 1 : i32
    %dma_start3A_242 = tpu.memref_slice %arg6[%dma_start3A_241] : memref<3x!tpu.dma_semaphore, #tpu.memory_space<semaphore_mem>> -> memref<1x!tpu.dma_semaphore, #tpu.memory_space<semaphore_mem>>
    %dma_start3A_243 = tpu.memref_squeeze %dma_start3A_242 : memref<1x!tpu.dma_semaphore, #tpu.memory_space<semaphore_mem>> -> memref<!tpu.dma_semaphore, #tpu.memory_space<semaphore_mem>>
    %dma_start3A_244 = arith.constant 0 : i32
    %dma_start3A_245 = arith.constant 0 : i32
    %dma_start3A_246 = tpu.memref_slice %arg5[%dma_start3A_240, %dma_start3A_244, %dma_start3A_245] : memref<3x512x1024xf32, #tpu.memory_space<vmem>> -> memref<1x512x1024xf32, #tpu.memory_space<vmem>>
    %dma_start3A_247 = tpu.memref_squeeze %dma_start3A_246 : memref<1x512x1024xf32, #tpu.memory_space<vmem>> -> memref<512x1024xf32, #tpu.memory_space<vmem>>
    %dma_start3A_248 = arith.constant 12800 : i32
    %dma_start3A_249 = arith.constant 0 : i32
    %dma_start3A_250 = tpu.memref_slice %arg2[%dma_start3A_248, %dma_start3A_249] : memref<16384x1024xf32, #tpu.memory_space<any>> -> memref<512x1024xf32, #tpu.memory_space<any>>
    tpu.enqueue_dma source(%dma_start3A_250 : memref<512x1024xf32, #tpu.memory_space<any>>) target(%dma_start3A_247 : memref<512x1024xf32, #tpu.memory_space<vmem>>) target_semaphore(%dma_start3A_243 : memref<!tpu.dma_semaphore, #tpu.memory_space<semaphore_mem>>)
    %dma_wait3A_251 = arith.constant 2 : i32
    %dma_wait3A_252 = arith.constant 2 : i32
    %dma_wait3A_253 = tpu.memref_slice %arg6[%dma_wait3A_252] : memref<3x!tpu.dma_semaphore, #tpu.memory_space<semaphore_mem>> -> memref<1x!tpu.dma_semaphore, #tpu.memory_space<semaphore_mem>>
    %dma_wait3A_254 = tpu.memref_squeeze %dma_wait3A_253 : memref<1x!tpu.dma_semaphore, #tpu.memory_space<semaphore_mem>> -> memref<!tpu.dma_semaphore, #tpu.memory_space<semaphore_mem>>
    %dma_wait3A_255 = arith.constant 0 : i32
    %dma_wait3A_256 = arith.constant 0 : i32
    %dma_wait3A_257 = tpu.memref_slice %arg5[%dma_wait3A_251, %dma_wait3A_255, %dma_wait3A_256] : memref<3x512x1024xf32, #tpu.memory_space<vmem>> -> memref<1x512x1024xf32, #tpu.memory_space<vmem>>
    %dma_wait3A_258 = tpu.memref_squeeze %dma_wait3A_257 : memref<1x512x1024xf32, #tpu.memory_space<vmem>> -> memref<512x1024xf32, #tpu.memory_space<vmem>>
    %dma_wait3A_259 = arith.constant 11776 : i32
    %dma_wait3A_260 = arith.constant 0 : i32
    %dma_wait3A_261 = tpu.memref_slice %arg2[%dma_wait3A_259, %dma_wait3A_260] : memref<16384x1024xf32, #tpu.memory_space<any>> -> memref<512x1024xf32, #tpu.memory_space<any>>
    tpu.wait_dma2 semaphore(%dma_wait3A_254 : memref<!tpu.dma_semaphore, #tpu.memory_space<semaphore_mem>>) src(%dma_wait3A_261 : memref<512x1024xf32, #tpu.memory_space<any>>) dst(%dma_wait3A_258 : memref<512x1024xf32, #tpu.memory_space<vmem>>)
    %dma_start3A_262 = arith.constant 2 : i32
    %dma_start3A_263 = arith.constant 2 : i32
    %dma_start3A_264 = tpu.memref_slice %arg7[%dma_start3A_263] : memref<3x!tpu.dma_semaphore, #tpu.memory_space<semaphore_mem>> -> memref<1x!tpu.dma_semaphore, #tpu.memory_space<semaphore_mem>>
    %dma_start3A_265 = tpu.memref_squeeze %dma_start3A_264 : memref<1x!tpu.dma_semaphore, #tpu.memory_space<semaphore_mem>> -> memref<!tpu.dma_semaphore, #tpu.memory_space<semaphore_mem>>
    %dma_start3A_266 = arith.constant 11776 : i32
    %dma_start3A_267 = arith.constant 0 : i32
    %dma_start3A_268 = tpu.memref_slice %arg4[%dma_start3A_266, %dma_start3A_267] : memref<16384x1024xf32, #tpu.memory_space<any>> -> memref<512x1024xf32, #tpu.memory_space<any>>
    %dma_start3A_269 = arith.constant 0 : i32
    %dma_start3A_270 = arith.constant 0 : i32
    %dma_start3A_271 = tpu.memref_slice %arg5[%dma_start3A_262, %dma_start3A_269, %dma_start3A_270] : memref<3x512x1024xf32, #tpu.memory_space<vmem>> -> memref<1x512x1024xf32, #tpu.memory_space<vmem>>
    %dma_start3A_272 = tpu.memref_squeeze %dma_start3A_271 : memref<1x512x1024xf32, #tpu.memory_space<vmem>> -> memref<512x1024xf32, #tpu.memory_space<vmem>>
    tpu.enqueue_dma source(%dma_start3A_272 : memref<512x1024xf32, #tpu.memory_space<vmem>>) target(%dma_start3A_268 : memref<512x1024xf32, #tpu.memory_space<any>>) target_semaphore(%dma_start3A_265 : memref<!tpu.dma_semaphore, #tpu.memory_space<semaphore_mem>>)
    %dma_wait3A_273 = arith.constant 2 : i32
    %dma_wait3A_274 = arith.constant 2 : i32
    %dma_wait3A_275 = tpu.memref_slice %arg7[%dma_wait3A_274] : memref<3x!tpu.dma_semaphore, #tpu.memory_space<semaphore_mem>> -> memref<1x!tpu.dma_semaphore, #tpu.memory_space<semaphore_mem>>
    %dma_wait3A_276 = tpu.memref_squeeze %dma_wait3A_275 : memref<1x!tpu.dma_semaphore, #tpu.memory_space<semaphore_mem>> -> memref<!tpu.dma_semaphore, #tpu.memory_space<semaphore_mem>>
    %dma_wait3A_277 = arith.constant 11776 : i32
    %dma_wait3A_278 = arith.constant 0 : i32
    %dma_wait3A_279 = tpu.memref_slice %arg4[%dma_wait3A_277, %dma_wait3A_278] : memref<16384x1024xf32, #tpu.memory_space<any>> -> memref<512x1024xf32, #tpu.memory_space<any>>
    %dma_wait3A_280 = arith.constant 0 : i32
    %dma_wait3A_281 = arith.constant 0 : i32
    %dma_wait3A_282 = tpu.memref_slice %arg5[%dma_wait3A_273, %dma_wait3A_280, %dma_wait3A_281] : memref<3x512x1024xf32, #tpu.memory_space<vmem>> -> memref<1x512x1024xf32, #tpu.memory_space<vmem>>
    %dma_wait3A_283 = tpu.memref_squeeze %dma_wait3A_282 : memref<1x512x1024xf32, #tpu.memory_space<vmem>> -> memref<512x1024xf32, #tpu.memory_space<vmem>>
    tpu.wait_dma2 semaphore(%dma_wait3A_276 : memref<!tpu.dma_semaphore, #tpu.memory_space<semaphore_mem>>) src(%dma_wait3A_283 : memref<512x1024xf32, #tpu.memory_space<vmem>>) dst(%dma_wait3A_279 : memref<512x1024xf32, #tpu.memory_space<any>>)
    %dma_start3A_284 = arith.constant 2 : i32
    %dma_start3A_285 = arith.constant 2 : i32
    %dma_start3A_286 = tpu.memref_slice %arg6[%dma_start3A_285] : memref<3x!tpu.dma_semaphore, #tpu.memory_space<semaphore_mem>> -> memref<1x!tpu.dma_semaphore, #tpu.memory_space<semaphore_mem>>
    %dma_start3A_287 = tpu.memref_squeeze %dma_start3A_286 : memref<1x!tpu.dma_semaphore, #tpu.memory_space<semaphore_mem>> -> memref<!tpu.dma_semaphore, #tpu.memory_space<semaphore_mem>>
    %dma_start3A_288 = arith.constant 0 : i32
    %dma_start3A_289 = arith.constant 0 : i32
    %dma_start3A_290 = tpu.memref_slice %arg5[%dma_start3A_284, %dma_start3A_288, %dma_start3A_289] : memref<3x512x1024xf32, #tpu.memory_space<vmem>> -> memref<1x512x1024xf32, #tpu.memory_space<vmem>>
    %dma_start3A_291 = tpu.memref_squeeze %dma_start3A_290 : memref<1x512x1024xf32, #tpu.memory_space<vmem>> -> memref<512x1024xf32, #tpu.memory_space<vmem>>
    %dma_start3A_292 = arith.constant 13312 : i32
    %dma_start3A_293 = arith.constant 0 : i32
    %dma_start3A_294 = tpu.memref_slice %arg2[%dma_start3A_292, %dma_start3A_293] : memref<16384x1024xf32, #tpu.memory_space<any>> -> memref<512x1024xf32, #tpu.memory_space<any>>
    tpu.enqueue_dma source(%dma_start3A_294 : memref<512x1024xf32, #tpu.memory_space<any>>) target(%dma_start3A_291 : memref<512x1024xf32, #tpu.memory_space<vmem>>) target_semaphore(%dma_start3A_287 : memref<!tpu.dma_semaphore, #tpu.memory_space<semaphore_mem>>)
    %dma_wait3A_295 = arith.constant 0 : i32
    %dma_wait3A_296 = arith.constant 0 : i32
    %dma_wait3A_297 = tpu.memref_slice %arg6[%dma_wait3A_296] : memref<3x!tpu.dma_semaphore, #tpu.memory_space<semaphore_mem>> -> memref<1x!tpu.dma_semaphore, #tpu.memory_space<semaphore_mem>>
    %dma_wait3A_298 = tpu.memref_squeeze %dma_wait3A_297 : memref<1x!tpu.dma_semaphore, #tpu.memory_space<semaphore_mem>> -> memref<!tpu.dma_semaphore, #tpu.memory_space<semaphore_mem>>
    %dma_wait3A_299 = arith.constant 0 : i32
    %dma_wait3A_300 = arith.constant 0 : i32
    %dma_wait3A_301 = tpu.memref_slice %arg5[%dma_wait3A_295, %dma_wait3A_299, %dma_wait3A_300] : memref<3x512x1024xf32, #tpu.memory_space<vmem>> -> memref<1x512x1024xf32, #tpu.memory_space<vmem>>
    %dma_wait3A_302 = tpu.memref_squeeze %dma_wait3A_301 : memref<1x512x1024xf32, #tpu.memory_space<vmem>> -> memref<512x1024xf32, #tpu.memory_space<vmem>>
    %dma_wait3A_303 = arith.constant 12288 : i32
    %dma_wait3A_304 = arith.constant 0 : i32
    %dma_wait3A_305 = tpu.memref_slice %arg2[%dma_wait3A_303, %dma_wait3A_304] : memref<16384x1024xf32, #tpu.memory_space<any>> -> memref<512x1024xf32, #tpu.memory_space<any>>
    tpu.wait_dma2 semaphore(%dma_wait3A_298 : memref<!tpu.dma_semaphore, #tpu.memory_space<semaphore_mem>>) src(%dma_wait3A_305 : memref<512x1024xf32, #tpu.memory_space<any>>) dst(%dma_wait3A_302 : memref<512x1024xf32, #tpu.memory_space<vmem>>)
    %dma_start3A_306 = arith.constant 0 : i32
    %dma_start3A_307 = arith.constant 0 : i32
    %dma_start3A_308 = tpu.memref_slice %arg7[%dma_start3A_307] : memref<3x!tpu.dma_semaphore, #tpu.memory_space<semaphore_mem>> -> memref<1x!tpu.dma_semaphore, #tpu.memory_space<semaphore_mem>>
    %dma_start3A_309 = tpu.memref_squeeze %dma_start3A_308 : memref<1x!tpu.dma_semaphore, #tpu.memory_space<semaphore_mem>> -> memref<!tpu.dma_semaphore, #tpu.memory_space<semaphore_mem>>
    %dma_start3A_310 = arith.constant 12288 : i32
    %dma_start3A_311 = arith.constant 0 : i32
    %dma_start3A_312 = tpu.memref_slice %arg4[%dma_start3A_310, %dma_start3A_311] : memref<16384x1024xf32, #tpu.memory_space<any>> -> memref<512x1024xf32, #tpu.memory_space<any>>
    %dma_start3A_313 = arith.constant 0 : i32
    %dma_start3A_314 = arith.constant 0 : i32
    %dma_start3A_315 = tpu.memref_slice %arg5[%dma_start3A_306, %dma_start3A_313, %dma_start3A_314] : memref<3x512x1024xf32, #tpu.memory_space<vmem>> -> memref<1x512x1024xf32, #tpu.memory_space<vmem>>
    %dma_start3A_316 = tpu.memref_squeeze %dma_start3A_315 : memref<1x512x1024xf32, #tpu.memory_space<vmem>> -> memref<512x1024xf32, #tpu.memory_space<vmem>>
    tpu.enqueue_dma source(%dma_start3A_316 : memref<512x1024xf32, #tpu.memory_space<vmem>>) target(%dma_start3A_312 : memref<512x1024xf32, #tpu.memory_space<any>>) target_semaphore(%dma_start3A_309 : memref<!tpu.dma_semaphore, #tpu.memory_space<semaphore_mem>>)
    %dma_wait3A_317 = arith.constant 0 : i32
    %dma_wait3A_318 = arith.constant 0 : i32
    %dma_wait3A_319 = tpu.memref_slice %arg7[%dma_wait3A_318] : memref<3x!tpu.dma_semaphore, #tpu.memory_space<semaphore_mem>> -> memref<1x!tpu.dma_semaphore, #tpu.memory_space<semaphore_mem>>
    %dma_wait3A_320 = tpu.memref_squeeze %dma_wait3A_319 : memref<1x!tpu.dma_semaphore, #tpu.memory_space<semaphore_mem>> -> memref<!tpu.dma_semaphore, #tpu.memory_space<semaphore_mem>>
    %dma_wait3A_321 = arith.constant 12288 : i32
    %dma_wait3A_322 = arith.constant 0 : i32
    %dma_wait3A_323 = tpu.memref_slice %arg4[%dma_wait3A_321, %dma_wait3A_322] : memref<16384x1024xf32, #tpu.memory_space<any>> -> memref<512x1024xf32, #tpu.memory_space<any>>
    %dma_wait3A_324 = arith.constant 0 : i32
    %dma_wait3A_325 = arith.constant 0 : i32
    %dma_wait3A_326 = tpu.memref_slice %arg5[%dma_wait3A_317, %dma_wait3A_324, %dma_wait3A_325] : memref<3x512x1024xf32, #tpu.memory_space<vmem>> -> memref<1x512x1024xf32, #tpu.memory_space<vmem>>
    %dma_wait3A_327 = tpu.memref_squeeze %dma_wait3A_326 : memref<1x512x1024xf32, #tpu.memory_space<vmem>> -> memref<512x1024xf32, #tpu.memory_space<vmem>>
    tpu.wait_dma2 semaphore(%dma_wait3A_320 : memref<!tpu.dma_semaphore, #tpu.memory_space<semaphore_mem>>) src(%dma_wait3A_327 : memref<512x1024xf32, #tpu.memory_space<vmem>>) dst(%dma_wait3A_323 : memref<512x1024xf32, #tpu.memory_space<any>>)
    %dma_start3A_328 = arith.constant 0 : i32
    %dma_start3A_329 = arith.constant 0 : i32
    %dma_start3A_330 = tpu.memref_slice %arg6[%dma_start3A_329] : memref<3x!tpu.dma_semaphore, #tpu.memory_space<semaphore_mem>> -> memref<1x!tpu.dma_semaphore, #tpu.memory_space<semaphore_mem>>
    %dma_start3A_331 = tpu.memref_squeeze %dma_start3A_330 : memref<1x!tpu.dma_semaphore, #tpu.memory_space<semaphore_mem>> -> memref<!tpu.dma_semaphore, #tpu.memory_space<semaphore_mem>>
    %dma_start3A_332 = arith.constant 0 : i32
    %dma_start3A_333 = arith.constant 0 : i32
    %dma_start3A_334 = tpu.memref_slice %arg5[%dma_start3A_328, %dma_start3A_332, %dma_start3A_333] : memref<3x512x1024xf32, #tpu.memory_space<vmem>> -> memref<1x512x1024xf32, #tpu.memory_space<vmem>>
    %dma_start3A_335 = tpu.memref_squeeze %dma_start3A_334 : memref<1x512x1024xf32, #tpu.memory_space<vmem>> -> memref<512x1024xf32, #tpu.memory_space<vmem>>
    %dma_start3A_336 = arith.constant 13824 : i32
    %dma_start3A_337 = arith.constant 0 : i32
    %dma_start3A_338 = tpu.memref_slice %arg2[%dma_start3A_336, %dma_start3A_337] : memref<16384x1024xf32, #tpu.memory_space<any>> -> memref<512x1024xf32, #tpu.memory_space<any>>
    tpu.enqueue_dma source(%dma_start3A_338 : memref<512x1024xf32, #tpu.memory_space<any>>) target(%dma_start3A_335 : memref<512x1024xf32, #tpu.memory_space<vmem>>) target_semaphore(%dma_start3A_331 : memref<!tpu.dma_semaphore, #tpu.memory_space<semaphore_mem>>)
    %dma_wait3A_339 = arith.constant 1 : i32
    %dma_wait3A_340 = arith.constant 1 : i32
    %dma_wait3A_341 = tpu.memref_slice %arg6[%dma_wait3A_340] : memref<3x!tpu.dma_semaphore, #tpu.memory_space<semaphore_mem>> -> memref<1x!tpu.dma_semaphore, #tpu.memory_space<semaphore_mem>>
    %dma_wait3A_342 = tpu.memref_squeeze %dma_wait3A_341 : memref<1x!tpu.dma_semaphore, #tpu.memory_space<semaphore_mem>> -> memref<!tpu.dma_semaphore, #tpu.memory_space<semaphore_mem>>
    %dma_wait3A_343 = arith.constant 0 : i32
    %dma_wait3A_344 = arith.constant 0 : i32
    %dma_wait3A_345 = tpu.memref_slice %arg5[%dma_wait3A_339, %dma_wait3A_343, %dma_wait3A_344] : memref<3x512x1024xf32, #tpu.memory_space<vmem>> -> memref<1x512x1024xf32, #tpu.memory_space<vmem>>
    %dma_wait3A_346 = tpu.memref_squeeze %dma_wait3A_345 : memref<1x512x1024xf32, #tpu.memory_space<vmem>> -> memref<512x1024xf32, #tpu.memory_space<vmem>>
    %dma_wait3A_347 = arith.constant 12800 : i32
    %dma_wait3A_348 = arith.constant 0 : i32
    %dma_wait3A_349 = tpu.memref_slice %arg2[%dma_wait3A_347, %dma_wait3A_348] : memref<16384x1024xf32, #tpu.memory_space<any>> -> memref<512x1024xf32, #tpu.memory_space<any>>
    tpu.wait_dma2 semaphore(%dma_wait3A_342 : memref<!tpu.dma_semaphore, #tpu.memory_space<semaphore_mem>>) src(%dma_wait3A_349 : memref<512x1024xf32, #tpu.memory_space<any>>) dst(%dma_wait3A_346 : memref<512x1024xf32, #tpu.memory_space<vmem>>)
    %dma_start3A_350 = arith.constant 1 : i32
    %dma_start3A_351 = arith.constant 1 : i32
    %dma_start3A_352 = tpu.memref_slice %arg7[%dma_start3A_351] : memref<3x!tpu.dma_semaphore, #tpu.memory_space<semaphore_mem>> -> memref<1x!tpu.dma_semaphore, #tpu.memory_space<semaphore_mem>>
    %dma_start3A_353 = tpu.memref_squeeze %dma_start3A_352 : memref<1x!tpu.dma_semaphore, #tpu.memory_space<semaphore_mem>> -> memref<!tpu.dma_semaphore, #tpu.memory_space<semaphore_mem>>
    %dma_start3A_354 = arith.constant 12800 : i32
    %dma_start3A_355 = arith.constant 0 : i32
    %dma_start3A_356 = tpu.memref_slice %arg4[%dma_start3A_354, %dma_start3A_355] : memref<16384x1024xf32, #tpu.memory_space<any>> -> memref<512x1024xf32, #tpu.memory_space<any>>
    %dma_start3A_357 = arith.constant 0 : i32
    %dma_start3A_358 = arith.constant 0 : i32
    %dma_start3A_359 = tpu.memref_slice %arg5[%dma_start3A_350, %dma_start3A_357, %dma_start3A_358] : memref<3x512x1024xf32, #tpu.memory_space<vmem>> -> memref<1x512x1024xf32, #tpu.memory_space<vmem>>
    %dma_start3A_360 = tpu.memref_squeeze %dma_start3A_359 : memref<1x512x1024xf32, #tpu.memory_space<vmem>> -> memref<512x1024xf32, #tpu.memory_space<vmem>>
    tpu.enqueue_dma source(%dma_start3A_360 : memref<512x1024xf32, #tpu.memory_space<vmem>>) target(%dma_start3A_356 : memref<512x1024xf32, #tpu.memory_space<any>>) target_semaphore(%dma_start3A_353 : memref<!tpu.dma_semaphore, #tpu.memory_space<semaphore_mem>>)
    %dma_wait3A_361 = arith.constant 1 : i32
    %dma_wait3A_362 = arith.constant 1 : i32
    %dma_wait3A_363 = tpu.memref_slice %arg7[%dma_wait3A_362] : memref<3x!tpu.dma_semaphore, #tpu.memory_space<semaphore_mem>> -> memref<1x!tpu.dma_semaphore, #tpu.memory_space<semaphore_mem>>
    %dma_wait3A_364 = tpu.memref_squeeze %dma_wait3A_363 : memref<1x!tpu.dma_semaphore, #tpu.memory_space<semaphore_mem>> -> memref<!tpu.dma_semaphore, #tpu.memory_space<semaphore_mem>>
    %dma_wait3A_365 = arith.constant 12800 : i32
    %dma_wait3A_366 = arith.constant 0 : i32
    %dma_wait3A_367 = tpu.memref_slice %arg4[%dma_wait3A_365, %dma_wait3A_366] : memref<16384x1024xf32, #tpu.memory_space<any>> -> memref<512x1024xf32, #tpu.memory_space<any>>
    %dma_wait3A_368 = arith.constant 0 : i32
    %dma_wait3A_369 = arith.constant 0 : i32
    %dma_wait3A_370 = tpu.memref_slice %arg5[%dma_wait3A_361, %dma_wait3A_368, %dma_wait3A_369] : memref<3x512x1024xf32, #tpu.memory_space<vmem>> -> memref<1x512x1024xf32, #tpu.memory_space<vmem>>
    %dma_wait3A_371 = tpu.memref_squeeze %dma_wait3A_370 : memref<1x512x1024xf32, #tpu.memory_space<vmem>> -> memref<512x1024xf32, #tpu.memory_space<vmem>>
    tpu.wait_dma2 semaphore(%dma_wait3A_364 : memref<!tpu.dma_semaphore, #tpu.memory_space<semaphore_mem>>) src(%dma_wait3A_371 : memref<512x1024xf32, #tpu.memory_space<vmem>>) dst(%dma_wait3A_367 : memref<512x1024xf32, #tpu.memory_space<any>>)
    %dma_start3A_372 = arith.constant 1 : i32
    %dma_start3A_373 = arith.constant 1 : i32
    %dma_start3A_374 = tpu.memref_slice %arg6[%dma_start3A_373] : memref<3x!tpu.dma_semaphore, #tpu.memory_space<semaphore_mem>> -> memref<1x!tpu.dma_semaphore, #tpu.memory_space<semaphore_mem>>
    %dma_start3A_375 = tpu.memref_squeeze %dma_start3A_374 : memref<1x!tpu.dma_semaphore, #tpu.memory_space<semaphore_mem>> -> memref<!tpu.dma_semaphore, #tpu.memory_space<semaphore_mem>>
    %dma_start3A_376 = arith.constant 0 : i32
    %dma_start3A_377 = arith.constant 0 : i32
    %dma_start3A_378 = tpu.memref_slice %arg5[%dma_start3A_372, %dma_start3A_376, %dma_start3A_377] : memref<3x512x1024xf32, #tpu.memory_space<vmem>> -> memref<1x512x1024xf32, #tpu.memory_space<vmem>>
    %dma_start3A_379 = tpu.memref_squeeze %dma_start3A_378 : memref<1x512x1024xf32, #tpu.memory_space<vmem>> -> memref<512x1024xf32, #tpu.memory_space<vmem>>
    %dma_start3A_380 = arith.constant 14336 : i32
    %dma_start3A_381 = arith.constant 0 : i32
    %dma_start3A_382 = tpu.memref_slice %arg2[%dma_start3A_380, %dma_start3A_381] : memref<16384x1024xf32, #tpu.memory_space<any>> -> memref<512x1024xf32, #tpu.memory_space<any>>
    tpu.enqueue_dma source(%dma_start3A_382 : memref<512x1024xf32, #tpu.memory_space<any>>) target(%dma_start3A_379 : memref<512x1024xf32, #tpu.memory_space<vmem>>) target_semaphore(%dma_start3A_375 : memref<!tpu.dma_semaphore, #tpu.memory_space<semaphore_mem>>)
    %dma_wait3A_383 = arith.constant 2 : i32
    %dma_wait3A_384 = arith.constant 2 : i32
    %dma_wait3A_385 = tpu.memref_slice %arg6[%dma_wait3A_384] : memref<3x!tpu.dma_semaphore, #tpu.memory_space<semaphore_mem>> -> memref<1x!tpu.dma_semaphore, #tpu.memory_space<semaphore_mem>>
    %dma_wait3A_386 = tpu.memref_squeeze %dma_wait3A_385 : memref<1x!tpu.dma_semaphore, #tpu.memory_space<semaphore_mem>> -> memref<!tpu.dma_semaphore, #tpu.memory_space<semaphore_mem>>
    %dma_wait3A_387 = arith.constant 0 : i32
    %dma_wait3A_388 = arith.constant 0 : i32
    %dma_wait3A_389 = tpu.memref_slice %arg5[%dma_wait3A_383, %dma_wait3A_387, %dma_wait3A_388] : memref<3x512x1024xf32, #tpu.memory_space<vmem>> -> memref<1x512x1024xf32, #tpu.memory_space<vmem>>
    %dma_wait3A_390 = tpu.memref_squeeze %dma_wait3A_389 : memref<1x512x1024xf32, #tpu.memory_space<vmem>> -> memref<512x1024xf32, #tpu.memory_space<vmem>>
    %dma_wait3A_391 = arith.constant 13312 : i32
    %dma_wait3A_392 = arith.constant 0 : i32
    %dma_wait3A_393 = tpu.memref_slice %arg2[%dma_wait3A_391, %dma_wait3A_392] : memref<16384x1024xf32, #tpu.memory_space<any>> -> memref<512x1024xf32, #tpu.memory_space<any>>
    tpu.wait_dma2 semaphore(%dma_wait3A_386 : memref<!tpu.dma_semaphore, #tpu.memory_space<semaphore_mem>>) src(%dma_wait3A_393 : memref<512x1024xf32, #tpu.memory_space<any>>) dst(%dma_wait3A_390 : memref<512x1024xf32, #tpu.memory_space<vmem>>)
    %dma_start3A_394 = arith.constant 2 : i32
    %dma_start3A_395 = arith.constant 2 : i32
    %dma_start3A_396 = tpu.memref_slice %arg7[%dma_start3A_395] : memref<3x!tpu.dma_semaphore, #tpu.memory_space<semaphore_mem>> -> memref<1x!tpu.dma_semaphore, #tpu.memory_space<semaphore_mem>>
    %dma_start3A_397 = tpu.memref_squeeze %dma_start3A_396 : memref<1x!tpu.dma_semaphore, #tpu.memory_space<semaphore_mem>> -> memref<!tpu.dma_semaphore, #tpu.memory_space<semaphore_mem>>
    %dma_start3A_398 = arith.constant 13312 : i32
    %dma_start3A_399 = arith.constant 0 : i32
    %dma_start3A_400 = tpu.memref_slice %arg4[%dma_start3A_398, %dma_start3A_399] : memref<16384x1024xf32, #tpu.memory_space<any>> -> memref<512x1024xf32, #tpu.memory_space<any>>
    %dma_start3A_401 = arith.constant 0 : i32
    %dma_start3A_402 = arith.constant 0 : i32
    %dma_start3A_403 = tpu.memref_slice %arg5[%dma_start3A_394, %dma_start3A_401, %dma_start3A_402] : memref<3x512x1024xf32, #tpu.memory_space<vmem>> -> memref<1x512x1024xf32, #tpu.memory_space<vmem>>
    %dma_start3A_404 = tpu.memref_squeeze %dma_start3A_403 : memref<1x512x1024xf32, #tpu.memory_space<vmem>> -> memref<512x1024xf32, #tpu.memory_space<vmem>>
    tpu.enqueue_dma source(%dma_start3A_404 : memref<512x1024xf32, #tpu.memory_space<vmem>>) target(%dma_start3A_400 : memref<512x1024xf32, #tpu.memory_space<any>>) target_semaphore(%dma_start3A_397 : memref<!tpu.dma_semaphore, #tpu.memory_space<semaphore_mem>>)
    %dma_wait3A_405 = arith.constant 2 : i32
    %dma_wait3A_406 = arith.constant 2 : i32
    %dma_wait3A_407 = tpu.memref_slice %arg7[%dma_wait3A_406] : memref<3x!tpu.dma_semaphore, #tpu.memory_space<semaphore_mem>> -> memref<1x!tpu.dma_semaphore, #tpu.memory_space<semaphore_mem>>
    %dma_wait3A_408 = tpu.memref_squeeze %dma_wait3A_407 : memref<1x!tpu.dma_semaphore, #tpu.memory_space<semaphore_mem>> -> memref<!tpu.dma_semaphore, #tpu.memory_space<semaphore_mem>>
    %dma_wait3A_409 = arith.constant 13312 : i32
    %dma_wait3A_410 = arith.constant 0 : i32
    %dma_wait3A_411 = tpu.memref_slice %arg4[%dma_wait3A_409, %dma_wait3A_410] : memref<16384x1024xf32, #tpu.memory_space<any>> -> memref<512x1024xf32, #tpu.memory_space<any>>
    %dma_wait3A_412 = arith.constant 0 : i32
    %dma_wait3A_413 = arith.constant 0 : i32
    %dma_wait3A_414 = tpu.memref_slice %arg5[%dma_wait3A_405, %dma_wait3A_412, %dma_wait3A_413] : memref<3x512x1024xf32, #tpu.memory_space<vmem>> -> memref<1x512x1024xf32, #tpu.memory_space<vmem>>
    %dma_wait3A_415 = tpu.memref_squeeze %dma_wait3A_414 : memref<1x512x1024xf32, #tpu.memory_space<vmem>> -> memref<512x1024xf32, #tpu.memory_space<vmem>>
    tpu.wait_dma2 semaphore(%dma_wait3A_408 : memref<!tpu.dma_semaphore, #tpu.memory_space<semaphore_mem>>) src(%dma_wait3A_415 : memref<512x1024xf32, #tpu.memory_space<vmem>>) dst(%dma_wait3A_411 : memref<512x1024xf32, #tpu.memory_space<any>>)
    %dma_start3A_416 = arith.constant 2 : i32
    %dma_start3A_417 = arith.constant 2 : i32
    %dma_start3A_418 = tpu.memref_slice %arg6[%dma_start3A_417] : memref<3x!tpu.dma_semaphore, #tpu.memory_space<semaphore_mem>> -> memref<1x!tpu.dma_semaphore, #tpu.memory_space<semaphore_mem>>
    %dma_start3A_419 = tpu.memref_squeeze %dma_start3A_418 : memref<1x!tpu.dma_semaphore, #tpu.memory_space<semaphore_mem>> -> memref<!tpu.dma_semaphore, #tpu.memory_space<semaphore_mem>>
    %dma_start3A_420 = arith.constant 0 : i32
    %dma_start3A_421 = arith.constant 0 : i32
    %dma_start3A_422 = tpu.memref_slice %arg5[%dma_start3A_416, %dma_start3A_420, %dma_start3A_421] : memref<3x512x1024xf32, #tpu.memory_space<vmem>> -> memref<1x512x1024xf32, #tpu.memory_space<vmem>>
    %dma_start3A_423 = tpu.memref_squeeze %dma_start3A_422 : memref<1x512x1024xf32, #tpu.memory_space<vmem>> -> memref<512x1024xf32, #tpu.memory_space<vmem>>
    %dma_start3A_424 = arith.constant 14848 : i32
    %dma_start3A_425 = arith.constant 0 : i32
    %dma_start3A_426 = tpu.memref_slice %arg2[%dma_start3A_424, %dma_start3A_425] : memref<16384x1024xf32, #tpu.memory_space<any>> -> memref<512x1024xf32, #tpu.memory_space<any>>
    tpu.enqueue_dma source(%dma_start3A_426 : memref<512x1024xf32, #tpu.memory_space<any>>) target(%dma_start3A_423 : memref<512x1024xf32, #tpu.memory_space<vmem>>) target_semaphore(%dma_start3A_419 : memref<!tpu.dma_semaphore, #tpu.memory_space<semaphore_mem>>)
    %dma_wait3A_427 = arith.constant 0 : i32
    %dma_wait3A_428 = arith.constant 0 : i32
    %dma_wait3A_429 = tpu.memref_slice %arg6[%dma_wait3A_428] : memref<3x!tpu.dma_semaphore, #tpu.memory_space<semaphore_mem>> -> memref<1x!tpu.dma_semaphore, #tpu.memory_space<semaphore_mem>>
    %dma_wait3A_430 = tpu.memref_squeeze %dma_wait3A_429 : memref<1x!tpu.dma_semaphore, #tpu.memory_space<semaphore_mem>> -> memref<!tpu.dma_semaphore, #tpu.memory_space<semaphore_mem>>
    %dma_wait3A_431 = arith.constant 0 : i32
    %dma_wait3A_432 = arith.constant 0 : i32
    %dma_wait3A_433 = tpu.memref_slice %arg5[%dma_wait3A_427, %dma_wait3A_431, %dma_wait3A_432] : memref<3x512x1024xf32, #tpu.memory_space<vmem>> -> memref<1x512x1024xf32, #tpu.memory_space<vmem>>
    %dma_wait3A_434 = tpu.memref_squeeze %dma_wait3A_433 : memref<1x512x1024xf32, #tpu.memory_space<vmem>> -> memref<512x1024xf32, #tpu.memory_space<vmem>>
    %dma_wait3A_435 = arith.constant 13824 : i32
    %dma_wait3A_436 = arith.constant 0 : i32
    %dma_wait3A_437 = tpu.memref_slice %arg2[%dma_wait3A_435, %dma_wait3A_436] : memref<16384x1024xf32, #tpu.memory_space<any>> -> memref<512x1024xf32, #tpu.memory_space<any>>
    tpu.wait_dma2 semaphore(%dma_wait3A_430 : memref<!tpu.dma_semaphore, #tpu.memory_space<semaphore_mem>>) src(%dma_wait3A_437 : memref<512x1024xf32, #tpu.memory_space<any>>) dst(%dma_wait3A_434 : memref<512x1024xf32, #tpu.memory_space<vmem>>)
    %dma_start3A_438 = arith.constant 0 : i32
    %dma_start3A_439 = arith.constant 0 : i32
    %dma_start3A_440 = tpu.memref_slice %arg7[%dma_start3A_439] : memref<3x!tpu.dma_semaphore, #tpu.memory_space<semaphore_mem>> -> memref<1x!tpu.dma_semaphore, #tpu.memory_space<semaphore_mem>>
    %dma_start3A_441 = tpu.memref_squeeze %dma_start3A_440 : memref<1x!tpu.dma_semaphore, #tpu.memory_space<semaphore_mem>> -> memref<!tpu.dma_semaphore, #tpu.memory_space<semaphore_mem>>
    %dma_start3A_442 = arith.constant 13824 : i32
    %dma_start3A_443 = arith.constant 0 : i32
    %dma_start3A_444 = tpu.memref_slice %arg4[%dma_start3A_442, %dma_start3A_443] : memref<16384x1024xf32, #tpu.memory_space<any>> -> memref<512x1024xf32, #tpu.memory_space<any>>
    %dma_start3A_445 = arith.constant 0 : i32
    %dma_start3A_446 = arith.constant 0 : i32
    %dma_start3A_447 = tpu.memref_slice %arg5[%dma_start3A_438, %dma_start3A_445, %dma_start3A_446] : memref<3x512x1024xf32, #tpu.memory_space<vmem>> -> memref<1x512x1024xf32, #tpu.memory_space<vmem>>
    %dma_start3A_448 = tpu.memref_squeeze %dma_start3A_447 : memref<1x512x1024xf32, #tpu.memory_space<vmem>> -> memref<512x1024xf32, #tpu.memory_space<vmem>>
    tpu.enqueue_dma source(%dma_start3A_448 : memref<512x1024xf32, #tpu.memory_space<vmem>>) target(%dma_start3A_444 : memref<512x1024xf32, #tpu.memory_space<any>>) target_semaphore(%dma_start3A_441 : memref<!tpu.dma_semaphore, #tpu.memory_space<semaphore_mem>>)
    %dma_wait3A_449 = arith.constant 0 : i32
    %dma_wait3A_450 = arith.constant 0 : i32
    %dma_wait3A_451 = tpu.memref_slice %arg7[%dma_wait3A_450] : memref<3x!tpu.dma_semaphore, #tpu.memory_space<semaphore_mem>> -> memref<1x!tpu.dma_semaphore, #tpu.memory_space<semaphore_mem>>
    %dma_wait3A_452 = tpu.memref_squeeze %dma_wait3A_451 : memref<1x!tpu.dma_semaphore, #tpu.memory_space<semaphore_mem>> -> memref<!tpu.dma_semaphore, #tpu.memory_space<semaphore_mem>>
    %dma_wait3A_453 = arith.constant 13824 : i32
    %dma_wait3A_454 = arith.constant 0 : i32
    %dma_wait3A_455 = tpu.memref_slice %arg4[%dma_wait3A_453, %dma_wait3A_454] : memref<16384x1024xf32, #tpu.memory_space<any>> -> memref<512x1024xf32, #tpu.memory_space<any>>
    %dma_wait3A_456 = arith.constant 0 : i32
    %dma_wait3A_457 = arith.constant 0 : i32
    %dma_wait3A_458 = tpu.memref_slice %arg5[%dma_wait3A_449, %dma_wait3A_456, %dma_wait3A_457] : memref<3x512x1024xf32, #tpu.memory_space<vmem>> -> memref<1x512x1024xf32, #tpu.memory_space<vmem>>
    %dma_wait3A_459 = tpu.memref_squeeze %dma_wait3A_458 : memref<1x512x1024xf32, #tpu.memory_space<vmem>> -> memref<512x1024xf32, #tpu.memory_space<vmem>>
    tpu.wait_dma2 semaphore(%dma_wait3A_452 : memref<!tpu.dma_semaphore, #tpu.memory_space<semaphore_mem>>) src(%dma_wait3A_459 : memref<512x1024xf32, #tpu.memory_space<vmem>>) dst(%dma_wait3A_455 : memref<512x1024xf32, #tpu.memory_space<any>>)
    %dma_start3A_460 = arith.constant 0 : i32
    %dma_start3A_461 = arith.constant 0 : i32
    %dma_start3A_462 = tpu.memref_slice %arg6[%dma_start3A_461] : memref<3x!tpu.dma_semaphore, #tpu.memory_space<semaphore_mem>> -> memref<1x!tpu.dma_semaphore, #tpu.memory_space<semaphore_mem>>
    %dma_start3A_463 = tpu.memref_squeeze %dma_start3A_462 : memref<1x!tpu.dma_semaphore, #tpu.memory_space<semaphore_mem>> -> memref<!tpu.dma_semaphore, #tpu.memory_space<semaphore_mem>>
    %dma_start3A_464 = arith.constant 0 : i32
    %dma_start3A_465 = arith.constant 0 : i32
    %dma_start3A_466 = tpu.memref_slice %arg5[%dma_start3A_460, %dma_start3A_464, %dma_start3A_465] : memref<3x512x1024xf32, #tpu.memory_space<vmem>> -> memref<1x512x1024xf32, #tpu.memory_space<vmem>>
    %dma_start3A_467 = tpu.memref_squeeze %dma_start3A_466 : memref<1x512x1024xf32, #tpu.memory_space<vmem>> -> memref<512x1024xf32, #tpu.memory_space<vmem>>
    %dma_start3A_468 = arith.constant 15360 : i32
    %dma_start3A_469 = arith.constant 0 : i32
    %dma_start3A_470 = tpu.memref_slice %arg2[%dma_start3A_468, %dma_start3A_469] : memref<16384x1024xf32, #tpu.memory_space<any>> -> memref<512x1024xf32, #tpu.memory_space<any>>
    tpu.enqueue_dma source(%dma_start3A_470 : memref<512x1024xf32, #tpu.memory_space<any>>) target(%dma_start3A_467 : memref<512x1024xf32, #tpu.memory_space<vmem>>) target_semaphore(%dma_start3A_463 : memref<!tpu.dma_semaphore, #tpu.memory_space<semaphore_mem>>)
    %dma_wait3A_471 = arith.constant 1 : i32
    %dma_wait3A_472 = arith.constant 1 : i32
    %dma_wait3A_473 = tpu.memref_slice %arg6[%dma_wait3A_472] : memref<3x!tpu.dma_semaphore, #tpu.memory_space<semaphore_mem>> -> memref<1x!tpu.dma_semaphore, #tpu.memory_space<semaphore_mem>>
    %dma_wait3A_474 = tpu.memref_squeeze %dma_wait3A_473 : memref<1x!tpu.dma_semaphore, #tpu.memory_space<semaphore_mem>> -> memref<!tpu.dma_semaphore, #tpu.memory_space<semaphore_mem>>
    %dma_wait3A_475 = arith.constant 0 : i32
    %dma_wait3A_476 = arith.constant 0 : i32
    %dma_wait3A_477 = tpu.memref_slice %arg5[%dma_wait3A_471, %dma_wait3A_475, %dma_wait3A_476] : memref<3x512x1024xf32, #tpu.memory_space<vmem>> -> memref<1x512x1024xf32, #tpu.memory_space<vmem>>
    %dma_wait3A_478 = tpu.memref_squeeze %dma_wait3A_477 : memref<1x512x1024xf32, #tpu.memory_space<vmem>> -> memref<512x1024xf32, #tpu.memory_space<vmem>>
    %dma_wait3A_479 = arith.constant 14336 : i32
    %dma_wait3A_480 = arith.constant 0 : i32
    %dma_wait3A_481 = tpu.memref_slice %arg2[%dma_wait3A_479, %dma_wait3A_480] : memref<16384x1024xf32, #tpu.memory_space<any>> -> memref<512x1024xf32, #tpu.memory_space<any>>
    tpu.wait_dma2 semaphore(%dma_wait3A_474 : memref<!tpu.dma_semaphore, #tpu.memory_space<semaphore_mem>>) src(%dma_wait3A_481 : memref<512x1024xf32, #tpu.memory_space<any>>) dst(%dma_wait3A_478 : memref<512x1024xf32, #tpu.memory_space<vmem>>)
    %dma_start3A_482 = arith.constant 1 : i32
    %dma_start3A_483 = arith.constant 1 : i32
    %dma_start3A_484 = tpu.memref_slice %arg7[%dma_start3A_483] : memref<3x!tpu.dma_semaphore, #tpu.memory_space<semaphore_mem>> -> memref<1x!tpu.dma_semaphore, #tpu.memory_space<semaphore_mem>>
    %dma_start3A_485 = tpu.memref_squeeze %dma_start3A_484 : memref<1x!tpu.dma_semaphore, #tpu.memory_space<semaphore_mem>> -> memref<!tpu.dma_semaphore, #tpu.memory_space<semaphore_mem>>
    %dma_start3A_486 = arith.constant 14336 : i32
    %dma_start3A_487 = arith.constant 0 : i32
    %dma_start3A_488 = tpu.memref_slice %arg4[%dma_start3A_486, %dma_start3A_487] : memref<16384x1024xf32, #tpu.memory_space<any>> -> memref<512x1024xf32, #tpu.memory_space<any>>
    %dma_start3A_489 = arith.constant 0 : i32
    %dma_start3A_490 = arith.constant 0 : i32
    %dma_start3A_491 = tpu.memref_slice %arg5[%dma_start3A_482, %dma_start3A_489, %dma_start3A_490] : memref<3x512x1024xf32, #tpu.memory_space<vmem>> -> memref<1x512x1024xf32, #tpu.memory_space<vmem>>
    %dma_start3A_492 = tpu.memref_squeeze %dma_start3A_491 : memref<1x512x1024xf32, #tpu.memory_space<vmem>> -> memref<512x1024xf32, #tpu.memory_space<vmem>>
    tpu.enqueue_dma source(%dma_start3A_492 : memref<512x1024xf32, #tpu.memory_space<vmem>>) target(%dma_start3A_488 : memref<512x1024xf32, #tpu.memory_space<any>>) target_semaphore(%dma_start3A_485 : memref<!tpu.dma_semaphore, #tpu.memory_space<semaphore_mem>>)
    %dma_wait3A_493 = arith.constant 1 : i32
    %dma_wait3A_494 = arith.constant 1 : i32
    %dma_wait3A_495 = tpu.memref_slice %arg7[%dma_wait3A_494] : memref<3x!tpu.dma_semaphore, #tpu.memory_space<semaphore_mem>> -> memref<1x!tpu.dma_semaphore, #tpu.memory_space<semaphore_mem>>
    %dma_wait3A_496 = tpu.memref_squeeze %dma_wait3A_495 : memref<1x!tpu.dma_semaphore, #tpu.memory_space<semaphore_mem>> -> memref<!tpu.dma_semaphore, #tpu.memory_space<semaphore_mem>>
    %dma_wait3A_497 = arith.constant 14336 : i32
    %dma_wait3A_498 = arith.constant 0 : i32
    %dma_wait3A_499 = tpu.memref_slice %arg4[%dma_wait3A_497, %dma_wait3A_498] : memref<16384x1024xf32, #tpu.memory_space<any>> -> memref<512x1024xf32, #tpu.memory_space<any>>
    %dma_wait3A_500 = arith.constant 0 : i32
    %dma_wait3A_501 = arith.constant 0 : i32
    %dma_wait3A_502 = tpu.memref_slice %arg5[%dma_wait3A_493, %dma_wait3A_500, %dma_wait3A_501] : memref<3x512x1024xf32, #tpu.memory_space<vmem>> -> memref<1x512x1024xf32, #tpu.memory_space<vmem>>
    %dma_wait3A_503 = tpu.memref_squeeze %dma_wait3A_502 : memref<1x512x1024xf32, #tpu.memory_space<vmem>> -> memref<512x1024xf32, #tpu.memory_space<vmem>>
    tpu.wait_dma2 semaphore(%dma_wait3A_496 : memref<!tpu.dma_semaphore, #tpu.memory_space<semaphore_mem>>) src(%dma_wait3A_503 : memref<512x1024xf32, #tpu.memory_space<vmem>>) dst(%dma_wait3A_499 : memref<512x1024xf32, #tpu.memory_space<any>>)
    %dma_start3A_504 = arith.constant 1 : i32
    %dma_start3A_505 = arith.constant 1 : i32
    %dma_start3A_506 = tpu.memref_slice %arg6[%dma_start3A_505] : memref<3x!tpu.dma_semaphore, #tpu.memory_space<semaphore_mem>> -> memref<1x!tpu.dma_semaphore, #tpu.memory_space<semaphore_mem>>
    %dma_start3A_507 = tpu.memref_squeeze %dma_start3A_506 : memref<1x!tpu.dma_semaphore, #tpu.memory_space<semaphore_mem>> -> memref<!tpu.dma_semaphore, #tpu.memory_space<semaphore_mem>>
    %dma_start3A_508 = arith.constant 0 : i32
    %dma_start3A_509 = arith.constant 0 : i32
    %dma_start3A_510 = tpu.memref_slice %arg5[%dma_start3A_504, %dma_start3A_508, %dma_start3A_509] : memref<3x512x1024xf32, #tpu.memory_space<vmem>> -> memref<1x512x1024xf32, #tpu.memory_space<vmem>>
    %dma_start3A_511 = tpu.memref_squeeze %dma_start3A_510 : memref<1x512x1024xf32, #tpu.memory_space<vmem>> -> memref<512x1024xf32, #tpu.memory_space<vmem>>
    %dma_start3A_512 = arith.constant 15872 : i32
    %dma_start3A_513 = arith.constant 0 : i32
    %dma_start3A_514 = tpu.memref_slice %arg2[%dma_start3A_512, %dma_start3A_513] : memref<16384x1024xf32, #tpu.memory_space<any>> -> memref<512x1024xf32, #tpu.memory_space<any>>
    tpu.enqueue_dma source(%dma_start3A_514 : memref<512x1024xf32, #tpu.memory_space<any>>) target(%dma_start3A_511 : memref<512x1024xf32, #tpu.memory_space<vmem>>) target_semaphore(%dma_start3A_507 : memref<!tpu.dma_semaphore, #tpu.memory_space<semaphore_mem>>)
    %dma_wait3A_515 = arith.constant 2 : i32
    %dma_wait3A_516 = arith.constant 2 : i32
    %dma_wait3A_517 = tpu.memref_slice %arg6[%dma_wait3A_516] : memref<3x!tpu.dma_semaphore, #tpu.memory_space<semaphore_mem>> -> memref<1x!tpu.dma_semaphore, #tpu.memory_space<semaphore_mem>>
    %dma_wait3A_518 = tpu.memref_squeeze %dma_wait3A_517 : memref<1x!tpu.dma_semaphore, #tpu.memory_space<semaphore_mem>> -> memref<!tpu.dma_semaphore, #tpu.memory_space<semaphore_mem>>
    %dma_wait3A_519 = arith.constant 0 : i32
    %dma_wait3A_520 = arith.constant 0 : i32
    %dma_wait3A_521 = tpu.memref_slice %arg5[%dma_wait3A_515, %dma_wait3A_519, %dma_wait3A_520] : memref<3x512x1024xf32, #tpu.memory_space<vmem>> -> memref<1x512x1024xf32, #tpu.memory_space<vmem>>
    %dma_wait3A_522 = tpu.memref_squeeze %dma_wait3A_521 : memref<1x512x1024xf32, #tpu.memory_space<vmem>> -> memref<512x1024xf32, #tpu.memory_space<vmem>>
    %dma_wait3A_523 = arith.constant 14848 : i32
    %dma_wait3A_524 = arith.constant 0 : i32
    %dma_wait3A_525 = tpu.memref_slice %arg2[%dma_wait3A_523, %dma_wait3A_524] : memref<16384x1024xf32, #tpu.memory_space<any>> -> memref<512x1024xf32, #tpu.memory_space<any>>
    tpu.wait_dma2 semaphore(%dma_wait3A_518 : memref<!tpu.dma_semaphore, #tpu.memory_space<semaphore_mem>>) src(%dma_wait3A_525 : memref<512x1024xf32, #tpu.memory_space<any>>) dst(%dma_wait3A_522 : memref<512x1024xf32, #tpu.memory_space<vmem>>)
    %dma_start3A_526 = arith.constant 2 : i32
    %dma_start3A_527 = arith.constant 2 : i32
    %dma_start3A_528 = tpu.memref_slice %arg7[%dma_start3A_527] : memref<3x!tpu.dma_semaphore, #tpu.memory_space<semaphore_mem>> -> memref<1x!tpu.dma_semaphore, #tpu.memory_space<semaphore_mem>>
    %dma_start3A_529 = tpu.memref_squeeze %dma_start3A_528 : memref<1x!tpu.dma_semaphore, #tpu.memory_space<semaphore_mem>> -> memref<!tpu.dma_semaphore, #tpu.memory_space<semaphore_mem>>
    %dma_start3A_530 = arith.constant 14848 : i32
    %dma_start3A_531 = arith.constant 0 : i32
    %dma_start3A_532 = tpu.memref_slice %arg4[%dma_start3A_530, %dma_start3A_531] : memref<16384x1024xf32, #tpu.memory_space<any>> -> memref<512x1024xf32, #tpu.memory_space<any>>
    %dma_start3A_533 = arith.constant 0 : i32
    %dma_start3A_534 = arith.constant 0 : i32
    %dma_start3A_535 = tpu.memref_slice %arg5[%dma_start3A_526, %dma_start3A_533, %dma_start3A_534] : memref<3x512x1024xf32, #tpu.memory_space<vmem>> -> memref<1x512x1024xf32, #tpu.memory_space<vmem>>
    %dma_start3A_536 = tpu.memref_squeeze %dma_start3A_535 : memref<1x512x1024xf32, #tpu.memory_space<vmem>> -> memref<512x1024xf32, #tpu.memory_space<vmem>>
    tpu.enqueue_dma source(%dma_start3A_536 : memref<512x1024xf32, #tpu.memory_space<vmem>>) target(%dma_start3A_532 : memref<512x1024xf32, #tpu.memory_space<any>>) target_semaphore(%dma_start3A_529 : memref<!tpu.dma_semaphore, #tpu.memory_space<semaphore_mem>>)
    %dma_wait3A_537 = arith.constant 0 : i32
    %dma_wait3A_538 = arith.constant 0 : i32
    %dma_wait3A_539 = tpu.memref_slice %arg6[%dma_wait3A_538] : memref<3x!tpu.dma_semaphore, #tpu.memory_space<semaphore_mem>> -> memref<1x!tpu.dma_semaphore, #tpu.memory_space<semaphore_mem>>
    %dma_wait3A_540 = tpu.memref_squeeze %dma_wait3A_539 : memref<1x!tpu.dma_semaphore, #tpu.memory_space<semaphore_mem>> -> memref<!tpu.dma_semaphore, #tpu.memory_space<semaphore_mem>>
    %dma_wait3A_541 = arith.constant 0 : i32
    %dma_wait3A_542 = arith.constant 0 : i32
    %dma_wait3A_543 = tpu.memref_slice %arg5[%dma_wait3A_537, %dma_wait3A_541, %dma_wait3A_542] : memref<3x512x1024xf32, #tpu.memory_space<vmem>> -> memref<1x512x1024xf32, #tpu.memory_space<vmem>>
    %dma_wait3A_544 = tpu.memref_squeeze %dma_wait3A_543 : memref<1x512x1024xf32, #tpu.memory_space<vmem>> -> memref<512x1024xf32, #tpu.memory_space<vmem>>
    %dma_wait3A_545 = arith.constant 15360 : i32
    %dma_wait3A_546 = arith.constant 0 : i32
    %dma_wait3A_547 = tpu.memref_slice %arg2[%dma_wait3A_545, %dma_wait3A_546] : memref<16384x1024xf32, #tpu.memory_space<any>> -> memref<512x1024xf32, #tpu.memory_space<any>>
    tpu.wait_dma2 semaphore(%dma_wait3A_540 : memref<!tpu.dma_semaphore, #tpu.memory_space<semaphore_mem>>) src(%dma_wait3A_547 : memref<512x1024xf32, #tpu.memory_space<any>>) dst(%dma_wait3A_544 : memref<512x1024xf32, #tpu.memory_space<vmem>>)
    %dma_start3A_548 = arith.constant 0 : i32
    %dma_start3A_549 = arith.constant 0 : i32
    %dma_start3A_550 = tpu.memref_slice %arg7[%dma_start3A_549] : memref<3x!tpu.dma_semaphore, #tpu.memory_space<semaphore_mem>> -> memref<1x!tpu.dma_semaphore, #tpu.memory_space<semaphore_mem>>
    %dma_start3A_551 = tpu.memref_squeeze %dma_start3A_550 : memref<1x!tpu.dma_semaphore, #tpu.memory_space<semaphore_mem>> -> memref<!tpu.dma_semaphore, #tpu.memory_space<semaphore_mem>>
    %dma_start3A_552 = arith.constant 15360 : i32
    %dma_start3A_553 = arith.constant 0 : i32
    %dma_start3A_554 = tpu.memref_slice %arg4[%dma_start3A_552, %dma_start3A_553] : memref<16384x1024xf32, #tpu.memory_space<any>> -> memref<512x1024xf32, #tpu.memory_space<any>>
    %dma_start3A_555 = arith.constant 0 : i32
    %dma_start3A_556 = arith.constant 0 : i32
    %dma_start3A_557 = tpu.memref_slice %arg5[%dma_start3A_548, %dma_start3A_555, %dma_start3A_556] : memref<3x512x1024xf32, #tpu.memory_space<vmem>> -> memref<1x512x1024xf32, #tpu.memory_space<vmem>>
    %dma_start3A_558 = tpu.memref_squeeze %dma_start3A_557 : memref<1x512x1024xf32, #tpu.memory_space<vmem>> -> memref<512x1024xf32, #tpu.memory_space<vmem>>
    tpu.enqueue_dma source(%dma_start3A_558 : memref<512x1024xf32, #tpu.memory_space<vmem>>) target(%dma_start3A_554 : memref<512x1024xf32, #tpu.memory_space<any>>) target_semaphore(%dma_start3A_551 : memref<!tpu.dma_semaphore, #tpu.memory_space<semaphore_mem>>)
    %dma_wait3A_559 = arith.constant 1 : i32
    %dma_wait3A_560 = arith.constant 1 : i32
    %dma_wait3A_561 = tpu.memref_slice %arg6[%dma_wait3A_560] : memref<3x!tpu.dma_semaphore, #tpu.memory_space<semaphore_mem>> -> memref<1x!tpu.dma_semaphore, #tpu.memory_space<semaphore_mem>>
    %dma_wait3A_562 = tpu.memref_squeeze %dma_wait3A_561 : memref<1x!tpu.dma_semaphore, #tpu.memory_space<semaphore_mem>> -> memref<!tpu.dma_semaphore, #tpu.memory_space<semaphore_mem>>
    %dma_wait3A_563 = arith.constant 0 : i32
    %dma_wait3A_564 = arith.constant 0 : i32
    %dma_wait3A_565 = tpu.memref_slice %arg5[%dma_wait3A_559, %dma_wait3A_563, %dma_wait3A_564] : memref<3x512x1024xf32, #tpu.memory_space<vmem>> -> memref<1x512x1024xf32, #tpu.memory_space<vmem>>
    %dma_wait3A_566 = tpu.memref_squeeze %dma_wait3A_565 : memref<1x512x1024xf32, #tpu.memory_space<vmem>> -> memref<512x1024xf32, #tpu.memory_space<vmem>>
    %dma_wait3A_567 = arith.constant 15872 : i32
    %dma_wait3A_568 = arith.constant 0 : i32
    %dma_wait3A_569 = tpu.memref_slice %arg2[%dma_wait3A_567, %dma_wait3A_568] : memref<16384x1024xf32, #tpu.memory_space<any>> -> memref<512x1024xf32, #tpu.memory_space<any>>
    tpu.wait_dma2 semaphore(%dma_wait3A_562 : memref<!tpu.dma_semaphore, #tpu.memory_space<semaphore_mem>>) src(%dma_wait3A_569 : memref<512x1024xf32, #tpu.memory_space<any>>) dst(%dma_wait3A_566 : memref<512x1024xf32, #tpu.memory_space<vmem>>)
    %dma_start3A_570 = arith.constant 1 : i32
    %dma_start3A_571 = arith.constant 1 : i32
    %dma_start3A_572 = tpu.memref_slice %arg7[%dma_start3A_571] : memref<3x!tpu.dma_semaphore, #tpu.memory_space<semaphore_mem>> -> memref<1x!tpu.dma_semaphore, #tpu.memory_space<semaphore_mem>>
    %dma_start3A_573 = tpu.memref_squeeze %dma_start3A_572 : memref<1x!tpu.dma_semaphore, #tpu.memory_space<semaphore_mem>> -> memref<!tpu.dma_semaphore, #tpu.memory_space<semaphore_mem>>
    %dma_start3A_574 = arith.constant 15872 : i32
    %dma_start3A_575 = arith.constant 0 : i32
    %dma_start3A_576 = tpu.memref_slice %arg4[%dma_start3A_574, %dma_start3A_575] : memref<16384x1024xf32, #tpu.memory_space<any>> -> memref<512x1024xf32, #tpu.memory_space<any>>
    %dma_start3A_577 = arith.constant 0 : i32
    %dma_start3A_578 = arith.constant 0 : i32
    %dma_start3A_579 = tpu.memref_slice %arg5[%dma_start3A_570, %dma_start3A_577, %dma_start3A_578] : memref<3x512x1024xf32, #tpu.memory_space<vmem>> -> memref<1x512x1024xf32, #tpu.memory_space<vmem>>
    %dma_start3A_580 = tpu.memref_squeeze %dma_start3A_579 : memref<1x512x1024xf32, #tpu.memory_space<vmem>> -> memref<512x1024xf32, #tpu.memory_space<vmem>>
    tpu.enqueue_dma source(%dma_start3A_580 : memref<512x1024xf32, #tpu.memory_space<vmem>>) target(%dma_start3A_576 : memref<512x1024xf32, #tpu.memory_space<any>>) target_semaphore(%dma_start3A_573 : memref<!tpu.dma_semaphore, #tpu.memory_space<semaphore_mem>>)
    %dma_wait3A_581 = arith.constant 2 : i32
    %dma_wait3A_582 = arith.constant 2 : i32
    %dma_wait3A_583 = tpu.memref_slice %arg7[%dma_wait3A_582] : memref<3x!tpu.dma_semaphore, #tpu.memory_space<semaphore_mem>> -> memref<1x!tpu.dma_semaphore, #tpu.memory_space<semaphore_mem>>
    %dma_wait3A_584 = tpu.memref_squeeze %dma_wait3A_583 : memref<1x!tpu.dma_semaphore, #tpu.memory_space<semaphore_mem>> -> memref<!tpu.dma_semaphore, #tpu.memory_space<semaphore_mem>>
    %dma_wait3A_585 = arith.constant 14848 : i32
    %dma_wait3A_586 = arith.constant 0 : i32
    %dma_wait3A_587 = tpu.memref_slice %arg4[%dma_wait3A_585, %dma_wait3A_586] : memref<16384x1024xf32, #tpu.memory_space<any>> -> memref<512x1024xf32, #tpu.memory_space<any>>
    %dma_wait3A_588 = arith.constant 0 : i32
    %dma_wait3A_589 = arith.constant 0 : i32
    %dma_wait3A_590 = tpu.memref_slice %arg5[%dma_wait3A_581, %dma_wait3A_588, %dma_wait3A_589] : memref<3x512x1024xf32, #tpu.memory_space<vmem>> -> memref<1x512x1024xf32, #tpu.memory_space<vmem>>
    %dma_wait3A_591 = tpu.memref_squeeze %dma_wait3A_590 : memref<1x512x1024xf32, #tpu.memory_space<vmem>> -> memref<512x1024xf32, #tpu.memory_space<vmem>>
    tpu.wait_dma2 semaphore(%dma_wait3A_584 : memref<!tpu.dma_semaphore, #tpu.memory_space<semaphore_mem>>) src(%dma_wait3A_591 : memref<512x1024xf32, #tpu.memory_space<vmem>>) dst(%dma_wait3A_587 : memref<512x1024xf32, #tpu.memory_space<any>>)
    %dma_wait3A_592 = arith.constant 0 : i32
    %dma_wait3A_593 = arith.constant 0 : i32
    %dma_wait3A_594 = tpu.memref_slice %arg7[%dma_wait3A_593] : memref<3x!tpu.dma_semaphore, #tpu.memory_space<semaphore_mem>> -> memref<1x!tpu.dma_semaphore, #tpu.memory_space<semaphore_mem>>
    %dma_wait3A_595 = tpu.memref_squeeze %dma_wait3A_594 : memref<1x!tpu.dma_semaphore, #tpu.memory_space<semaphore_mem>> -> memref<!tpu.dma_semaphore, #tpu.memory_space<semaphore_mem>>
    %dma_wait3A_596 = arith.constant 15360 : i32
    %dma_wait3A_597 = arith.constant 0 : i32
    %dma_wait3A_598 = tpu.memref_slice %arg4[%dma_wait3A_596, %dma_wait3A_597] : memref<16384x1024xf32, #tpu.memory_space<any>> -> memref<512x1024xf32, #tpu.memory_space<any>>
    %dma_wait3A_599 = arith.constant 0 : i32
    %dma_wait3A_600 = arith.constant 0 : i32
    %dma_wait3A_601 = tpu.memref_slice %arg5[%dma_wait3A_592, %dma_wait3A_599, %dma_wait3A_600] : memref<3x512x1024xf32, #tpu.memory_space<vmem>> -> memref<1x512x1024xf32, #tpu.memory_space<vmem>>
    %dma_wait3A_602 = tpu.memref_squeeze %dma_wait3A_601 : memref<1x512x1024xf32, #tpu.memory_space<vmem>> -> memref<512x1024xf32, #tpu.memory_space<vmem>>
    tpu.wait_dma2 semaphore(%dma_wait3A_595 : memref<!tpu.dma_semaphore, #tpu.memory_space<semaphore_mem>>) src(%dma_wait3A_602 : memref<512x1024xf32, #tpu.memory_space<vmem>>) dst(%dma_wait3A_598 : memref<512x1024xf32, #tpu.memory_space<any>>)
    %dma_wait3A_603 = arith.constant 1 : i32
    %dma_wait3A_604 = arith.constant 1 : i32
    %dma_wait3A_605 = tpu.memref_slice %arg7[%dma_wait3A_604] : memref<3x!tpu.dma_semaphore, #tpu.memory_space<semaphore_mem>> -> memref<1x!tpu.dma_semaphore, #tpu.memory_space<semaphore_mem>>
    %dma_wait3A_606 = tpu.memref_squeeze %dma_wait3A_605 : memref<1x!tpu.dma_semaphore, #tpu.memory_space<semaphore_mem>> -> memref<!tpu.dma_semaphore, #tpu.memory_space<semaphore_mem>>
    %dma_wait3A_607 = arith.constant 15872 : i32
    %dma_wait3A_608 = arith.constant 0 : i32
    %dma_wait3A_609 = tpu.memref_slice %arg4[%dma_wait3A_607, %dma_wait3A_608] : memref<16384x1024xf32, #tpu.memory_space<any>> -> memref<512x1024xf32, #tpu.memory_space<any>>
    %dma_wait3A_610 = arith.constant 0 : i32
    %dma_wait3A_611 = arith.constant 0 : i32
    %dma_wait3A_612 = tpu.memref_slice %arg5[%dma_wait3A_603, %dma_wait3A_610, %dma_wait3A_611] : memref<3x512x1024xf32, #tpu.memory_space<vmem>> -> memref<1x512x1024xf32, #tpu.memory_space<vmem>>
    %dma_wait3A_613 = tpu.memref_squeeze %dma_wait3A_612 : memref<1x512x1024xf32, #tpu.memory_space<vmem>> -> memref<512x1024xf32, #tpu.memory_space<vmem>>
    tpu.wait_dma2 semaphore(%dma_wait3A_606 : memref<!tpu.dma_semaphore, #tpu.memory_space<semaphore_mem>>) src(%dma_wait3A_613 : memref<512x1024xf32, #tpu.memory_space<vmem>>) dst(%dma_wait3A_609 : memref<512x1024xf32, #tpu.memory_space<any>>)
    %scan3A = arith.constant 0 : i32
    %scan3A_614 = arith.constant 128 : i32
    %scan3A_615 = arith.addi %scan3A, %scan3A_614 : i32
    %scan3A_616 = arith.constant 1 : i32
    scf.for %scan3A_623 = %scan3A to %scan3A_615 step %scan3A_616  : i32 {
      %get3A = arith.constant 0 : index
      %get3A_624 = arith.index_cast %scan3A_623 : i32 to index
      %get3A_625 = memref.load %arg0[%get3A, %get3A_624] : memref<1x128xi32, #tpu.memory_space<smem>>
      %dma_start3A_626 = arith.constant 0 : i32
      %dma_start3A_627 = tpu.memref_slice %arg4[%get3A_625, %dma_start3A_626] : memref<16384x1024xf32, #tpu.memory_space<any>> -> memref<1x1024xf32, #tpu.memory_space<any>>
      %dma_start3A_628 = tpu.memref_squeeze %dma_start3A_627 : memref<1x1024xf32, #tpu.memory_space<any>> -> memref<1024xf32, #tpu.memory_space<any>>
      %dma_start3A_629 = arith.constant 0 : i32
      %dma_start3A_630 = tpu.memref_slice %arg1[%scan3A_623, %dma_start3A_629] : memref<128x1024xf32, #tpu.memory_space<vmem>> -> memref<1x1024xf32, #tpu.memory_space<vmem>>
      %dma_start3A_631 = tpu.memref_squeeze %dma_start3A_630 : memref<1x1024xf32, #tpu.memory_space<vmem>> -> memref<1024xf32, #tpu.memory_space<vmem>>
      tpu.enqueue_dma source(%dma_start3A_631 : memref<1024xf32, #tpu.memory_space<vmem>>) target(%dma_start3A_628 : memref<1024xf32, #tpu.memory_space<any>>) target_semaphore(%arg8 : memref<!tpu.dma_semaphore, #tpu.memory_space<semaphore_mem>>)
    }
    %scan3A_617 = arith.constant 128 : i32
    %scan3A_618 = arith.constant 0 : i32
    %scan3A_619 = arith.constant 128 : i32
    %scan3A_620 = arith.addi %scan3A_618, %scan3A_619 : i32
    %scan3A_621 = arith.constant 1 : i32
    scf.for %scan3A_623 = %scan3A_618 to %scan3A_620 step %scan3A_621  : i32 {
      %get3A = arith.constant 0 : index
      %get3A_624 = arith.index_cast %scan3A_623 : i32 to index
      %get3A_625 = memref.load %arg0[%get3A, %get3A_624] : memref<1x128xi32, #tpu.memory_space<smem>>
      %dma_wait3A_626 = arith.constant 0 : i32
      %dma_wait3A_627 = tpu.memref_slice %arg4[%get3A_625, %dma_wait3A_626] : memref<16384x1024xf32, #tpu.memory_space<any>> -> memref<1x1024xf32, #tpu.memory_space<any>>
      %dma_wait3A_628 = tpu.memref_squeeze %dma_wait3A_627 : memref<1x1024xf32, #tpu.memory_space<any>> -> memref<1024xf32, #tpu.memory_space<any>>
      %dma_wait3A_629 = arith.constant 0 : i32
      %dma_wait3A_630 = tpu.memref_slice %arg1[%scan3A_623, %dma_wait3A_629] : memref<128x1024xf32, #tpu.memory_space<vmem>> -> memref<1x1024xf32, #tpu.memory_space<vmem>>
      %dma_wait3A_631 = tpu.memref_squeeze %dma_wait3A_630 : memref<1x1024xf32, #tpu.memory_space<vmem>> -> memref<1024xf32, #tpu.memory_space<vmem>>
      tpu.wait_dma2 semaphore(%arg8 : memref<!tpu.dma_semaphore, #tpu.memory_space<semaphore_mem>>) src(%dma_wait3A_631 : memref<1024xf32, #tpu.memory_space<vmem>>) dst(%dma_wait3A_628 : memref<1024xf32, #tpu.memory_space<any>>)
    }
    %scan3A_622 = arith.constant 128 : i32
    return
  }
}

module attributes {stable_mosaic.version = 14 : i64} {
  func.func @_lf_kernel(%arg0: memref<128x2048xf32, #tpu.memory_space<vmem>>, %arg1: memref<1x128xi32, #tpu.memory_space<smem>>, %arg2: memref<1x128xi32, #tpu.memory_space<smem>>, %arg3: memref<1x128xi32, #tpu.memory_space<vmem>>, %arg4: memref<128x1xi32, #tpu.memory_space<vmem>>, %arg5: memref<1x1024xf32, #tpu.memory_space<vmem>>, %arg6: memref<1x2048xf32, #tpu.memory_space<vmem>>, %arg7: memref<1x2048xf32, #tpu.memory_space<vmem>>, %arg8: memref<2048x2048xf32, #tpu.memory_space<any>>, %arg9: memref<1024x4096xf32, #tpu.memory_space<any>>, %arg10: memref<16384x2048xf32, #tpu.memory_space<any>>, %arg11: memref<16384x1024xf32, #tpu.memory_space<any>>, %arg12: memref<128x2048xf32, #tpu.memory_space<vmem>>, %arg13: memref<16384x2048xf32, #tpu.memory_space<any>>, %arg14: memref<128x1024xf32, #tpu.memory_space<vmem>>, %arg15: memref<2048x2048xf32, #tpu.memory_space<vmem>>, %arg16: memref<1024x4096xf32, #tpu.memory_space<vmem>>, %arg17: memref<128x2048xf32, #tpu.memory_space<vmem>>, %arg18: memref<128x1024xf32, #tpu.memory_space<vmem>>, %arg19: memref<128x2048xf32, #tpu.memory_space<vmem>>, %arg20: memref<128x1024xf32, #tpu.memory_space<vmem>>, %arg21: memref<3x512x2048xf32, #tpu.memory_space<vmem>>, %arg22: memref<3x!tpu.dma_semaphore, #tpu.memory_space<semaphore_mem>>, %arg23: memref<3x!tpu.dma_semaphore, #tpu.memory_space<semaphore_mem>>, %arg24: memref<!tpu.dma_semaphore, #tpu.memory_space<semaphore_mem>>, %arg25: memref<!tpu.dma_semaphore, #tpu.memory_space<semaphore_mem>>, %arg26: memref<!tpu.dma_semaphore, #tpu.memory_space<semaphore_mem>>, %arg27: memref<!tpu.dma_semaphore, #tpu.memory_space<semaphore_mem>>) attributes {dimension_semantics = [], scalar_prefetch = 0 : i64, scratch_operands = 13 : i64, tpu.core_type = #tpu.core_type<tc>} {
    tpu.enqueue_dma source(%arg8 : memref<2048x2048xf32, #tpu.memory_space<any>>) target(%arg15 : memref<2048x2048xf32, #tpu.memory_space<vmem>>) target_semaphore(%arg25 : memref<!tpu.dma_semaphore, #tpu.memory_space<semaphore_mem>>)
    tpu.enqueue_dma source(%arg9 : memref<1024x4096xf32, #tpu.memory_space<any>>) target(%arg16 : memref<1024x4096xf32, #tpu.memory_space<vmem>>) target_semaphore(%arg26 : memref<!tpu.dma_semaphore, #tpu.memory_space<semaphore_mem>>)
    %dma_start3A = arith.constant 0 : i32
    %dma_start3A_0 = arith.constant 0 : i32
    %dma_start3A_1 = tpu.memref_slice %arg22[%dma_start3A_0] : memref<3x!tpu.dma_semaphore, #tpu.memory_space<semaphore_mem>> -> memref<1x!tpu.dma_semaphore, #tpu.memory_space<semaphore_mem>>
    %dma_start3A_2 = tpu.memref_squeeze %dma_start3A_1 : memref<1x!tpu.dma_semaphore, #tpu.memory_space<semaphore_mem>> -> memref<!tpu.dma_semaphore, #tpu.memory_space<semaphore_mem>>
    %dma_start3A_3 = arith.constant 0 : i32
    %dma_start3A_4 = arith.constant 0 : i32
    %dma_start3A_5 = tpu.memref_slice %arg21[%dma_start3A, %dma_start3A_3, %dma_start3A_4] : memref<3x512x2048xf32, #tpu.memory_space<vmem>> -> memref<1x512x2048xf32, #tpu.memory_space<vmem>>
    %dma_start3A_6 = tpu.memref_squeeze %dma_start3A_5 : memref<1x512x2048xf32, #tpu.memory_space<vmem>> -> memref<512x2048xf32, #tpu.memory_space<vmem>>
    %dma_start3A_7 = arith.constant 0 : i32
    %dma_start3A_8 = arith.constant 0 : i32
    %dma_start3A_9 = tpu.memref_slice %arg10[%dma_start3A_7, %dma_start3A_8] : memref<16384x2048xf32, #tpu.memory_space<any>> -> memref<512x2048xf32, #tpu.memory_space<any>>
    tpu.enqueue_dma source(%dma_start3A_9 : memref<512x2048xf32, #tpu.memory_space<any>>) target(%dma_start3A_6 : memref<512x2048xf32, #tpu.memory_space<vmem>>) target_semaphore(%dma_start3A_2 : memref<!tpu.dma_semaphore, #tpu.memory_space<semaphore_mem>>)
    %dma_start3A_10 = arith.constant 1 : i32
    %dma_start3A_11 = arith.constant 1 : i32
    %dma_start3A_12 = tpu.memref_slice %arg22[%dma_start3A_11] : memref<3x!tpu.dma_semaphore, #tpu.memory_space<semaphore_mem>> -> memref<1x!tpu.dma_semaphore, #tpu.memory_space<semaphore_mem>>
    %dma_start3A_13 = tpu.memref_squeeze %dma_start3A_12 : memref<1x!tpu.dma_semaphore, #tpu.memory_space<semaphore_mem>> -> memref<!tpu.dma_semaphore, #tpu.memory_space<semaphore_mem>>
    %dma_start3A_14 = arith.constant 0 : i32
    %dma_start3A_15 = arith.constant 0 : i32
    %dma_start3A_16 = tpu.memref_slice %arg21[%dma_start3A_10, %dma_start3A_14, %dma_start3A_15] : memref<3x512x2048xf32, #tpu.memory_space<vmem>> -> memref<1x512x2048xf32, #tpu.memory_space<vmem>>
    %dma_start3A_17 = tpu.memref_squeeze %dma_start3A_16 : memref<1x512x2048xf32, #tpu.memory_space<vmem>> -> memref<512x2048xf32, #tpu.memory_space<vmem>>
    %dma_start3A_18 = arith.constant 512 : i32
    %dma_start3A_19 = arith.constant 0 : i32
    %dma_start3A_20 = tpu.memref_slice %arg10[%dma_start3A_18, %dma_start3A_19] : memref<16384x2048xf32, #tpu.memory_space<any>> -> memref<512x2048xf32, #tpu.memory_space<any>>
    tpu.enqueue_dma source(%dma_start3A_20 : memref<512x2048xf32, #tpu.memory_space<any>>) target(%dma_start3A_17 : memref<512x2048xf32, #tpu.memory_space<vmem>>) target_semaphore(%dma_start3A_13 : memref<!tpu.dma_semaphore, #tpu.memory_space<semaphore_mem>>)
    %dma_start3A_21 = arith.constant 2 : i32
    %dma_start3A_22 = arith.constant 2 : i32
    %dma_start3A_23 = tpu.memref_slice %arg22[%dma_start3A_22] : memref<3x!tpu.dma_semaphore, #tpu.memory_space<semaphore_mem>> -> memref<1x!tpu.dma_semaphore, #tpu.memory_space<semaphore_mem>>
    %dma_start3A_24 = tpu.memref_squeeze %dma_start3A_23 : memref<1x!tpu.dma_semaphore, #tpu.memory_space<semaphore_mem>> -> memref<!tpu.dma_semaphore, #tpu.memory_space<semaphore_mem>>
    %dma_start3A_25 = arith.constant 0 : i32
    %dma_start3A_26 = arith.constant 0 : i32
    %dma_start3A_27 = tpu.memref_slice %arg21[%dma_start3A_21, %dma_start3A_25, %dma_start3A_26] : memref<3x512x2048xf32, #tpu.memory_space<vmem>> -> memref<1x512x2048xf32, #tpu.memory_space<vmem>>
    %dma_start3A_28 = tpu.memref_squeeze %dma_start3A_27 : memref<1x512x2048xf32, #tpu.memory_space<vmem>> -> memref<512x2048xf32, #tpu.memory_space<vmem>>
    %dma_start3A_29 = arith.constant 1024 : i32
    %dma_start3A_30 = arith.constant 0 : i32
    %dma_start3A_31 = tpu.memref_slice %arg10[%dma_start3A_29, %dma_start3A_30] : memref<16384x2048xf32, #tpu.memory_space<any>> -> memref<512x2048xf32, #tpu.memory_space<any>>
    tpu.enqueue_dma source(%dma_start3A_31 : memref<512x2048xf32, #tpu.memory_space<any>>) target(%dma_start3A_28 : memref<512x2048xf32, #tpu.memory_space<vmem>>) target_semaphore(%dma_start3A_24 : memref<!tpu.dma_semaphore, #tpu.memory_space<semaphore_mem>>)
    %scan3A = arith.constant 0 : i32
    %scan3A_32 = arith.constant 128 : i32
    %scan3A_33 = arith.addi %scan3A, %scan3A_32 : i32
    %scan3A_34 = arith.constant 1 : i32
    scf.for %scan3A_1794 = %scan3A to %scan3A_33 step %scan3A_34  : i32 {
      %get3A_1795 = arith.constant 0 : index
      %get3A_1796 = arith.index_cast %scan3A_1794 : i32 to index
      %get3A_1797 = memref.load %arg1[%get3A_1795, %get3A_1796] : memref<1x128xi32, #tpu.memory_space<smem>>
      %dma_start3A_1798 = arith.constant 0 : i32
      %dma_start3A_1799 = tpu.memref_slice %arg17[%scan3A_1794, %dma_start3A_1798] : memref<128x2048xf32, #tpu.memory_space<vmem>> -> memref<1x2048xf32, #tpu.memory_space<vmem>>
      %dma_start3A_1800 = tpu.memref_squeeze %dma_start3A_1799 : memref<1x2048xf32, #tpu.memory_space<vmem>> -> memref<2048xf32, #tpu.memory_space<vmem>>
      %dma_start3A_1801 = arith.constant 0 : i32
      %dma_start3A_1802 = tpu.memref_slice %arg10[%get3A_1797, %dma_start3A_1801] : memref<16384x2048xf32, #tpu.memory_space<any>> -> memref<1x2048xf32, #tpu.memory_space<any>>
      %dma_start3A_1803 = tpu.memref_squeeze %dma_start3A_1802 : memref<1x2048xf32, #tpu.memory_space<any>> -> memref<2048xf32, #tpu.memory_space<any>>
      tpu.enqueue_dma source(%dma_start3A_1803 : memref<2048xf32, #tpu.memory_space<any>>) target(%dma_start3A_1800 : memref<2048xf32, #tpu.memory_space<vmem>>) target_semaphore(%arg24 : memref<!tpu.dma_semaphore, #tpu.memory_space<semaphore_mem>>)
      %dma_start3A_1804 = arith.constant 0 : i32
      %dma_start3A_1805 = tpu.memref_slice %arg18[%scan3A_1794, %dma_start3A_1804] : memref<128x1024xf32, #tpu.memory_space<vmem>> -> memref<1x1024xf32, #tpu.memory_space<vmem>>
      %dma_start3A_1806 = tpu.memref_squeeze %dma_start3A_1805 : memref<1x1024xf32, #tpu.memory_space<vmem>> -> memref<1024xf32, #tpu.memory_space<vmem>>
      %dma_start3A_1807 = arith.constant 0 : i32
      %dma_start3A_1808 = tpu.memref_slice %arg11[%get3A_1797, %dma_start3A_1807] : memref<16384x1024xf32, #tpu.memory_space<any>> -> memref<1x1024xf32, #tpu.memory_space<any>>
      %dma_start3A_1809 = tpu.memref_squeeze %dma_start3A_1808 : memref<1x1024xf32, #tpu.memory_space<any>> -> memref<1024xf32, #tpu.memory_space<any>>
      tpu.enqueue_dma source(%dma_start3A_1809 : memref<1024xf32, #tpu.memory_space<any>>) target(%dma_start3A_1806 : memref<1024xf32, #tpu.memory_space<vmem>>) target_semaphore(%arg24 : memref<!tpu.dma_semaphore, #tpu.memory_space<semaphore_mem>>)
    }
    %scan3A_35 = arith.constant 128 : i32
    %dma_wait3A = arith.constant 0 : i32
    %dma_wait3A_36 = arith.constant 0 : i32
    %dma_wait3A_37 = tpu.memref_slice %arg22[%dma_wait3A_36] : memref<3x!tpu.dma_semaphore, #tpu.memory_space<semaphore_mem>> -> memref<1x!tpu.dma_semaphore, #tpu.memory_space<semaphore_mem>>
    %dma_wait3A_38 = tpu.memref_squeeze %dma_wait3A_37 : memref<1x!tpu.dma_semaphore, #tpu.memory_space<semaphore_mem>> -> memref<!tpu.dma_semaphore, #tpu.memory_space<semaphore_mem>>
    %dma_wait3A_39 = arith.constant 0 : i32
    %dma_wait3A_40 = arith.constant 0 : i32
    %dma_wait3A_41 = tpu.memref_slice %arg21[%dma_wait3A, %dma_wait3A_39, %dma_wait3A_40] : memref<3x512x2048xf32, #tpu.memory_space<vmem>> -> memref<1x512x2048xf32, #tpu.memory_space<vmem>>
    %dma_wait3A_42 = tpu.memref_squeeze %dma_wait3A_41 : memref<1x512x2048xf32, #tpu.memory_space<vmem>> -> memref<512x2048xf32, #tpu.memory_space<vmem>>
    %dma_wait3A_43 = arith.constant 0 : i32
    %dma_wait3A_44 = arith.constant 0 : i32
    %dma_wait3A_45 = tpu.memref_slice %arg10[%dma_wait3A_43, %dma_wait3A_44] : memref<16384x2048xf32, #tpu.memory_space<any>> -> memref<512x2048xf32, #tpu.memory_space<any>>
    tpu.wait_dma2 semaphore(%dma_wait3A_38 : memref<!tpu.dma_semaphore, #tpu.memory_space<semaphore_mem>>) src(%dma_wait3A_45 : memref<512x2048xf32, #tpu.memory_space<any>>) dst(%dma_wait3A_42 : memref<512x2048xf32, #tpu.memory_space<vmem>>)
    %dma_start3A_46 = arith.constant 0 : i32
    %dma_start3A_47 = arith.constant 0 : i32
    %dma_start3A_48 = tpu.memref_slice %arg23[%dma_start3A_47] : memref<3x!tpu.dma_semaphore, #tpu.memory_space<semaphore_mem>> -> memref<1x!tpu.dma_semaphore, #tpu.memory_space<semaphore_mem>>
    %dma_start3A_49 = tpu.memref_squeeze %dma_start3A_48 : memref<1x!tpu.dma_semaphore, #tpu.memory_space<semaphore_mem>> -> memref<!tpu.dma_semaphore, #tpu.memory_space<semaphore_mem>>
    %dma_start3A_50 = arith.constant 0 : i32
    %dma_start3A_51 = arith.constant 0 : i32
    %dma_start3A_52 = tpu.memref_slice %arg13[%dma_start3A_50, %dma_start3A_51] : memref<16384x2048xf32, #tpu.memory_space<any>> -> memref<512x2048xf32, #tpu.memory_space<any>>
    %dma_start3A_53 = arith.constant 0 : i32
    %dma_start3A_54 = arith.constant 0 : i32
    %dma_start3A_55 = tpu.memref_slice %arg21[%dma_start3A_46, %dma_start3A_53, %dma_start3A_54] : memref<3x512x2048xf32, #tpu.memory_space<vmem>> -> memref<1x512x2048xf32, #tpu.memory_space<vmem>>
    %dma_start3A_56 = tpu.memref_squeeze %dma_start3A_55 : memref<1x512x2048xf32, #tpu.memory_space<vmem>> -> memref<512x2048xf32, #tpu.memory_space<vmem>>
    tpu.enqueue_dma source(%dma_start3A_56 : memref<512x2048xf32, #tpu.memory_space<vmem>>) target(%dma_start3A_52 : memref<512x2048xf32, #tpu.memory_space<any>>) target_semaphore(%dma_start3A_49 : memref<!tpu.dma_semaphore, #tpu.memory_space<semaphore_mem>>)
    %dma_wait3A_57 = arith.constant 0 : i32
    %dma_wait3A_58 = arith.constant 0 : i32
    %dma_wait3A_59 = tpu.memref_slice %arg23[%dma_wait3A_58] : memref<3x!tpu.dma_semaphore, #tpu.memory_space<semaphore_mem>> -> memref<1x!tpu.dma_semaphore, #tpu.memory_space<semaphore_mem>>
    %dma_wait3A_60 = tpu.memref_squeeze %dma_wait3A_59 : memref<1x!tpu.dma_semaphore, #tpu.memory_space<semaphore_mem>> -> memref<!tpu.dma_semaphore, #tpu.memory_space<semaphore_mem>>
    %dma_wait3A_61 = arith.constant 0 : i32
    %dma_wait3A_62 = arith.constant 0 : i32
    %dma_wait3A_63 = tpu.memref_slice %arg13[%dma_wait3A_61, %dma_wait3A_62] : memref<16384x2048xf32, #tpu.memory_space<any>> -> memref<512x2048xf32, #tpu.memory_space<any>>
    %dma_wait3A_64 = arith.constant 0 : i32
    %dma_wait3A_65 = arith.constant 0 : i32
    %dma_wait3A_66 = tpu.memref_slice %arg21[%dma_wait3A_57, %dma_wait3A_64, %dma_wait3A_65] : memref<3x512x2048xf32, #tpu.memory_space<vmem>> -> memref<1x512x2048xf32, #tpu.memory_space<vmem>>
    %dma_wait3A_67 = tpu.memref_squeeze %dma_wait3A_66 : memref<1x512x2048xf32, #tpu.memory_space<vmem>> -> memref<512x2048xf32, #tpu.memory_space<vmem>>
    tpu.wait_dma2 semaphore(%dma_wait3A_60 : memref<!tpu.dma_semaphore, #tpu.memory_space<semaphore_mem>>) src(%dma_wait3A_67 : memref<512x2048xf32, #tpu.memory_space<vmem>>) dst(%dma_wait3A_63 : memref<512x2048xf32, #tpu.memory_space<any>>)
    %dma_start3A_68 = arith.constant 0 : i32
    %dma_start3A_69 = arith.constant 0 : i32
    %dma_start3A_70 = tpu.memref_slice %arg22[%dma_start3A_69] : memref<3x!tpu.dma_semaphore, #tpu.memory_space<semaphore_mem>> -> memref<1x!tpu.dma_semaphore, #tpu.memory_space<semaphore_mem>>
    %dma_start3A_71 = tpu.memref_squeeze %dma_start3A_70 : memref<1x!tpu.dma_semaphore, #tpu.memory_space<semaphore_mem>> -> memref<!tpu.dma_semaphore, #tpu.memory_space<semaphore_mem>>
    %dma_start3A_72 = arith.constant 0 : i32
    %dma_start3A_73 = arith.constant 0 : i32
    %dma_start3A_74 = tpu.memref_slice %arg21[%dma_start3A_68, %dma_start3A_72, %dma_start3A_73] : memref<3x512x2048xf32, #tpu.memory_space<vmem>> -> memref<1x512x2048xf32, #tpu.memory_space<vmem>>
    %dma_start3A_75 = tpu.memref_squeeze %dma_start3A_74 : memref<1x512x2048xf32, #tpu.memory_space<vmem>> -> memref<512x2048xf32, #tpu.memory_space<vmem>>
    %dma_start3A_76 = arith.constant 1536 : i32
    %dma_start3A_77 = arith.constant 0 : i32
    %dma_start3A_78 = tpu.memref_slice %arg10[%dma_start3A_76, %dma_start3A_77] : memref<16384x2048xf32, #tpu.memory_space<any>> -> memref<512x2048xf32, #tpu.memory_space<any>>
    tpu.enqueue_dma source(%dma_start3A_78 : memref<512x2048xf32, #tpu.memory_space<any>>) target(%dma_start3A_75 : memref<512x2048xf32, #tpu.memory_space<vmem>>) target_semaphore(%dma_start3A_71 : memref<!tpu.dma_semaphore, #tpu.memory_space<semaphore_mem>>)
    %dma_wait3A_79 = arith.constant 1 : i32
    %dma_wait3A_80 = arith.constant 1 : i32
    %dma_wait3A_81 = tpu.memref_slice %arg22[%dma_wait3A_80] : memref<3x!tpu.dma_semaphore, #tpu.memory_space<semaphore_mem>> -> memref<1x!tpu.dma_semaphore, #tpu.memory_space<semaphore_mem>>
    %dma_wait3A_82 = tpu.memref_squeeze %dma_wait3A_81 : memref<1x!tpu.dma_semaphore, #tpu.memory_space<semaphore_mem>> -> memref<!tpu.dma_semaphore, #tpu.memory_space<semaphore_mem>>
    %dma_wait3A_83 = arith.constant 0 : i32
    %dma_wait3A_84 = arith.constant 0 : i32
    %dma_wait3A_85 = tpu.memref_slice %arg21[%dma_wait3A_79, %dma_wait3A_83, %dma_wait3A_84] : memref<3x512x2048xf32, #tpu.memory_space<vmem>> -> memref<1x512x2048xf32, #tpu.memory_space<vmem>>
    %dma_wait3A_86 = tpu.memref_squeeze %dma_wait3A_85 : memref<1x512x2048xf32, #tpu.memory_space<vmem>> -> memref<512x2048xf32, #tpu.memory_space<vmem>>
    %dma_wait3A_87 = arith.constant 512 : i32
    %dma_wait3A_88 = arith.constant 0 : i32
    %dma_wait3A_89 = tpu.memref_slice %arg10[%dma_wait3A_87, %dma_wait3A_88] : memref<16384x2048xf32, #tpu.memory_space<any>> -> memref<512x2048xf32, #tpu.memory_space<any>>
    tpu.wait_dma2 semaphore(%dma_wait3A_82 : memref<!tpu.dma_semaphore, #tpu.memory_space<semaphore_mem>>) src(%dma_wait3A_89 : memref<512x2048xf32, #tpu.memory_space<any>>) dst(%dma_wait3A_86 : memref<512x2048xf32, #tpu.memory_space<vmem>>)
    %dma_start3A_90 = arith.constant 1 : i32
    %dma_start3A_91 = arith.constant 1 : i32
    %dma_start3A_92 = tpu.memref_slice %arg23[%dma_start3A_91] : memref<3x!tpu.dma_semaphore, #tpu.memory_space<semaphore_mem>> -> memref<1x!tpu.dma_semaphore, #tpu.memory_space<semaphore_mem>>
    %dma_start3A_93 = tpu.memref_squeeze %dma_start3A_92 : memref<1x!tpu.dma_semaphore, #tpu.memory_space<semaphore_mem>> -> memref<!tpu.dma_semaphore, #tpu.memory_space<semaphore_mem>>
    %dma_start3A_94 = arith.constant 512 : i32
    %dma_start3A_95 = arith.constant 0 : i32
    %dma_start3A_96 = tpu.memref_slice %arg13[%dma_start3A_94, %dma_start3A_95] : memref<16384x2048xf32, #tpu.memory_space<any>> -> memref<512x2048xf32, #tpu.memory_space<any>>
    %dma_start3A_97 = arith.constant 0 : i32
    %dma_start3A_98 = arith.constant 0 : i32
    %dma_start3A_99 = tpu.memref_slice %arg21[%dma_start3A_90, %dma_start3A_97, %dma_start3A_98] : memref<3x512x2048xf32, #tpu.memory_space<vmem>> -> memref<1x512x2048xf32, #tpu.memory_space<vmem>>
    %dma_start3A_100 = tpu.memref_squeeze %dma_start3A_99 : memref<1x512x2048xf32, #tpu.memory_space<vmem>> -> memref<512x2048xf32, #tpu.memory_space<vmem>>
    tpu.enqueue_dma source(%dma_start3A_100 : memref<512x2048xf32, #tpu.memory_space<vmem>>) target(%dma_start3A_96 : memref<512x2048xf32, #tpu.memory_space<any>>) target_semaphore(%dma_start3A_93 : memref<!tpu.dma_semaphore, #tpu.memory_space<semaphore_mem>>)
    %dma_wait3A_101 = arith.constant 1 : i32
    %dma_wait3A_102 = arith.constant 1 : i32
    %dma_wait3A_103 = tpu.memref_slice %arg23[%dma_wait3A_102] : memref<3x!tpu.dma_semaphore, #tpu.memory_space<semaphore_mem>> -> memref<1x!tpu.dma_semaphore, #tpu.memory_space<semaphore_mem>>
    %dma_wait3A_104 = tpu.memref_squeeze %dma_wait3A_103 : memref<1x!tpu.dma_semaphore, #tpu.memory_space<semaphore_mem>> -> memref<!tpu.dma_semaphore, #tpu.memory_space<semaphore_mem>>
    %dma_wait3A_105 = arith.constant 512 : i32
    %dma_wait3A_106 = arith.constant 0 : i32
    %dma_wait3A_107 = tpu.memref_slice %arg13[%dma_wait3A_105, %dma_wait3A_106] : memref<16384x2048xf32, #tpu.memory_space<any>> -> memref<512x2048xf32, #tpu.memory_space<any>>
    %dma_wait3A_108 = arith.constant 0 : i32
    %dma_wait3A_109 = arith.constant 0 : i32
    %dma_wait3A_110 = tpu.memref_slice %arg21[%dma_wait3A_101, %dma_wait3A_108, %dma_wait3A_109] : memref<3x512x2048xf32, #tpu.memory_space<vmem>> -> memref<1x512x2048xf32, #tpu.memory_space<vmem>>
    %dma_wait3A_111 = tpu.memref_squeeze %dma_wait3A_110 : memref<1x512x2048xf32, #tpu.memory_space<vmem>> -> memref<512x2048xf32, #tpu.memory_space<vmem>>
    tpu.wait_dma2 semaphore(%dma_wait3A_104 : memref<!tpu.dma_semaphore, #tpu.memory_space<semaphore_mem>>) src(%dma_wait3A_111 : memref<512x2048xf32, #tpu.memory_space<vmem>>) dst(%dma_wait3A_107 : memref<512x2048xf32, #tpu.memory_space<any>>)
    %dma_start3A_112 = arith.constant 1 : i32
    %dma_start3A_113 = arith.constant 1 : i32
    %dma_start3A_114 = tpu.memref_slice %arg22[%dma_start3A_113] : memref<3x!tpu.dma_semaphore, #tpu.memory_space<semaphore_mem>> -> memref<1x!tpu.dma_semaphore, #tpu.memory_space<semaphore_mem>>
    %dma_start3A_115 = tpu.memref_squeeze %dma_start3A_114 : memref<1x!tpu.dma_semaphore, #tpu.memory_space<semaphore_mem>> -> memref<!tpu.dma_semaphore, #tpu.memory_space<semaphore_mem>>
    %dma_start3A_116 = arith.constant 0 : i32
    %dma_start3A_117 = arith.constant 0 : i32
    %dma_start3A_118 = tpu.memref_slice %arg21[%dma_start3A_112, %dma_start3A_116, %dma_start3A_117] : memref<3x512x2048xf32, #tpu.memory_space<vmem>> -> memref<1x512x2048xf32, #tpu.memory_space<vmem>>
    %dma_start3A_119 = tpu.memref_squeeze %dma_start3A_118 : memref<1x512x2048xf32, #tpu.memory_space<vmem>> -> memref<512x2048xf32, #tpu.memory_space<vmem>>
    %dma_start3A_120 = arith.constant 2048 : i32
    %dma_start3A_121 = arith.constant 0 : i32
    %dma_start3A_122 = tpu.memref_slice %arg10[%dma_start3A_120, %dma_start3A_121] : memref<16384x2048xf32, #tpu.memory_space<any>> -> memref<512x2048xf32, #tpu.memory_space<any>>
    tpu.enqueue_dma source(%dma_start3A_122 : memref<512x2048xf32, #tpu.memory_space<any>>) target(%dma_start3A_119 : memref<512x2048xf32, #tpu.memory_space<vmem>>) target_semaphore(%dma_start3A_115 : memref<!tpu.dma_semaphore, #tpu.memory_space<semaphore_mem>>)
    %dma_wait3A_123 = arith.constant 2 : i32
    %dma_wait3A_124 = arith.constant 2 : i32
    %dma_wait3A_125 = tpu.memref_slice %arg22[%dma_wait3A_124] : memref<3x!tpu.dma_semaphore, #tpu.memory_space<semaphore_mem>> -> memref<1x!tpu.dma_semaphore, #tpu.memory_space<semaphore_mem>>
    %dma_wait3A_126 = tpu.memref_squeeze %dma_wait3A_125 : memref<1x!tpu.dma_semaphore, #tpu.memory_space<semaphore_mem>> -> memref<!tpu.dma_semaphore, #tpu.memory_space<semaphore_mem>>
    %dma_wait3A_127 = arith.constant 0 : i32
    %dma_wait3A_128 = arith.constant 0 : i32
    %dma_wait3A_129 = tpu.memref_slice %arg21[%dma_wait3A_123, %dma_wait3A_127, %dma_wait3A_128] : memref<3x512x2048xf32, #tpu.memory_space<vmem>> -> memref<1x512x2048xf32, #tpu.memory_space<vmem>>
    %dma_wait3A_130 = tpu.memref_squeeze %dma_wait3A_129 : memref<1x512x2048xf32, #tpu.memory_space<vmem>> -> memref<512x2048xf32, #tpu.memory_space<vmem>>
    %dma_wait3A_131 = arith.constant 1024 : i32
    %dma_wait3A_132 = arith.constant 0 : i32
    %dma_wait3A_133 = tpu.memref_slice %arg10[%dma_wait3A_131, %dma_wait3A_132] : memref<16384x2048xf32, #tpu.memory_space<any>> -> memref<512x2048xf32, #tpu.memory_space<any>>
    tpu.wait_dma2 semaphore(%dma_wait3A_126 : memref<!tpu.dma_semaphore, #tpu.memory_space<semaphore_mem>>) src(%dma_wait3A_133 : memref<512x2048xf32, #tpu.memory_space<any>>) dst(%dma_wait3A_130 : memref<512x2048xf32, #tpu.memory_space<vmem>>)
    %dma_start3A_134 = arith.constant 2 : i32
    %dma_start3A_135 = arith.constant 2 : i32
    %dma_start3A_136 = tpu.memref_slice %arg23[%dma_start3A_135] : memref<3x!tpu.dma_semaphore, #tpu.memory_space<semaphore_mem>> -> memref<1x!tpu.dma_semaphore, #tpu.memory_space<semaphore_mem>>
    %dma_start3A_137 = tpu.memref_squeeze %dma_start3A_136 : memref<1x!tpu.dma_semaphore, #tpu.memory_space<semaphore_mem>> -> memref<!tpu.dma_semaphore, #tpu.memory_space<semaphore_mem>>
    %dma_start3A_138 = arith.constant 1024 : i32
    %dma_start3A_139 = arith.constant 0 : i32
    %dma_start3A_140 = tpu.memref_slice %arg13[%dma_start3A_138, %dma_start3A_139] : memref<16384x2048xf32, #tpu.memory_space<any>> -> memref<512x2048xf32, #tpu.memory_space<any>>
    %dma_start3A_141 = arith.constant 0 : i32
    %dma_start3A_142 = arith.constant 0 : i32
    %dma_start3A_143 = tpu.memref_slice %arg21[%dma_start3A_134, %dma_start3A_141, %dma_start3A_142] : memref<3x512x2048xf32, #tpu.memory_space<vmem>> -> memref<1x512x2048xf32, #tpu.memory_space<vmem>>
    %dma_start3A_144 = tpu.memref_squeeze %dma_start3A_143 : memref<1x512x2048xf32, #tpu.memory_space<vmem>> -> memref<512x2048xf32, #tpu.memory_space<vmem>>
    tpu.enqueue_dma source(%dma_start3A_144 : memref<512x2048xf32, #tpu.memory_space<vmem>>) target(%dma_start3A_140 : memref<512x2048xf32, #tpu.memory_space<any>>) target_semaphore(%dma_start3A_137 : memref<!tpu.dma_semaphore, #tpu.memory_space<semaphore_mem>>)
    %dma_wait3A_145 = arith.constant 2 : i32
    %dma_wait3A_146 = arith.constant 2 : i32
    %dma_wait3A_147 = tpu.memref_slice %arg23[%dma_wait3A_146] : memref<3x!tpu.dma_semaphore, #tpu.memory_space<semaphore_mem>> -> memref<1x!tpu.dma_semaphore, #tpu.memory_space<semaphore_mem>>
    %dma_wait3A_148 = tpu.memref_squeeze %dma_wait3A_147 : memref<1x!tpu.dma_semaphore, #tpu.memory_space<semaphore_mem>> -> memref<!tpu.dma_semaphore, #tpu.memory_space<semaphore_mem>>
    %dma_wait3A_149 = arith.constant 1024 : i32
    %dma_wait3A_150 = arith.constant 0 : i32
    %dma_wait3A_151 = tpu.memref_slice %arg13[%dma_wait3A_149, %dma_wait3A_150] : memref<16384x2048xf32, #tpu.memory_space<any>> -> memref<512x2048xf32, #tpu.memory_space<any>>
    %dma_wait3A_152 = arith.constant 0 : i32
    %dma_wait3A_153 = arith.constant 0 : i32
    %dma_wait3A_154 = tpu.memref_slice %arg21[%dma_wait3A_145, %dma_wait3A_152, %dma_wait3A_153] : memref<3x512x2048xf32, #tpu.memory_space<vmem>> -> memref<1x512x2048xf32, #tpu.memory_space<vmem>>
    %dma_wait3A_155 = tpu.memref_squeeze %dma_wait3A_154 : memref<1x512x2048xf32, #tpu.memory_space<vmem>> -> memref<512x2048xf32, #tpu.memory_space<vmem>>
    tpu.wait_dma2 semaphore(%dma_wait3A_148 : memref<!tpu.dma_semaphore, #tpu.memory_space<semaphore_mem>>) src(%dma_wait3A_155 : memref<512x2048xf32, #tpu.memory_space<vmem>>) dst(%dma_wait3A_151 : memref<512x2048xf32, #tpu.memory_space<any>>)
    %dma_start3A_156 = arith.constant 2 : i32
    %dma_start3A_157 = arith.constant 2 : i32
    %dma_start3A_158 = tpu.memref_slice %arg22[%dma_start3A_157] : memref<3x!tpu.dma_semaphore, #tpu.memory_space<semaphore_mem>> -> memref<1x!tpu.dma_semaphore, #tpu.memory_space<semaphore_mem>>
    %dma_start3A_159 = tpu.memref_squeeze %dma_start3A_158 : memref<1x!tpu.dma_semaphore, #tpu.memory_space<semaphore_mem>> -> memref<!tpu.dma_semaphore, #tpu.memory_space<semaphore_mem>>
    %dma_start3A_160 = arith.constant 0 : i32
    %dma_start3A_161 = arith.constant 0 : i32
    %dma_start3A_162 = tpu.memref_slice %arg21[%dma_start3A_156, %dma_start3A_160, %dma_start3A_161] : memref<3x512x2048xf32, #tpu.memory_space<vmem>> -> memref<1x512x2048xf32, #tpu.memory_space<vmem>>
    %dma_start3A_163 = tpu.memref_squeeze %dma_start3A_162 : memref<1x512x2048xf32, #tpu.memory_space<vmem>> -> memref<512x2048xf32, #tpu.memory_space<vmem>>
    %dma_start3A_164 = arith.constant 2560 : i32
    %dma_start3A_165 = arith.constant 0 : i32
    %dma_start3A_166 = tpu.memref_slice %arg10[%dma_start3A_164, %dma_start3A_165] : memref<16384x2048xf32, #tpu.memory_space<any>> -> memref<512x2048xf32, #tpu.memory_space<any>>
    tpu.enqueue_dma source(%dma_start3A_166 : memref<512x2048xf32, #tpu.memory_space<any>>) target(%dma_start3A_163 : memref<512x2048xf32, #tpu.memory_space<vmem>>) target_semaphore(%dma_start3A_159 : memref<!tpu.dma_semaphore, #tpu.memory_space<semaphore_mem>>)
    %dma_wait3A_167 = arith.constant 0 : i32
    %dma_wait3A_168 = arith.constant 0 : i32
    %dma_wait3A_169 = tpu.memref_slice %arg22[%dma_wait3A_168] : memref<3x!tpu.dma_semaphore, #tpu.memory_space<semaphore_mem>> -> memref<1x!tpu.dma_semaphore, #tpu.memory_space<semaphore_mem>>
    %dma_wait3A_170 = tpu.memref_squeeze %dma_wait3A_169 : memref<1x!tpu.dma_semaphore, #tpu.memory_space<semaphore_mem>> -> memref<!tpu.dma_semaphore, #tpu.memory_space<semaphore_mem>>
    %dma_wait3A_171 = arith.constant 0 : i32
    %dma_wait3A_172 = arith.constant 0 : i32
    %dma_wait3A_173 = tpu.memref_slice %arg21[%dma_wait3A_167, %dma_wait3A_171, %dma_wait3A_172] : memref<3x512x2048xf32, #tpu.memory_space<vmem>> -> memref<1x512x2048xf32, #tpu.memory_space<vmem>>
    %dma_wait3A_174 = tpu.memref_squeeze %dma_wait3A_173 : memref<1x512x2048xf32, #tpu.memory_space<vmem>> -> memref<512x2048xf32, #tpu.memory_space<vmem>>
    %dma_wait3A_175 = arith.constant 1536 : i32
    %dma_wait3A_176 = arith.constant 0 : i32
    %dma_wait3A_177 = tpu.memref_slice %arg10[%dma_wait3A_175, %dma_wait3A_176] : memref<16384x2048xf32, #tpu.memory_space<any>> -> memref<512x2048xf32, #tpu.memory_space<any>>
    tpu.wait_dma2 semaphore(%dma_wait3A_170 : memref<!tpu.dma_semaphore, #tpu.memory_space<semaphore_mem>>) src(%dma_wait3A_177 : memref<512x2048xf32, #tpu.memory_space<any>>) dst(%dma_wait3A_174 : memref<512x2048xf32, #tpu.memory_space<vmem>>)
    %dma_start3A_178 = arith.constant 0 : i32
    %dma_start3A_179 = arith.constant 0 : i32
    %dma_start3A_180 = tpu.memref_slice %arg23[%dma_start3A_179] : memref<3x!tpu.dma_semaphore, #tpu.memory_space<semaphore_mem>> -> memref<1x!tpu.dma_semaphore, #tpu.memory_space<semaphore_mem>>
    %dma_start3A_181 = tpu.memref_squeeze %dma_start3A_180 : memref<1x!tpu.dma_semaphore, #tpu.memory_space<semaphore_mem>> -> memref<!tpu.dma_semaphore, #tpu.memory_space<semaphore_mem>>
    %dma_start3A_182 = arith.constant 1536 : i32
    %dma_start3A_183 = arith.constant 0 : i32
    %dma_start3A_184 = tpu.memref_slice %arg13[%dma_start3A_182, %dma_start3A_183] : memref<16384x2048xf32, #tpu.memory_space<any>> -> memref<512x2048xf32, #tpu.memory_space<any>>
    %dma_start3A_185 = arith.constant 0 : i32
    %dma_start3A_186 = arith.constant 0 : i32
    %dma_start3A_187 = tpu.memref_slice %arg21[%dma_start3A_178, %dma_start3A_185, %dma_start3A_186] : memref<3x512x2048xf32, #tpu.memory_space<vmem>> -> memref<1x512x2048xf32, #tpu.memory_space<vmem>>
    %dma_start3A_188 = tpu.memref_squeeze %dma_start3A_187 : memref<1x512x2048xf32, #tpu.memory_space<vmem>> -> memref<512x2048xf32, #tpu.memory_space<vmem>>
    tpu.enqueue_dma source(%dma_start3A_188 : memref<512x2048xf32, #tpu.memory_space<vmem>>) target(%dma_start3A_184 : memref<512x2048xf32, #tpu.memory_space<any>>) target_semaphore(%dma_start3A_181 : memref<!tpu.dma_semaphore, #tpu.memory_space<semaphore_mem>>)
    %dma_wait3A_189 = arith.constant 0 : i32
    %dma_wait3A_190 = arith.constant 0 : i32
    %dma_wait3A_191 = tpu.memref_slice %arg23[%dma_wait3A_190] : memref<3x!tpu.dma_semaphore, #tpu.memory_space<semaphore_mem>> -> memref<1x!tpu.dma_semaphore, #tpu.memory_space<semaphore_mem>>
    %dma_wait3A_192 = tpu.memref_squeeze %dma_wait3A_191 : memref<1x!tpu.dma_semaphore, #tpu.memory_space<semaphore_mem>> -> memref<!tpu.dma_semaphore, #tpu.memory_space<semaphore_mem>>
    %dma_wait3A_193 = arith.constant 1536 : i32
    %dma_wait3A_194 = arith.constant 0 : i32
    %dma_wait3A_195 = tpu.memref_slice %arg13[%dma_wait3A_193, %dma_wait3A_194] : memref<16384x2048xf32, #tpu.memory_space<any>> -> memref<512x2048xf32, #tpu.memory_space<any>>
    %dma_wait3A_196 = arith.constant 0 : i32
    %dma_wait3A_197 = arith.constant 0 : i32
    %dma_wait3A_198 = tpu.memref_slice %arg21[%dma_wait3A_189, %dma_wait3A_196, %dma_wait3A_197] : memref<3x512x2048xf32, #tpu.memory_space<vmem>> -> memref<1x512x2048xf32, #tpu.memory_space<vmem>>
    %dma_wait3A_199 = tpu.memref_squeeze %dma_wait3A_198 : memref<1x512x2048xf32, #tpu.memory_space<vmem>> -> memref<512x2048xf32, #tpu.memory_space<vmem>>
    tpu.wait_dma2 semaphore(%dma_wait3A_192 : memref<!tpu.dma_semaphore, #tpu.memory_space<semaphore_mem>>) src(%dma_wait3A_199 : memref<512x2048xf32, #tpu.memory_space<vmem>>) dst(%dma_wait3A_195 : memref<512x2048xf32, #tpu.memory_space<any>>)
    %dma_start3A_200 = arith.constant 0 : i32
    %dma_start3A_201 = arith.constant 0 : i32
    %dma_start3A_202 = tpu.memref_slice %arg22[%dma_start3A_201] : memref<3x!tpu.dma_semaphore, #tpu.memory_space<semaphore_mem>> -> memref<1x!tpu.dma_semaphore, #tpu.memory_space<semaphore_mem>>
    %dma_start3A_203 = tpu.memref_squeeze %dma_start3A_202 : memref<1x!tpu.dma_semaphore, #tpu.memory_space<semaphore_mem>> -> memref<!tpu.dma_semaphore, #tpu.memory_space<semaphore_mem>>
    %dma_start3A_204 = arith.constant 0 : i32
    %dma_start3A_205 = arith.constant 0 : i32
    %dma_start3A_206 = tpu.memref_slice %arg21[%dma_start3A_200, %dma_start3A_204, %dma_start3A_205] : memref<3x512x2048xf32, #tpu.memory_space<vmem>> -> memref<1x512x2048xf32, #tpu.memory_space<vmem>>
    %dma_start3A_207 = tpu.memref_squeeze %dma_start3A_206 : memref<1x512x2048xf32, #tpu.memory_space<vmem>> -> memref<512x2048xf32, #tpu.memory_space<vmem>>
    %dma_start3A_208 = arith.constant 3072 : i32
    %dma_start3A_209 = arith.constant 0 : i32
    %dma_start3A_210 = tpu.memref_slice %arg10[%dma_start3A_208, %dma_start3A_209] : memref<16384x2048xf32, #tpu.memory_space<any>> -> memref<512x2048xf32, #tpu.memory_space<any>>
    tpu.enqueue_dma source(%dma_start3A_210 : memref<512x2048xf32, #tpu.memory_space<any>>) target(%dma_start3A_207 : memref<512x2048xf32, #tpu.memory_space<vmem>>) target_semaphore(%dma_start3A_203 : memref<!tpu.dma_semaphore, #tpu.memory_space<semaphore_mem>>)
    %dma_wait3A_211 = arith.constant 1 : i32
    %dma_wait3A_212 = arith.constant 1 : i32
    %dma_wait3A_213 = tpu.memref_slice %arg22[%dma_wait3A_212] : memref<3x!tpu.dma_semaphore, #tpu.memory_space<semaphore_mem>> -> memref<1x!tpu.dma_semaphore, #tpu.memory_space<semaphore_mem>>
    %dma_wait3A_214 = tpu.memref_squeeze %dma_wait3A_213 : memref<1x!tpu.dma_semaphore, #tpu.memory_space<semaphore_mem>> -> memref<!tpu.dma_semaphore, #tpu.memory_space<semaphore_mem>>
    %dma_wait3A_215 = arith.constant 0 : i32
    %dma_wait3A_216 = arith.constant 0 : i32
    %dma_wait3A_217 = tpu.memref_slice %arg21[%dma_wait3A_211, %dma_wait3A_215, %dma_wait3A_216] : memref<3x512x2048xf32, #tpu.memory_space<vmem>> -> memref<1x512x2048xf32, #tpu.memory_space<vmem>>
    %dma_wait3A_218 = tpu.memref_squeeze %dma_wait3A_217 : memref<1x512x2048xf32, #tpu.memory_space<vmem>> -> memref<512x2048xf32, #tpu.memory_space<vmem>>
    %dma_wait3A_219 = arith.constant 2048 : i32
    %dma_wait3A_220 = arith.constant 0 : i32
    %dma_wait3A_221 = tpu.memref_slice %arg10[%dma_wait3A_219, %dma_wait3A_220] : memref<16384x2048xf32, #tpu.memory_space<any>> -> memref<512x2048xf32, #tpu.memory_space<any>>
    tpu.wait_dma2 semaphore(%dma_wait3A_214 : memref<!tpu.dma_semaphore, #tpu.memory_space<semaphore_mem>>) src(%dma_wait3A_221 : memref<512x2048xf32, #tpu.memory_space<any>>) dst(%dma_wait3A_218 : memref<512x2048xf32, #tpu.memory_space<vmem>>)
    %dma_start3A_222 = arith.constant 1 : i32
    %dma_start3A_223 = arith.constant 1 : i32
    %dma_start3A_224 = tpu.memref_slice %arg23[%dma_start3A_223] : memref<3x!tpu.dma_semaphore, #tpu.memory_space<semaphore_mem>> -> memref<1x!tpu.dma_semaphore, #tpu.memory_space<semaphore_mem>>
    %dma_start3A_225 = tpu.memref_squeeze %dma_start3A_224 : memref<1x!tpu.dma_semaphore, #tpu.memory_space<semaphore_mem>> -> memref<!tpu.dma_semaphore, #tpu.memory_space<semaphore_mem>>
    %dma_start3A_226 = arith.constant 2048 : i32
    %dma_start3A_227 = arith.constant 0 : i32
    %dma_start3A_228 = tpu.memref_slice %arg13[%dma_start3A_226, %dma_start3A_227] : memref<16384x2048xf32, #tpu.memory_space<any>> -> memref<512x2048xf32, #tpu.memory_space<any>>
    %dma_start3A_229 = arith.constant 0 : i32
    %dma_start3A_230 = arith.constant 0 : i32
    %dma_start3A_231 = tpu.memref_slice %arg21[%dma_start3A_222, %dma_start3A_229, %dma_start3A_230] : memref<3x512x2048xf32, #tpu.memory_space<vmem>> -> memref<1x512x2048xf32, #tpu.memory_space<vmem>>
    %dma_start3A_232 = tpu.memref_squeeze %dma_start3A_231 : memref<1x512x2048xf32, #tpu.memory_space<vmem>> -> memref<512x2048xf32, #tpu.memory_space<vmem>>
    tpu.enqueue_dma source(%dma_start3A_232 : memref<512x2048xf32, #tpu.memory_space<vmem>>) target(%dma_start3A_228 : memref<512x2048xf32, #tpu.memory_space<any>>) target_semaphore(%dma_start3A_225 : memref<!tpu.dma_semaphore, #tpu.memory_space<semaphore_mem>>)
    %scan3A_233 = arith.constant 0 : i32
    %scan3A_234 = arith.constant 128 : i32
    %scan3A_235 = arith.addi %scan3A_233, %scan3A_234 : i32
    %scan3A_236 = arith.constant 1 : i32
    scf.for %scan3A_1794 = %scan3A_233 to %scan3A_235 step %scan3A_236  : i32 {
      %get3A_1795 = arith.constant 0 : index
      %get3A_1796 = arith.index_cast %scan3A_1794 : i32 to index
      %get3A_1797 = memref.load %arg1[%get3A_1795, %get3A_1796] : memref<1x128xi32, #tpu.memory_space<smem>>
      %dma_wait3A_1798 = arith.constant 0 : i32
      %dma_wait3A_1799 = tpu.memref_slice %arg17[%scan3A_1794, %dma_wait3A_1798] : memref<128x2048xf32, #tpu.memory_space<vmem>> -> memref<1x2048xf32, #tpu.memory_space<vmem>>
      %dma_wait3A_1800 = tpu.memref_squeeze %dma_wait3A_1799 : memref<1x2048xf32, #tpu.memory_space<vmem>> -> memref<2048xf32, #tpu.memory_space<vmem>>
      %dma_wait3A_1801 = arith.constant 0 : i32
      %dma_wait3A_1802 = tpu.memref_slice %arg10[%get3A_1797, %dma_wait3A_1801] : memref<16384x2048xf32, #tpu.memory_space<any>> -> memref<1x2048xf32, #tpu.memory_space<any>>
      %dma_wait3A_1803 = tpu.memref_squeeze %dma_wait3A_1802 : memref<1x2048xf32, #tpu.memory_space<any>> -> memref<2048xf32, #tpu.memory_space<any>>
      tpu.wait_dma2 semaphore(%arg24 : memref<!tpu.dma_semaphore, #tpu.memory_space<semaphore_mem>>) src(%dma_wait3A_1803 : memref<2048xf32, #tpu.memory_space<any>>) dst(%dma_wait3A_1800 : memref<2048xf32, #tpu.memory_space<vmem>>)
      %dma_wait3A_1804 = arith.constant 0 : i32
      %dma_wait3A_1805 = tpu.memref_slice %arg18[%scan3A_1794, %dma_wait3A_1804] : memref<128x1024xf32, #tpu.memory_space<vmem>> -> memref<1x1024xf32, #tpu.memory_space<vmem>>
      %dma_wait3A_1806 = tpu.memref_squeeze %dma_wait3A_1805 : memref<1x1024xf32, #tpu.memory_space<vmem>> -> memref<1024xf32, #tpu.memory_space<vmem>>
      %dma_wait3A_1807 = arith.constant 0 : i32
      %dma_wait3A_1808 = tpu.memref_slice %arg11[%get3A_1797, %dma_wait3A_1807] : memref<16384x1024xf32, #tpu.memory_space<any>> -> memref<1x1024xf32, #tpu.memory_space<any>>
      %dma_wait3A_1809 = tpu.memref_squeeze %dma_wait3A_1808 : memref<1x1024xf32, #tpu.memory_space<any>> -> memref<1024xf32, #tpu.memory_space<any>>
      tpu.wait_dma2 semaphore(%arg24 : memref<!tpu.dma_semaphore, #tpu.memory_space<semaphore_mem>>) src(%dma_wait3A_1809 : memref<1024xf32, #tpu.memory_space<any>>) dst(%dma_wait3A_1806 : memref<1024xf32, #tpu.memory_space<vmem>>)
    }
    %scan3A_237 = arith.constant 128 : i32
    %dma_wait3A_238 = arith.constant 1 : i32
    %dma_wait3A_239 = arith.constant 1 : i32
    %dma_wait3A_240 = tpu.memref_slice %arg23[%dma_wait3A_239] : memref<3x!tpu.dma_semaphore, #tpu.memory_space<semaphore_mem>> -> memref<1x!tpu.dma_semaphore, #tpu.memory_space<semaphore_mem>>
    %dma_wait3A_241 = tpu.memref_squeeze %dma_wait3A_240 : memref<1x!tpu.dma_semaphore, #tpu.memory_space<semaphore_mem>> -> memref<!tpu.dma_semaphore, #tpu.memory_space<semaphore_mem>>
    %dma_wait3A_242 = arith.constant 2048 : i32
    %dma_wait3A_243 = arith.constant 0 : i32
    %dma_wait3A_244 = tpu.memref_slice %arg13[%dma_wait3A_242, %dma_wait3A_243] : memref<16384x2048xf32, #tpu.memory_space<any>> -> memref<512x2048xf32, #tpu.memory_space<any>>
    %dma_wait3A_245 = arith.constant 0 : i32
    %dma_wait3A_246 = arith.constant 0 : i32
    %dma_wait3A_247 = tpu.memref_slice %arg21[%dma_wait3A_238, %dma_wait3A_245, %dma_wait3A_246] : memref<3x512x2048xf32, #tpu.memory_space<vmem>> -> memref<1x512x2048xf32, #tpu.memory_space<vmem>>
    %dma_wait3A_248 = tpu.memref_squeeze %dma_wait3A_247 : memref<1x512x2048xf32, #tpu.memory_space<vmem>> -> memref<512x2048xf32, #tpu.memory_space<vmem>>
    tpu.wait_dma2 semaphore(%dma_wait3A_241 : memref<!tpu.dma_semaphore, #tpu.memory_space<semaphore_mem>>) src(%dma_wait3A_248 : memref<512x2048xf32, #tpu.memory_space<vmem>>) dst(%dma_wait3A_244 : memref<512x2048xf32, #tpu.memory_space<any>>)
    %dma_start3A_249 = arith.constant 1 : i32
    %dma_start3A_250 = arith.constant 1 : i32
    %dma_start3A_251 = tpu.memref_slice %arg22[%dma_start3A_250] : memref<3x!tpu.dma_semaphore, #tpu.memory_space<semaphore_mem>> -> memref<1x!tpu.dma_semaphore, #tpu.memory_space<semaphore_mem>>
    %dma_start3A_252 = tpu.memref_squeeze %dma_start3A_251 : memref<1x!tpu.dma_semaphore, #tpu.memory_space<semaphore_mem>> -> memref<!tpu.dma_semaphore, #tpu.memory_space<semaphore_mem>>
    %dma_start3A_253 = arith.constant 0 : i32
    %dma_start3A_254 = arith.constant 0 : i32
    %dma_start3A_255 = tpu.memref_slice %arg21[%dma_start3A_249, %dma_start3A_253, %dma_start3A_254] : memref<3x512x2048xf32, #tpu.memory_space<vmem>> -> memref<1x512x2048xf32, #tpu.memory_space<vmem>>
    %dma_start3A_256 = tpu.memref_squeeze %dma_start3A_255 : memref<1x512x2048xf32, #tpu.memory_space<vmem>> -> memref<512x2048xf32, #tpu.memory_space<vmem>>
    %dma_start3A_257 = arith.constant 3584 : i32
    %dma_start3A_258 = arith.constant 0 : i32
    %dma_start3A_259 = tpu.memref_slice %arg10[%dma_start3A_257, %dma_start3A_258] : memref<16384x2048xf32, #tpu.memory_space<any>> -> memref<512x2048xf32, #tpu.memory_space<any>>
    tpu.enqueue_dma source(%dma_start3A_259 : memref<512x2048xf32, #tpu.memory_space<any>>) target(%dma_start3A_256 : memref<512x2048xf32, #tpu.memory_space<vmem>>) target_semaphore(%dma_start3A_252 : memref<!tpu.dma_semaphore, #tpu.memory_space<semaphore_mem>>)
    %dma_wait3A_260 = arith.constant 2 : i32
    %dma_wait3A_261 = arith.constant 2 : i32
    %dma_wait3A_262 = tpu.memref_slice %arg22[%dma_wait3A_261] : memref<3x!tpu.dma_semaphore, #tpu.memory_space<semaphore_mem>> -> memref<1x!tpu.dma_semaphore, #tpu.memory_space<semaphore_mem>>
    %dma_wait3A_263 = tpu.memref_squeeze %dma_wait3A_262 : memref<1x!tpu.dma_semaphore, #tpu.memory_space<semaphore_mem>> -> memref<!tpu.dma_semaphore, #tpu.memory_space<semaphore_mem>>
    %dma_wait3A_264 = arith.constant 0 : i32
    %dma_wait3A_265 = arith.constant 0 : i32
    %dma_wait3A_266 = tpu.memref_slice %arg21[%dma_wait3A_260, %dma_wait3A_264, %dma_wait3A_265] : memref<3x512x2048xf32, #tpu.memory_space<vmem>> -> memref<1x512x2048xf32, #tpu.memory_space<vmem>>
    %dma_wait3A_267 = tpu.memref_squeeze %dma_wait3A_266 : memref<1x512x2048xf32, #tpu.memory_space<vmem>> -> memref<512x2048xf32, #tpu.memory_space<vmem>>
    %dma_wait3A_268 = arith.constant 2560 : i32
    %dma_wait3A_269 = arith.constant 0 : i32
    %dma_wait3A_270 = tpu.memref_slice %arg10[%dma_wait3A_268, %dma_wait3A_269] : memref<16384x2048xf32, #tpu.memory_space<any>> -> memref<512x2048xf32, #tpu.memory_space<any>>
    tpu.wait_dma2 semaphore(%dma_wait3A_263 : memref<!tpu.dma_semaphore, #tpu.memory_space<semaphore_mem>>) src(%dma_wait3A_270 : memref<512x2048xf32, #tpu.memory_space<any>>) dst(%dma_wait3A_267 : memref<512x2048xf32, #tpu.memory_space<vmem>>)
    %dma_start3A_271 = arith.constant 2 : i32
    %dma_start3A_272 = arith.constant 2 : i32
    %dma_start3A_273 = tpu.memref_slice %arg23[%dma_start3A_272] : memref<3x!tpu.dma_semaphore, #tpu.memory_space<semaphore_mem>> -> memref<1x!tpu.dma_semaphore, #tpu.memory_space<semaphore_mem>>
    %dma_start3A_274 = tpu.memref_squeeze %dma_start3A_273 : memref<1x!tpu.dma_semaphore, #tpu.memory_space<semaphore_mem>> -> memref<!tpu.dma_semaphore, #tpu.memory_space<semaphore_mem>>
    %dma_start3A_275 = arith.constant 2560 : i32
    %dma_start3A_276 = arith.constant 0 : i32
    %dma_start3A_277 = tpu.memref_slice %arg13[%dma_start3A_275, %dma_start3A_276] : memref<16384x2048xf32, #tpu.memory_space<any>> -> memref<512x2048xf32, #tpu.memory_space<any>>
    %dma_start3A_278 = arith.constant 0 : i32
    %dma_start3A_279 = arith.constant 0 : i32
    %dma_start3A_280 = tpu.memref_slice %arg21[%dma_start3A_271, %dma_start3A_278, %dma_start3A_279] : memref<3x512x2048xf32, #tpu.memory_space<vmem>> -> memref<1x512x2048xf32, #tpu.memory_space<vmem>>
    %dma_start3A_281 = tpu.memref_squeeze %dma_start3A_280 : memref<1x512x2048xf32, #tpu.memory_space<vmem>> -> memref<512x2048xf32, #tpu.memory_space<vmem>>
    tpu.enqueue_dma source(%dma_start3A_281 : memref<512x2048xf32, #tpu.memory_space<vmem>>) target(%dma_start3A_277 : memref<512x2048xf32, #tpu.memory_space<any>>) target_semaphore(%dma_start3A_274 : memref<!tpu.dma_semaphore, #tpu.memory_space<semaphore_mem>>)
    %get3A = arith.constant 0 : index
    %get3A_282 = arith.constant 0 : index
    %get3A_283 = vector.load %arg4[%get3A, %get3A_282] : memref<128x1xi32, #tpu.memory_space<vmem>>, vector<128x1xi32>
    %get3A_284 = arith.constant 0 : index
    %get3A_285 = arith.constant 0 : index
    %get3A_286 = vector.load %arg3[%get3A_284, %get3A_285] : memref<1x128xi32, #tpu.memory_space<vmem>>, vector<1x128xi32>
    %eq3A = vector.broadcast %get3A_283 : vector<128x1xi32> to vector<128x128xi32>
    %eq3A_287 = vector.broadcast %get3A_286 : vector<1x128xi32> to vector<128x128xi32>
    %eq3A_288 = arith.cmpi eq, %eq3A, %eq3A_287 : vector<128x128xi32>
    %iota3A = tpu.iota {dimensions = array<i32: 1>} : vector<128x128xi32>
    %jit3A = arith.constant -1 : i32
    %broadcast_in_dim3A = vector.broadcast %jit3A : i32 to vector<128x128xi32>
    %select_n3A = arith.select %eq3A_288, %iota3A, %broadcast_in_dim3A : vector<128x128xi1>, vector<128x128xi32>
    %reduce_max3A = arith.constant dense<-2147483648> : vector<128xi32>
    %reduce_max3A_289 = vector.multi_reduction <maxsi>, %select_n3A, %reduce_max3A [1] : vector<128x128xi32> to vector<128xi32>
    %broadcast_in_dim3A_290 = vector.shape_cast %reduce_max3A_289 : vector<128xi32> to vector<128x1xi32>
    %eq3A_291 = vector.broadcast %broadcast_in_dim3A_290 : vector<128x1xi32> to vector<128x128xi32>
    %eq3A_292 = arith.cmpi eq, %iota3A, %eq3A_291 : vector<128x128xi32>
    %convert_element_type3A = arith.extui %eq3A_292 : vector<128x128xi1> to vector<128x128xi32>
    %convert_element_type3A_293 = arith.sitofp %convert_element_type3A : vector<128x128xi32> to vector<128x128xf32>
    %get3A_294 = arith.constant 0 : index
    %get3A_295 = arith.constant 0 : index
    %get3A_296 = vector.load %arg0[%get3A_294, %get3A_295] : memref<128x2048xf32, #tpu.memory_space<vmem>>, vector<128x2048xf32>
    %dot_general3A = arith.constant dense<0.000000e+00> : vector<128x2048xf32>
    %dot_general3A_297 = tpu.matmul %convert_element_type3A_293, %get3A_296, %dot_general3A {dimension_numbers = #tpu.dot_dimension_numbers<[1], [0], [0], [1], [0, 0, 1, 1], [], []>, transpose_lhs_hint = false} : vector<128x128xf32>, vector<128x2048xf32>, vector<128x2048xf32> -> vector<128x2048xf32>
    %swap3A = arith.constant 0 : index
    %swap3A_298 = arith.constant 0 : index
    %swap3A_299 = vector.load %arg19[%swap3A, %swap3A_298] : memref<128x2048xf32, #tpu.memory_space<vmem>>, vector<128x2048xf32>
    tpu.vector_store %arg19[%swap3A, %swap3A_298], %dot_general3A_297 {strides = array<i32>} : memref<128x2048xf32, #tpu.memory_space<vmem>>, vector<128x2048xf32>,
    %dma_wait3A_300 = arith.constant 2 : i32
    %dma_wait3A_301 = arith.constant 2 : i32
    %dma_wait3A_302 = tpu.memref_slice %arg23[%dma_wait3A_301] : memref<3x!tpu.dma_semaphore, #tpu.memory_space<semaphore_mem>> -> memref<1x!tpu.dma_semaphore, #tpu.memory_space<semaphore_mem>>
    %dma_wait3A_303 = tpu.memref_squeeze %dma_wait3A_302 : memref<1x!tpu.dma_semaphore, #tpu.memory_space<semaphore_mem>> -> memref<!tpu.dma_semaphore, #tpu.memory_space<semaphore_mem>>
    %dma_wait3A_304 = arith.constant 2560 : i32
    %dma_wait3A_305 = arith.constant 0 : i32
    %dma_wait3A_306 = tpu.memref_slice %arg13[%dma_wait3A_304, %dma_wait3A_305] : memref<16384x2048xf32, #tpu.memory_space<any>> -> memref<512x2048xf32, #tpu.memory_space<any>>
    %dma_wait3A_307 = arith.constant 0 : i32
    %dma_wait3A_308 = arith.constant 0 : i32
    %dma_wait3A_309 = tpu.memref_slice %arg21[%dma_wait3A_300, %dma_wait3A_307, %dma_wait3A_308] : memref<3x512x2048xf32, #tpu.memory_space<vmem>> -> memref<1x512x2048xf32, #tpu.memory_space<vmem>>
    %dma_wait3A_310 = tpu.memref_squeeze %dma_wait3A_309 : memref<1x512x2048xf32, #tpu.memory_space<vmem>> -> memref<512x2048xf32, #tpu.memory_space<vmem>>
    tpu.wait_dma2 semaphore(%dma_wait3A_303 : memref<!tpu.dma_semaphore, #tpu.memory_space<semaphore_mem>>) src(%dma_wait3A_310 : memref<512x2048xf32, #tpu.memory_space<vmem>>) dst(%dma_wait3A_306 : memref<512x2048xf32, #tpu.memory_space<any>>)
    %dma_start3A_311 = arith.constant 2 : i32
    %dma_start3A_312 = arith.constant 2 : i32
    %dma_start3A_313 = tpu.memref_slice %arg22[%dma_start3A_312] : memref<3x!tpu.dma_semaphore, #tpu.memory_space<semaphore_mem>> -> memref<1x!tpu.dma_semaphore, #tpu.memory_space<semaphore_mem>>
    %dma_start3A_314 = tpu.memref_squeeze %dma_start3A_313 : memref<1x!tpu.dma_semaphore, #tpu.memory_space<semaphore_mem>> -> memref<!tpu.dma_semaphore, #tpu.memory_space<semaphore_mem>>
    %dma_start3A_315 = arith.constant 0 : i32
    %dma_start3A_316 = arith.constant 0 : i32
    %dma_start3A_317 = tpu.memref_slice %arg21[%dma_start3A_311, %dma_start3A_315, %dma_start3A_316] : memref<3x512x2048xf32, #tpu.memory_space<vmem>> -> memref<1x512x2048xf32, #tpu.memory_space<vmem>>
    %dma_start3A_318 = tpu.memref_squeeze %dma_start3A_317 : memref<1x512x2048xf32, #tpu.memory_space<vmem>> -> memref<512x2048xf32, #tpu.memory_space<vmem>>
    %dma_start3A_319 = arith.constant 4096 : i32
    %dma_start3A_320 = arith.constant 0 : i32
    %dma_start3A_321 = tpu.memref_slice %arg10[%dma_start3A_319, %dma_start3A_320] : memref<16384x2048xf32, #tpu.memory_space<any>> -> memref<512x2048xf32, #tpu.memory_space<any>>
    tpu.enqueue_dma source(%dma_start3A_321 : memref<512x2048xf32, #tpu.memory_space<any>>) target(%dma_start3A_318 : memref<512x2048xf32, #tpu.memory_space<vmem>>) target_semaphore(%dma_start3A_314 : memref<!tpu.dma_semaphore, #tpu.memory_space<semaphore_mem>>)
    %dma_wait3A_322 = arith.constant 0 : i32
    %dma_wait3A_323 = arith.constant 0 : i32
    %dma_wait3A_324 = tpu.memref_slice %arg22[%dma_wait3A_323] : memref<3x!tpu.dma_semaphore, #tpu.memory_space<semaphore_mem>> -> memref<1x!tpu.dma_semaphore, #tpu.memory_space<semaphore_mem>>
    %dma_wait3A_325 = tpu.memref_squeeze %dma_wait3A_324 : memref<1x!tpu.dma_semaphore, #tpu.memory_space<semaphore_mem>> -> memref<!tpu.dma_semaphore, #tpu.memory_space<semaphore_mem>>
    %dma_wait3A_326 = arith.constant 0 : i32
    %dma_wait3A_327 = arith.constant 0 : i32
    %dma_wait3A_328 = tpu.memref_slice %arg21[%dma_wait3A_322, %dma_wait3A_326, %dma_wait3A_327] : memref<3x512x2048xf32, #tpu.memory_space<vmem>> -> memref<1x512x2048xf32, #tpu.memory_space<vmem>>
    %dma_wait3A_329 = tpu.memref_squeeze %dma_wait3A_328 : memref<1x512x2048xf32, #tpu.memory_space<vmem>> -> memref<512x2048xf32, #tpu.memory_space<vmem>>
    %dma_wait3A_330 = arith.constant 3072 : i32
    %dma_wait3A_331 = arith.constant 0 : i32
    %dma_wait3A_332 = tpu.memref_slice %arg10[%dma_wait3A_330, %dma_wait3A_331] : memref<16384x2048xf32, #tpu.memory_space<any>> -> memref<512x2048xf32, #tpu.memory_space<any>>
    tpu.wait_dma2 semaphore(%dma_wait3A_325 : memref<!tpu.dma_semaphore, #tpu.memory_space<semaphore_mem>>) src(%dma_wait3A_332 : memref<512x2048xf32, #tpu.memory_space<any>>) dst(%dma_wait3A_329 : memref<512x2048xf32, #tpu.memory_space<vmem>>)
    %dma_start3A_333 = arith.constant 0 : i32
    %dma_start3A_334 = arith.constant 0 : i32
    %dma_start3A_335 = tpu.memref_slice %arg23[%dma_start3A_334] : memref<3x!tpu.dma_semaphore, #tpu.memory_space<semaphore_mem>> -> memref<1x!tpu.dma_semaphore, #tpu.memory_space<semaphore_mem>>
    %dma_start3A_336 = tpu.memref_squeeze %dma_start3A_335 : memref<1x!tpu.dma_semaphore, #tpu.memory_space<semaphore_mem>> -> memref<!tpu.dma_semaphore, #tpu.memory_space<semaphore_mem>>
    %dma_start3A_337 = arith.constant 3072 : i32
    %dma_start3A_338 = arith.constant 0 : i32
    %dma_start3A_339 = tpu.memref_slice %arg13[%dma_start3A_337, %dma_start3A_338] : memref<16384x2048xf32, #tpu.memory_space<any>> -> memref<512x2048xf32, #tpu.memory_space<any>>
    %dma_start3A_340 = arith.constant 0 : i32
    %dma_start3A_341 = arith.constant 0 : i32
    %dma_start3A_342 = tpu.memref_slice %arg21[%dma_start3A_333, %dma_start3A_340, %dma_start3A_341] : memref<3x512x2048xf32, #tpu.memory_space<vmem>> -> memref<1x512x2048xf32, #tpu.memory_space<vmem>>
    %dma_start3A_343 = tpu.memref_squeeze %dma_start3A_342 : memref<1x512x2048xf32, #tpu.memory_space<vmem>> -> memref<512x2048xf32, #tpu.memory_space<vmem>>
    tpu.enqueue_dma source(%dma_start3A_343 : memref<512x2048xf32, #tpu.memory_space<vmem>>) target(%dma_start3A_339 : memref<512x2048xf32, #tpu.memory_space<any>>) target_semaphore(%dma_start3A_336 : memref<!tpu.dma_semaphore, #tpu.memory_space<semaphore_mem>>)
    tpu.wait_dma2 semaphore(%arg25 : memref<!tpu.dma_semaphore, #tpu.memory_space<semaphore_mem>>) src(%arg8 : memref<2048x2048xf32, #tpu.memory_space<any>>) dst(%arg15 : memref<2048x2048xf32, #tpu.memory_space<vmem>>)
    %dma_wait3A_344 = arith.constant 0 : i32
    %dma_wait3A_345 = arith.constant 0 : i32
    %dma_wait3A_346 = tpu.memref_slice %arg23[%dma_wait3A_345] : memref<3x!tpu.dma_semaphore, #tpu.memory_space<semaphore_mem>> -> memref<1x!tpu.dma_semaphore, #tpu.memory_space<semaphore_mem>>
    %dma_wait3A_347 = tpu.memref_squeeze %dma_wait3A_346 : memref<1x!tpu.dma_semaphore, #tpu.memory_space<semaphore_mem>> -> memref<!tpu.dma_semaphore, #tpu.memory_space<semaphore_mem>>
    %dma_wait3A_348 = arith.constant 3072 : i32
    %dma_wait3A_349 = arith.constant 0 : i32
    %dma_wait3A_350 = tpu.memref_slice %arg13[%dma_wait3A_348, %dma_wait3A_349] : memref<16384x2048xf32, #tpu.memory_space<any>> -> memref<512x2048xf32, #tpu.memory_space<any>>
    %dma_wait3A_351 = arith.constant 0 : i32
    %dma_wait3A_352 = arith.constant 0 : i32
    %dma_wait3A_353 = tpu.memref_slice %arg21[%dma_wait3A_344, %dma_wait3A_351, %dma_wait3A_352] : memref<3x512x2048xf32, #tpu.memory_space<vmem>> -> memref<1x512x2048xf32, #tpu.memory_space<vmem>>
    %dma_wait3A_354 = tpu.memref_squeeze %dma_wait3A_353 : memref<1x512x2048xf32, #tpu.memory_space<vmem>> -> memref<512x2048xf32, #tpu.memory_space<vmem>>
    tpu.wait_dma2 semaphore(%dma_wait3A_347 : memref<!tpu.dma_semaphore, #tpu.memory_space<semaphore_mem>>) src(%dma_wait3A_354 : memref<512x2048xf32, #tpu.memory_space<vmem>>) dst(%dma_wait3A_350 : memref<512x2048xf32, #tpu.memory_space<any>>)
    %dma_start3A_355 = arith.constant 0 : i32
    %dma_start3A_356 = arith.constant 0 : i32
    %dma_start3A_357 = tpu.memref_slice %arg22[%dma_start3A_356] : memref<3x!tpu.dma_semaphore, #tpu.memory_space<semaphore_mem>> -> memref<1x!tpu.dma_semaphore, #tpu.memory_space<semaphore_mem>>
    %dma_start3A_358 = tpu.memref_squeeze %dma_start3A_357 : memref<1x!tpu.dma_semaphore, #tpu.memory_space<semaphore_mem>> -> memref<!tpu.dma_semaphore, #tpu.memory_space<semaphore_mem>>
    %dma_start3A_359 = arith.constant 0 : i32
    %dma_start3A_360 = arith.constant 0 : i32
    %dma_start3A_361 = tpu.memref_slice %arg21[%dma_start3A_355, %dma_start3A_359, %dma_start3A_360] : memref<3x512x2048xf32, #tpu.memory_space<vmem>> -> memref<1x512x2048xf32, #tpu.memory_space<vmem>>
    %dma_start3A_362 = tpu.memref_squeeze %dma_start3A_361 : memref<1x512x2048xf32, #tpu.memory_space<vmem>> -> memref<512x2048xf32, #tpu.memory_space<vmem>>
    %dma_start3A_363 = arith.constant 4608 : i32
    %dma_start3A_364 = arith.constant 0 : i32
    %dma_start3A_365 = tpu.memref_slice %arg10[%dma_start3A_363, %dma_start3A_364] : memref<16384x2048xf32, #tpu.memory_space<any>> -> memref<512x2048xf32, #tpu.memory_space<any>>
    tpu.enqueue_dma source(%dma_start3A_365 : memref<512x2048xf32, #tpu.memory_space<any>>) target(%dma_start3A_362 : memref<512x2048xf32, #tpu.memory_space<vmem>>) target_semaphore(%dma_start3A_358 : memref<!tpu.dma_semaphore, #tpu.memory_space<semaphore_mem>>)
    %dma_wait3A_366 = arith.constant 1 : i32
    %dma_wait3A_367 = arith.constant 1 : i32
    %dma_wait3A_368 = tpu.memref_slice %arg22[%dma_wait3A_367] : memref<3x!tpu.dma_semaphore, #tpu.memory_space<semaphore_mem>> -> memref<1x!tpu.dma_semaphore, #tpu.memory_space<semaphore_mem>>
    %dma_wait3A_369 = tpu.memref_squeeze %dma_wait3A_368 : memref<1x!tpu.dma_semaphore, #tpu.memory_space<semaphore_mem>> -> memref<!tpu.dma_semaphore, #tpu.memory_space<semaphore_mem>>
    %dma_wait3A_370 = arith.constant 0 : i32
    %dma_wait3A_371 = arith.constant 0 : i32
    %dma_wait3A_372 = tpu.memref_slice %arg21[%dma_wait3A_366, %dma_wait3A_370, %dma_wait3A_371] : memref<3x512x2048xf32, #tpu.memory_space<vmem>> -> memref<1x512x2048xf32, #tpu.memory_space<vmem>>
    %dma_wait3A_373 = tpu.memref_squeeze %dma_wait3A_372 : memref<1x512x2048xf32, #tpu.memory_space<vmem>> -> memref<512x2048xf32, #tpu.memory_space<vmem>>
    %dma_wait3A_374 = arith.constant 3584 : i32
    %dma_wait3A_375 = arith.constant 0 : i32
    %dma_wait3A_376 = tpu.memref_slice %arg10[%dma_wait3A_374, %dma_wait3A_375] : memref<16384x2048xf32, #tpu.memory_space<any>> -> memref<512x2048xf32, #tpu.memory_space<any>>
    tpu.wait_dma2 semaphore(%dma_wait3A_369 : memref<!tpu.dma_semaphore, #tpu.memory_space<semaphore_mem>>) src(%dma_wait3A_376 : memref<512x2048xf32, #tpu.memory_space<any>>) dst(%dma_wait3A_373 : memref<512x2048xf32, #tpu.memory_space<vmem>>)
    %dma_start3A_377 = arith.constant 1 : i32
    %dma_start3A_378 = arith.constant 1 : i32
    %dma_start3A_379 = tpu.memref_slice %arg23[%dma_start3A_378] : memref<3x!tpu.dma_semaphore, #tpu.memory_space<semaphore_mem>> -> memref<1x!tpu.dma_semaphore, #tpu.memory_space<semaphore_mem>>
    %dma_start3A_380 = tpu.memref_squeeze %dma_start3A_379 : memref<1x!tpu.dma_semaphore, #tpu.memory_space<semaphore_mem>> -> memref<!tpu.dma_semaphore, #tpu.memory_space<semaphore_mem>>
    %dma_start3A_381 = arith.constant 3584 : i32
    %dma_start3A_382 = arith.constant 0 : i32
    %dma_start3A_383 = tpu.memref_slice %arg13[%dma_start3A_381, %dma_start3A_382] : memref<16384x2048xf32, #tpu.memory_space<any>> -> memref<512x2048xf32, #tpu.memory_space<any>>
    %dma_start3A_384 = arith.constant 0 : i32
    %dma_start3A_385 = arith.constant 0 : i32
    %dma_start3A_386 = tpu.memref_slice %arg21[%dma_start3A_377, %dma_start3A_384, %dma_start3A_385] : memref<3x512x2048xf32, #tpu.memory_space<vmem>> -> memref<1x512x2048xf32, #tpu.memory_space<vmem>>
    %dma_start3A_387 = tpu.memref_squeeze %dma_start3A_386 : memref<1x512x2048xf32, #tpu.memory_space<vmem>> -> memref<512x2048xf32, #tpu.memory_space<vmem>>
    tpu.enqueue_dma source(%dma_start3A_387 : memref<512x2048xf32, #tpu.memory_space<vmem>>) target(%dma_start3A_383 : memref<512x2048xf32, #tpu.memory_space<any>>) target_semaphore(%dma_start3A_380 : memref<!tpu.dma_semaphore, #tpu.memory_space<semaphore_mem>>)
    %get3A_388 = arith.constant 0 : index
    %get3A_389 = arith.constant 0 : index
    %get3A_390 = vector.load %arg17[%get3A_388, %get3A_389] : memref<128x2048xf32, #tpu.memory_space<vmem>>, vector<128x2048xf32>
    %get3A_391 = arith.constant 0 : index
    %get3A_392 = arith.constant 0 : index
    %get3A_393 = vector.load %arg15[%get3A_391, %get3A_392] : memref<2048x2048xf32, #tpu.memory_space<vmem>>, vector<2048x256xf32>
    %dot_general3A_394 = arith.constant dense<0.000000e+00> : vector<128x256xf32>
    %dot_general3A_395 = tpu.matmul %get3A_390, %get3A_393, %dot_general3A_394 {dimension_numbers = #tpu.dot_dimension_numbers<[1], [0], [0], [1], [0, 0, 1, 1], [], []>, transpose_lhs_hint = false} : vector<128x2048xf32>, vector<2048x256xf32>, vector<128x256xf32> -> vector<128x256xf32>
    %get3A_396 = arith.constant 0 : index
    %get3A_397 = arith.constant 0 : index
    %get3A_398 = vector.load %arg0[%get3A_396, %get3A_397] : memref<128x2048xf32, #tpu.memory_space<vmem>>, vector<128x2048xf32>
    %get3A_399 = arith.constant 0 : index
    %get3A_400 = arith.constant 1024 : index
    %get3A_401 = vector.load %arg15[%get3A_399, %get3A_400] : memref<2048x2048xf32, #tpu.memory_space<vmem>>, vector<2048x256xf32>
    %dot_general3A_402 = arith.constant dense<0.000000e+00> : vector<128x256xf32>
    %dot_general3A_403 = tpu.matmul %get3A_398, %get3A_401, %dot_general3A_402 {dimension_numbers = #tpu.dot_dimension_numbers<[1], [0], [0], [1], [0, 0, 1, 1], [], []>, transpose_lhs_hint = false} : vector<128x2048xf32>, vector<2048x256xf32>, vector<128x256xf32> -> vector<128x256xf32>
    %add3A = arith.addf %dot_general3A_395, %dot_general3A_403 : vector<128x256xf32>
    %get3A_404 = arith.constant 0 : index
    %get3A_405 = arith.constant 0 : index
    %get3A_406 = vector.load %arg5[%get3A_404, %get3A_405] : memref<1x1024xf32, #tpu.memory_space<vmem>>, vector<1x256xf32>
    %add3A_407 = vector.broadcast %get3A_406 : vector<1x256xf32> to vector<128x256xf32>
    %add3A_408 = arith.addf %add3A, %add3A_407 : vector<128x256xf32>
    %swap3A_409 = arith.constant 0 : index
    %swap3A_410 = arith.constant 0 : index
    %swap3A_411 = vector.load %arg20[%swap3A_409, %swap3A_410] : memref<128x1024xf32, #tpu.memory_space<vmem>>, vector<128x256xf32>
    tpu.vector_store %arg20[%swap3A_409, %swap3A_410], %add3A_408 {strides = array<i32>} : memref<128x1024xf32, #tpu.memory_space<vmem>>, vector<128x256xf32>,
    %dma_wait3A_412 = arith.constant 1 : i32
    %dma_wait3A_413 = arith.constant 1 : i32
    %dma_wait3A_414 = tpu.memref_slice %arg23[%dma_wait3A_413] : memref<3x!tpu.dma_semaphore, #tpu.memory_space<semaphore_mem>> -> memref<1x!tpu.dma_semaphore, #tpu.memory_space<semaphore_mem>>
    %dma_wait3A_415 = tpu.memref_squeeze %dma_wait3A_414 : memref<1x!tpu.dma_semaphore, #tpu.memory_space<semaphore_mem>> -> memref<!tpu.dma_semaphore, #tpu.memory_space<semaphore_mem>>
    %dma_wait3A_416 = arith.constant 3584 : i32
    %dma_wait3A_417 = arith.constant 0 : i32
    %dma_wait3A_418 = tpu.memref_slice %arg13[%dma_wait3A_416, %dma_wait3A_417] : memref<16384x2048xf32, #tpu.memory_space<any>> -> memref<512x2048xf32, #tpu.memory_space<any>>
    %dma_wait3A_419 = arith.constant 0 : i32
    %dma_wait3A_420 = arith.constant 0 : i32
    %dma_wait3A_421 = tpu.memref_slice %arg21[%dma_wait3A_412, %dma_wait3A_419, %dma_wait3A_420] : memref<3x512x2048xf32, #tpu.memory_space<vmem>> -> memref<1x512x2048xf32, #tpu.memory_space<vmem>>
    %dma_wait3A_422 = tpu.memref_squeeze %dma_wait3A_421 : memref<1x512x2048xf32, #tpu.memory_space<vmem>> -> memref<512x2048xf32, #tpu.memory_space<vmem>>
    tpu.wait_dma2 semaphore(%dma_wait3A_415 : memref<!tpu.dma_semaphore, #tpu.memory_space<semaphore_mem>>) src(%dma_wait3A_422 : memref<512x2048xf32, #tpu.memory_space<vmem>>) dst(%dma_wait3A_418 : memref<512x2048xf32, #tpu.memory_space<any>>)
    %dma_start3A_423 = arith.constant 1 : i32
    %dma_start3A_424 = arith.constant 1 : i32
    %dma_start3A_425 = tpu.memref_slice %arg22[%dma_start3A_424] : memref<3x!tpu.dma_semaphore, #tpu.memory_space<semaphore_mem>> -> memref<1x!tpu.dma_semaphore, #tpu.memory_space<semaphore_mem>>
    %dma_start3A_426 = tpu.memref_squeeze %dma_start3A_425 : memref<1x!tpu.dma_semaphore, #tpu.memory_space<semaphore_mem>> -> memref<!tpu.dma_semaphore, #tpu.memory_space<semaphore_mem>>
    %dma_start3A_427 = arith.constant 0 : i32
    %dma_start3A_428 = arith.constant 0 : i32
    %dma_start3A_429 = tpu.memref_slice %arg21[%dma_start3A_423, %dma_start3A_427, %dma_start3A_428] : memref<3x512x2048xf32, #tpu.memory_space<vmem>> -> memref<1x512x2048xf32, #tpu.memory_space<vmem>>
    %dma_start3A_430 = tpu.memref_squeeze %dma_start3A_429 : memref<1x512x2048xf32, #tpu.memory_space<vmem>> -> memref<512x2048xf32, #tpu.memory_space<vmem>>
    %dma_start3A_431 = arith.constant 5120 : i32
    %dma_start3A_432 = arith.constant 0 : i32
    %dma_start3A_433 = tpu.memref_slice %arg10[%dma_start3A_431, %dma_start3A_432] : memref<16384x2048xf32, #tpu.memory_space<any>> -> memref<512x2048xf32, #tpu.memory_space<any>>
    tpu.enqueue_dma source(%dma_start3A_433 : memref<512x2048xf32, #tpu.memory_space<any>>) target(%dma_start3A_430 : memref<512x2048xf32, #tpu.memory_space<vmem>>) target_semaphore(%dma_start3A_426 : memref<!tpu.dma_semaphore, #tpu.memory_space<semaphore_mem>>)
    %dma_wait3A_434 = arith.constant 2 : i32
    %dma_wait3A_435 = arith.constant 2 : i32
    %dma_wait3A_436 = tpu.memref_slice %arg22[%dma_wait3A_435] : memref<3x!tpu.dma_semaphore, #tpu.memory_space<semaphore_mem>> -> memref<1x!tpu.dma_semaphore, #tpu.memory_space<semaphore_mem>>
    %dma_wait3A_437 = tpu.memref_squeeze %dma_wait3A_436 : memref<1x!tpu.dma_semaphore, #tpu.memory_space<semaphore_mem>> -> memref<!tpu.dma_semaphore, #tpu.memory_space<semaphore_mem>>
    %dma_wait3A_438 = arith.constant 0 : i32
    %dma_wait3A_439 = arith.constant 0 : i32
    %dma_wait3A_440 = tpu.memref_slice %arg21[%dma_wait3A_434, %dma_wait3A_438, %dma_wait3A_439] : memref<3x512x2048xf32, #tpu.memory_space<vmem>> -> memref<1x512x2048xf32, #tpu.memory_space<vmem>>
    %dma_wait3A_441 = tpu.memref_squeeze %dma_wait3A_440 : memref<1x512x2048xf32, #tpu.memory_space<vmem>> -> memref<512x2048xf32, #tpu.memory_space<vmem>>
    %dma_wait3A_442 = arith.constant 4096 : i32
    %dma_wait3A_443 = arith.constant 0 : i32
    %dma_wait3A_444 = tpu.memref_slice %arg10[%dma_wait3A_442, %dma_wait3A_443] : memref<16384x2048xf32, #tpu.memory_space<any>> -> memref<512x2048xf32, #tpu.memory_space<any>>
    tpu.wait_dma2 semaphore(%dma_wait3A_437 : memref<!tpu.dma_semaphore, #tpu.memory_space<semaphore_mem>>) src(%dma_wait3A_444 : memref<512x2048xf32, #tpu.memory_space<any>>) dst(%dma_wait3A_441 : memref<512x2048xf32, #tpu.memory_space<vmem>>)
    %dma_start3A_445 = arith.constant 2 : i32
    %dma_start3A_446 = arith.constant 2 : i32
    %dma_start3A_447 = tpu.memref_slice %arg23[%dma_start3A_446] : memref<3x!tpu.dma_semaphore, #tpu.memory_space<semaphore_mem>> -> memref<1x!tpu.dma_semaphore, #tpu.memory_space<semaphore_mem>>
    %dma_start3A_448 = tpu.memref_squeeze %dma_start3A_447 : memref<1x!tpu.dma_semaphore, #tpu.memory_space<semaphore_mem>> -> memref<!tpu.dma_semaphore, #tpu.memory_space<semaphore_mem>>
    %dma_start3A_449 = arith.constant 4096 : i32
    %dma_start3A_450 = arith.constant 0 : i32
    %dma_start3A_451 = tpu.memref_slice %arg13[%dma_start3A_449, %dma_start3A_450] : memref<16384x2048xf32, #tpu.memory_space<any>> -> memref<512x2048xf32, #tpu.memory_space<any>>
    %dma_start3A_452 = arith.constant 0 : i32
    %dma_start3A_453 = arith.constant 0 : i32
    %dma_start3A_454 = tpu.memref_slice %arg21[%dma_start3A_445, %dma_start3A_452, %dma_start3A_453] : memref<3x512x2048xf32, #tpu.memory_space<vmem>> -> memref<1x512x2048xf32, #tpu.memory_space<vmem>>
    %dma_start3A_455 = tpu.memref_squeeze %dma_start3A_454 : memref<1x512x2048xf32, #tpu.memory_space<vmem>> -> memref<512x2048xf32, #tpu.memory_space<vmem>>
    tpu.enqueue_dma source(%dma_start3A_455 : memref<512x2048xf32, #tpu.memory_space<vmem>>) target(%dma_start3A_451 : memref<512x2048xf32, #tpu.memory_space<any>>) target_semaphore(%dma_start3A_448 : memref<!tpu.dma_semaphore, #tpu.memory_space<semaphore_mem>>)
    %get3A_456 = arith.constant 0 : index
    %get3A_457 = arith.constant 0 : index
    %get3A_458 = vector.load %arg17[%get3A_456, %get3A_457] : memref<128x2048xf32, #tpu.memory_space<vmem>>, vector<128x2048xf32>
    %get3A_459 = arith.constant 0 : index
    %get3A_460 = arith.constant 256 : index
    %get3A_461 = vector.load %arg15[%get3A_459, %get3A_460] : memref<2048x2048xf32, #tpu.memory_space<vmem>>, vector<2048x256xf32>
    %dot_general3A_462 = arith.constant dense<0.000000e+00> : vector<128x256xf32>
    %dot_general3A_463 = tpu.matmul %get3A_458, %get3A_461, %dot_general3A_462 {dimension_numbers = #tpu.dot_dimension_numbers<[1], [0], [0], [1], [0, 0, 1, 1], [], []>, transpose_lhs_hint = false} : vector<128x2048xf32>, vector<2048x256xf32>, vector<128x256xf32> -> vector<128x256xf32>
    %get3A_464 = arith.constant 0 : index
    %get3A_465 = arith.constant 0 : index
    %get3A_466 = vector.load %arg0[%get3A_464, %get3A_465] : memref<128x2048xf32, #tpu.memory_space<vmem>>, vector<128x2048xf32>
    %get3A_467 = arith.constant 0 : index
    %get3A_468 = arith.constant 1280 : index
    %get3A_469 = vector.load %arg15[%get3A_467, %get3A_468] : memref<2048x2048xf32, #tpu.memory_space<vmem>>, vector<2048x256xf32>
    %dot_general3A_470 = arith.constant dense<0.000000e+00> : vector<128x256xf32>
    %dot_general3A_471 = tpu.matmul %get3A_466, %get3A_469, %dot_general3A_470 {dimension_numbers = #tpu.dot_dimension_numbers<[1], [0], [0], [1], [0, 0, 1, 1], [], []>, transpose_lhs_hint = false} : vector<128x2048xf32>, vector<2048x256xf32>, vector<128x256xf32> -> vector<128x256xf32>
    %add3A_472 = arith.addf %dot_general3A_463, %dot_general3A_471 : vector<128x256xf32>
    %get3A_473 = arith.constant 0 : index
    %get3A_474 = arith.constant 256 : index
    %get3A_475 = vector.load %arg5[%get3A_473, %get3A_474] : memref<1x1024xf32, #tpu.memory_space<vmem>>, vector<1x256xf32>
    %add3A_476 = vector.broadcast %get3A_475 : vector<1x256xf32> to vector<128x256xf32>
    %add3A_477 = arith.addf %add3A_472, %add3A_476 : vector<128x256xf32>
    %swap3A_478 = arith.constant 0 : index
    %swap3A_479 = arith.constant 256 : index
    %swap3A_480 = vector.load %arg20[%swap3A_478, %swap3A_479] : memref<128x1024xf32, #tpu.memory_space<vmem>>, vector<128x256xf32>
    tpu.vector_store %arg20[%swap3A_478, %swap3A_479], %add3A_477 {strides = array<i32>} : memref<128x1024xf32, #tpu.memory_space<vmem>>, vector<128x256xf32>,
    %dma_wait3A_481 = arith.constant 2 : i32
    %dma_wait3A_482 = arith.constant 2 : i32
    %dma_wait3A_483 = tpu.memref_slice %arg23[%dma_wait3A_482] : memref<3x!tpu.dma_semaphore, #tpu.memory_space<semaphore_mem>> -> memref<1x!tpu.dma_semaphore, #tpu.memory_space<semaphore_mem>>
    %dma_wait3A_484 = tpu.memref_squeeze %dma_wait3A_483 : memref<1x!tpu.dma_semaphore, #tpu.memory_space<semaphore_mem>> -> memref<!tpu.dma_semaphore, #tpu.memory_space<semaphore_mem>>
    %dma_wait3A_485 = arith.constant 4096 : i32
    %dma_wait3A_486 = arith.constant 0 : i32
    %dma_wait3A_487 = tpu.memref_slice %arg13[%dma_wait3A_485, %dma_wait3A_486] : memref<16384x2048xf32, #tpu.memory_space<any>> -> memref<512x2048xf32, #tpu.memory_space<any>>
    %dma_wait3A_488 = arith.constant 0 : i32
    %dma_wait3A_489 = arith.constant 0 : i32
    %dma_wait3A_490 = tpu.memref_slice %arg21[%dma_wait3A_481, %dma_wait3A_488, %dma_wait3A_489] : memref<3x512x2048xf32, #tpu.memory_space<vmem>> -> memref<1x512x2048xf32, #tpu.memory_space<vmem>>
    %dma_wait3A_491 = tpu.memref_squeeze %dma_wait3A_490 : memref<1x512x2048xf32, #tpu.memory_space<vmem>> -> memref<512x2048xf32, #tpu.memory_space<vmem>>
    tpu.wait_dma2 semaphore(%dma_wait3A_484 : memref<!tpu.dma_semaphore, #tpu.memory_space<semaphore_mem>>) src(%dma_wait3A_491 : memref<512x2048xf32, #tpu.memory_space<vmem>>) dst(%dma_wait3A_487 : memref<512x2048xf32, #tpu.memory_space<any>>)
    %dma_start3A_492 = arith.constant 2 : i32
    %dma_start3A_493 = arith.constant 2 : i32
    %dma_start3A_494 = tpu.memref_slice %arg22[%dma_start3A_493] : memref<3x!tpu.dma_semaphore, #tpu.memory_space<semaphore_mem>> -> memref<1x!tpu.dma_semaphore, #tpu.memory_space<semaphore_mem>>
    %dma_start3A_495 = tpu.memref_squeeze %dma_start3A_494 : memref<1x!tpu.dma_semaphore, #tpu.memory_space<semaphore_mem>> -> memref<!tpu.dma_semaphore, #tpu.memory_space<semaphore_mem>>
    %dma_start3A_496 = arith.constant 0 : i32
    %dma_start3A_497 = arith.constant 0 : i32
    %dma_start3A_498 = tpu.memref_slice %arg21[%dma_start3A_492, %dma_start3A_496, %dma_start3A_497] : memref<3x512x2048xf32, #tpu.memory_space<vmem>> -> memref<1x512x2048xf32, #tpu.memory_space<vmem>>
    %dma_start3A_499 = tpu.memref_squeeze %dma_start3A_498 : memref<1x512x2048xf32, #tpu.memory_space<vmem>> -> memref<512x2048xf32, #tpu.memory_space<vmem>>
    %dma_start3A_500 = arith.constant 5632 : i32
    %dma_start3A_501 = arith.constant 0 : i32
    %dma_start3A_502 = tpu.memref_slice %arg10[%dma_start3A_500, %dma_start3A_501] : memref<16384x2048xf32, #tpu.memory_space<any>> -> memref<512x2048xf32, #tpu.memory_space<any>>
    tpu.enqueue_dma source(%dma_start3A_502 : memref<512x2048xf32, #tpu.memory_space<any>>) target(%dma_start3A_499 : memref<512x2048xf32, #tpu.memory_space<vmem>>) target_semaphore(%dma_start3A_495 : memref<!tpu.dma_semaphore, #tpu.memory_space<semaphore_mem>>)
    %dma_wait3A_503 = arith.constant 0 : i32
    %dma_wait3A_504 = arith.constant 0 : i32
    %dma_wait3A_505 = tpu.memref_slice %arg22[%dma_wait3A_504] : memref<3x!tpu.dma_semaphore, #tpu.memory_space<semaphore_mem>> -> memref<1x!tpu.dma_semaphore, #tpu.memory_space<semaphore_mem>>
    %dma_wait3A_506 = tpu.memref_squeeze %dma_wait3A_505 : memref<1x!tpu.dma_semaphore, #tpu.memory_space<semaphore_mem>> -> memref<!tpu.dma_semaphore, #tpu.memory_space<semaphore_mem>>
    %dma_wait3A_507 = arith.constant 0 : i32
    %dma_wait3A_508 = arith.constant 0 : i32
    %dma_wait3A_509 = tpu.memref_slice %arg21[%dma_wait3A_503, %dma_wait3A_507, %dma_wait3A_508] : memref<3x512x2048xf32, #tpu.memory_space<vmem>> -> memref<1x512x2048xf32, #tpu.memory_space<vmem>>
    %dma_wait3A_510 = tpu.memref_squeeze %dma_wait3A_509 : memref<1x512x2048xf32, #tpu.memory_space<vmem>> -> memref<512x2048xf32, #tpu.memory_space<vmem>>
    %dma_wait3A_511 = arith.constant 4608 : i32
    %dma_wait3A_512 = arith.constant 0 : i32
    %dma_wait3A_513 = tpu.memref_slice %arg10[%dma_wait3A_511, %dma_wait3A_512] : memref<16384x2048xf32, #tpu.memory_space<any>> -> memref<512x2048xf32, #tpu.memory_space<any>>
    tpu.wait_dma2 semaphore(%dma_wait3A_506 : memref<!tpu.dma_semaphore, #tpu.memory_space<semaphore_mem>>) src(%dma_wait3A_513 : memref<512x2048xf32, #tpu.memory_space<any>>) dst(%dma_wait3A_510 : memref<512x2048xf32, #tpu.memory_space<vmem>>)
    %dma_start3A_514 = arith.constant 0 : i32
    %dma_start3A_515 = arith.constant 0 : i32
    %dma_start3A_516 = tpu.memref_slice %arg23[%dma_start3A_515] : memref<3x!tpu.dma_semaphore, #tpu.memory_space<semaphore_mem>> -> memref<1x!tpu.dma_semaphore, #tpu.memory_space<semaphore_mem>>
    %dma_start3A_517 = tpu.memref_squeeze %dma_start3A_516 : memref<1x!tpu.dma_semaphore, #tpu.memory_space<semaphore_mem>> -> memref<!tpu.dma_semaphore, #tpu.memory_space<semaphore_mem>>
    %dma_start3A_518 = arith.constant 4608 : i32
    %dma_start3A_519 = arith.constant 0 : i32
    %dma_start3A_520 = tpu.memref_slice %arg13[%dma_start3A_518, %dma_start3A_519] : memref<16384x2048xf32, #tpu.memory_space<any>> -> memref<512x2048xf32, #tpu.memory_space<any>>
    %dma_start3A_521 = arith.constant 0 : i32
    %dma_start3A_522 = arith.constant 0 : i32
    %dma_start3A_523 = tpu.memref_slice %arg21[%dma_start3A_514, %dma_start3A_521, %dma_start3A_522] : memref<3x512x2048xf32, #tpu.memory_space<vmem>> -> memref<1x512x2048xf32, #tpu.memory_space<vmem>>
    %dma_start3A_524 = tpu.memref_squeeze %dma_start3A_523 : memref<1x512x2048xf32, #tpu.memory_space<vmem>> -> memref<512x2048xf32, #tpu.memory_space<vmem>>
    tpu.enqueue_dma source(%dma_start3A_524 : memref<512x2048xf32, #tpu.memory_space<vmem>>) target(%dma_start3A_520 : memref<512x2048xf32, #tpu.memory_space<any>>) target_semaphore(%dma_start3A_517 : memref<!tpu.dma_semaphore, #tpu.memory_space<semaphore_mem>>)
    %get3A_525 = arith.constant 0 : index
    %get3A_526 = arith.constant 0 : index
    %get3A_527 = vector.load %arg17[%get3A_525, %get3A_526] : memref<128x2048xf32, #tpu.memory_space<vmem>>, vector<128x2048xf32>
    %get3A_528 = arith.constant 0 : index
    %get3A_529 = arith.constant 512 : index
    %get3A_530 = vector.load %arg15[%get3A_528, %get3A_529] : memref<2048x2048xf32, #tpu.memory_space<vmem>>, vector<2048x256xf32>
    %dot_general3A_531 = arith.constant dense<0.000000e+00> : vector<128x256xf32>
    %dot_general3A_532 = tpu.matmul %get3A_527, %get3A_530, %dot_general3A_531 {dimension_numbers = #tpu.dot_dimension_numbers<[1], [0], [0], [1], [0, 0, 1, 1], [], []>, transpose_lhs_hint = false} : vector<128x2048xf32>, vector<2048x256xf32>, vector<128x256xf32> -> vector<128x256xf32>
    %get3A_533 = arith.constant 0 : index
    %get3A_534 = arith.constant 0 : index
    %get3A_535 = vector.load %arg0[%get3A_533, %get3A_534] : memref<128x2048xf32, #tpu.memory_space<vmem>>, vector<128x2048xf32>
    %get3A_536 = arith.constant 0 : index
    %get3A_537 = arith.constant 1536 : index
    %get3A_538 = vector.load %arg15[%get3A_536, %get3A_537] : memref<2048x2048xf32, #tpu.memory_space<vmem>>, vector<2048x256xf32>
    %dot_general3A_539 = arith.constant dense<0.000000e+00> : vector<128x256xf32>
    %dot_general3A_540 = tpu.matmul %get3A_535, %get3A_538, %dot_general3A_539 {dimension_numbers = #tpu.dot_dimension_numbers<[1], [0], [0], [1], [0, 0, 1, 1], [], []>, transpose_lhs_hint = false} : vector<128x2048xf32>, vector<2048x256xf32>, vector<128x256xf32> -> vector<128x256xf32>
    %add3A_541 = arith.addf %dot_general3A_532, %dot_general3A_540 : vector<128x256xf32>
    %get3A_542 = arith.constant 0 : index
    %get3A_543 = arith.constant 512 : index
    %get3A_544 = vector.load %arg5[%get3A_542, %get3A_543] : memref<1x1024xf32, #tpu.memory_space<vmem>>, vector<1x256xf32>
    %add3A_545 = vector.broadcast %get3A_544 : vector<1x256xf32> to vector<128x256xf32>
    %add3A_546 = arith.addf %add3A_541, %add3A_545 : vector<128x256xf32>
    %swap3A_547 = arith.constant 0 : index
    %swap3A_548 = arith.constant 512 : index
    %swap3A_549 = vector.load %arg20[%swap3A_547, %swap3A_548] : memref<128x1024xf32, #tpu.memory_space<vmem>>, vector<128x256xf32>
    tpu.vector_store %arg20[%swap3A_547, %swap3A_548], %add3A_546 {strides = array<i32>} : memref<128x1024xf32, #tpu.memory_space<vmem>>, vector<128x256xf32>,
    %dma_wait3A_550 = arith.constant 0 : i32
    %dma_wait3A_551 = arith.constant 0 : i32
    %dma_wait3A_552 = tpu.memref_slice %arg23[%dma_wait3A_551] : memref<3x!tpu.dma_semaphore, #tpu.memory_space<semaphore_mem>> -> memref<1x!tpu.dma_semaphore, #tpu.memory_space<semaphore_mem>>
    %dma_wait3A_553 = tpu.memref_squeeze %dma_wait3A_552 : memref<1x!tpu.dma_semaphore, #tpu.memory_space<semaphore_mem>> -> memref<!tpu.dma_semaphore, #tpu.memory_space<semaphore_mem>>
    %dma_wait3A_554 = arith.constant 4608 : i32
    %dma_wait3A_555 = arith.constant 0 : i32
    %dma_wait3A_556 = tpu.memref_slice %arg13[%dma_wait3A_554, %dma_wait3A_555] : memref<16384x2048xf32, #tpu.memory_space<any>> -> memref<512x2048xf32, #tpu.memory_space<any>>
    %dma_wait3A_557 = arith.constant 0 : i32
    %dma_wait3A_558 = arith.constant 0 : i32
    %dma_wait3A_559 = tpu.memref_slice %arg21[%dma_wait3A_550, %dma_wait3A_557, %dma_wait3A_558] : memref<3x512x2048xf32, #tpu.memory_space<vmem>> -> memref<1x512x2048xf32, #tpu.memory_space<vmem>>
    %dma_wait3A_560 = tpu.memref_squeeze %dma_wait3A_559 : memref<1x512x2048xf32, #tpu.memory_space<vmem>> -> memref<512x2048xf32, #tpu.memory_space<vmem>>
    tpu.wait_dma2 semaphore(%dma_wait3A_553 : memref<!tpu.dma_semaphore, #tpu.memory_space<semaphore_mem>>) src(%dma_wait3A_560 : memref<512x2048xf32, #tpu.memory_space<vmem>>) dst(%dma_wait3A_556 : memref<512x2048xf32, #tpu.memory_space<any>>)
    %dma_start3A_561 = arith.constant 0 : i32
    %dma_start3A_562 = arith.constant 0 : i32
    %dma_start3A_563 = tpu.memref_slice %arg22[%dma_start3A_562] : memref<3x!tpu.dma_semaphore, #tpu.memory_space<semaphore_mem>> -> memref<1x!tpu.dma_semaphore, #tpu.memory_space<semaphore_mem>>
    %dma_start3A_564 = tpu.memref_squeeze %dma_start3A_563 : memref<1x!tpu.dma_semaphore, #tpu.memory_space<semaphore_mem>> -> memref<!tpu.dma_semaphore, #tpu.memory_space<semaphore_mem>>
    %dma_start3A_565 = arith.constant 0 : i32
    %dma_start3A_566 = arith.constant 0 : i32
    %dma_start3A_567 = tpu.memref_slice %arg21[%dma_start3A_561, %dma_start3A_565, %dma_start3A_566] : memref<3x512x2048xf32, #tpu.memory_space<vmem>> -> memref<1x512x2048xf32, #tpu.memory_space<vmem>>
    %dma_start3A_568 = tpu.memref_squeeze %dma_start3A_567 : memref<1x512x2048xf32, #tpu.memory_space<vmem>> -> memref<512x2048xf32, #tpu.memory_space<vmem>>
    %dma_start3A_569 = arith.constant 6144 : i32
    %dma_start3A_570 = arith.constant 0 : i32
    %dma_start3A_571 = tpu.memref_slice %arg10[%dma_start3A_569, %dma_start3A_570] : memref<16384x2048xf32, #tpu.memory_space<any>> -> memref<512x2048xf32, #tpu.memory_space<any>>
    tpu.enqueue_dma source(%dma_start3A_571 : memref<512x2048xf32, #tpu.memory_space<any>>) target(%dma_start3A_568 : memref<512x2048xf32, #tpu.memory_space<vmem>>) target_semaphore(%dma_start3A_564 : memref<!tpu.dma_semaphore, #tpu.memory_space<semaphore_mem>>)
    %dma_wait3A_572 = arith.constant 1 : i32
    %dma_wait3A_573 = arith.constant 1 : i32
    %dma_wait3A_574 = tpu.memref_slice %arg22[%dma_wait3A_573] : memref<3x!tpu.dma_semaphore, #tpu.memory_space<semaphore_mem>> -> memref<1x!tpu.dma_semaphore, #tpu.memory_space<semaphore_mem>>
    %dma_wait3A_575 = tpu.memref_squeeze %dma_wait3A_574 : memref<1x!tpu.dma_semaphore, #tpu.memory_space<semaphore_mem>> -> memref<!tpu.dma_semaphore, #tpu.memory_space<semaphore_mem>>
    %dma_wait3A_576 = arith.constant 0 : i32
    %dma_wait3A_577 = arith.constant 0 : i32
    %dma_wait3A_578 = tpu.memref_slice %arg21[%dma_wait3A_572, %dma_wait3A_576, %dma_wait3A_577] : memref<3x512x2048xf32, #tpu.memory_space<vmem>> -> memref<1x512x2048xf32, #tpu.memory_space<vmem>>
    %dma_wait3A_579 = tpu.memref_squeeze %dma_wait3A_578 : memref<1x512x2048xf32, #tpu.memory_space<vmem>> -> memref<512x2048xf32, #tpu.memory_space<vmem>>
    %dma_wait3A_580 = arith.constant 5120 : i32
    %dma_wait3A_581 = arith.constant 0 : i32
    %dma_wait3A_582 = tpu.memref_slice %arg10[%dma_wait3A_580, %dma_wait3A_581] : memref<16384x2048xf32, #tpu.memory_space<any>> -> memref<512x2048xf32, #tpu.memory_space<any>>
    tpu.wait_dma2 semaphore(%dma_wait3A_575 : memref<!tpu.dma_semaphore, #tpu.memory_space<semaphore_mem>>) src(%dma_wait3A_582 : memref<512x2048xf32, #tpu.memory_space<any>>) dst(%dma_wait3A_579 : memref<512x2048xf32, #tpu.memory_space<vmem>>)
    %dma_start3A_583 = arith.constant 1 : i32
    %dma_start3A_584 = arith.constant 1 : i32
    %dma_start3A_585 = tpu.memref_slice %arg23[%dma_start3A_584] : memref<3x!tpu.dma_semaphore, #tpu.memory_space<semaphore_mem>> -> memref<1x!tpu.dma_semaphore, #tpu.memory_space<semaphore_mem>>
    %dma_start3A_586 = tpu.memref_squeeze %dma_start3A_585 : memref<1x!tpu.dma_semaphore, #tpu.memory_space<semaphore_mem>> -> memref<!tpu.dma_semaphore, #tpu.memory_space<semaphore_mem>>
    %dma_start3A_587 = arith.constant 5120 : i32
    %dma_start3A_588 = arith.constant 0 : i32
    %dma_start3A_589 = tpu.memref_slice %arg13[%dma_start3A_587, %dma_start3A_588] : memref<16384x2048xf32, #tpu.memory_space<any>> -> memref<512x2048xf32, #tpu.memory_space<any>>
    %dma_start3A_590 = arith.constant 0 : i32
    %dma_start3A_591 = arith.constant 0 : i32
    %dma_start3A_592 = tpu.memref_slice %arg21[%dma_start3A_583, %dma_start3A_590, %dma_start3A_591] : memref<3x512x2048xf32, #tpu.memory_space<vmem>> -> memref<1x512x2048xf32, #tpu.memory_space<vmem>>
    %dma_start3A_593 = tpu.memref_squeeze %dma_start3A_592 : memref<1x512x2048xf32, #tpu.memory_space<vmem>> -> memref<512x2048xf32, #tpu.memory_space<vmem>>
    tpu.enqueue_dma source(%dma_start3A_593 : memref<512x2048xf32, #tpu.memory_space<vmem>>) target(%dma_start3A_589 : memref<512x2048xf32, #tpu.memory_space<any>>) target_semaphore(%dma_start3A_586 : memref<!tpu.dma_semaphore, #tpu.memory_space<semaphore_mem>>)
    %get3A_594 = arith.constant 0 : index
    %get3A_595 = arith.constant 0 : index
    %get3A_596 = vector.load %arg17[%get3A_594, %get3A_595] : memref<128x2048xf32, #tpu.memory_space<vmem>>, vector<128x2048xf32>
    %get3A_597 = arith.constant 0 : index
    %get3A_598 = arith.constant 768 : index
    %get3A_599 = vector.load %arg15[%get3A_597, %get3A_598] : memref<2048x2048xf32, #tpu.memory_space<vmem>>, vector<2048x256xf32>
    %dot_general3A_600 = arith.constant dense<0.000000e+00> : vector<128x256xf32>
    %dot_general3A_601 = tpu.matmul %get3A_596, %get3A_599, %dot_general3A_600 {dimension_numbers = #tpu.dot_dimension_numbers<[1], [0], [0], [1], [0, 0, 1, 1], [], []>, transpose_lhs_hint = false} : vector<128x2048xf32>, vector<2048x256xf32>, vector<128x256xf32> -> vector<128x256xf32>
    %get3A_602 = arith.constant 0 : index
    %get3A_603 = arith.constant 0 : index
    %get3A_604 = vector.load %arg0[%get3A_602, %get3A_603] : memref<128x2048xf32, #tpu.memory_space<vmem>>, vector<128x2048xf32>
    %get3A_605 = arith.constant 0 : index
    %get3A_606 = arith.constant 1792 : index
    %get3A_607 = vector.load %arg15[%get3A_605, %get3A_606] : memref<2048x2048xf32, #tpu.memory_space<vmem>>, vector<2048x256xf32>
    %dot_general3A_608 = arith.constant dense<0.000000e+00> : vector<128x256xf32>
    %dot_general3A_609 = tpu.matmul %get3A_604, %get3A_607, %dot_general3A_608 {dimension_numbers = #tpu.dot_dimension_numbers<[1], [0], [0], [1], [0, 0, 1, 1], [], []>, transpose_lhs_hint = false} : vector<128x2048xf32>, vector<2048x256xf32>, vector<128x256xf32> -> vector<128x256xf32>
    %add3A_610 = arith.addf %dot_general3A_601, %dot_general3A_609 : vector<128x256xf32>
    %get3A_611 = arith.constant 0 : index
    %get3A_612 = arith.constant 768 : index
    %get3A_613 = vector.load %arg5[%get3A_611, %get3A_612] : memref<1x1024xf32, #tpu.memory_space<vmem>>, vector<1x256xf32>
    %add3A_614 = vector.broadcast %get3A_613 : vector<1x256xf32> to vector<128x256xf32>
    %add3A_615 = arith.addf %add3A_610, %add3A_614 : vector<128x256xf32>
    %swap3A_616 = arith.constant 0 : index
    %swap3A_617 = arith.constant 768 : index
    %swap3A_618 = vector.load %arg20[%swap3A_616, %swap3A_617] : memref<128x1024xf32, #tpu.memory_space<vmem>>, vector<128x256xf32>
    tpu.vector_store %arg20[%swap3A_616, %swap3A_617], %add3A_615 {strides = array<i32>} : memref<128x1024xf32, #tpu.memory_space<vmem>>, vector<128x256xf32>,
    %dma_wait3A_619 = arith.constant 1 : i32
    %dma_wait3A_620 = arith.constant 1 : i32
    %dma_wait3A_621 = tpu.memref_slice %arg23[%dma_wait3A_620] : memref<3x!tpu.dma_semaphore, #tpu.memory_space<semaphore_mem>> -> memref<1x!tpu.dma_semaphore, #tpu.memory_space<semaphore_mem>>
    %dma_wait3A_622 = tpu.memref_squeeze %dma_wait3A_621 : memref<1x!tpu.dma_semaphore, #tpu.memory_space<semaphore_mem>> -> memref<!tpu.dma_semaphore, #tpu.memory_space<semaphore_mem>>
    %dma_wait3A_623 = arith.constant 5120 : i32
    %dma_wait3A_624 = arith.constant 0 : i32
    %dma_wait3A_625 = tpu.memref_slice %arg13[%dma_wait3A_623, %dma_wait3A_624] : memref<16384x2048xf32, #tpu.memory_space<any>> -> memref<512x2048xf32, #tpu.memory_space<any>>
    %dma_wait3A_626 = arith.constant 0 : i32
    %dma_wait3A_627 = arith.constant 0 : i32
    %dma_wait3A_628 = tpu.memref_slice %arg21[%dma_wait3A_619, %dma_wait3A_626, %dma_wait3A_627] : memref<3x512x2048xf32, #tpu.memory_space<vmem>> -> memref<1x512x2048xf32, #tpu.memory_space<vmem>>
    %dma_wait3A_629 = tpu.memref_squeeze %dma_wait3A_628 : memref<1x512x2048xf32, #tpu.memory_space<vmem>> -> memref<512x2048xf32, #tpu.memory_space<vmem>>
    tpu.wait_dma2 semaphore(%dma_wait3A_622 : memref<!tpu.dma_semaphore, #tpu.memory_space<semaphore_mem>>) src(%dma_wait3A_629 : memref<512x2048xf32, #tpu.memory_space<vmem>>) dst(%dma_wait3A_625 : memref<512x2048xf32, #tpu.memory_space<any>>)
    %dma_start3A_630 = arith.constant 1 : i32
    %dma_start3A_631 = arith.constant 1 : i32
    %dma_start3A_632 = tpu.memref_slice %arg22[%dma_start3A_631] : memref<3x!tpu.dma_semaphore, #tpu.memory_space<semaphore_mem>> -> memref<1x!tpu.dma_semaphore, #tpu.memory_space<semaphore_mem>>
    %dma_start3A_633 = tpu.memref_squeeze %dma_start3A_632 : memref<1x!tpu.dma_semaphore, #tpu.memory_space<semaphore_mem>> -> memref<!tpu.dma_semaphore, #tpu.memory_space<semaphore_mem>>
    %dma_start3A_634 = arith.constant 0 : i32
    %dma_start3A_635 = arith.constant 0 : i32
    %dma_start3A_636 = tpu.memref_slice %arg21[%dma_start3A_630, %dma_start3A_634, %dma_start3A_635] : memref<3x512x2048xf32, #tpu.memory_space<vmem>> -> memref<1x512x2048xf32, #tpu.memory_space<vmem>>
    %dma_start3A_637 = tpu.memref_squeeze %dma_start3A_636 : memref<1x512x2048xf32, #tpu.memory_space<vmem>> -> memref<512x2048xf32, #tpu.memory_space<vmem>>
    %dma_start3A_638 = arith.constant 6656 : i32
    %dma_start3A_639 = arith.constant 0 : i32
    %dma_start3A_640 = tpu.memref_slice %arg10[%dma_start3A_638, %dma_start3A_639] : memref<16384x2048xf32, #tpu.memory_space<any>> -> memref<512x2048xf32, #tpu.memory_space<any>>
    tpu.enqueue_dma source(%dma_start3A_640 : memref<512x2048xf32, #tpu.memory_space<any>>) target(%dma_start3A_637 : memref<512x2048xf32, #tpu.memory_space<vmem>>) target_semaphore(%dma_start3A_633 : memref<!tpu.dma_semaphore, #tpu.memory_space<semaphore_mem>>)
    %dma_wait3A_641 = arith.constant 2 : i32
    %dma_wait3A_642 = arith.constant 2 : i32
    %dma_wait3A_643 = tpu.memref_slice %arg22[%dma_wait3A_642] : memref<3x!tpu.dma_semaphore, #tpu.memory_space<semaphore_mem>> -> memref<1x!tpu.dma_semaphore, #tpu.memory_space<semaphore_mem>>
    %dma_wait3A_644 = tpu.memref_squeeze %dma_wait3A_643 : memref<1x!tpu.dma_semaphore, #tpu.memory_space<semaphore_mem>> -> memref<!tpu.dma_semaphore, #tpu.memory_space<semaphore_mem>>
    %dma_wait3A_645 = arith.constant 0 : i32
    %dma_wait3A_646 = arith.constant 0 : i32
    %dma_wait3A_647 = tpu.memref_slice %arg21[%dma_wait3A_641, %dma_wait3A_645, %dma_wait3A_646] : memref<3x512x2048xf32, #tpu.memory_space<vmem>> -> memref<1x512x2048xf32, #tpu.memory_space<vmem>>
    %dma_wait3A_648 = tpu.memref_squeeze %dma_wait3A_647 : memref<1x512x2048xf32, #tpu.memory_space<vmem>> -> memref<512x2048xf32, #tpu.memory_space<vmem>>
    %dma_wait3A_649 = arith.constant 5632 : i32
    %dma_wait3A_650 = arith.constant 0 : i32
    %dma_wait3A_651 = tpu.memref_slice %arg10[%dma_wait3A_649, %dma_wait3A_650] : memref<16384x2048xf32, #tpu.memory_space<any>> -> memref<512x2048xf32, #tpu.memory_space<any>>
    tpu.wait_dma2 semaphore(%dma_wait3A_644 : memref<!tpu.dma_semaphore, #tpu.memory_space<semaphore_mem>>) src(%dma_wait3A_651 : memref<512x2048xf32, #tpu.memory_space<any>>) dst(%dma_wait3A_648 : memref<512x2048xf32, #tpu.memory_space<vmem>>)
    %dma_start3A_652 = arith.constant 2 : i32
    %dma_start3A_653 = arith.constant 2 : i32
    %dma_start3A_654 = tpu.memref_slice %arg23[%dma_start3A_653] : memref<3x!tpu.dma_semaphore, #tpu.memory_space<semaphore_mem>> -> memref<1x!tpu.dma_semaphore, #tpu.memory_space<semaphore_mem>>
    %dma_start3A_655 = tpu.memref_squeeze %dma_start3A_654 : memref<1x!tpu.dma_semaphore, #tpu.memory_space<semaphore_mem>> -> memref<!tpu.dma_semaphore, #tpu.memory_space<semaphore_mem>>
    %dma_start3A_656 = arith.constant 5632 : i32
    %dma_start3A_657 = arith.constant 0 : i32
    %dma_start3A_658 = tpu.memref_slice %arg13[%dma_start3A_656, %dma_start3A_657] : memref<16384x2048xf32, #tpu.memory_space<any>> -> memref<512x2048xf32, #tpu.memory_space<any>>
    %dma_start3A_659 = arith.constant 0 : i32
    %dma_start3A_660 = arith.constant 0 : i32
    %dma_start3A_661 = tpu.memref_slice %arg21[%dma_start3A_652, %dma_start3A_659, %dma_start3A_660] : memref<3x512x2048xf32, #tpu.memory_space<vmem>> -> memref<1x512x2048xf32, #tpu.memory_space<vmem>>
    %dma_start3A_662 = tpu.memref_squeeze %dma_start3A_661 : memref<1x512x2048xf32, #tpu.memory_space<vmem>> -> memref<512x2048xf32, #tpu.memory_space<vmem>>
    tpu.enqueue_dma source(%dma_start3A_662 : memref<512x2048xf32, #tpu.memory_space<vmem>>) target(%dma_start3A_658 : memref<512x2048xf32, #tpu.memory_space<any>>) target_semaphore(%dma_start3A_655 : memref<!tpu.dma_semaphore, #tpu.memory_space<semaphore_mem>>)
    %get3A_663 = arith.constant 0 : index
    %get3A_664 = arith.constant 0 : index
    %get3A_665 = vector.load %arg4[%get3A_663, %get3A_664] : memref<128x1xi32, #tpu.memory_space<vmem>>, vector<128x1xi32>
    %get3A_666 = arith.constant 0 : index
    %get3A_667 = arith.constant 0 : index
    %get3A_668 = vector.load %arg3[%get3A_666, %get3A_667] : memref<1x128xi32, #tpu.memory_space<vmem>>, vector<1x128xi32>
    %eq3A_669 = vector.broadcast %get3A_665 : vector<128x1xi32> to vector<128x128xi32>
    %eq3A_670 = vector.broadcast %get3A_668 : vector<1x128xi32> to vector<128x128xi32>
    %eq3A_671 = arith.cmpi eq, %eq3A_669, %eq3A_670 : vector<128x128xi32>
    %iota3A_672 = tpu.iota {dimensions = array<i32: 1>} : vector<128x128xi32>
    %jit3A_673 = arith.constant -1 : i32
    %broadcast_in_dim3A_674 = vector.broadcast %jit3A_673 : i32 to vector<128x128xi32>
    %select_n3A_675 = arith.select %eq3A_671, %iota3A_672, %broadcast_in_dim3A_674 : vector<128x128xi1>, vector<128x128xi32>
    %reduce_max3A_676 = arith.constant dense<-2147483648> : vector<128xi32>
    %reduce_max3A_677 = vector.multi_reduction <maxsi>, %select_n3A_675, %reduce_max3A_676 [1] : vector<128x128xi32> to vector<128xi32>
    %broadcast_in_dim3A_678 = vector.shape_cast %reduce_max3A_677 : vector<128xi32> to vector<128x1xi32>
    %eq3A_679 = vector.broadcast %broadcast_in_dim3A_678 : vector<128x1xi32> to vector<128x128xi32>
    %eq3A_680 = arith.cmpi eq, %iota3A_672, %eq3A_679 : vector<128x128xi32>
    %convert_element_type3A_681 = arith.extui %eq3A_680 : vector<128x128xi1> to vector<128x128xi32>
    %convert_element_type3A_682 = arith.sitofp %convert_element_type3A_681 : vector<128x128xi32> to vector<128x128xf32>
    %get3A_683 = arith.constant 0 : index
    %get3A_684 = arith.constant 0 : index
    %get3A_685 = vector.load %arg20[%get3A_683, %get3A_684] : memref<128x1024xf32, #tpu.memory_space<vmem>>, vector<128x1024xf32>
    %dot_general3A_686 = arith.constant dense<0.000000e+00> : vector<128x1024xf32>
    %dot_general3A_687 = tpu.matmul %convert_element_type3A_682, %get3A_685, %dot_general3A_686 {dimension_numbers = #tpu.dot_dimension_numbers<[1], [0], [0], [1], [0, 0, 1, 1], [], []>, transpose_lhs_hint = false} : vector<128x128xf32>, vector<128x1024xf32>, vector<128x1024xf32> -> vector<128x1024xf32>
    %swap3A_688 = arith.constant 0 : index
    %swap3A_689 = arith.constant 0 : index
    %swap3A_690 = vector.load %arg14[%swap3A_688, %swap3A_689] : memref<128x1024xf32, #tpu.memory_space<vmem>>, vector<128x1024xf32>
    tpu.vector_store %arg14[%swap3A_688, %swap3A_689], %dot_general3A_687 {strides = array<i32>} : memref<128x1024xf32, #tpu.memory_space<vmem>>, vector<128x1024xf32>,
    %dma_wait3A_691 = arith.constant 2 : i32
    %dma_wait3A_692 = arith.constant 2 : i32
    %dma_wait3A_693 = tpu.memref_slice %arg23[%dma_wait3A_692] : memref<3x!tpu.dma_semaphore, #tpu.memory_space<semaphore_mem>> -> memref<1x!tpu.dma_semaphore, #tpu.memory_space<semaphore_mem>>
    %dma_wait3A_694 = tpu.memref_squeeze %dma_wait3A_693 : memref<1x!tpu.dma_semaphore, #tpu.memory_space<semaphore_mem>> -> memref<!tpu.dma_semaphore, #tpu.memory_space<semaphore_mem>>
    %dma_wait3A_695 = arith.constant 5632 : i32
    %dma_wait3A_696 = arith.constant 0 : i32
    %dma_wait3A_697 = tpu.memref_slice %arg13[%dma_wait3A_695, %dma_wait3A_696] : memref<16384x2048xf32, #tpu.memory_space<any>> -> memref<512x2048xf32, #tpu.memory_space<any>>
    %dma_wait3A_698 = arith.constant 0 : i32
    %dma_wait3A_699 = arith.constant 0 : i32
    %dma_wait3A_700 = tpu.memref_slice %arg21[%dma_wait3A_691, %dma_wait3A_698, %dma_wait3A_699] : memref<3x512x2048xf32, #tpu.memory_space<vmem>> -> memref<1x512x2048xf32, #tpu.memory_space<vmem>>
    %dma_wait3A_701 = tpu.memref_squeeze %dma_wait3A_700 : memref<1x512x2048xf32, #tpu.memory_space<vmem>> -> memref<512x2048xf32, #tpu.memory_space<vmem>>
    tpu.wait_dma2 semaphore(%dma_wait3A_694 : memref<!tpu.dma_semaphore, #tpu.memory_space<semaphore_mem>>) src(%dma_wait3A_701 : memref<512x2048xf32, #tpu.memory_space<vmem>>) dst(%dma_wait3A_697 : memref<512x2048xf32, #tpu.memory_space<any>>)
    %dma_start3A_702 = arith.constant 2 : i32
    %dma_start3A_703 = arith.constant 2 : i32
    %dma_start3A_704 = tpu.memref_slice %arg22[%dma_start3A_703] : memref<3x!tpu.dma_semaphore, #tpu.memory_space<semaphore_mem>> -> memref<1x!tpu.dma_semaphore, #tpu.memory_space<semaphore_mem>>
    %dma_start3A_705 = tpu.memref_squeeze %dma_start3A_704 : memref<1x!tpu.dma_semaphore, #tpu.memory_space<semaphore_mem>> -> memref<!tpu.dma_semaphore, #tpu.memory_space<semaphore_mem>>
    %dma_start3A_706 = arith.constant 0 : i32
    %dma_start3A_707 = arith.constant 0 : i32
    %dma_start3A_708 = tpu.memref_slice %arg21[%dma_start3A_702, %dma_start3A_706, %dma_start3A_707] : memref<3x512x2048xf32, #tpu.memory_space<vmem>> -> memref<1x512x2048xf32, #tpu.memory_space<vmem>>
    %dma_start3A_709 = tpu.memref_squeeze %dma_start3A_708 : memref<1x512x2048xf32, #tpu.memory_space<vmem>> -> memref<512x2048xf32, #tpu.memory_space<vmem>>
    %dma_start3A_710 = arith.constant 7168 : i32
    %dma_start3A_711 = arith.constant 0 : i32
    %dma_start3A_712 = tpu.memref_slice %arg10[%dma_start3A_710, %dma_start3A_711] : memref<16384x2048xf32, #tpu.memory_space<any>> -> memref<512x2048xf32, #tpu.memory_space<any>>
    tpu.enqueue_dma source(%dma_start3A_712 : memref<512x2048xf32, #tpu.memory_space<any>>) target(%dma_start3A_709 : memref<512x2048xf32, #tpu.memory_space<vmem>>) target_semaphore(%dma_start3A_705 : memref<!tpu.dma_semaphore, #tpu.memory_space<semaphore_mem>>)
    %dma_wait3A_713 = arith.constant 0 : i32
    %dma_wait3A_714 = arith.constant 0 : i32
    %dma_wait3A_715 = tpu.memref_slice %arg22[%dma_wait3A_714] : memref<3x!tpu.dma_semaphore, #tpu.memory_space<semaphore_mem>> -> memref<1x!tpu.dma_semaphore, #tpu.memory_space<semaphore_mem>>
    %dma_wait3A_716 = tpu.memref_squeeze %dma_wait3A_715 : memref<1x!tpu.dma_semaphore, #tpu.memory_space<semaphore_mem>> -> memref<!tpu.dma_semaphore, #tpu.memory_space<semaphore_mem>>
    %dma_wait3A_717 = arith.constant 0 : i32
    %dma_wait3A_718 = arith.constant 0 : i32
    %dma_wait3A_719 = tpu.memref_slice %arg21[%dma_wait3A_713, %dma_wait3A_717, %dma_wait3A_718] : memref<3x512x2048xf32, #tpu.memory_space<vmem>> -> memref<1x512x2048xf32, #tpu.memory_space<vmem>>
    %dma_wait3A_720 = tpu.memref_squeeze %dma_wait3A_719 : memref<1x512x2048xf32, #tpu.memory_space<vmem>> -> memref<512x2048xf32, #tpu.memory_space<vmem>>
    %dma_wait3A_721 = arith.constant 6144 : i32
    %dma_wait3A_722 = arith.constant 0 : i32
    %dma_wait3A_723 = tpu.memref_slice %arg10[%dma_wait3A_721, %dma_wait3A_722] : memref<16384x2048xf32, #tpu.memory_space<any>> -> memref<512x2048xf32, #tpu.memory_space<any>>
    tpu.wait_dma2 semaphore(%dma_wait3A_716 : memref<!tpu.dma_semaphore, #tpu.memory_space<semaphore_mem>>) src(%dma_wait3A_723 : memref<512x2048xf32, #tpu.memory_space<any>>) dst(%dma_wait3A_720 : memref<512x2048xf32, #tpu.memory_space<vmem>>)
    %dma_start3A_724 = arith.constant 0 : i32
    %dma_start3A_725 = arith.constant 0 : i32
    %dma_start3A_726 = tpu.memref_slice %arg23[%dma_start3A_725] : memref<3x!tpu.dma_semaphore, #tpu.memory_space<semaphore_mem>> -> memref<1x!tpu.dma_semaphore, #tpu.memory_space<semaphore_mem>>
    %dma_start3A_727 = tpu.memref_squeeze %dma_start3A_726 : memref<1x!tpu.dma_semaphore, #tpu.memory_space<semaphore_mem>> -> memref<!tpu.dma_semaphore, #tpu.memory_space<semaphore_mem>>
    %dma_start3A_728 = arith.constant 6144 : i32
    %dma_start3A_729 = arith.constant 0 : i32
    %dma_start3A_730 = tpu.memref_slice %arg13[%dma_start3A_728, %dma_start3A_729] : memref<16384x2048xf32, #tpu.memory_space<any>> -> memref<512x2048xf32, #tpu.memory_space<any>>
    %dma_start3A_731 = arith.constant 0 : i32
    %dma_start3A_732 = arith.constant 0 : i32
    %dma_start3A_733 = tpu.memref_slice %arg21[%dma_start3A_724, %dma_start3A_731, %dma_start3A_732] : memref<3x512x2048xf32, #tpu.memory_space<vmem>> -> memref<1x512x2048xf32, #tpu.memory_space<vmem>>
    %dma_start3A_734 = tpu.memref_squeeze %dma_start3A_733 : memref<1x512x2048xf32, #tpu.memory_space<vmem>> -> memref<512x2048xf32, #tpu.memory_space<vmem>>
    tpu.enqueue_dma source(%dma_start3A_734 : memref<512x2048xf32, #tpu.memory_space<vmem>>) target(%dma_start3A_730 : memref<512x2048xf32, #tpu.memory_space<any>>) target_semaphore(%dma_start3A_727 : memref<!tpu.dma_semaphore, #tpu.memory_space<semaphore_mem>>)
    tpu.wait_dma2 semaphore(%arg26 : memref<!tpu.dma_semaphore, #tpu.memory_space<semaphore_mem>>) src(%arg9 : memref<1024x4096xf32, #tpu.memory_space<any>>) dst(%arg16 : memref<1024x4096xf32, #tpu.memory_space<vmem>>)
    %dma_wait3A_735 = arith.constant 0 : i32
    %dma_wait3A_736 = arith.constant 0 : i32
    %dma_wait3A_737 = tpu.memref_slice %arg23[%dma_wait3A_736] : memref<3x!tpu.dma_semaphore, #tpu.memory_space<semaphore_mem>> -> memref<1x!tpu.dma_semaphore, #tpu.memory_space<semaphore_mem>>
    %dma_wait3A_738 = tpu.memref_squeeze %dma_wait3A_737 : memref<1x!tpu.dma_semaphore, #tpu.memory_space<semaphore_mem>> -> memref<!tpu.dma_semaphore, #tpu.memory_space<semaphore_mem>>
    %dma_wait3A_739 = arith.constant 6144 : i32
    %dma_wait3A_740 = arith.constant 0 : i32
    %dma_wait3A_741 = tpu.memref_slice %arg13[%dma_wait3A_739, %dma_wait3A_740] : memref<16384x2048xf32, #tpu.memory_space<any>> -> memref<512x2048xf32, #tpu.memory_space<any>>
    %dma_wait3A_742 = arith.constant 0 : i32
    %dma_wait3A_743 = arith.constant 0 : i32
    %dma_wait3A_744 = tpu.memref_slice %arg21[%dma_wait3A_735, %dma_wait3A_742, %dma_wait3A_743] : memref<3x512x2048xf32, #tpu.memory_space<vmem>> -> memref<1x512x2048xf32, #tpu.memory_space<vmem>>
    %dma_wait3A_745 = tpu.memref_squeeze %dma_wait3A_744 : memref<1x512x2048xf32, #tpu.memory_space<vmem>> -> memref<512x2048xf32, #tpu.memory_space<vmem>>
    tpu.wait_dma2 semaphore(%dma_wait3A_738 : memref<!tpu.dma_semaphore, #tpu.memory_space<semaphore_mem>>) src(%dma_wait3A_745 : memref<512x2048xf32, #tpu.memory_space<vmem>>) dst(%dma_wait3A_741 : memref<512x2048xf32, #tpu.memory_space<any>>)
    %dma_start3A_746 = arith.constant 0 : i32
    %dma_start3A_747 = arith.constant 0 : i32
    %dma_start3A_748 = tpu.memref_slice %arg22[%dma_start3A_747] : memref<3x!tpu.dma_semaphore, #tpu.memory_space<semaphore_mem>> -> memref<1x!tpu.dma_semaphore, #tpu.memory_space<semaphore_mem>>
    %dma_start3A_749 = tpu.memref_squeeze %dma_start3A_748 : memref<1x!tpu.dma_semaphore, #tpu.memory_space<semaphore_mem>> -> memref<!tpu.dma_semaphore, #tpu.memory_space<semaphore_mem>>
    %dma_start3A_750 = arith.constant 0 : i32
    %dma_start3A_751 = arith.constant 0 : i32
    %dma_start3A_752 = tpu.memref_slice %arg21[%dma_start3A_746, %dma_start3A_750, %dma_start3A_751] : memref<3x512x2048xf32, #tpu.memory_space<vmem>> -> memref<1x512x2048xf32, #tpu.memory_space<vmem>>
    %dma_start3A_753 = tpu.memref_squeeze %dma_start3A_752 : memref<1x512x2048xf32, #tpu.memory_space<vmem>> -> memref<512x2048xf32, #tpu.memory_space<vmem>>
    %dma_start3A_754 = arith.constant 7680 : i32
    %dma_start3A_755 = arith.constant 0 : i32
    %dma_start3A_756 = tpu.memref_slice %arg10[%dma_start3A_754, %dma_start3A_755] : memref<16384x2048xf32, #tpu.memory_space<any>> -> memref<512x2048xf32, #tpu.memory_space<any>>
    tpu.enqueue_dma source(%dma_start3A_756 : memref<512x2048xf32, #tpu.memory_space<any>>) target(%dma_start3A_753 : memref<512x2048xf32, #tpu.memory_space<vmem>>) target_semaphore(%dma_start3A_749 : memref<!tpu.dma_semaphore, #tpu.memory_space<semaphore_mem>>)
    %dma_wait3A_757 = arith.constant 1 : i32
    %dma_wait3A_758 = arith.constant 1 : i32
    %dma_wait3A_759 = tpu.memref_slice %arg22[%dma_wait3A_758] : memref<3x!tpu.dma_semaphore, #tpu.memory_space<semaphore_mem>> -> memref<1x!tpu.dma_semaphore, #tpu.memory_space<semaphore_mem>>
    %dma_wait3A_760 = tpu.memref_squeeze %dma_wait3A_759 : memref<1x!tpu.dma_semaphore, #tpu.memory_space<semaphore_mem>> -> memref<!tpu.dma_semaphore, #tpu.memory_space<semaphore_mem>>
    %dma_wait3A_761 = arith.constant 0 : i32
    %dma_wait3A_762 = arith.constant 0 : i32
    %dma_wait3A_763 = tpu.memref_slice %arg21[%dma_wait3A_757, %dma_wait3A_761, %dma_wait3A_762] : memref<3x512x2048xf32, #tpu.memory_space<vmem>> -> memref<1x512x2048xf32, #tpu.memory_space<vmem>>
    %dma_wait3A_764 = tpu.memref_squeeze %dma_wait3A_763 : memref<1x512x2048xf32, #tpu.memory_space<vmem>> -> memref<512x2048xf32, #tpu.memory_space<vmem>>
    %dma_wait3A_765 = arith.constant 6656 : i32
    %dma_wait3A_766 = arith.constant 0 : i32
    %dma_wait3A_767 = tpu.memref_slice %arg10[%dma_wait3A_765, %dma_wait3A_766] : memref<16384x2048xf32, #tpu.memory_space<any>> -> memref<512x2048xf32, #tpu.memory_space<any>>
    tpu.wait_dma2 semaphore(%dma_wait3A_760 : memref<!tpu.dma_semaphore, #tpu.memory_space<semaphore_mem>>) src(%dma_wait3A_767 : memref<512x2048xf32, #tpu.memory_space<any>>) dst(%dma_wait3A_764 : memref<512x2048xf32, #tpu.memory_space<vmem>>)
    %dma_start3A_768 = arith.constant 1 : i32
    %dma_start3A_769 = arith.constant 1 : i32
    %dma_start3A_770 = tpu.memref_slice %arg23[%dma_start3A_769] : memref<3x!tpu.dma_semaphore, #tpu.memory_space<semaphore_mem>> -> memref<1x!tpu.dma_semaphore, #tpu.memory_space<semaphore_mem>>
    %dma_start3A_771 = tpu.memref_squeeze %dma_start3A_770 : memref<1x!tpu.dma_semaphore, #tpu.memory_space<semaphore_mem>> -> memref<!tpu.dma_semaphore, #tpu.memory_space<semaphore_mem>>
    %dma_start3A_772 = arith.constant 6656 : i32
    %dma_start3A_773 = arith.constant 0 : i32
    %dma_start3A_774 = tpu.memref_slice %arg13[%dma_start3A_772, %dma_start3A_773] : memref<16384x2048xf32, #tpu.memory_space<any>> -> memref<512x2048xf32, #tpu.memory_space<any>>
    %dma_start3A_775 = arith.constant 0 : i32
    %dma_start3A_776 = arith.constant 0 : i32
    %dma_start3A_777 = tpu.memref_slice %arg21[%dma_start3A_768, %dma_start3A_775, %dma_start3A_776] : memref<3x512x2048xf32, #tpu.memory_space<vmem>> -> memref<1x512x2048xf32, #tpu.memory_space<vmem>>
    %dma_start3A_778 = tpu.memref_squeeze %dma_start3A_777 : memref<1x512x2048xf32, #tpu.memory_space<vmem>> -> memref<512x2048xf32, #tpu.memory_space<vmem>>
    tpu.enqueue_dma source(%dma_start3A_778 : memref<512x2048xf32, #tpu.memory_space<vmem>>) target(%dma_start3A_774 : memref<512x2048xf32, #tpu.memory_space<any>>) target_semaphore(%dma_start3A_771 : memref<!tpu.dma_semaphore, #tpu.memory_space<semaphore_mem>>)
    %get3A_779 = arith.constant 0 : index
    %get3A_780 = arith.constant 0 : index
    %get3A_781 = vector.load %arg18[%get3A_779, %get3A_780] : memref<128x1024xf32, #tpu.memory_space<vmem>>, vector<128x1024xf32>
    %get3A_782 = arith.constant 0 : index
    %get3A_783 = arith.constant 0 : index
    %get3A_784 = vector.load %arg16[%get3A_782, %get3A_783] : memref<1024x4096xf32, #tpu.memory_space<vmem>>, vector<1024x256xf32>
    %dot_general3A_785 = arith.constant dense<0.000000e+00> : vector<128x256xf32>
    %dot_general3A_786 = tpu.matmul %get3A_781, %get3A_784, %dot_general3A_785 {dimension_numbers = #tpu.dot_dimension_numbers<[1], [0], [0], [1], [0, 0, 1, 1], [], []>, transpose_lhs_hint = false} : vector<128x1024xf32>, vector<1024x256xf32>, vector<128x256xf32> -> vector<128x256xf32>
    %get3A_787 = arith.constant 0 : index
    %get3A_788 = arith.constant 0 : index
    %get3A_789 = vector.load %arg20[%get3A_787, %get3A_788] : memref<128x1024xf32, #tpu.memory_space<vmem>>, vector<128x1024xf32>
    %get3A_790 = arith.constant 0 : index
    %get3A_791 = arith.constant 2048 : index
    %get3A_792 = vector.load %arg16[%get3A_790, %get3A_791] : memref<1024x4096xf32, #tpu.memory_space<vmem>>, vector<1024x256xf32>
    %dot_general3A_793 = arith.constant dense<0.000000e+00> : vector<128x256xf32>
    %dot_general3A_794 = tpu.matmul %get3A_789, %get3A_792, %dot_general3A_793 {dimension_numbers = #tpu.dot_dimension_numbers<[1], [0], [0], [1], [0, 0, 1, 1], [], []>, transpose_lhs_hint = false} : vector<128x1024xf32>, vector<1024x256xf32>, vector<128x256xf32> -> vector<128x256xf32>
    %add3A_795 = arith.addf %dot_general3A_786, %dot_general3A_794 : vector<128x256xf32>
    %get3A_796 = arith.constant 0 : index
    %get3A_797 = arith.constant 0 : index
    %get3A_798 = vector.load %arg6[%get3A_796, %get3A_797] : memref<1x2048xf32, #tpu.memory_space<vmem>>, vector<1x256xf32>
    %add3A_799 = vector.broadcast %get3A_798 : vector<1x256xf32> to vector<128x256xf32>
    %add3A_800 = arith.addf %add3A_795, %add3A_799 : vector<128x256xf32>
    %swap3A_801 = arith.constant 0 : index
    %swap3A_802 = arith.constant 0 : index
    %swap3A_803 = vector.load %arg12[%swap3A_801, %swap3A_802] : memref<128x2048xf32, #tpu.memory_space<vmem>>, vector<128x256xf32>
    tpu.vector_store %arg12[%swap3A_801, %swap3A_802], %add3A_800 {strides = array<i32>} : memref<128x2048xf32, #tpu.memory_space<vmem>>, vector<128x256xf32>,
    %dma_wait3A_804 = arith.constant 1 : i32
    %dma_wait3A_805 = arith.constant 1 : i32
    %dma_wait3A_806 = tpu.memref_slice %arg23[%dma_wait3A_805] : memref<3x!tpu.dma_semaphore, #tpu.memory_space<semaphore_mem>> -> memref<1x!tpu.dma_semaphore, #tpu.memory_space<semaphore_mem>>
    %dma_wait3A_807 = tpu.memref_squeeze %dma_wait3A_806 : memref<1x!tpu.dma_semaphore, #tpu.memory_space<semaphore_mem>> -> memref<!tpu.dma_semaphore, #tpu.memory_space<semaphore_mem>>
    %dma_wait3A_808 = arith.constant 6656 : i32
    %dma_wait3A_809 = arith.constant 0 : i32
    %dma_wait3A_810 = tpu.memref_slice %arg13[%dma_wait3A_808, %dma_wait3A_809] : memref<16384x2048xf32, #tpu.memory_space<any>> -> memref<512x2048xf32, #tpu.memory_space<any>>
    %dma_wait3A_811 = arith.constant 0 : i32
    %dma_wait3A_812 = arith.constant 0 : i32
    %dma_wait3A_813 = tpu.memref_slice %arg21[%dma_wait3A_804, %dma_wait3A_811, %dma_wait3A_812] : memref<3x512x2048xf32, #tpu.memory_space<vmem>> -> memref<1x512x2048xf32, #tpu.memory_space<vmem>>
    %dma_wait3A_814 = tpu.memref_squeeze %dma_wait3A_813 : memref<1x512x2048xf32, #tpu.memory_space<vmem>> -> memref<512x2048xf32, #tpu.memory_space<vmem>>
    tpu.wait_dma2 semaphore(%dma_wait3A_807 : memref<!tpu.dma_semaphore, #tpu.memory_space<semaphore_mem>>) src(%dma_wait3A_814 : memref<512x2048xf32, #tpu.memory_space<vmem>>) dst(%dma_wait3A_810 : memref<512x2048xf32, #tpu.memory_space<any>>)
    %dma_start3A_815 = arith.constant 1 : i32
    %dma_start3A_816 = arith.constant 1 : i32
    %dma_start3A_817 = tpu.memref_slice %arg22[%dma_start3A_816] : memref<3x!tpu.dma_semaphore, #tpu.memory_space<semaphore_mem>> -> memref<1x!tpu.dma_semaphore, #tpu.memory_space<semaphore_mem>>
    %dma_start3A_818 = tpu.memref_squeeze %dma_start3A_817 : memref<1x!tpu.dma_semaphore, #tpu.memory_space<semaphore_mem>> -> memref<!tpu.dma_semaphore, #tpu.memory_space<semaphore_mem>>
    %dma_start3A_819 = arith.constant 0 : i32
    %dma_start3A_820 = arith.constant 0 : i32
    %dma_start3A_821 = tpu.memref_slice %arg21[%dma_start3A_815, %dma_start3A_819, %dma_start3A_820] : memref<3x512x2048xf32, #tpu.memory_space<vmem>> -> memref<1x512x2048xf32, #tpu.memory_space<vmem>>
    %dma_start3A_822 = tpu.memref_squeeze %dma_start3A_821 : memref<1x512x2048xf32, #tpu.memory_space<vmem>> -> memref<512x2048xf32, #tpu.memory_space<vmem>>
    %dma_start3A_823 = arith.constant 8192 : i32
    %dma_start3A_824 = arith.constant 0 : i32
    %dma_start3A_825 = tpu.memref_slice %arg10[%dma_start3A_823, %dma_start3A_824] : memref<16384x2048xf32, #tpu.memory_space<any>> -> memref<512x2048xf32, #tpu.memory_space<any>>
    tpu.enqueue_dma source(%dma_start3A_825 : memref<512x2048xf32, #tpu.memory_space<any>>) target(%dma_start3A_822 : memref<512x2048xf32, #tpu.memory_space<vmem>>) target_semaphore(%dma_start3A_818 : memref<!tpu.dma_semaphore, #tpu.memory_space<semaphore_mem>>)
    %dma_wait3A_826 = arith.constant 2 : i32
    %dma_wait3A_827 = arith.constant 2 : i32
    %dma_wait3A_828 = tpu.memref_slice %arg22[%dma_wait3A_827] : memref<3x!tpu.dma_semaphore, #tpu.memory_space<semaphore_mem>> -> memref<1x!tpu.dma_semaphore, #tpu.memory_space<semaphore_mem>>
    %dma_wait3A_829 = tpu.memref_squeeze %dma_wait3A_828 : memref<1x!tpu.dma_semaphore, #tpu.memory_space<semaphore_mem>> -> memref<!tpu.dma_semaphore, #tpu.memory_space<semaphore_mem>>
    %dma_wait3A_830 = arith.constant 0 : i32
    %dma_wait3A_831 = arith.constant 0 : i32
    %dma_wait3A_832 = tpu.memref_slice %arg21[%dma_wait3A_826, %dma_wait3A_830, %dma_wait3A_831] : memref<3x512x2048xf32, #tpu.memory_space<vmem>> -> memref<1x512x2048xf32, #tpu.memory_space<vmem>>
    %dma_wait3A_833 = tpu.memref_squeeze %dma_wait3A_832 : memref<1x512x2048xf32, #tpu.memory_space<vmem>> -> memref<512x2048xf32, #tpu.memory_space<vmem>>
    %dma_wait3A_834 = arith.constant 7168 : i32
    %dma_wait3A_835 = arith.constant 0 : i32
    %dma_wait3A_836 = tpu.memref_slice %arg10[%dma_wait3A_834, %dma_wait3A_835] : memref<16384x2048xf32, #tpu.memory_space<any>> -> memref<512x2048xf32, #tpu.memory_space<any>>
    tpu.wait_dma2 semaphore(%dma_wait3A_829 : memref<!tpu.dma_semaphore, #tpu.memory_space<semaphore_mem>>) src(%dma_wait3A_836 : memref<512x2048xf32, #tpu.memory_space<any>>) dst(%dma_wait3A_833 : memref<512x2048xf32, #tpu.memory_space<vmem>>)
    %dma_start3A_837 = arith.constant 2 : i32
    %dma_start3A_838 = arith.constant 2 : i32
    %dma_start3A_839 = tpu.memref_slice %arg23[%dma_start3A_838] : memref<3x!tpu.dma_semaphore, #tpu.memory_space<semaphore_mem>> -> memref<1x!tpu.dma_semaphore, #tpu.memory_space<semaphore_mem>>
    %dma_start3A_840 = tpu.memref_squeeze %dma_start3A_839 : memref<1x!tpu.dma_semaphore, #tpu.memory_space<semaphore_mem>> -> memref<!tpu.dma_semaphore, #tpu.memory_space<semaphore_mem>>
    %dma_start3A_841 = arith.constant 7168 : i32
    %dma_start3A_842 = arith.constant 0 : i32
    %dma_start3A_843 = tpu.memref_slice %arg13[%dma_start3A_841, %dma_start3A_842] : memref<16384x2048xf32, #tpu.memory_space<any>> -> memref<512x2048xf32, #tpu.memory_space<any>>
    %dma_start3A_844 = arith.constant 0 : i32
    %dma_start3A_845 = arith.constant 0 : i32
    %dma_start3A_846 = tpu.memref_slice %arg21[%dma_start3A_837, %dma_start3A_844, %dma_start3A_845] : memref<3x512x2048xf32, #tpu.memory_space<vmem>> -> memref<1x512x2048xf32, #tpu.memory_space<vmem>>
    %dma_start3A_847 = tpu.memref_squeeze %dma_start3A_846 : memref<1x512x2048xf32, #tpu.memory_space<vmem>> -> memref<512x2048xf32, #tpu.memory_space<vmem>>
    tpu.enqueue_dma source(%dma_start3A_847 : memref<512x2048xf32, #tpu.memory_space<vmem>>) target(%dma_start3A_843 : memref<512x2048xf32, #tpu.memory_space<any>>) target_semaphore(%dma_start3A_840 : memref<!tpu.dma_semaphore, #tpu.memory_space<semaphore_mem>>)
    %get3A_848 = arith.constant 0 : index
    %get3A_849 = arith.constant 0 : index
    %get3A_850 = vector.load %arg18[%get3A_848, %get3A_849] : memref<128x1024xf32, #tpu.memory_space<vmem>>, vector<128x1024xf32>
    %get3A_851 = arith.constant 0 : index
    %get3A_852 = arith.constant 256 : index
    %get3A_853 = vector.load %arg16[%get3A_851, %get3A_852] : memref<1024x4096xf32, #tpu.memory_space<vmem>>, vector<1024x256xf32>
    %dot_general3A_854 = arith.constant dense<0.000000e+00> : vector<128x256xf32>
    %dot_general3A_855 = tpu.matmul %get3A_850, %get3A_853, %dot_general3A_854 {dimension_numbers = #tpu.dot_dimension_numbers<[1], [0], [0], [1], [0, 0, 1, 1], [], []>, transpose_lhs_hint = false} : vector<128x1024xf32>, vector<1024x256xf32>, vector<128x256xf32> -> vector<128x256xf32>
    %get3A_856 = arith.constant 0 : index
    %get3A_857 = arith.constant 0 : index
    %get3A_858 = vector.load %arg20[%get3A_856, %get3A_857] : memref<128x1024xf32, #tpu.memory_space<vmem>>, vector<128x1024xf32>
    %get3A_859 = arith.constant 0 : index
    %get3A_860 = arith.constant 2304 : index
    %get3A_861 = vector.load %arg16[%get3A_859, %get3A_860] : memref<1024x4096xf32, #tpu.memory_space<vmem>>, vector<1024x256xf32>
    %dot_general3A_862 = arith.constant dense<0.000000e+00> : vector<128x256xf32>
    %dot_general3A_863 = tpu.matmul %get3A_858, %get3A_861, %dot_general3A_862 {dimension_numbers = #tpu.dot_dimension_numbers<[1], [0], [0], [1], [0, 0, 1, 1], [], []>, transpose_lhs_hint = false} : vector<128x1024xf32>, vector<1024x256xf32>, vector<128x256xf32> -> vector<128x256xf32>
    %add3A_864 = arith.addf %dot_general3A_855, %dot_general3A_863 : vector<128x256xf32>
    %get3A_865 = arith.constant 0 : index
    %get3A_866 = arith.constant 256 : index
    %get3A_867 = vector.load %arg6[%get3A_865, %get3A_866] : memref<1x2048xf32, #tpu.memory_space<vmem>>, vector<1x256xf32>
    %add3A_868 = vector.broadcast %get3A_867 : vector<1x256xf32> to vector<128x256xf32>
    %add3A_869 = arith.addf %add3A_864, %add3A_868 : vector<128x256xf32>
    %swap3A_870 = arith.constant 0 : index
    %swap3A_871 = arith.constant 256 : index
    %swap3A_872 = vector.load %arg12[%swap3A_870, %swap3A_871] : memref<128x2048xf32, #tpu.memory_space<vmem>>, vector<128x256xf32>
    tpu.vector_store %arg12[%swap3A_870, %swap3A_871], %add3A_869 {strides = array<i32>} : memref<128x2048xf32, #tpu.memory_space<vmem>>, vector<128x256xf32>,
    %dma_wait3A_873 = arith.constant 2 : i32
    %dma_wait3A_874 = arith.constant 2 : i32
    %dma_wait3A_875 = tpu.memref_slice %arg23[%dma_wait3A_874] : memref<3x!tpu.dma_semaphore, #tpu.memory_space<semaphore_mem>> -> memref<1x!tpu.dma_semaphore, #tpu.memory_space<semaphore_mem>>
    %dma_wait3A_876 = tpu.memref_squeeze %dma_wait3A_875 : memref<1x!tpu.dma_semaphore, #tpu.memory_space<semaphore_mem>> -> memref<!tpu.dma_semaphore, #tpu.memory_space<semaphore_mem>>
    %dma_wait3A_877 = arith.constant 7168 : i32
    %dma_wait3A_878 = arith.constant 0 : i32
    %dma_wait3A_879 = tpu.memref_slice %arg13[%dma_wait3A_877, %dma_wait3A_878] : memref<16384x2048xf32, #tpu.memory_space<any>> -> memref<512x2048xf32, #tpu.memory_space<any>>
    %dma_wait3A_880 = arith.constant 0 : i32
    %dma_wait3A_881 = arith.constant 0 : i32
    %dma_wait3A_882 = tpu.memref_slice %arg21[%dma_wait3A_873, %dma_wait3A_880, %dma_wait3A_881] : memref<3x512x2048xf32, #tpu.memory_space<vmem>> -> memref<1x512x2048xf32, #tpu.memory_space<vmem>>
    %dma_wait3A_883 = tpu.memref_squeeze %dma_wait3A_882 : memref<1x512x2048xf32, #tpu.memory_space<vmem>> -> memref<512x2048xf32, #tpu.memory_space<vmem>>
    tpu.wait_dma2 semaphore(%dma_wait3A_876 : memref<!tpu.dma_semaphore, #tpu.memory_space<semaphore_mem>>) src(%dma_wait3A_883 : memref<512x2048xf32, #tpu.memory_space<vmem>>) dst(%dma_wait3A_879 : memref<512x2048xf32, #tpu.memory_space<any>>)
    %dma_start3A_884 = arith.constant 2 : i32
    %dma_start3A_885 = arith.constant 2 : i32
    %dma_start3A_886 = tpu.memref_slice %arg22[%dma_start3A_885] : memref<3x!tpu.dma_semaphore, #tpu.memory_space<semaphore_mem>> -> memref<1x!tpu.dma_semaphore, #tpu.memory_space<semaphore_mem>>
    %dma_start3A_887 = tpu.memref_squeeze %dma_start3A_886 : memref<1x!tpu.dma_semaphore, #tpu.memory_space<semaphore_mem>> -> memref<!tpu.dma_semaphore, #tpu.memory_space<semaphore_mem>>
    %dma_start3A_888 = arith.constant 0 : i32
    %dma_start3A_889 = arith.constant 0 : i32
    %dma_start3A_890 = tpu.memref_slice %arg21[%dma_start3A_884, %dma_start3A_888, %dma_start3A_889] : memref<3x512x2048xf32, #tpu.memory_space<vmem>> -> memref<1x512x2048xf32, #tpu.memory_space<vmem>>
    %dma_start3A_891 = tpu.memref_squeeze %dma_start3A_890 : memref<1x512x2048xf32, #tpu.memory_space<vmem>> -> memref<512x2048xf32, #tpu.memory_space<vmem>>
    %dma_start3A_892 = arith.constant 8704 : i32
    %dma_start3A_893 = arith.constant 0 : i32
    %dma_start3A_894 = tpu.memref_slice %arg10[%dma_start3A_892, %dma_start3A_893] : memref<16384x2048xf32, #tpu.memory_space<any>> -> memref<512x2048xf32, #tpu.memory_space<any>>
    tpu.enqueue_dma source(%dma_start3A_894 : memref<512x2048xf32, #tpu.memory_space<any>>) target(%dma_start3A_891 : memref<512x2048xf32, #tpu.memory_space<vmem>>) target_semaphore(%dma_start3A_887 : memref<!tpu.dma_semaphore, #tpu.memory_space<semaphore_mem>>)
    %dma_wait3A_895 = arith.constant 0 : i32
    %dma_wait3A_896 = arith.constant 0 : i32
    %dma_wait3A_897 = tpu.memref_slice %arg22[%dma_wait3A_896] : memref<3x!tpu.dma_semaphore, #tpu.memory_space<semaphore_mem>> -> memref<1x!tpu.dma_semaphore, #tpu.memory_space<semaphore_mem>>
    %dma_wait3A_898 = tpu.memref_squeeze %dma_wait3A_897 : memref<1x!tpu.dma_semaphore, #tpu.memory_space<semaphore_mem>> -> memref<!tpu.dma_semaphore, #tpu.memory_space<semaphore_mem>>
    %dma_wait3A_899 = arith.constant 0 : i32
    %dma_wait3A_900 = arith.constant 0 : i32
    %dma_wait3A_901 = tpu.memref_slice %arg21[%dma_wait3A_895, %dma_wait3A_899, %dma_wait3A_900] : memref<3x512x2048xf32, #tpu.memory_space<vmem>> -> memref<1x512x2048xf32, #tpu.memory_space<vmem>>
    %dma_wait3A_902 = tpu.memref_squeeze %dma_wait3A_901 : memref<1x512x2048xf32, #tpu.memory_space<vmem>> -> memref<512x2048xf32, #tpu.memory_space<vmem>>
    %dma_wait3A_903 = arith.constant 7680 : i32
    %dma_wait3A_904 = arith.constant 0 : i32
    %dma_wait3A_905 = tpu.memref_slice %arg10[%dma_wait3A_903, %dma_wait3A_904] : memref<16384x2048xf32, #tpu.memory_space<any>> -> memref<512x2048xf32, #tpu.memory_space<any>>
    tpu.wait_dma2 semaphore(%dma_wait3A_898 : memref<!tpu.dma_semaphore, #tpu.memory_space<semaphore_mem>>) src(%dma_wait3A_905 : memref<512x2048xf32, #tpu.memory_space<any>>) dst(%dma_wait3A_902 : memref<512x2048xf32, #tpu.memory_space<vmem>>)
    %dma_start3A_906 = arith.constant 0 : i32
    %dma_start3A_907 = arith.constant 0 : i32
    %dma_start3A_908 = tpu.memref_slice %arg23[%dma_start3A_907] : memref<3x!tpu.dma_semaphore, #tpu.memory_space<semaphore_mem>> -> memref<1x!tpu.dma_semaphore, #tpu.memory_space<semaphore_mem>>
    %dma_start3A_909 = tpu.memref_squeeze %dma_start3A_908 : memref<1x!tpu.dma_semaphore, #tpu.memory_space<semaphore_mem>> -> memref<!tpu.dma_semaphore, #tpu.memory_space<semaphore_mem>>
    %dma_start3A_910 = arith.constant 7680 : i32
    %dma_start3A_911 = arith.constant 0 : i32
    %dma_start3A_912 = tpu.memref_slice %arg13[%dma_start3A_910, %dma_start3A_911] : memref<16384x2048xf32, #tpu.memory_space<any>> -> memref<512x2048xf32, #tpu.memory_space<any>>
    %dma_start3A_913 = arith.constant 0 : i32
    %dma_start3A_914 = arith.constant 0 : i32
    %dma_start3A_915 = tpu.memref_slice %arg21[%dma_start3A_906, %dma_start3A_913, %dma_start3A_914] : memref<3x512x2048xf32, #tpu.memory_space<vmem>> -> memref<1x512x2048xf32, #tpu.memory_space<vmem>>
    %dma_start3A_916 = tpu.memref_squeeze %dma_start3A_915 : memref<1x512x2048xf32, #tpu.memory_space<vmem>> -> memref<512x2048xf32, #tpu.memory_space<vmem>>
    tpu.enqueue_dma source(%dma_start3A_916 : memref<512x2048xf32, #tpu.memory_space<vmem>>) target(%dma_start3A_912 : memref<512x2048xf32, #tpu.memory_space<any>>) target_semaphore(%dma_start3A_909 : memref<!tpu.dma_semaphore, #tpu.memory_space<semaphore_mem>>)
    %get3A_917 = arith.constant 0 : index
    %get3A_918 = arith.constant 0 : index
    %get3A_919 = vector.load %arg18[%get3A_917, %get3A_918] : memref<128x1024xf32, #tpu.memory_space<vmem>>, vector<128x1024xf32>
    %get3A_920 = arith.constant 0 : index
    %get3A_921 = arith.constant 512 : index
    %get3A_922 = vector.load %arg16[%get3A_920, %get3A_921] : memref<1024x4096xf32, #tpu.memory_space<vmem>>, vector<1024x256xf32>
    %dot_general3A_923 = arith.constant dense<0.000000e+00> : vector<128x256xf32>
    %dot_general3A_924 = tpu.matmul %get3A_919, %get3A_922, %dot_general3A_923 {dimension_numbers = #tpu.dot_dimension_numbers<[1], [0], [0], [1], [0, 0, 1, 1], [], []>, transpose_lhs_hint = false} : vector<128x1024xf32>, vector<1024x256xf32>, vector<128x256xf32> -> vector<128x256xf32>
    %get3A_925 = arith.constant 0 : index
    %get3A_926 = arith.constant 0 : index
    %get3A_927 = vector.load %arg20[%get3A_925, %get3A_926] : memref<128x1024xf32, #tpu.memory_space<vmem>>, vector<128x1024xf32>
    %get3A_928 = arith.constant 0 : index
    %get3A_929 = arith.constant 2560 : index
    %get3A_930 = vector.load %arg16[%get3A_928, %get3A_929] : memref<1024x4096xf32, #tpu.memory_space<vmem>>, vector<1024x256xf32>
    %dot_general3A_931 = arith.constant dense<0.000000e+00> : vector<128x256xf32>
    %dot_general3A_932 = tpu.matmul %get3A_927, %get3A_930, %dot_general3A_931 {dimension_numbers = #tpu.dot_dimension_numbers<[1], [0], [0], [1], [0, 0, 1, 1], [], []>, transpose_lhs_hint = false} : vector<128x1024xf32>, vector<1024x256xf32>, vector<128x256xf32> -> vector<128x256xf32>
    %add3A_933 = arith.addf %dot_general3A_924, %dot_general3A_932 : vector<128x256xf32>
    %get3A_934 = arith.constant 0 : index
    %get3A_935 = arith.constant 512 : index
    %get3A_936 = vector.load %arg6[%get3A_934, %get3A_935] : memref<1x2048xf32, #tpu.memory_space<vmem>>, vector<1x256xf32>
    %add3A_937 = vector.broadcast %get3A_936 : vector<1x256xf32> to vector<128x256xf32>
    %add3A_938 = arith.addf %add3A_933, %add3A_937 : vector<128x256xf32>
    %swap3A_939 = arith.constant 0 : index
    %swap3A_940 = arith.constant 512 : index
    %swap3A_941 = vector.load %arg12[%swap3A_939, %swap3A_940] : memref<128x2048xf32, #tpu.memory_space<vmem>>, vector<128x256xf32>
    tpu.vector_store %arg12[%swap3A_939, %swap3A_940], %add3A_938 {strides = array<i32>} : memref<128x2048xf32, #tpu.memory_space<vmem>>, vector<128x256xf32>,
    %dma_wait3A_942 = arith.constant 0 : i32
    %dma_wait3A_943 = arith.constant 0 : i32
    %dma_wait3A_944 = tpu.memref_slice %arg23[%dma_wait3A_943] : memref<3x!tpu.dma_semaphore, #tpu.memory_space<semaphore_mem>> -> memref<1x!tpu.dma_semaphore, #tpu.memory_space<semaphore_mem>>
    %dma_wait3A_945 = tpu.memref_squeeze %dma_wait3A_944 : memref<1x!tpu.dma_semaphore, #tpu.memory_space<semaphore_mem>> -> memref<!tpu.dma_semaphore, #tpu.memory_space<semaphore_mem>>
    %dma_wait3A_946 = arith.constant 7680 : i32
    %dma_wait3A_947 = arith.constant 0 : i32
    %dma_wait3A_948 = tpu.memref_slice %arg13[%dma_wait3A_946, %dma_wait3A_947] : memref<16384x2048xf32, #tpu.memory_space<any>> -> memref<512x2048xf32, #tpu.memory_space<any>>
    %dma_wait3A_949 = arith.constant 0 : i32
    %dma_wait3A_950 = arith.constant 0 : i32
    %dma_wait3A_951 = tpu.memref_slice %arg21[%dma_wait3A_942, %dma_wait3A_949, %dma_wait3A_950] : memref<3x512x2048xf32, #tpu.memory_space<vmem>> -> memref<1x512x2048xf32, #tpu.memory_space<vmem>>
    %dma_wait3A_952 = tpu.memref_squeeze %dma_wait3A_951 : memref<1x512x2048xf32, #tpu.memory_space<vmem>> -> memref<512x2048xf32, #tpu.memory_space<vmem>>
    tpu.wait_dma2 semaphore(%dma_wait3A_945 : memref<!tpu.dma_semaphore, #tpu.memory_space<semaphore_mem>>) src(%dma_wait3A_952 : memref<512x2048xf32, #tpu.memory_space<vmem>>) dst(%dma_wait3A_948 : memref<512x2048xf32, #tpu.memory_space<any>>)
    %dma_start3A_953 = arith.constant 0 : i32
    %dma_start3A_954 = arith.constant 0 : i32
    %dma_start3A_955 = tpu.memref_slice %arg22[%dma_start3A_954] : memref<3x!tpu.dma_semaphore, #tpu.memory_space<semaphore_mem>> -> memref<1x!tpu.dma_semaphore, #tpu.memory_space<semaphore_mem>>
    %dma_start3A_956 = tpu.memref_squeeze %dma_start3A_955 : memref<1x!tpu.dma_semaphore, #tpu.memory_space<semaphore_mem>> -> memref<!tpu.dma_semaphore, #tpu.memory_space<semaphore_mem>>
    %dma_start3A_957 = arith.constant 0 : i32
    %dma_start3A_958 = arith.constant 0 : i32
    %dma_start3A_959 = tpu.memref_slice %arg21[%dma_start3A_953, %dma_start3A_957, %dma_start3A_958] : memref<3x512x2048xf32, #tpu.memory_space<vmem>> -> memref<1x512x2048xf32, #tpu.memory_space<vmem>>
    %dma_start3A_960 = tpu.memref_squeeze %dma_start3A_959 : memref<1x512x2048xf32, #tpu.memory_space<vmem>> -> memref<512x2048xf32, #tpu.memory_space<vmem>>
    %dma_start3A_961 = arith.constant 9216 : i32
    %dma_start3A_962 = arith.constant 0 : i32
    %dma_start3A_963 = tpu.memref_slice %arg10[%dma_start3A_961, %dma_start3A_962] : memref<16384x2048xf32, #tpu.memory_space<any>> -> memref<512x2048xf32, #tpu.memory_space<any>>
    tpu.enqueue_dma source(%dma_start3A_963 : memref<512x2048xf32, #tpu.memory_space<any>>) target(%dma_start3A_960 : memref<512x2048xf32, #tpu.memory_space<vmem>>) target_semaphore(%dma_start3A_956 : memref<!tpu.dma_semaphore, #tpu.memory_space<semaphore_mem>>)
    %dma_wait3A_964 = arith.constant 1 : i32
    %dma_wait3A_965 = arith.constant 1 : i32
    %dma_wait3A_966 = tpu.memref_slice %arg22[%dma_wait3A_965] : memref<3x!tpu.dma_semaphore, #tpu.memory_space<semaphore_mem>> -> memref<1x!tpu.dma_semaphore, #tpu.memory_space<semaphore_mem>>
    %dma_wait3A_967 = tpu.memref_squeeze %dma_wait3A_966 : memref<1x!tpu.dma_semaphore, #tpu.memory_space<semaphore_mem>> -> memref<!tpu.dma_semaphore, #tpu.memory_space<semaphore_mem>>
    %dma_wait3A_968 = arith.constant 0 : i32
    %dma_wait3A_969 = arith.constant 0 : i32
    %dma_wait3A_970 = tpu.memref_slice %arg21[%dma_wait3A_964, %dma_wait3A_968, %dma_wait3A_969] : memref<3x512x2048xf32, #tpu.memory_space<vmem>> -> memref<1x512x2048xf32, #tpu.memory_space<vmem>>
    %dma_wait3A_971 = tpu.memref_squeeze %dma_wait3A_970 : memref<1x512x2048xf32, #tpu.memory_space<vmem>> -> memref<512x2048xf32, #tpu.memory_space<vmem>>
    %dma_wait3A_972 = arith.constant 8192 : i32
    %dma_wait3A_973 = arith.constant 0 : i32
    %dma_wait3A_974 = tpu.memref_slice %arg10[%dma_wait3A_972, %dma_wait3A_973] : memref<16384x2048xf32, #tpu.memory_space<any>> -> memref<512x2048xf32, #tpu.memory_space<any>>
    tpu.wait_dma2 semaphore(%dma_wait3A_967 : memref<!tpu.dma_semaphore, #tpu.memory_space<semaphore_mem>>) src(%dma_wait3A_974 : memref<512x2048xf32, #tpu.memory_space<any>>) dst(%dma_wait3A_971 : memref<512x2048xf32, #tpu.memory_space<vmem>>)
    %dma_start3A_975 = arith.constant 1 : i32
    %dma_start3A_976 = arith.constant 1 : i32
    %dma_start3A_977 = tpu.memref_slice %arg23[%dma_start3A_976] : memref<3x!tpu.dma_semaphore, #tpu.memory_space<semaphore_mem>> -> memref<1x!tpu.dma_semaphore, #tpu.memory_space<semaphore_mem>>
    %dma_start3A_978 = tpu.memref_squeeze %dma_start3A_977 : memref<1x!tpu.dma_semaphore, #tpu.memory_space<semaphore_mem>> -> memref<!tpu.dma_semaphore, #tpu.memory_space<semaphore_mem>>
    %dma_start3A_979 = arith.constant 8192 : i32
    %dma_start3A_980 = arith.constant 0 : i32
    %dma_start3A_981 = tpu.memref_slice %arg13[%dma_start3A_979, %dma_start3A_980] : memref<16384x2048xf32, #tpu.memory_space<any>> -> memref<512x2048xf32, #tpu.memory_space<any>>
    %dma_start3A_982 = arith.constant 0 : i32
    %dma_start3A_983 = arith.constant 0 : i32
    %dma_start3A_984 = tpu.memref_slice %arg21[%dma_start3A_975, %dma_start3A_982, %dma_start3A_983] : memref<3x512x2048xf32, #tpu.memory_space<vmem>> -> memref<1x512x2048xf32, #tpu.memory_space<vmem>>
    %dma_start3A_985 = tpu.memref_squeeze %dma_start3A_984 : memref<1x512x2048xf32, #tpu.memory_space<vmem>> -> memref<512x2048xf32, #tpu.memory_space<vmem>>
    tpu.enqueue_dma source(%dma_start3A_985 : memref<512x2048xf32, #tpu.memory_space<vmem>>) target(%dma_start3A_981 : memref<512x2048xf32, #tpu.memory_space<any>>) target_semaphore(%dma_start3A_978 : memref<!tpu.dma_semaphore, #tpu.memory_space<semaphore_mem>>)
    %get3A_986 = arith.constant 0 : index
    %get3A_987 = arith.constant 0 : index
    %get3A_988 = vector.load %arg18[%get3A_986, %get3A_987] : memref<128x1024xf32, #tpu.memory_space<vmem>>, vector<128x1024xf32>
    %get3A_989 = arith.constant 0 : index
    %get3A_990 = arith.constant 768 : index
    %get3A_991 = vector.load %arg16[%get3A_989, %get3A_990] : memref<1024x4096xf32, #tpu.memory_space<vmem>>, vector<1024x256xf32>
    %dot_general3A_992 = arith.constant dense<0.000000e+00> : vector<128x256xf32>
    %dot_general3A_993 = tpu.matmul %get3A_988, %get3A_991, %dot_general3A_992 {dimension_numbers = #tpu.dot_dimension_numbers<[1], [0], [0], [1], [0, 0, 1, 1], [], []>, transpose_lhs_hint = false} : vector<128x1024xf32>, vector<1024x256xf32>, vector<128x256xf32> -> vector<128x256xf32>
    %get3A_994 = arith.constant 0 : index
    %get3A_995 = arith.constant 0 : index
    %get3A_996 = vector.load %arg20[%get3A_994, %get3A_995] : memref<128x1024xf32, #tpu.memory_space<vmem>>, vector<128x1024xf32>
    %get3A_997 = arith.constant 0 : index
    %get3A_998 = arith.constant 2816 : index
    %get3A_999 = vector.load %arg16[%get3A_997, %get3A_998] : memref<1024x4096xf32, #tpu.memory_space<vmem>>, vector<1024x256xf32>
    %dot_general3A_1000 = arith.constant dense<0.000000e+00> : vector<128x256xf32>
    %dot_general3A_1001 = tpu.matmul %get3A_996, %get3A_999, %dot_general3A_1000 {dimension_numbers = #tpu.dot_dimension_numbers<[1], [0], [0], [1], [0, 0, 1, 1], [], []>, transpose_lhs_hint = false} : vector<128x1024xf32>, vector<1024x256xf32>, vector<128x256xf32> -> vector<128x256xf32>
    %add3A_1002 = arith.addf %dot_general3A_993, %dot_general3A_1001 : vector<128x256xf32>
    %get3A_1003 = arith.constant 0 : index
    %get3A_1004 = arith.constant 768 : index
    %get3A_1005 = vector.load %arg6[%get3A_1003, %get3A_1004] : memref<1x2048xf32, #tpu.memory_space<vmem>>, vector<1x256xf32>
    %add3A_1006 = vector.broadcast %get3A_1005 : vector<1x256xf32> to vector<128x256xf32>
    %add3A_1007 = arith.addf %add3A_1002, %add3A_1006 : vector<128x256xf32>
    %swap3A_1008 = arith.constant 0 : index
    %swap3A_1009 = arith.constant 768 : index
    %swap3A_1010 = vector.load %arg12[%swap3A_1008, %swap3A_1009] : memref<128x2048xf32, #tpu.memory_space<vmem>>, vector<128x256xf32>
    tpu.vector_store %arg12[%swap3A_1008, %swap3A_1009], %add3A_1007 {strides = array<i32>} : memref<128x2048xf32, #tpu.memory_space<vmem>>, vector<128x256xf32>,
    %dma_wait3A_1011 = arith.constant 1 : i32
    %dma_wait3A_1012 = arith.constant 1 : i32
    %dma_wait3A_1013 = tpu.memref_slice %arg23[%dma_wait3A_1012] : memref<3x!tpu.dma_semaphore, #tpu.memory_space<semaphore_mem>> -> memref<1x!tpu.dma_semaphore, #tpu.memory_space<semaphore_mem>>
    %dma_wait3A_1014 = tpu.memref_squeeze %dma_wait3A_1013 : memref<1x!tpu.dma_semaphore, #tpu.memory_space<semaphore_mem>> -> memref<!tpu.dma_semaphore, #tpu.memory_space<semaphore_mem>>
    %dma_wait3A_1015 = arith.constant 8192 : i32
    %dma_wait3A_1016 = arith.constant 0 : i32
    %dma_wait3A_1017 = tpu.memref_slice %arg13[%dma_wait3A_1015, %dma_wait3A_1016] : memref<16384x2048xf32, #tpu.memory_space<any>> -> memref<512x2048xf32, #tpu.memory_space<any>>
    %dma_wait3A_1018 = arith.constant 0 : i32
    %dma_wait3A_1019 = arith.constant 0 : i32
    %dma_wait3A_1020 = tpu.memref_slice %arg21[%dma_wait3A_1011, %dma_wait3A_1018, %dma_wait3A_1019] : memref<3x512x2048xf32, #tpu.memory_space<vmem>> -> memref<1x512x2048xf32, #tpu.memory_space<vmem>>
    %dma_wait3A_1021 = tpu.memref_squeeze %dma_wait3A_1020 : memref<1x512x2048xf32, #tpu.memory_space<vmem>> -> memref<512x2048xf32, #tpu.memory_space<vmem>>
    tpu.wait_dma2 semaphore(%dma_wait3A_1014 : memref<!tpu.dma_semaphore, #tpu.memory_space<semaphore_mem>>) src(%dma_wait3A_1021 : memref<512x2048xf32, #tpu.memory_space<vmem>>) dst(%dma_wait3A_1017 : memref<512x2048xf32, #tpu.memory_space<any>>)
    %dma_start3A_1022 = arith.constant 1 : i32
    %dma_start3A_1023 = arith.constant 1 : i32
    %dma_start3A_1024 = tpu.memref_slice %arg22[%dma_start3A_1023] : memref<3x!tpu.dma_semaphore, #tpu.memory_space<semaphore_mem>> -> memref<1x!tpu.dma_semaphore, #tpu.memory_space<semaphore_mem>>
    %dma_start3A_1025 = tpu.memref_squeeze %dma_start3A_1024 : memref<1x!tpu.dma_semaphore, #tpu.memory_space<semaphore_mem>> -> memref<!tpu.dma_semaphore, #tpu.memory_space<semaphore_mem>>
    %dma_start3A_1026 = arith.constant 0 : i32
    %dma_start3A_1027 = arith.constant 0 : i32
    %dma_start3A_1028 = tpu.memref_slice %arg21[%dma_start3A_1022, %dma_start3A_1026, %dma_start3A_1027] : memref<3x512x2048xf32, #tpu.memory_space<vmem>> -> memref<1x512x2048xf32, #tpu.memory_space<vmem>>
    %dma_start3A_1029 = tpu.memref_squeeze %dma_start3A_1028 : memref<1x512x2048xf32, #tpu.memory_space<vmem>> -> memref<512x2048xf32, #tpu.memory_space<vmem>>
    %dma_start3A_1030 = arith.constant 9728 : i32
    %dma_start3A_1031 = arith.constant 0 : i32
    %dma_start3A_1032 = tpu.memref_slice %arg10[%dma_start3A_1030, %dma_start3A_1031] : memref<16384x2048xf32, #tpu.memory_space<any>> -> memref<512x2048xf32, #tpu.memory_space<any>>
    tpu.enqueue_dma source(%dma_start3A_1032 : memref<512x2048xf32, #tpu.memory_space<any>>) target(%dma_start3A_1029 : memref<512x2048xf32, #tpu.memory_space<vmem>>) target_semaphore(%dma_start3A_1025 : memref<!tpu.dma_semaphore, #tpu.memory_space<semaphore_mem>>)
    %dma_wait3A_1033 = arith.constant 2 : i32
    %dma_wait3A_1034 = arith.constant 2 : i32
    %dma_wait3A_1035 = tpu.memref_slice %arg22[%dma_wait3A_1034] : memref<3x!tpu.dma_semaphore, #tpu.memory_space<semaphore_mem>> -> memref<1x!tpu.dma_semaphore, #tpu.memory_space<semaphore_mem>>
    %dma_wait3A_1036 = tpu.memref_squeeze %dma_wait3A_1035 : memref<1x!tpu.dma_semaphore, #tpu.memory_space<semaphore_mem>> -> memref<!tpu.dma_semaphore, #tpu.memory_space<semaphore_mem>>
    %dma_wait3A_1037 = arith.constant 0 : i32
    %dma_wait3A_1038 = arith.constant 0 : i32
    %dma_wait3A_1039 = tpu.memref_slice %arg21[%dma_wait3A_1033, %dma_wait3A_1037, %dma_wait3A_1038] : memref<3x512x2048xf32, #tpu.memory_space<vmem>> -> memref<1x512x2048xf32, #tpu.memory_space<vmem>>
    %dma_wait3A_1040 = tpu.memref_squeeze %dma_wait3A_1039 : memref<1x512x2048xf32, #tpu.memory_space<vmem>> -> memref<512x2048xf32, #tpu.memory_space<vmem>>
    %dma_wait3A_1041 = arith.constant 8704 : i32
    %dma_wait3A_1042 = arith.constant 0 : i32
    %dma_wait3A_1043 = tpu.memref_slice %arg10[%dma_wait3A_1041, %dma_wait3A_1042] : memref<16384x2048xf32, #tpu.memory_space<any>> -> memref<512x2048xf32, #tpu.memory_space<any>>
    tpu.wait_dma2 semaphore(%dma_wait3A_1036 : memref<!tpu.dma_semaphore, #tpu.memory_space<semaphore_mem>>) src(%dma_wait3A_1043 : memref<512x2048xf32, #tpu.memory_space<any>>) dst(%dma_wait3A_1040 : memref<512x2048xf32, #tpu.memory_space<vmem>>)
    %dma_start3A_1044 = arith.constant 2 : i32
    %dma_start3A_1045 = arith.constant 2 : i32
    %dma_start3A_1046 = tpu.memref_slice %arg23[%dma_start3A_1045] : memref<3x!tpu.dma_semaphore, #tpu.memory_space<semaphore_mem>> -> memref<1x!tpu.dma_semaphore, #tpu.memory_space<semaphore_mem>>
    %dma_start3A_1047 = tpu.memref_squeeze %dma_start3A_1046 : memref<1x!tpu.dma_semaphore, #tpu.memory_space<semaphore_mem>> -> memref<!tpu.dma_semaphore, #tpu.memory_space<semaphore_mem>>
    %dma_start3A_1048 = arith.constant 8704 : i32
    %dma_start3A_1049 = arith.constant 0 : i32
    %dma_start3A_1050 = tpu.memref_slice %arg13[%dma_start3A_1048, %dma_start3A_1049] : memref<16384x2048xf32, #tpu.memory_space<any>> -> memref<512x2048xf32, #tpu.memory_space<any>>
    %dma_start3A_1051 = arith.constant 0 : i32
    %dma_start3A_1052 = arith.constant 0 : i32
    %dma_start3A_1053 = tpu.memref_slice %arg21[%dma_start3A_1044, %dma_start3A_1051, %dma_start3A_1052] : memref<3x512x2048xf32, #tpu.memory_space<vmem>> -> memref<1x512x2048xf32, #tpu.memory_space<vmem>>
    %dma_start3A_1054 = tpu.memref_squeeze %dma_start3A_1053 : memref<1x512x2048xf32, #tpu.memory_space<vmem>> -> memref<512x2048xf32, #tpu.memory_space<vmem>>
    tpu.enqueue_dma source(%dma_start3A_1054 : memref<512x2048xf32, #tpu.memory_space<vmem>>) target(%dma_start3A_1050 : memref<512x2048xf32, #tpu.memory_space<any>>) target_semaphore(%dma_start3A_1047 : memref<!tpu.dma_semaphore, #tpu.memory_space<semaphore_mem>>)
    %get3A_1055 = arith.constant 0 : index
    %get3A_1056 = arith.constant 0 : index
    %get3A_1057 = vector.load %arg18[%get3A_1055, %get3A_1056] : memref<128x1024xf32, #tpu.memory_space<vmem>>, vector<128x1024xf32>
    %get3A_1058 = arith.constant 0 : index
    %get3A_1059 = arith.constant 1024 : index
    %get3A_1060 = vector.load %arg16[%get3A_1058, %get3A_1059] : memref<1024x4096xf32, #tpu.memory_space<vmem>>, vector<1024x256xf32>
    %dot_general3A_1061 = arith.constant dense<0.000000e+00> : vector<128x256xf32>
    %dot_general3A_1062 = tpu.matmul %get3A_1057, %get3A_1060, %dot_general3A_1061 {dimension_numbers = #tpu.dot_dimension_numbers<[1], [0], [0], [1], [0, 0, 1, 1], [], []>, transpose_lhs_hint = false} : vector<128x1024xf32>, vector<1024x256xf32>, vector<128x256xf32> -> vector<128x256xf32>
    %get3A_1063 = arith.constant 0 : index
    %get3A_1064 = arith.constant 0 : index
    %get3A_1065 = vector.load %arg20[%get3A_1063, %get3A_1064] : memref<128x1024xf32, #tpu.memory_space<vmem>>, vector<128x1024xf32>
    %get3A_1066 = arith.constant 0 : index
    %get3A_1067 = arith.constant 3072 : index
    %get3A_1068 = vector.load %arg16[%get3A_1066, %get3A_1067] : memref<1024x4096xf32, #tpu.memory_space<vmem>>, vector<1024x256xf32>
    %dot_general3A_1069 = arith.constant dense<0.000000e+00> : vector<128x256xf32>
    %dot_general3A_1070 = tpu.matmul %get3A_1065, %get3A_1068, %dot_general3A_1069 {dimension_numbers = #tpu.dot_dimension_numbers<[1], [0], [0], [1], [0, 0, 1, 1], [], []>, transpose_lhs_hint = false} : vector<128x1024xf32>, vector<1024x256xf32>, vector<128x256xf32> -> vector<128x256xf32>
    %add3A_1071 = arith.addf %dot_general3A_1062, %dot_general3A_1070 : vector<128x256xf32>
    %get3A_1072 = arith.constant 0 : index
    %get3A_1073 = arith.constant 1024 : index
    %get3A_1074 = vector.load %arg6[%get3A_1072, %get3A_1073] : memref<1x2048xf32, #tpu.memory_space<vmem>>, vector<1x256xf32>
    %add3A_1075 = vector.broadcast %get3A_1074 : vector<1x256xf32> to vector<128x256xf32>
    %add3A_1076 = arith.addf %add3A_1071, %add3A_1075 : vector<128x256xf32>
    %swap3A_1077 = arith.constant 0 : index
    %swap3A_1078 = arith.constant 1024 : index
    %swap3A_1079 = vector.load %arg12[%swap3A_1077, %swap3A_1078] : memref<128x2048xf32, #tpu.memory_space<vmem>>, vector<128x256xf32>
    tpu.vector_store %arg12[%swap3A_1077, %swap3A_1078], %add3A_1076 {strides = array<i32>} : memref<128x2048xf32, #tpu.memory_space<vmem>>, vector<128x256xf32>,
    %dma_wait3A_1080 = arith.constant 2 : i32
    %dma_wait3A_1081 = arith.constant 2 : i32
    %dma_wait3A_1082 = tpu.memref_slice %arg23[%dma_wait3A_1081] : memref<3x!tpu.dma_semaphore, #tpu.memory_space<semaphore_mem>> -> memref<1x!tpu.dma_semaphore, #tpu.memory_space<semaphore_mem>>
    %dma_wait3A_1083 = tpu.memref_squeeze %dma_wait3A_1082 : memref<1x!tpu.dma_semaphore, #tpu.memory_space<semaphore_mem>> -> memref<!tpu.dma_semaphore, #tpu.memory_space<semaphore_mem>>
    %dma_wait3A_1084 = arith.constant 8704 : i32
    %dma_wait3A_1085 = arith.constant 0 : i32
    %dma_wait3A_1086 = tpu.memref_slice %arg13[%dma_wait3A_1084, %dma_wait3A_1085] : memref<16384x2048xf32, #tpu.memory_space<any>> -> memref<512x2048xf32, #tpu.memory_space<any>>
    %dma_wait3A_1087 = arith.constant 0 : i32
    %dma_wait3A_1088 = arith.constant 0 : i32
    %dma_wait3A_1089 = tpu.memref_slice %arg21[%dma_wait3A_1080, %dma_wait3A_1087, %dma_wait3A_1088] : memref<3x512x2048xf32, #tpu.memory_space<vmem>> -> memref<1x512x2048xf32, #tpu.memory_space<vmem>>
    %dma_wait3A_1090 = tpu.memref_squeeze %dma_wait3A_1089 : memref<1x512x2048xf32, #tpu.memory_space<vmem>> -> memref<512x2048xf32, #tpu.memory_space<vmem>>
    tpu.wait_dma2 semaphore(%dma_wait3A_1083 : memref<!tpu.dma_semaphore, #tpu.memory_space<semaphore_mem>>) src(%dma_wait3A_1090 : memref<512x2048xf32, #tpu.memory_space<vmem>>) dst(%dma_wait3A_1086 : memref<512x2048xf32, #tpu.memory_space<any>>)
    %dma_start3A_1091 = arith.constant 2 : i32
    %dma_start3A_1092 = arith.constant 2 : i32
    %dma_start3A_1093 = tpu.memref_slice %arg22[%dma_start3A_1092] : memref<3x!tpu.dma_semaphore, #tpu.memory_space<semaphore_mem>> -> memref<1x!tpu.dma_semaphore, #tpu.memory_space<semaphore_mem>>
    %dma_start3A_1094 = tpu.memref_squeeze %dma_start3A_1093 : memref<1x!tpu.dma_semaphore, #tpu.memory_space<semaphore_mem>> -> memref<!tpu.dma_semaphore, #tpu.memory_space<semaphore_mem>>
    %dma_start3A_1095 = arith.constant 0 : i32
    %dma_start3A_1096 = arith.constant 0 : i32
    %dma_start3A_1097 = tpu.memref_slice %arg21[%dma_start3A_1091, %dma_start3A_1095, %dma_start3A_1096] : memref<3x512x2048xf32, #tpu.memory_space<vmem>> -> memref<1x512x2048xf32, #tpu.memory_space<vmem>>
    %dma_start3A_1098 = tpu.memref_squeeze %dma_start3A_1097 : memref<1x512x2048xf32, #tpu.memory_space<vmem>> -> memref<512x2048xf32, #tpu.memory_space<vmem>>
    %dma_start3A_1099 = arith.constant 10240 : i32
    %dma_start3A_1100 = arith.constant 0 : i32
    %dma_start3A_1101 = tpu.memref_slice %arg10[%dma_start3A_1099, %dma_start3A_1100] : memref<16384x2048xf32, #tpu.memory_space<any>> -> memref<512x2048xf32, #tpu.memory_space<any>>
    tpu.enqueue_dma source(%dma_start3A_1101 : memref<512x2048xf32, #tpu.memory_space<any>>) target(%dma_start3A_1098 : memref<512x2048xf32, #tpu.memory_space<vmem>>) target_semaphore(%dma_start3A_1094 : memref<!tpu.dma_semaphore, #tpu.memory_space<semaphore_mem>>)
    %dma_wait3A_1102 = arith.constant 0 : i32
    %dma_wait3A_1103 = arith.constant 0 : i32
    %dma_wait3A_1104 = tpu.memref_slice %arg22[%dma_wait3A_1103] : memref<3x!tpu.dma_semaphore, #tpu.memory_space<semaphore_mem>> -> memref<1x!tpu.dma_semaphore, #tpu.memory_space<semaphore_mem>>
    %dma_wait3A_1105 = tpu.memref_squeeze %dma_wait3A_1104 : memref<1x!tpu.dma_semaphore, #tpu.memory_space<semaphore_mem>> -> memref<!tpu.dma_semaphore, #tpu.memory_space<semaphore_mem>>
    %dma_wait3A_1106 = arith.constant 0 : i32
    %dma_wait3A_1107 = arith.constant 0 : i32
    %dma_wait3A_1108 = tpu.memref_slice %arg21[%dma_wait3A_1102, %dma_wait3A_1106, %dma_wait3A_1107] : memref<3x512x2048xf32, #tpu.memory_space<vmem>> -> memref<1x512x2048xf32, #tpu.memory_space<vmem>>
    %dma_wait3A_1109 = tpu.memref_squeeze %dma_wait3A_1108 : memref<1x512x2048xf32, #tpu.memory_space<vmem>> -> memref<512x2048xf32, #tpu.memory_space<vmem>>
    %dma_wait3A_1110 = arith.constant 9216 : i32
    %dma_wait3A_1111 = arith.constant 0 : i32
    %dma_wait3A_1112 = tpu.memref_slice %arg10[%dma_wait3A_1110, %dma_wait3A_1111] : memref<16384x2048xf32, #tpu.memory_space<any>> -> memref<512x2048xf32, #tpu.memory_space<any>>
    tpu.wait_dma2 semaphore(%dma_wait3A_1105 : memref<!tpu.dma_semaphore, #tpu.memory_space<semaphore_mem>>) src(%dma_wait3A_1112 : memref<512x2048xf32, #tpu.memory_space<any>>) dst(%dma_wait3A_1109 : memref<512x2048xf32, #tpu.memory_space<vmem>>)
    %dma_start3A_1113 = arith.constant 0 : i32
    %dma_start3A_1114 = arith.constant 0 : i32
    %dma_start3A_1115 = tpu.memref_slice %arg23[%dma_start3A_1114] : memref<3x!tpu.dma_semaphore, #tpu.memory_space<semaphore_mem>> -> memref<1x!tpu.dma_semaphore, #tpu.memory_space<semaphore_mem>>
    %dma_start3A_1116 = tpu.memref_squeeze %dma_start3A_1115 : memref<1x!tpu.dma_semaphore, #tpu.memory_space<semaphore_mem>> -> memref<!tpu.dma_semaphore, #tpu.memory_space<semaphore_mem>>
    %dma_start3A_1117 = arith.constant 9216 : i32
    %dma_start3A_1118 = arith.constant 0 : i32
    %dma_start3A_1119 = tpu.memref_slice %arg13[%dma_start3A_1117, %dma_start3A_1118] : memref<16384x2048xf32, #tpu.memory_space<any>> -> memref<512x2048xf32, #tpu.memory_space<any>>
    %dma_start3A_1120 = arith.constant 0 : i32
    %dma_start3A_1121 = arith.constant 0 : i32
    %dma_start3A_1122 = tpu.memref_slice %arg21[%dma_start3A_1113, %dma_start3A_1120, %dma_start3A_1121] : memref<3x512x2048xf32, #tpu.memory_space<vmem>> -> memref<1x512x2048xf32, #tpu.memory_space<vmem>>
    %dma_start3A_1123 = tpu.memref_squeeze %dma_start3A_1122 : memref<1x512x2048xf32, #tpu.memory_space<vmem>> -> memref<512x2048xf32, #tpu.memory_space<vmem>>
    tpu.enqueue_dma source(%dma_start3A_1123 : memref<512x2048xf32, #tpu.memory_space<vmem>>) target(%dma_start3A_1119 : memref<512x2048xf32, #tpu.memory_space<any>>) target_semaphore(%dma_start3A_1116 : memref<!tpu.dma_semaphore, #tpu.memory_space<semaphore_mem>>)
    %get3A_1124 = arith.constant 0 : index
    %get3A_1125 = arith.constant 0 : index
    %get3A_1126 = vector.load %arg18[%get3A_1124, %get3A_1125] : memref<128x1024xf32, #tpu.memory_space<vmem>>, vector<128x1024xf32>
    %get3A_1127 = arith.constant 0 : index
    %get3A_1128 = arith.constant 1280 : index
    %get3A_1129 = vector.load %arg16[%get3A_1127, %get3A_1128] : memref<1024x4096xf32, #tpu.memory_space<vmem>>, vector<1024x256xf32>
    %dot_general3A_1130 = arith.constant dense<0.000000e+00> : vector<128x256xf32>
    %dot_general3A_1131 = tpu.matmul %get3A_1126, %get3A_1129, %dot_general3A_1130 {dimension_numbers = #tpu.dot_dimension_numbers<[1], [0], [0], [1], [0, 0, 1, 1], [], []>, transpose_lhs_hint = false} : vector<128x1024xf32>, vector<1024x256xf32>, vector<128x256xf32> -> vector<128x256xf32>
    %get3A_1132 = arith.constant 0 : index
    %get3A_1133 = arith.constant 0 : index
    %get3A_1134 = vector.load %arg20[%get3A_1132, %get3A_1133] : memref<128x1024xf32, #tpu.memory_space<vmem>>, vector<128x1024xf32>
    %get3A_1135 = arith.constant 0 : index
    %get3A_1136 = arith.constant 3328 : index
    %get3A_1137 = vector.load %arg16[%get3A_1135, %get3A_1136] : memref<1024x4096xf32, #tpu.memory_space<vmem>>, vector<1024x256xf32>
    %dot_general3A_1138 = arith.constant dense<0.000000e+00> : vector<128x256xf32>
    %dot_general3A_1139 = tpu.matmul %get3A_1134, %get3A_1137, %dot_general3A_1138 {dimension_numbers = #tpu.dot_dimension_numbers<[1], [0], [0], [1], [0, 0, 1, 1], [], []>, transpose_lhs_hint = false} : vector<128x1024xf32>, vector<1024x256xf32>, vector<128x256xf32> -> vector<128x256xf32>
    %add3A_1140 = arith.addf %dot_general3A_1131, %dot_general3A_1139 : vector<128x256xf32>
    %get3A_1141 = arith.constant 0 : index
    %get3A_1142 = arith.constant 1280 : index
    %get3A_1143 = vector.load %arg6[%get3A_1141, %get3A_1142] : memref<1x2048xf32, #tpu.memory_space<vmem>>, vector<1x256xf32>
    %add3A_1144 = vector.broadcast %get3A_1143 : vector<1x256xf32> to vector<128x256xf32>
    %add3A_1145 = arith.addf %add3A_1140, %add3A_1144 : vector<128x256xf32>
    %swap3A_1146 = arith.constant 0 : index
    %swap3A_1147 = arith.constant 1280 : index
    %swap3A_1148 = vector.load %arg12[%swap3A_1146, %swap3A_1147] : memref<128x2048xf32, #tpu.memory_space<vmem>>, vector<128x256xf32>
    tpu.vector_store %arg12[%swap3A_1146, %swap3A_1147], %add3A_1145 {strides = array<i32>} : memref<128x2048xf32, #tpu.memory_space<vmem>>, vector<128x256xf32>,
    %dma_wait3A_1149 = arith.constant 0 : i32
    %dma_wait3A_1150 = arith.constant 0 : i32
    %dma_wait3A_1151 = tpu.memref_slice %arg23[%dma_wait3A_1150] : memref<3x!tpu.dma_semaphore, #tpu.memory_space<semaphore_mem>> -> memref<1x!tpu.dma_semaphore, #tpu.memory_space<semaphore_mem>>
    %dma_wait3A_1152 = tpu.memref_squeeze %dma_wait3A_1151 : memref<1x!tpu.dma_semaphore, #tpu.memory_space<semaphore_mem>> -> memref<!tpu.dma_semaphore, #tpu.memory_space<semaphore_mem>>
    %dma_wait3A_1153 = arith.constant 9216 : i32
    %dma_wait3A_1154 = arith.constant 0 : i32
    %dma_wait3A_1155 = tpu.memref_slice %arg13[%dma_wait3A_1153, %dma_wait3A_1154] : memref<16384x2048xf32, #tpu.memory_space<any>> -> memref<512x2048xf32, #tpu.memory_space<any>>
    %dma_wait3A_1156 = arith.constant 0 : i32
    %dma_wait3A_1157 = arith.constant 0 : i32
    %dma_wait3A_1158 = tpu.memref_slice %arg21[%dma_wait3A_1149, %dma_wait3A_1156, %dma_wait3A_1157] : memref<3x512x2048xf32, #tpu.memory_space<vmem>> -> memref<1x512x2048xf32, #tpu.memory_space<vmem>>
    %dma_wait3A_1159 = tpu.memref_squeeze %dma_wait3A_1158 : memref<1x512x2048xf32, #tpu.memory_space<vmem>> -> memref<512x2048xf32, #tpu.memory_space<vmem>>
    tpu.wait_dma2 semaphore(%dma_wait3A_1152 : memref<!tpu.dma_semaphore, #tpu.memory_space<semaphore_mem>>) src(%dma_wait3A_1159 : memref<512x2048xf32, #tpu.memory_space<vmem>>) dst(%dma_wait3A_1155 : memref<512x2048xf32, #tpu.memory_space<any>>)
    %dma_start3A_1160 = arith.constant 0 : i32
    %dma_start3A_1161 = arith.constant 0 : i32
    %dma_start3A_1162 = tpu.memref_slice %arg22[%dma_start3A_1161] : memref<3x!tpu.dma_semaphore, #tpu.memory_space<semaphore_mem>> -> memref<1x!tpu.dma_semaphore, #tpu.memory_space<semaphore_mem>>
    %dma_start3A_1163 = tpu.memref_squeeze %dma_start3A_1162 : memref<1x!tpu.dma_semaphore, #tpu.memory_space<semaphore_mem>> -> memref<!tpu.dma_semaphore, #tpu.memory_space<semaphore_mem>>
    %dma_start3A_1164 = arith.constant 0 : i32
    %dma_start3A_1165 = arith.constant 0 : i32
    %dma_start3A_1166 = tpu.memref_slice %arg21[%dma_start3A_1160, %dma_start3A_1164, %dma_start3A_1165] : memref<3x512x2048xf32, #tpu.memory_space<vmem>> -> memref<1x512x2048xf32, #tpu.memory_space<vmem>>
    %dma_start3A_1167 = tpu.memref_squeeze %dma_start3A_1166 : memref<1x512x2048xf32, #tpu.memory_space<vmem>> -> memref<512x2048xf32, #tpu.memory_space<vmem>>
    %dma_start3A_1168 = arith.constant 10752 : i32
    %dma_start3A_1169 = arith.constant 0 : i32
    %dma_start3A_1170 = tpu.memref_slice %arg10[%dma_start3A_1168, %dma_start3A_1169] : memref<16384x2048xf32, #tpu.memory_space<any>> -> memref<512x2048xf32, #tpu.memory_space<any>>
    tpu.enqueue_dma source(%dma_start3A_1170 : memref<512x2048xf32, #tpu.memory_space<any>>) target(%dma_start3A_1167 : memref<512x2048xf32, #tpu.memory_space<vmem>>) target_semaphore(%dma_start3A_1163 : memref<!tpu.dma_semaphore, #tpu.memory_space<semaphore_mem>>)
    %dma_wait3A_1171 = arith.constant 1 : i32
    %dma_wait3A_1172 = arith.constant 1 : i32
    %dma_wait3A_1173 = tpu.memref_slice %arg22[%dma_wait3A_1172] : memref<3x!tpu.dma_semaphore, #tpu.memory_space<semaphore_mem>> -> memref<1x!tpu.dma_semaphore, #tpu.memory_space<semaphore_mem>>
    %dma_wait3A_1174 = tpu.memref_squeeze %dma_wait3A_1173 : memref<1x!tpu.dma_semaphore, #tpu.memory_space<semaphore_mem>> -> memref<!tpu.dma_semaphore, #tpu.memory_space<semaphore_mem>>
    %dma_wait3A_1175 = arith.constant 0 : i32
    %dma_wait3A_1176 = arith.constant 0 : i32
    %dma_wait3A_1177 = tpu.memref_slice %arg21[%dma_wait3A_1171, %dma_wait3A_1175, %dma_wait3A_1176] : memref<3x512x2048xf32, #tpu.memory_space<vmem>> -> memref<1x512x2048xf32, #tpu.memory_space<vmem>>
    %dma_wait3A_1178 = tpu.memref_squeeze %dma_wait3A_1177 : memref<1x512x2048xf32, #tpu.memory_space<vmem>> -> memref<512x2048xf32, #tpu.memory_space<vmem>>
    %dma_wait3A_1179 = arith.constant 9728 : i32
    %dma_wait3A_1180 = arith.constant 0 : i32
    %dma_wait3A_1181 = tpu.memref_slice %arg10[%dma_wait3A_1179, %dma_wait3A_1180] : memref<16384x2048xf32, #tpu.memory_space<any>> -> memref<512x2048xf32, #tpu.memory_space<any>>
    tpu.wait_dma2 semaphore(%dma_wait3A_1174 : memref<!tpu.dma_semaphore, #tpu.memory_space<semaphore_mem>>) src(%dma_wait3A_1181 : memref<512x2048xf32, #tpu.memory_space<any>>) dst(%dma_wait3A_1178 : memref<512x2048xf32, #tpu.memory_space<vmem>>)
    %dma_start3A_1182 = arith.constant 1 : i32
    %dma_start3A_1183 = arith.constant 1 : i32
    %dma_start3A_1184 = tpu.memref_slice %arg23[%dma_start3A_1183] : memref<3x!tpu.dma_semaphore, #tpu.memory_space<semaphore_mem>> -> memref<1x!tpu.dma_semaphore, #tpu.memory_space<semaphore_mem>>
    %dma_start3A_1185 = tpu.memref_squeeze %dma_start3A_1184 : memref<1x!tpu.dma_semaphore, #tpu.memory_space<semaphore_mem>> -> memref<!tpu.dma_semaphore, #tpu.memory_space<semaphore_mem>>
    %dma_start3A_1186 = arith.constant 9728 : i32
    %dma_start3A_1187 = arith.constant 0 : i32
    %dma_start3A_1188 = tpu.memref_slice %arg13[%dma_start3A_1186, %dma_start3A_1187] : memref<16384x2048xf32, #tpu.memory_space<any>> -> memref<512x2048xf32, #tpu.memory_space<any>>
    %dma_start3A_1189 = arith.constant 0 : i32
    %dma_start3A_1190 = arith.constant 0 : i32
    %dma_start3A_1191 = tpu.memref_slice %arg21[%dma_start3A_1182, %dma_start3A_1189, %dma_start3A_1190] : memref<3x512x2048xf32, #tpu.memory_space<vmem>> -> memref<1x512x2048xf32, #tpu.memory_space<vmem>>
    %dma_start3A_1192 = tpu.memref_squeeze %dma_start3A_1191 : memref<1x512x2048xf32, #tpu.memory_space<vmem>> -> memref<512x2048xf32, #tpu.memory_space<vmem>>
    tpu.enqueue_dma source(%dma_start3A_1192 : memref<512x2048xf32, #tpu.memory_space<vmem>>) target(%dma_start3A_1188 : memref<512x2048xf32, #tpu.memory_space<any>>) target_semaphore(%dma_start3A_1185 : memref<!tpu.dma_semaphore, #tpu.memory_space<semaphore_mem>>)
    %get3A_1193 = arith.constant 0 : index
    %get3A_1194 = arith.constant 0 : index
    %get3A_1195 = vector.load %arg18[%get3A_1193, %get3A_1194] : memref<128x1024xf32, #tpu.memory_space<vmem>>, vector<128x1024xf32>
    %get3A_1196 = arith.constant 0 : index
    %get3A_1197 = arith.constant 1536 : index
    %get3A_1198 = vector.load %arg16[%get3A_1196, %get3A_1197] : memref<1024x4096xf32, #tpu.memory_space<vmem>>, vector<1024x256xf32>
    %dot_general3A_1199 = arith.constant dense<0.000000e+00> : vector<128x256xf32>
    %dot_general3A_1200 = tpu.matmul %get3A_1195, %get3A_1198, %dot_general3A_1199 {dimension_numbers = #tpu.dot_dimension_numbers<[1], [0], [0], [1], [0, 0, 1, 1], [], []>, transpose_lhs_hint = false} : vector<128x1024xf32>, vector<1024x256xf32>, vector<128x256xf32> -> vector<128x256xf32>
    %get3A_1201 = arith.constant 0 : index
    %get3A_1202 = arith.constant 0 : index
    %get3A_1203 = vector.load %arg20[%get3A_1201, %get3A_1202] : memref<128x1024xf32, #tpu.memory_space<vmem>>, vector<128x1024xf32>
    %get3A_1204 = arith.constant 0 : index
    %get3A_1205 = arith.constant 3584 : index
    %get3A_1206 = vector.load %arg16[%get3A_1204, %get3A_1205] : memref<1024x4096xf32, #tpu.memory_space<vmem>>, vector<1024x256xf32>
    %dot_general3A_1207 = arith.constant dense<0.000000e+00> : vector<128x256xf32>
    %dot_general3A_1208 = tpu.matmul %get3A_1203, %get3A_1206, %dot_general3A_1207 {dimension_numbers = #tpu.dot_dimension_numbers<[1], [0], [0], [1], [0, 0, 1, 1], [], []>, transpose_lhs_hint = false} : vector<128x1024xf32>, vector<1024x256xf32>, vector<128x256xf32> -> vector<128x256xf32>
    %add3A_1209 = arith.addf %dot_general3A_1200, %dot_general3A_1208 : vector<128x256xf32>
    %get3A_1210 = arith.constant 0 : index
    %get3A_1211 = arith.constant 1536 : index
    %get3A_1212 = vector.load %arg6[%get3A_1210, %get3A_1211] : memref<1x2048xf32, #tpu.memory_space<vmem>>, vector<1x256xf32>
    %add3A_1213 = vector.broadcast %get3A_1212 : vector<1x256xf32> to vector<128x256xf32>
    %add3A_1214 = arith.addf %add3A_1209, %add3A_1213 : vector<128x256xf32>
    %swap3A_1215 = arith.constant 0 : index
    %swap3A_1216 = arith.constant 1536 : index
    %swap3A_1217 = vector.load %arg12[%swap3A_1215, %swap3A_1216] : memref<128x2048xf32, #tpu.memory_space<vmem>>, vector<128x256xf32>
    tpu.vector_store %arg12[%swap3A_1215, %swap3A_1216], %add3A_1214 {strides = array<i32>} : memref<128x2048xf32, #tpu.memory_space<vmem>>, vector<128x256xf32>,
    %dma_wait3A_1218 = arith.constant 1 : i32
    %dma_wait3A_1219 = arith.constant 1 : i32
    %dma_wait3A_1220 = tpu.memref_slice %arg23[%dma_wait3A_1219] : memref<3x!tpu.dma_semaphore, #tpu.memory_space<semaphore_mem>> -> memref<1x!tpu.dma_semaphore, #tpu.memory_space<semaphore_mem>>
    %dma_wait3A_1221 = tpu.memref_squeeze %dma_wait3A_1220 : memref<1x!tpu.dma_semaphore, #tpu.memory_space<semaphore_mem>> -> memref<!tpu.dma_semaphore, #tpu.memory_space<semaphore_mem>>
    %dma_wait3A_1222 = arith.constant 9728 : i32
    %dma_wait3A_1223 = arith.constant 0 : i32
    %dma_wait3A_1224 = tpu.memref_slice %arg13[%dma_wait3A_1222, %dma_wait3A_1223] : memref<16384x2048xf32, #tpu.memory_space<any>> -> memref<512x2048xf32, #tpu.memory_space<any>>
    %dma_wait3A_1225 = arith.constant 0 : i32
    %dma_wait3A_1226 = arith.constant 0 : i32
    %dma_wait3A_1227 = tpu.memref_slice %arg21[%dma_wait3A_1218, %dma_wait3A_1225, %dma_wait3A_1226] : memref<3x512x2048xf32, #tpu.memory_space<vmem>> -> memref<1x512x2048xf32, #tpu.memory_space<vmem>>
    %dma_wait3A_1228 = tpu.memref_squeeze %dma_wait3A_1227 : memref<1x512x2048xf32, #tpu.memory_space<vmem>> -> memref<512x2048xf32, #tpu.memory_space<vmem>>
    tpu.wait_dma2 semaphore(%dma_wait3A_1221 : memref<!tpu.dma_semaphore, #tpu.memory_space<semaphore_mem>>) src(%dma_wait3A_1228 : memref<512x2048xf32, #tpu.memory_space<vmem>>) dst(%dma_wait3A_1224 : memref<512x2048xf32, #tpu.memory_space<any>>)
    %dma_start3A_1229 = arith.constant 1 : i32
    %dma_start3A_1230 = arith.constant 1 : i32
    %dma_start3A_1231 = tpu.memref_slice %arg22[%dma_start3A_1230] : memref<3x!tpu.dma_semaphore, #tpu.memory_space<semaphore_mem>> -> memref<1x!tpu.dma_semaphore, #tpu.memory_space<semaphore_mem>>
    %dma_start3A_1232 = tpu.memref_squeeze %dma_start3A_1231 : memref<1x!tpu.dma_semaphore, #tpu.memory_space<semaphore_mem>> -> memref<!tpu.dma_semaphore, #tpu.memory_space<semaphore_mem>>
    %dma_start3A_1233 = arith.constant 0 : i32
    %dma_start3A_1234 = arith.constant 0 : i32
    %dma_start3A_1235 = tpu.memref_slice %arg21[%dma_start3A_1229, %dma_start3A_1233, %dma_start3A_1234] : memref<3x512x2048xf32, #tpu.memory_space<vmem>> -> memref<1x512x2048xf32, #tpu.memory_space<vmem>>
    %dma_start3A_1236 = tpu.memref_squeeze %dma_start3A_1235 : memref<1x512x2048xf32, #tpu.memory_space<vmem>> -> memref<512x2048xf32, #tpu.memory_space<vmem>>
    %dma_start3A_1237 = arith.constant 11264 : i32
    %dma_start3A_1238 = arith.constant 0 : i32
    %dma_start3A_1239 = tpu.memref_slice %arg10[%dma_start3A_1237, %dma_start3A_1238] : memref<16384x2048xf32, #tpu.memory_space<any>> -> memref<512x2048xf32, #tpu.memory_space<any>>
    tpu.enqueue_dma source(%dma_start3A_1239 : memref<512x2048xf32, #tpu.memory_space<any>>) target(%dma_start3A_1236 : memref<512x2048xf32, #tpu.memory_space<vmem>>) target_semaphore(%dma_start3A_1232 : memref<!tpu.dma_semaphore, #tpu.memory_space<semaphore_mem>>)
    %dma_wait3A_1240 = arith.constant 2 : i32
    %dma_wait3A_1241 = arith.constant 2 : i32
    %dma_wait3A_1242 = tpu.memref_slice %arg22[%dma_wait3A_1241] : memref<3x!tpu.dma_semaphore, #tpu.memory_space<semaphore_mem>> -> memref<1x!tpu.dma_semaphore, #tpu.memory_space<semaphore_mem>>
    %dma_wait3A_1243 = tpu.memref_squeeze %dma_wait3A_1242 : memref<1x!tpu.dma_semaphore, #tpu.memory_space<semaphore_mem>> -> memref<!tpu.dma_semaphore, #tpu.memory_space<semaphore_mem>>
    %dma_wait3A_1244 = arith.constant 0 : i32
    %dma_wait3A_1245 = arith.constant 0 : i32
    %dma_wait3A_1246 = tpu.memref_slice %arg21[%dma_wait3A_1240, %dma_wait3A_1244, %dma_wait3A_1245] : memref<3x512x2048xf32, #tpu.memory_space<vmem>> -> memref<1x512x2048xf32, #tpu.memory_space<vmem>>
    %dma_wait3A_1247 = tpu.memref_squeeze %dma_wait3A_1246 : memref<1x512x2048xf32, #tpu.memory_space<vmem>> -> memref<512x2048xf32, #tpu.memory_space<vmem>>
    %dma_wait3A_1248 = arith.constant 10240 : i32
    %dma_wait3A_1249 = arith.constant 0 : i32
    %dma_wait3A_1250 = tpu.memref_slice %arg10[%dma_wait3A_1248, %dma_wait3A_1249] : memref<16384x2048xf32, #tpu.memory_space<any>> -> memref<512x2048xf32, #tpu.memory_space<any>>
    tpu.wait_dma2 semaphore(%dma_wait3A_1243 : memref<!tpu.dma_semaphore, #tpu.memory_space<semaphore_mem>>) src(%dma_wait3A_1250 : memref<512x2048xf32, #tpu.memory_space<any>>) dst(%dma_wait3A_1247 : memref<512x2048xf32, #tpu.memory_space<vmem>>)
    %dma_start3A_1251 = arith.constant 2 : i32
    %dma_start3A_1252 = arith.constant 2 : i32
    %dma_start3A_1253 = tpu.memref_slice %arg23[%dma_start3A_1252] : memref<3x!tpu.dma_semaphore, #tpu.memory_space<semaphore_mem>> -> memref<1x!tpu.dma_semaphore, #tpu.memory_space<semaphore_mem>>
    %dma_start3A_1254 = tpu.memref_squeeze %dma_start3A_1253 : memref<1x!tpu.dma_semaphore, #tpu.memory_space<semaphore_mem>> -> memref<!tpu.dma_semaphore, #tpu.memory_space<semaphore_mem>>
    %dma_start3A_1255 = arith.constant 10240 : i32
    %dma_start3A_1256 = arith.constant 0 : i32
    %dma_start3A_1257 = tpu.memref_slice %arg13[%dma_start3A_1255, %dma_start3A_1256] : memref<16384x2048xf32, #tpu.memory_space<any>> -> memref<512x2048xf32, #tpu.memory_space<any>>
    %dma_start3A_1258 = arith.constant 0 : i32
    %dma_start3A_1259 = arith.constant 0 : i32
    %dma_start3A_1260 = tpu.memref_slice %arg21[%dma_start3A_1251, %dma_start3A_1258, %dma_start3A_1259] : memref<3x512x2048xf32, #tpu.memory_space<vmem>> -> memref<1x512x2048xf32, #tpu.memory_space<vmem>>
    %dma_start3A_1261 = tpu.memref_squeeze %dma_start3A_1260 : memref<1x512x2048xf32, #tpu.memory_space<vmem>> -> memref<512x2048xf32, #tpu.memory_space<vmem>>
    tpu.enqueue_dma source(%dma_start3A_1261 : memref<512x2048xf32, #tpu.memory_space<vmem>>) target(%dma_start3A_1257 : memref<512x2048xf32, #tpu.memory_space<any>>) target_semaphore(%dma_start3A_1254 : memref<!tpu.dma_semaphore, #tpu.memory_space<semaphore_mem>>)
    %get3A_1262 = arith.constant 0 : index
    %get3A_1263 = arith.constant 0 : index
    %get3A_1264 = vector.load %arg18[%get3A_1262, %get3A_1263] : memref<128x1024xf32, #tpu.memory_space<vmem>>, vector<128x1024xf32>
    %get3A_1265 = arith.constant 0 : index
    %get3A_1266 = arith.constant 1792 : index
    %get3A_1267 = vector.load %arg16[%get3A_1265, %get3A_1266] : memref<1024x4096xf32, #tpu.memory_space<vmem>>, vector<1024x256xf32>
    %dot_general3A_1268 = arith.constant dense<0.000000e+00> : vector<128x256xf32>
    %dot_general3A_1269 = tpu.matmul %get3A_1264, %get3A_1267, %dot_general3A_1268 {dimension_numbers = #tpu.dot_dimension_numbers<[1], [0], [0], [1], [0, 0, 1, 1], [], []>, transpose_lhs_hint = false} : vector<128x1024xf32>, vector<1024x256xf32>, vector<128x256xf32> -> vector<128x256xf32>
    %get3A_1270 = arith.constant 0 : index
    %get3A_1271 = arith.constant 0 : index
    %get3A_1272 = vector.load %arg20[%get3A_1270, %get3A_1271] : memref<128x1024xf32, #tpu.memory_space<vmem>>, vector<128x1024xf32>
    %get3A_1273 = arith.constant 0 : index
    %get3A_1274 = arith.constant 3840 : index
    %get3A_1275 = vector.load %arg16[%get3A_1273, %get3A_1274] : memref<1024x4096xf32, #tpu.memory_space<vmem>>, vector<1024x256xf32>
    %dot_general3A_1276 = arith.constant dense<0.000000e+00> : vector<128x256xf32>
    %dot_general3A_1277 = tpu.matmul %get3A_1272, %get3A_1275, %dot_general3A_1276 {dimension_numbers = #tpu.dot_dimension_numbers<[1], [0], [0], [1], [0, 0, 1, 1], [], []>, transpose_lhs_hint = false} : vector<128x1024xf32>, vector<1024x256xf32>, vector<128x256xf32> -> vector<128x256xf32>
    %add3A_1278 = arith.addf %dot_general3A_1269, %dot_general3A_1277 : vector<128x256xf32>
    %get3A_1279 = arith.constant 0 : index
    %get3A_1280 = arith.constant 1792 : index
    %get3A_1281 = vector.load %arg6[%get3A_1279, %get3A_1280] : memref<1x2048xf32, #tpu.memory_space<vmem>>, vector<1x256xf32>
    %add3A_1282 = vector.broadcast %get3A_1281 : vector<1x256xf32> to vector<128x256xf32>
    %add3A_1283 = arith.addf %add3A_1278, %add3A_1282 : vector<128x256xf32>
    %swap3A_1284 = arith.constant 0 : index
    %swap3A_1285 = arith.constant 1792 : index
    %swap3A_1286 = vector.load %arg12[%swap3A_1284, %swap3A_1285] : memref<128x2048xf32, #tpu.memory_space<vmem>>, vector<128x256xf32>
    tpu.vector_store %arg12[%swap3A_1284, %swap3A_1285], %add3A_1283 {strides = array<i32>} : memref<128x2048xf32, #tpu.memory_space<vmem>>, vector<128x256xf32>,
    %dma_wait3A_1287 = arith.constant 2 : i32
    %dma_wait3A_1288 = arith.constant 2 : i32
    %dma_wait3A_1289 = tpu.memref_slice %arg23[%dma_wait3A_1288] : memref<3x!tpu.dma_semaphore, #tpu.memory_space<semaphore_mem>> -> memref<1x!tpu.dma_semaphore, #tpu.memory_space<semaphore_mem>>
    %dma_wait3A_1290 = tpu.memref_squeeze %dma_wait3A_1289 : memref<1x!tpu.dma_semaphore, #tpu.memory_space<semaphore_mem>> -> memref<!tpu.dma_semaphore, #tpu.memory_space<semaphore_mem>>
    %dma_wait3A_1291 = arith.constant 10240 : i32
    %dma_wait3A_1292 = arith.constant 0 : i32
    %dma_wait3A_1293 = tpu.memref_slice %arg13[%dma_wait3A_1291, %dma_wait3A_1292] : memref<16384x2048xf32, #tpu.memory_space<any>> -> memref<512x2048xf32, #tpu.memory_space<any>>
    %dma_wait3A_1294 = arith.constant 0 : i32
    %dma_wait3A_1295 = arith.constant 0 : i32
    %dma_wait3A_1296 = tpu.memref_slice %arg21[%dma_wait3A_1287, %dma_wait3A_1294, %dma_wait3A_1295] : memref<3x512x2048xf32, #tpu.memory_space<vmem>> -> memref<1x512x2048xf32, #tpu.memory_space<vmem>>
    %dma_wait3A_1297 = tpu.memref_squeeze %dma_wait3A_1296 : memref<1x512x2048xf32, #tpu.memory_space<vmem>> -> memref<512x2048xf32, #tpu.memory_space<vmem>>
    tpu.wait_dma2 semaphore(%dma_wait3A_1290 : memref<!tpu.dma_semaphore, #tpu.memory_space<semaphore_mem>>) src(%dma_wait3A_1297 : memref<512x2048xf32, #tpu.memory_space<vmem>>) dst(%dma_wait3A_1293 : memref<512x2048xf32, #tpu.memory_space<any>>)
    %dma_start3A_1298 = arith.constant 2 : i32
    %dma_start3A_1299 = arith.constant 2 : i32
    %dma_start3A_1300 = tpu.memref_slice %arg22[%dma_start3A_1299] : memref<3x!tpu.dma_semaphore, #tpu.memory_space<semaphore_mem>> -> memref<1x!tpu.dma_semaphore, #tpu.memory_space<semaphore_mem>>
    %dma_start3A_1301 = tpu.memref_squeeze %dma_start3A_1300 : memref<1x!tpu.dma_semaphore, #tpu.memory_space<semaphore_mem>> -> memref<!tpu.dma_semaphore, #tpu.memory_space<semaphore_mem>>
    %dma_start3A_1302 = arith.constant 0 : i32
    %dma_start3A_1303 = arith.constant 0 : i32
    %dma_start3A_1304 = tpu.memref_slice %arg21[%dma_start3A_1298, %dma_start3A_1302, %dma_start3A_1303] : memref<3x512x2048xf32, #tpu.memory_space<vmem>> -> memref<1x512x2048xf32, #tpu.memory_space<vmem>>
    %dma_start3A_1305 = tpu.memref_squeeze %dma_start3A_1304 : memref<1x512x2048xf32, #tpu.memory_space<vmem>> -> memref<512x2048xf32, #tpu.memory_space<vmem>>
    %dma_start3A_1306 = arith.constant 11776 : i32
    %dma_start3A_1307 = arith.constant 0 : i32
    %dma_start3A_1308 = tpu.memref_slice %arg10[%dma_start3A_1306, %dma_start3A_1307] : memref<16384x2048xf32, #tpu.memory_space<any>> -> memref<512x2048xf32, #tpu.memory_space<any>>
    tpu.enqueue_dma source(%dma_start3A_1308 : memref<512x2048xf32, #tpu.memory_space<any>>) target(%dma_start3A_1305 : memref<512x2048xf32, #tpu.memory_space<vmem>>) target_semaphore(%dma_start3A_1301 : memref<!tpu.dma_semaphore, #tpu.memory_space<semaphore_mem>>)
    %dma_wait3A_1309 = arith.constant 0 : i32
    %dma_wait3A_1310 = arith.constant 0 : i32
    %dma_wait3A_1311 = tpu.memref_slice %arg22[%dma_wait3A_1310] : memref<3x!tpu.dma_semaphore, #tpu.memory_space<semaphore_mem>> -> memref<1x!tpu.dma_semaphore, #tpu.memory_space<semaphore_mem>>
    %dma_wait3A_1312 = tpu.memref_squeeze %dma_wait3A_1311 : memref<1x!tpu.dma_semaphore, #tpu.memory_space<semaphore_mem>> -> memref<!tpu.dma_semaphore, #tpu.memory_space<semaphore_mem>>
    %dma_wait3A_1313 = arith.constant 0 : i32
    %dma_wait3A_1314 = arith.constant 0 : i32
    %dma_wait3A_1315 = tpu.memref_slice %arg21[%dma_wait3A_1309, %dma_wait3A_1313, %dma_wait3A_1314] : memref<3x512x2048xf32, #tpu.memory_space<vmem>> -> memref<1x512x2048xf32, #tpu.memory_space<vmem>>
    %dma_wait3A_1316 = tpu.memref_squeeze %dma_wait3A_1315 : memref<1x512x2048xf32, #tpu.memory_space<vmem>> -> memref<512x2048xf32, #tpu.memory_space<vmem>>
    %dma_wait3A_1317 = arith.constant 10752 : i32
    %dma_wait3A_1318 = arith.constant 0 : i32
    %dma_wait3A_1319 = tpu.memref_slice %arg10[%dma_wait3A_1317, %dma_wait3A_1318] : memref<16384x2048xf32, #tpu.memory_space<any>> -> memref<512x2048xf32, #tpu.memory_space<any>>
    tpu.wait_dma2 semaphore(%dma_wait3A_1312 : memref<!tpu.dma_semaphore, #tpu.memory_space<semaphore_mem>>) src(%dma_wait3A_1319 : memref<512x2048xf32, #tpu.memory_space<any>>) dst(%dma_wait3A_1316 : memref<512x2048xf32, #tpu.memory_space<vmem>>)
    %dma_start3A_1320 = arith.constant 0 : i32
    %dma_start3A_1321 = arith.constant 0 : i32
    %dma_start3A_1322 = tpu.memref_slice %arg23[%dma_start3A_1321] : memref<3x!tpu.dma_semaphore, #tpu.memory_space<semaphore_mem>> -> memref<1x!tpu.dma_semaphore, #tpu.memory_space<semaphore_mem>>
    %dma_start3A_1323 = tpu.memref_squeeze %dma_start3A_1322 : memref<1x!tpu.dma_semaphore, #tpu.memory_space<semaphore_mem>> -> memref<!tpu.dma_semaphore, #tpu.memory_space<semaphore_mem>>
    %dma_start3A_1324 = arith.constant 10752 : i32
    %dma_start3A_1325 = arith.constant 0 : i32
    %dma_start3A_1326 = tpu.memref_slice %arg13[%dma_start3A_1324, %dma_start3A_1325] : memref<16384x2048xf32, #tpu.memory_space<any>> -> memref<512x2048xf32, #tpu.memory_space<any>>
    %dma_start3A_1327 = arith.constant 0 : i32
    %dma_start3A_1328 = arith.constant 0 : i32
    %dma_start3A_1329 = tpu.memref_slice %arg21[%dma_start3A_1320, %dma_start3A_1327, %dma_start3A_1328] : memref<3x512x2048xf32, #tpu.memory_space<vmem>> -> memref<1x512x2048xf32, #tpu.memory_space<vmem>>
    %dma_start3A_1330 = tpu.memref_squeeze %dma_start3A_1329 : memref<1x512x2048xf32, #tpu.memory_space<vmem>> -> memref<512x2048xf32, #tpu.memory_space<vmem>>
    tpu.enqueue_dma source(%dma_start3A_1330 : memref<512x2048xf32, #tpu.memory_space<vmem>>) target(%dma_start3A_1326 : memref<512x2048xf32, #tpu.memory_space<any>>) target_semaphore(%dma_start3A_1323 : memref<!tpu.dma_semaphore, #tpu.memory_space<semaphore_mem>>)
    %get3A_1331 = arith.constant 0 : index
    %get3A_1332 = arith.constant 0 : index
    %get3A_1333 = vector.load %arg12[%get3A_1331, %get3A_1332] : memref<128x2048xf32, #tpu.memory_space<vmem>>, vector<128x2048xf32>
    %get3A_1334 = arith.constant 0 : index
    %get3A_1335 = arith.constant 0 : index
    %get3A_1336 = vector.load %arg0[%get3A_1334, %get3A_1335] : memref<128x2048xf32, #tpu.memory_space<vmem>>, vector<128x2048xf32>
    %add3A_1337 = arith.addf %get3A_1333, %get3A_1336 : vector<128x2048xf32>
    %mul3A = arith.mulf %add3A_1337, %add3A_1337 : vector<128x2048xf32>
    %reduce_sum3A = arith.constant dense<0.000000e+00> : vector<128xf32>
    %reduce_sum3A_1338 = vector.multi_reduction <add>, %mul3A, %reduce_sum3A [1] : vector<128x2048xf32> to vector<128xf32>
    %broadcast_in_dim3A_1339 = vector.shape_cast %reduce_sum3A_1338 : vector<128xf32> to vector<128x1xf32>
    %div3A = arith.constant 2.048000e+03 : f32
    %div3A_1340 = vector.broadcast %div3A : f32 to vector<128x1xf32>
    %div3A_1341 = arith.divf %broadcast_in_dim3A_1339, %div3A_1340 : vector<128x1xf32>
    %add3A_1342 = arith.constant 9.99999997E-7 : f32
    %add3A_1343 = vector.broadcast %add3A_1342 : f32 to vector<128x1xf32>
    %add3A_1344 = arith.addf %div3A_1341, %add3A_1343 : vector<128x1xf32>
    %rsqrt3A = math.rsqrt %add3A_1344 : vector<128x1xf32>
    %mul3A_1345 = vector.broadcast %rsqrt3A : vector<128x1xf32> to vector<128x2048xf32>
    %mul3A_1346 = arith.mulf %add3A_1337, %mul3A_1345 : vector<128x2048xf32>
    %get3A_1347 = arith.constant 0 : index
    %get3A_1348 = arith.constant 0 : index
    %get3A_1349 = vector.load %arg7[%get3A_1347, %get3A_1348] : memref<1x2048xf32, #tpu.memory_space<vmem>>, vector<1x2048xf32>
    %mul3A_1350 = vector.broadcast %get3A_1349 : vector<1x2048xf32> to vector<128x2048xf32>
    %mul3A_1351 = arith.mulf %mul3A_1346, %mul3A_1350 : vector<128x2048xf32>
    %swap3A_1352 = arith.constant 0 : index
    %swap3A_1353 = arith.constant 0 : index
    %swap3A_1354 = vector.load %arg12[%swap3A_1352, %swap3A_1353] : memref<128x2048xf32, #tpu.memory_space<vmem>>, vector<128x2048xf32>
    tpu.vector_store %arg12[%swap3A_1352, %swap3A_1353], %mul3A_1351 {strides = array<i32>} : memref<128x2048xf32, #tpu.memory_space<vmem>>, vector<128x2048xf32>,
    %dma_wait3A_1355 = arith.constant 0 : i32
    %dma_wait3A_1356 = arith.constant 0 : i32
    %dma_wait3A_1357 = tpu.memref_slice %arg23[%dma_wait3A_1356] : memref<3x!tpu.dma_semaphore, #tpu.memory_space<semaphore_mem>> -> memref<1x!tpu.dma_semaphore, #tpu.memory_space<semaphore_mem>>
    %dma_wait3A_1358 = tpu.memref_squeeze %dma_wait3A_1357 : memref<1x!tpu.dma_semaphore, #tpu.memory_space<semaphore_mem>> -> memref<!tpu.dma_semaphore, #tpu.memory_space<semaphore_mem>>
    %dma_wait3A_1359 = arith.constant 10752 : i32
    %dma_wait3A_1360 = arith.constant 0 : i32
    %dma_wait3A_1361 = tpu.memref_slice %arg13[%dma_wait3A_1359, %dma_wait3A_1360] : memref<16384x2048xf32, #tpu.memory_space<any>> -> memref<512x2048xf32, #tpu.memory_space<any>>
    %dma_wait3A_1362 = arith.constant 0 : i32
    %dma_wait3A_1363 = arith.constant 0 : i32
    %dma_wait3A_1364 = tpu.memref_slice %arg21[%dma_wait3A_1355, %dma_wait3A_1362, %dma_wait3A_1363] : memref<3x512x2048xf32, #tpu.memory_space<vmem>> -> memref<1x512x2048xf32, #tpu.memory_space<vmem>>
    %dma_wait3A_1365 = tpu.memref_squeeze %dma_wait3A_1364 : memref<1x512x2048xf32, #tpu.memory_space<vmem>> -> memref<512x2048xf32, #tpu.memory_space<vmem>>
    tpu.wait_dma2 semaphore(%dma_wait3A_1358 : memref<!tpu.dma_semaphore, #tpu.memory_space<semaphore_mem>>) src(%dma_wait3A_1365 : memref<512x2048xf32, #tpu.memory_space<vmem>>) dst(%dma_wait3A_1361 : memref<512x2048xf32, #tpu.memory_space<any>>)
    %dma_start3A_1366 = arith.constant 0 : i32
    %dma_start3A_1367 = arith.constant 0 : i32
    %dma_start3A_1368 = tpu.memref_slice %arg22[%dma_start3A_1367] : memref<3x!tpu.dma_semaphore, #tpu.memory_space<semaphore_mem>> -> memref<1x!tpu.dma_semaphore, #tpu.memory_space<semaphore_mem>>
    %dma_start3A_1369 = tpu.memref_squeeze %dma_start3A_1368 : memref<1x!tpu.dma_semaphore, #tpu.memory_space<semaphore_mem>> -> memref<!tpu.dma_semaphore, #tpu.memory_space<semaphore_mem>>
    %dma_start3A_1370 = arith.constant 0 : i32
    %dma_start3A_1371 = arith.constant 0 : i32
    %dma_start3A_1372 = tpu.memref_slice %arg21[%dma_start3A_1366, %dma_start3A_1370, %dma_start3A_1371] : memref<3x512x2048xf32, #tpu.memory_space<vmem>> -> memref<1x512x2048xf32, #tpu.memory_space<vmem>>
    %dma_start3A_1373 = tpu.memref_squeeze %dma_start3A_1372 : memref<1x512x2048xf32, #tpu.memory_space<vmem>> -> memref<512x2048xf32, #tpu.memory_space<vmem>>
    %dma_start3A_1374 = arith.constant 12288 : i32
    %dma_start3A_1375 = arith.constant 0 : i32
    %dma_start3A_1376 = tpu.memref_slice %arg10[%dma_start3A_1374, %dma_start3A_1375] : memref<16384x2048xf32, #tpu.memory_space<any>> -> memref<512x2048xf32, #tpu.memory_space<any>>
    tpu.enqueue_dma source(%dma_start3A_1376 : memref<512x2048xf32, #tpu.memory_space<any>>) target(%dma_start3A_1373 : memref<512x2048xf32, #tpu.memory_space<vmem>>) target_semaphore(%dma_start3A_1369 : memref<!tpu.dma_semaphore, #tpu.memory_space<semaphore_mem>>)
    %dma_wait3A_1377 = arith.constant 1 : i32
    %dma_wait3A_1378 = arith.constant 1 : i32
    %dma_wait3A_1379 = tpu.memref_slice %arg22[%dma_wait3A_1378] : memref<3x!tpu.dma_semaphore, #tpu.memory_space<semaphore_mem>> -> memref<1x!tpu.dma_semaphore, #tpu.memory_space<semaphore_mem>>
    %dma_wait3A_1380 = tpu.memref_squeeze %dma_wait3A_1379 : memref<1x!tpu.dma_semaphore, #tpu.memory_space<semaphore_mem>> -> memref<!tpu.dma_semaphore, #tpu.memory_space<semaphore_mem>>
    %dma_wait3A_1381 = arith.constant 0 : i32
    %dma_wait3A_1382 = arith.constant 0 : i32
    %dma_wait3A_1383 = tpu.memref_slice %arg21[%dma_wait3A_1377, %dma_wait3A_1381, %dma_wait3A_1382] : memref<3x512x2048xf32, #tpu.memory_space<vmem>> -> memref<1x512x2048xf32, #tpu.memory_space<vmem>>
    %dma_wait3A_1384 = tpu.memref_squeeze %dma_wait3A_1383 : memref<1x512x2048xf32, #tpu.memory_space<vmem>> -> memref<512x2048xf32, #tpu.memory_space<vmem>>
    %dma_wait3A_1385 = arith.constant 11264 : i32
    %dma_wait3A_1386 = arith.constant 0 : i32
    %dma_wait3A_1387 = tpu.memref_slice %arg10[%dma_wait3A_1385, %dma_wait3A_1386] : memref<16384x2048xf32, #tpu.memory_space<any>> -> memref<512x2048xf32, #tpu.memory_space<any>>
    tpu.wait_dma2 semaphore(%dma_wait3A_1380 : memref<!tpu.dma_semaphore, #tpu.memory_space<semaphore_mem>>) src(%dma_wait3A_1387 : memref<512x2048xf32, #tpu.memory_space<any>>) dst(%dma_wait3A_1384 : memref<512x2048xf32, #tpu.memory_space<vmem>>)
    %dma_start3A_1388 = arith.constant 1 : i32
    %dma_start3A_1389 = arith.constant 1 : i32
    %dma_start3A_1390 = tpu.memref_slice %arg23[%dma_start3A_1389] : memref<3x!tpu.dma_semaphore, #tpu.memory_space<semaphore_mem>> -> memref<1x!tpu.dma_semaphore, #tpu.memory_space<semaphore_mem>>
    %dma_start3A_1391 = tpu.memref_squeeze %dma_start3A_1390 : memref<1x!tpu.dma_semaphore, #tpu.memory_space<semaphore_mem>> -> memref<!tpu.dma_semaphore, #tpu.memory_space<semaphore_mem>>
    %dma_start3A_1392 = arith.constant 11264 : i32
    %dma_start3A_1393 = arith.constant 0 : i32
    %dma_start3A_1394 = tpu.memref_slice %arg13[%dma_start3A_1392, %dma_start3A_1393] : memref<16384x2048xf32, #tpu.memory_space<any>> -> memref<512x2048xf32, #tpu.memory_space<any>>
    %dma_start3A_1395 = arith.constant 0 : i32
    %dma_start3A_1396 = arith.constant 0 : i32
    %dma_start3A_1397 = tpu.memref_slice %arg21[%dma_start3A_1388, %dma_start3A_1395, %dma_start3A_1396] : memref<3x512x2048xf32, #tpu.memory_space<vmem>> -> memref<1x512x2048xf32, #tpu.memory_space<vmem>>
    %dma_start3A_1398 = tpu.memref_squeeze %dma_start3A_1397 : memref<1x512x2048xf32, #tpu.memory_space<vmem>> -> memref<512x2048xf32, #tpu.memory_space<vmem>>
    tpu.enqueue_dma source(%dma_start3A_1398 : memref<512x2048xf32, #tpu.memory_space<vmem>>) target(%dma_start3A_1394 : memref<512x2048xf32, #tpu.memory_space<any>>) target_semaphore(%dma_start3A_1391 : memref<!tpu.dma_semaphore, #tpu.memory_space<semaphore_mem>>)
    %dma_wait3A_1399 = arith.constant 1 : i32
    %dma_wait3A_1400 = arith.constant 1 : i32
    %dma_wait3A_1401 = tpu.memref_slice %arg23[%dma_wait3A_1400] : memref<3x!tpu.dma_semaphore, #tpu.memory_space<semaphore_mem>> -> memref<1x!tpu.dma_semaphore, #tpu.memory_space<semaphore_mem>>
    %dma_wait3A_1402 = tpu.memref_squeeze %dma_wait3A_1401 : memref<1x!tpu.dma_semaphore, #tpu.memory_space<semaphore_mem>> -> memref<!tpu.dma_semaphore, #tpu.memory_space<semaphore_mem>>
    %dma_wait3A_1403 = arith.constant 11264 : i32
    %dma_wait3A_1404 = arith.constant 0 : i32
    %dma_wait3A_1405 = tpu.memref_slice %arg13[%dma_wait3A_1403, %dma_wait3A_1404] : memref<16384x2048xf32, #tpu.memory_space<any>> -> memref<512x2048xf32, #tpu.memory_space<any>>
    %dma_wait3A_1406 = arith.constant 0 : i32
    %dma_wait3A_1407 = arith.constant 0 : i32
    %dma_wait3A_1408 = tpu.memref_slice %arg21[%dma_wait3A_1399, %dma_wait3A_1406, %dma_wait3A_1407] : memref<3x512x2048xf32, #tpu.memory_space<vmem>> -> memref<1x512x2048xf32, #tpu.memory_space<vmem>>
    %dma_wait3A_1409 = tpu.memref_squeeze %dma_wait3A_1408 : memref<1x512x2048xf32, #tpu.memory_space<vmem>> -> memref<512x2048xf32, #tpu.memory_space<vmem>>
    tpu.wait_dma2 semaphore(%dma_wait3A_1402 : memref<!tpu.dma_semaphore, #tpu.memory_space<semaphore_mem>>) src(%dma_wait3A_1409 : memref<512x2048xf32, #tpu.memory_space<vmem>>) dst(%dma_wait3A_1405 : memref<512x2048xf32, #tpu.memory_space<any>>)
    %dma_start3A_1410 = arith.constant 1 : i32
    %dma_start3A_1411 = arith.constant 1 : i32
    %dma_start3A_1412 = tpu.memref_slice %arg22[%dma_start3A_1411] : memref<3x!tpu.dma_semaphore, #tpu.memory_space<semaphore_mem>> -> memref<1x!tpu.dma_semaphore, #tpu.memory_space<semaphore_mem>>
    %dma_start3A_1413 = tpu.memref_squeeze %dma_start3A_1412 : memref<1x!tpu.dma_semaphore, #tpu.memory_space<semaphore_mem>> -> memref<!tpu.dma_semaphore, #tpu.memory_space<semaphore_mem>>
    %dma_start3A_1414 = arith.constant 0 : i32
    %dma_start3A_1415 = arith.constant 0 : i32
    %dma_start3A_1416 = tpu.memref_slice %arg21[%dma_start3A_1410, %dma_start3A_1414, %dma_start3A_1415] : memref<3x512x2048xf32, #tpu.memory_space<vmem>> -> memref<1x512x2048xf32, #tpu.memory_space<vmem>>
    %dma_start3A_1417 = tpu.memref_squeeze %dma_start3A_1416 : memref<1x512x2048xf32, #tpu.memory_space<vmem>> -> memref<512x2048xf32, #tpu.memory_space<vmem>>
    %dma_start3A_1418 = arith.constant 12800 : i32
    %dma_start3A_1419 = arith.constant 0 : i32
    %dma_start3A_1420 = tpu.memref_slice %arg10[%dma_start3A_1418, %dma_start3A_1419] : memref<16384x2048xf32, #tpu.memory_space<any>> -> memref<512x2048xf32, #tpu.memory_space<any>>
    tpu.enqueue_dma source(%dma_start3A_1420 : memref<512x2048xf32, #tpu.memory_space<any>>) target(%dma_start3A_1417 : memref<512x2048xf32, #tpu.memory_space<vmem>>) target_semaphore(%dma_start3A_1413 : memref<!tpu.dma_semaphore, #tpu.memory_space<semaphore_mem>>)
    %dma_wait3A_1421 = arith.constant 2 : i32
    %dma_wait3A_1422 = arith.constant 2 : i32
    %dma_wait3A_1423 = tpu.memref_slice %arg22[%dma_wait3A_1422] : memref<3x!tpu.dma_semaphore, #tpu.memory_space<semaphore_mem>> -> memref<1x!tpu.dma_semaphore, #tpu.memory_space<semaphore_mem>>
    %dma_wait3A_1424 = tpu.memref_squeeze %dma_wait3A_1423 : memref<1x!tpu.dma_semaphore, #tpu.memory_space<semaphore_mem>> -> memref<!tpu.dma_semaphore, #tpu.memory_space<semaphore_mem>>
    %dma_wait3A_1425 = arith.constant 0 : i32
    %dma_wait3A_1426 = arith.constant 0 : i32
    %dma_wait3A_1427 = tpu.memref_slice %arg21[%dma_wait3A_1421, %dma_wait3A_1425, %dma_wait3A_1426] : memref<3x512x2048xf32, #tpu.memory_space<vmem>> -> memref<1x512x2048xf32, #tpu.memory_space<vmem>>
    %dma_wait3A_1428 = tpu.memref_squeeze %dma_wait3A_1427 : memref<1x512x2048xf32, #tpu.memory_space<vmem>> -> memref<512x2048xf32, #tpu.memory_space<vmem>>
    %dma_wait3A_1429 = arith.constant 11776 : i32
    %dma_wait3A_1430 = arith.constant 0 : i32
    %dma_wait3A_1431 = tpu.memref_slice %arg10[%dma_wait3A_1429, %dma_wait3A_1430] : memref<16384x2048xf32, #tpu.memory_space<any>> -> memref<512x2048xf32, #tpu.memory_space<any>>
    tpu.wait_dma2 semaphore(%dma_wait3A_1424 : memref<!tpu.dma_semaphore, #tpu.memory_space<semaphore_mem>>) src(%dma_wait3A_1431 : memref<512x2048xf32, #tpu.memory_space<any>>) dst(%dma_wait3A_1428 : memref<512x2048xf32, #tpu.memory_space<vmem>>)
    %dma_start3A_1432 = arith.constant 2 : i32
    %dma_start3A_1433 = arith.constant 2 : i32
    %dma_start3A_1434 = tpu.memref_slice %arg23[%dma_start3A_1433] : memref<3x!tpu.dma_semaphore, #tpu.memory_space<semaphore_mem>> -> memref<1x!tpu.dma_semaphore, #tpu.memory_space<semaphore_mem>>
    %dma_start3A_1435 = tpu.memref_squeeze %dma_start3A_1434 : memref<1x!tpu.dma_semaphore, #tpu.memory_space<semaphore_mem>> -> memref<!tpu.dma_semaphore, #tpu.memory_space<semaphore_mem>>
    %dma_start3A_1436 = arith.constant 11776 : i32
    %dma_start3A_1437 = arith.constant 0 : i32
    %dma_start3A_1438 = tpu.memref_slice %arg13[%dma_start3A_1436, %dma_start3A_1437] : memref<16384x2048xf32, #tpu.memory_space<any>> -> memref<512x2048xf32, #tpu.memory_space<any>>
    %dma_start3A_1439 = arith.constant 0 : i32
    %dma_start3A_1440 = arith.constant 0 : i32
    %dma_start3A_1441 = tpu.memref_slice %arg21[%dma_start3A_1432, %dma_start3A_1439, %dma_start3A_1440] : memref<3x512x2048xf32, #tpu.memory_space<vmem>> -> memref<1x512x2048xf32, #tpu.memory_space<vmem>>
    %dma_start3A_1442 = tpu.memref_squeeze %dma_start3A_1441 : memref<1x512x2048xf32, #tpu.memory_space<vmem>> -> memref<512x2048xf32, #tpu.memory_space<vmem>>
    tpu.enqueue_dma source(%dma_start3A_1442 : memref<512x2048xf32, #tpu.memory_space<vmem>>) target(%dma_start3A_1438 : memref<512x2048xf32, #tpu.memory_space<any>>) target_semaphore(%dma_start3A_1435 : memref<!tpu.dma_semaphore, #tpu.memory_space<semaphore_mem>>)
    %dma_wait3A_1443 = arith.constant 2 : i32
    %dma_wait3A_1444 = arith.constant 2 : i32
    %dma_wait3A_1445 = tpu.memref_slice %arg23[%dma_wait3A_1444] : memref<3x!tpu.dma_semaphore, #tpu.memory_space<semaphore_mem>> -> memref<1x!tpu.dma_semaphore, #tpu.memory_space<semaphore_mem>>
    %dma_wait3A_1446 = tpu.memref_squeeze %dma_wait3A_1445 : memref<1x!tpu.dma_semaphore, #tpu.memory_space<semaphore_mem>> -> memref<!tpu.dma_semaphore, #tpu.memory_space<semaphore_mem>>
    %dma_wait3A_1447 = arith.constant 11776 : i32
    %dma_wait3A_1448 = arith.constant 0 : i32
    %dma_wait3A_1449 = tpu.memref_slice %arg13[%dma_wait3A_1447, %dma_wait3A_1448] : memref<16384x2048xf32, #tpu.memory_space<any>> -> memref<512x2048xf32, #tpu.memory_space<any>>
    %dma_wait3A_1450 = arith.constant 0 : i32
    %dma_wait3A_1451 = arith.constant 0 : i32
    %dma_wait3A_1452 = tpu.memref_slice %arg21[%dma_wait3A_1443, %dma_wait3A_1450, %dma_wait3A_1451] : memref<3x512x2048xf32, #tpu.memory_space<vmem>> -> memref<1x512x2048xf32, #tpu.memory_space<vmem>>
    %dma_wait3A_1453 = tpu.memref_squeeze %dma_wait3A_1452 : memref<1x512x2048xf32, #tpu.memory_space<vmem>> -> memref<512x2048xf32, #tpu.memory_space<vmem>>
    tpu.wait_dma2 semaphore(%dma_wait3A_1446 : memref<!tpu.dma_semaphore, #tpu.memory_space<semaphore_mem>>) src(%dma_wait3A_1453 : memref<512x2048xf32, #tpu.memory_space<vmem>>) dst(%dma_wait3A_1449 : memref<512x2048xf32, #tpu.memory_space<any>>)
    %dma_start3A_1454 = arith.constant 2 : i32
    %dma_start3A_1455 = arith.constant 2 : i32
    %dma_start3A_1456 = tpu.memref_slice %arg22[%dma_start3A_1455] : memref<3x!tpu.dma_semaphore, #tpu.memory_space<semaphore_mem>> -> memref<1x!tpu.dma_semaphore, #tpu.memory_space<semaphore_mem>>
    %dma_start3A_1457 = tpu.memref_squeeze %dma_start3A_1456 : memref<1x!tpu.dma_semaphore, #tpu.memory_space<semaphore_mem>> -> memref<!tpu.dma_semaphore, #tpu.memory_space<semaphore_mem>>
    %dma_start3A_1458 = arith.constant 0 : i32
    %dma_start3A_1459 = arith.constant 0 : i32
    %dma_start3A_1460 = tpu.memref_slice %arg21[%dma_start3A_1454, %dma_start3A_1458, %dma_start3A_1459] : memref<3x512x2048xf32, #tpu.memory_space<vmem>> -> memref<1x512x2048xf32, #tpu.memory_space<vmem>>
    %dma_start3A_1461 = tpu.memref_squeeze %dma_start3A_1460 : memref<1x512x2048xf32, #tpu.memory_space<vmem>> -> memref<512x2048xf32, #tpu.memory_space<vmem>>
    %dma_start3A_1462 = arith.constant 13312 : i32
    %dma_start3A_1463 = arith.constant 0 : i32
    %dma_start3A_1464 = tpu.memref_slice %arg10[%dma_start3A_1462, %dma_start3A_1463] : memref<16384x2048xf32, #tpu.memory_space<any>> -> memref<512x2048xf32, #tpu.memory_space<any>>
    tpu.enqueue_dma source(%dma_start3A_1464 : memref<512x2048xf32, #tpu.memory_space<any>>) target(%dma_start3A_1461 : memref<512x2048xf32, #tpu.memory_space<vmem>>) target_semaphore(%dma_start3A_1457 : memref<!tpu.dma_semaphore, #tpu.memory_space<semaphore_mem>>)
    %dma_wait3A_1465 = arith.constant 0 : i32
    %dma_wait3A_1466 = arith.constant 0 : i32
    %dma_wait3A_1467 = tpu.memref_slice %arg22[%dma_wait3A_1466] : memref<3x!tpu.dma_semaphore, #tpu.memory_space<semaphore_mem>> -> memref<1x!tpu.dma_semaphore, #tpu.memory_space<semaphore_mem>>
    %dma_wait3A_1468 = tpu.memref_squeeze %dma_wait3A_1467 : memref<1x!tpu.dma_semaphore, #tpu.memory_space<semaphore_mem>> -> memref<!tpu.dma_semaphore, #tpu.memory_space<semaphore_mem>>
    %dma_wait3A_1469 = arith.constant 0 : i32
    %dma_wait3A_1470 = arith.constant 0 : i32
    %dma_wait3A_1471 = tpu.memref_slice %arg21[%dma_wait3A_1465, %dma_wait3A_1469, %dma_wait3A_1470] : memref<3x512x2048xf32, #tpu.memory_space<vmem>> -> memref<1x512x2048xf32, #tpu.memory_space<vmem>>
    %dma_wait3A_1472 = tpu.memref_squeeze %dma_wait3A_1471 : memref<1x512x2048xf32, #tpu.memory_space<vmem>> -> memref<512x2048xf32, #tpu.memory_space<vmem>>
    %dma_wait3A_1473 = arith.constant 12288 : i32
    %dma_wait3A_1474 = arith.constant 0 : i32
    %dma_wait3A_1475 = tpu.memref_slice %arg10[%dma_wait3A_1473, %dma_wait3A_1474] : memref<16384x2048xf32, #tpu.memory_space<any>> -> memref<512x2048xf32, #tpu.memory_space<any>>
    tpu.wait_dma2 semaphore(%dma_wait3A_1468 : memref<!tpu.dma_semaphore, #tpu.memory_space<semaphore_mem>>) src(%dma_wait3A_1475 : memref<512x2048xf32, #tpu.memory_space<any>>) dst(%dma_wait3A_1472 : memref<512x2048xf32, #tpu.memory_space<vmem>>)
    %dma_start3A_1476 = arith.constant 0 : i32
    %dma_start3A_1477 = arith.constant 0 : i32
    %dma_start3A_1478 = tpu.memref_slice %arg23[%dma_start3A_1477] : memref<3x!tpu.dma_semaphore, #tpu.memory_space<semaphore_mem>> -> memref<1x!tpu.dma_semaphore, #tpu.memory_space<semaphore_mem>>
    %dma_start3A_1479 = tpu.memref_squeeze %dma_start3A_1478 : memref<1x!tpu.dma_semaphore, #tpu.memory_space<semaphore_mem>> -> memref<!tpu.dma_semaphore, #tpu.memory_space<semaphore_mem>>
    %dma_start3A_1480 = arith.constant 12288 : i32
    %dma_start3A_1481 = arith.constant 0 : i32
    %dma_start3A_1482 = tpu.memref_slice %arg13[%dma_start3A_1480, %dma_start3A_1481] : memref<16384x2048xf32, #tpu.memory_space<any>> -> memref<512x2048xf32, #tpu.memory_space<any>>
    %dma_start3A_1483 = arith.constant 0 : i32
    %dma_start3A_1484 = arith.constant 0 : i32
    %dma_start3A_1485 = tpu.memref_slice %arg21[%dma_start3A_1476, %dma_start3A_1483, %dma_start3A_1484] : memref<3x512x2048xf32, #tpu.memory_space<vmem>> -> memref<1x512x2048xf32, #tpu.memory_space<vmem>>
    %dma_start3A_1486 = tpu.memref_squeeze %dma_start3A_1485 : memref<1x512x2048xf32, #tpu.memory_space<vmem>> -> memref<512x2048xf32, #tpu.memory_space<vmem>>
    tpu.enqueue_dma source(%dma_start3A_1486 : memref<512x2048xf32, #tpu.memory_space<vmem>>) target(%dma_start3A_1482 : memref<512x2048xf32, #tpu.memory_space<any>>) target_semaphore(%dma_start3A_1479 : memref<!tpu.dma_semaphore, #tpu.memory_space<semaphore_mem>>)
    %dma_wait3A_1487 = arith.constant 0 : i32
    %dma_wait3A_1488 = arith.constant 0 : i32
    %dma_wait3A_1489 = tpu.memref_slice %arg23[%dma_wait3A_1488] : memref<3x!tpu.dma_semaphore, #tpu.memory_space<semaphore_mem>> -> memref<1x!tpu.dma_semaphore, #tpu.memory_space<semaphore_mem>>
    %dma_wait3A_1490 = tpu.memref_squeeze %dma_wait3A_1489 : memref<1x!tpu.dma_semaphore, #tpu.memory_space<semaphore_mem>> -> memref<!tpu.dma_semaphore, #tpu.memory_space<semaphore_mem>>
    %dma_wait3A_1491 = arith.constant 12288 : i32
    %dma_wait3A_1492 = arith.constant 0 : i32
    %dma_wait3A_1493 = tpu.memref_slice %arg13[%dma_wait3A_1491, %dma_wait3A_1492] : memref<16384x2048xf32, #tpu.memory_space<any>> -> memref<512x2048xf32, #tpu.memory_space<any>>
    %dma_wait3A_1494 = arith.constant 0 : i32
    %dma_wait3A_1495 = arith.constant 0 : i32
    %dma_wait3A_1496 = tpu.memref_slice %arg21[%dma_wait3A_1487, %dma_wait3A_1494, %dma_wait3A_1495] : memref<3x512x2048xf32, #tpu.memory_space<vmem>> -> memref<1x512x2048xf32, #tpu.memory_space<vmem>>
    %dma_wait3A_1497 = tpu.memref_squeeze %dma_wait3A_1496 : memref<1x512x2048xf32, #tpu.memory_space<vmem>> -> memref<512x2048xf32, #tpu.memory_space<vmem>>
    tpu.wait_dma2 semaphore(%dma_wait3A_1490 : memref<!tpu.dma_semaphore, #tpu.memory_space<semaphore_mem>>) src(%dma_wait3A_1497 : memref<512x2048xf32, #tpu.memory_space<vmem>>) dst(%dma_wait3A_1493 : memref<512x2048xf32, #tpu.memory_space<any>>)
    %dma_start3A_1498 = arith.constant 0 : i32
    %dma_start3A_1499 = arith.constant 0 : i32
    %dma_start3A_1500 = tpu.memref_slice %arg22[%dma_start3A_1499] : memref<3x!tpu.dma_semaphore, #tpu.memory_space<semaphore_mem>> -> memref<1x!tpu.dma_semaphore, #tpu.memory_space<semaphore_mem>>
    %dma_start3A_1501 = tpu.memref_squeeze %dma_start3A_1500 : memref<1x!tpu.dma_semaphore, #tpu.memory_space<semaphore_mem>> -> memref<!tpu.dma_semaphore, #tpu.memory_space<semaphore_mem>>
    %dma_start3A_1502 = arith.constant 0 : i32
    %dma_start3A_1503 = arith.constant 0 : i32
    %dma_start3A_1504 = tpu.memref_slice %arg21[%dma_start3A_1498, %dma_start3A_1502, %dma_start3A_1503] : memref<3x512x2048xf32, #tpu.memory_space<vmem>> -> memref<1x512x2048xf32, #tpu.memory_space<vmem>>
    %dma_start3A_1505 = tpu.memref_squeeze %dma_start3A_1504 : memref<1x512x2048xf32, #tpu.memory_space<vmem>> -> memref<512x2048xf32, #tpu.memory_space<vmem>>
    %dma_start3A_1506 = arith.constant 13824 : i32
    %dma_start3A_1507 = arith.constant 0 : i32
    %dma_start3A_1508 = tpu.memref_slice %arg10[%dma_start3A_1506, %dma_start3A_1507] : memref<16384x2048xf32, #tpu.memory_space<any>> -> memref<512x2048xf32, #tpu.memory_space<any>>
    tpu.enqueue_dma source(%dma_start3A_1508 : memref<512x2048xf32, #tpu.memory_space<any>>) target(%dma_start3A_1505 : memref<512x2048xf32, #tpu.memory_space<vmem>>) target_semaphore(%dma_start3A_1501 : memref<!tpu.dma_semaphore, #tpu.memory_space<semaphore_mem>>)
    %dma_wait3A_1509 = arith.constant 1 : i32
    %dma_wait3A_1510 = arith.constant 1 : i32
    %dma_wait3A_1511 = tpu.memref_slice %arg22[%dma_wait3A_1510] : memref<3x!tpu.dma_semaphore, #tpu.memory_space<semaphore_mem>> -> memref<1x!tpu.dma_semaphore, #tpu.memory_space<semaphore_mem>>
    %dma_wait3A_1512 = tpu.memref_squeeze %dma_wait3A_1511 : memref<1x!tpu.dma_semaphore, #tpu.memory_space<semaphore_mem>> -> memref<!tpu.dma_semaphore, #tpu.memory_space<semaphore_mem>>
    %dma_wait3A_1513 = arith.constant 0 : i32
    %dma_wait3A_1514 = arith.constant 0 : i32
    %dma_wait3A_1515 = tpu.memref_slice %arg21[%dma_wait3A_1509, %dma_wait3A_1513, %dma_wait3A_1514] : memref<3x512x2048xf32, #tpu.memory_space<vmem>> -> memref<1x512x2048xf32, #tpu.memory_space<vmem>>
    %dma_wait3A_1516 = tpu.memref_squeeze %dma_wait3A_1515 : memref<1x512x2048xf32, #tpu.memory_space<vmem>> -> memref<512x2048xf32, #tpu.memory_space<vmem>>
    %dma_wait3A_1517 = arith.constant 12800 : i32
    %dma_wait3A_1518 = arith.constant 0 : i32
    %dma_wait3A_1519 = tpu.memref_slice %arg10[%dma_wait3A_1517, %dma_wait3A_1518] : memref<16384x2048xf32, #tpu.memory_space<any>> -> memref<512x2048xf32, #tpu.memory_space<any>>
    tpu.wait_dma2 semaphore(%dma_wait3A_1512 : memref<!tpu.dma_semaphore, #tpu.memory_space<semaphore_mem>>) src(%dma_wait3A_1519 : memref<512x2048xf32, #tpu.memory_space<any>>) dst(%dma_wait3A_1516 : memref<512x2048xf32, #tpu.memory_space<vmem>>)
    %dma_start3A_1520 = arith.constant 1 : i32
    %dma_start3A_1521 = arith.constant 1 : i32
    %dma_start3A_1522 = tpu.memref_slice %arg23[%dma_start3A_1521] : memref<3x!tpu.dma_semaphore, #tpu.memory_space<semaphore_mem>> -> memref<1x!tpu.dma_semaphore, #tpu.memory_space<semaphore_mem>>
    %dma_start3A_1523 = tpu.memref_squeeze %dma_start3A_1522 : memref<1x!tpu.dma_semaphore, #tpu.memory_space<semaphore_mem>> -> memref<!tpu.dma_semaphore, #tpu.memory_space<semaphore_mem>>
    %dma_start3A_1524 = arith.constant 12800 : i32
    %dma_start3A_1525 = arith.constant 0 : i32
    %dma_start3A_1526 = tpu.memref_slice %arg13[%dma_start3A_1524, %dma_start3A_1525] : memref<16384x2048xf32, #tpu.memory_space<any>> -> memref<512x2048xf32, #tpu.memory_space<any>>
    %dma_start3A_1527 = arith.constant 0 : i32
    %dma_start3A_1528 = arith.constant 0 : i32
    %dma_start3A_1529 = tpu.memref_slice %arg21[%dma_start3A_1520, %dma_start3A_1527, %dma_start3A_1528] : memref<3x512x2048xf32, #tpu.memory_space<vmem>> -> memref<1x512x2048xf32, #tpu.memory_space<vmem>>
    %dma_start3A_1530 = tpu.memref_squeeze %dma_start3A_1529 : memref<1x512x2048xf32, #tpu.memory_space<vmem>> -> memref<512x2048xf32, #tpu.memory_space<vmem>>
    tpu.enqueue_dma source(%dma_start3A_1530 : memref<512x2048xf32, #tpu.memory_space<vmem>>) target(%dma_start3A_1526 : memref<512x2048xf32, #tpu.memory_space<any>>) target_semaphore(%dma_start3A_1523 : memref<!tpu.dma_semaphore, #tpu.memory_space<semaphore_mem>>)
    %dma_wait3A_1531 = arith.constant 1 : i32
    %dma_wait3A_1532 = arith.constant 1 : i32
    %dma_wait3A_1533 = tpu.memref_slice %arg23[%dma_wait3A_1532] : memref<3x!tpu.dma_semaphore, #tpu.memory_space<semaphore_mem>> -> memref<1x!tpu.dma_semaphore, #tpu.memory_space<semaphore_mem>>
    %dma_wait3A_1534 = tpu.memref_squeeze %dma_wait3A_1533 : memref<1x!tpu.dma_semaphore, #tpu.memory_space<semaphore_mem>> -> memref<!tpu.dma_semaphore, #tpu.memory_space<semaphore_mem>>
    %dma_wait3A_1535 = arith.constant 12800 : i32
    %dma_wait3A_1536 = arith.constant 0 : i32
    %dma_wait3A_1537 = tpu.memref_slice %arg13[%dma_wait3A_1535, %dma_wait3A_1536] : memref<16384x2048xf32, #tpu.memory_space<any>> -> memref<512x2048xf32, #tpu.memory_space<any>>
    %dma_wait3A_1538 = arith.constant 0 : i32
    %dma_wait3A_1539 = arith.constant 0 : i32
    %dma_wait3A_1540 = tpu.memref_slice %arg21[%dma_wait3A_1531, %dma_wait3A_1538, %dma_wait3A_1539] : memref<3x512x2048xf32, #tpu.memory_space<vmem>> -> memref<1x512x2048xf32, #tpu.memory_space<vmem>>
    %dma_wait3A_1541 = tpu.memref_squeeze %dma_wait3A_1540 : memref<1x512x2048xf32, #tpu.memory_space<vmem>> -> memref<512x2048xf32, #tpu.memory_space<vmem>>
    tpu.wait_dma2 semaphore(%dma_wait3A_1534 : memref<!tpu.dma_semaphore, #tpu.memory_space<semaphore_mem>>) src(%dma_wait3A_1541 : memref<512x2048xf32, #tpu.memory_space<vmem>>) dst(%dma_wait3A_1537 : memref<512x2048xf32, #tpu.memory_space<any>>)
    %dma_start3A_1542 = arith.constant 1 : i32
    %dma_start3A_1543 = arith.constant 1 : i32
    %dma_start3A_1544 = tpu.memref_slice %arg22[%dma_start3A_1543] : memref<3x!tpu.dma_semaphore, #tpu.memory_space<semaphore_mem>> -> memref<1x!tpu.dma_semaphore, #tpu.memory_space<semaphore_mem>>
    %dma_start3A_1545 = tpu.memref_squeeze %dma_start3A_1544 : memref<1x!tpu.dma_semaphore, #tpu.memory_space<semaphore_mem>> -> memref<!tpu.dma_semaphore, #tpu.memory_space<semaphore_mem>>
    %dma_start3A_1546 = arith.constant 0 : i32
    %dma_start3A_1547 = arith.constant 0 : i32
    %dma_start3A_1548 = tpu.memref_slice %arg21[%dma_start3A_1542, %dma_start3A_1546, %dma_start3A_1547] : memref<3x512x2048xf32, #tpu.memory_space<vmem>> -> memref<1x512x2048xf32, #tpu.memory_space<vmem>>
    %dma_start3A_1549 = tpu.memref_squeeze %dma_start3A_1548 : memref<1x512x2048xf32, #tpu.memory_space<vmem>> -> memref<512x2048xf32, #tpu.memory_space<vmem>>
    %dma_start3A_1550 = arith.constant 14336 : i32
    %dma_start3A_1551 = arith.constant 0 : i32
    %dma_start3A_1552 = tpu.memref_slice %arg10[%dma_start3A_1550, %dma_start3A_1551] : memref<16384x2048xf32, #tpu.memory_space<any>> -> memref<512x2048xf32, #tpu.memory_space<any>>
    tpu.enqueue_dma source(%dma_start3A_1552 : memref<512x2048xf32, #tpu.memory_space<any>>) target(%dma_start3A_1549 : memref<512x2048xf32, #tpu.memory_space<vmem>>) target_semaphore(%dma_start3A_1545 : memref<!tpu.dma_semaphore, #tpu.memory_space<semaphore_mem>>)
    %dma_wait3A_1553 = arith.constant 2 : i32
    %dma_wait3A_1554 = arith.constant 2 : i32
    %dma_wait3A_1555 = tpu.memref_slice %arg22[%dma_wait3A_1554] : memref<3x!tpu.dma_semaphore, #tpu.memory_space<semaphore_mem>> -> memref<1x!tpu.dma_semaphore, #tpu.memory_space<semaphore_mem>>
    %dma_wait3A_1556 = tpu.memref_squeeze %dma_wait3A_1555 : memref<1x!tpu.dma_semaphore, #tpu.memory_space<semaphore_mem>> -> memref<!tpu.dma_semaphore, #tpu.memory_space<semaphore_mem>>
    %dma_wait3A_1557 = arith.constant 0 : i32
    %dma_wait3A_1558 = arith.constant 0 : i32
    %dma_wait3A_1559 = tpu.memref_slice %arg21[%dma_wait3A_1553, %dma_wait3A_1557, %dma_wait3A_1558] : memref<3x512x2048xf32, #tpu.memory_space<vmem>> -> memref<1x512x2048xf32, #tpu.memory_space<vmem>>
    %dma_wait3A_1560 = tpu.memref_squeeze %dma_wait3A_1559 : memref<1x512x2048xf32, #tpu.memory_space<vmem>> -> memref<512x2048xf32, #tpu.memory_space<vmem>>
    %dma_wait3A_1561 = arith.constant 13312 : i32
    %dma_wait3A_1562 = arith.constant 0 : i32
    %dma_wait3A_1563 = tpu.memref_slice %arg10[%dma_wait3A_1561, %dma_wait3A_1562] : memref<16384x2048xf32, #tpu.memory_space<any>> -> memref<512x2048xf32, #tpu.memory_space<any>>
    tpu.wait_dma2 semaphore(%dma_wait3A_1556 : memref<!tpu.dma_semaphore, #tpu.memory_space<semaphore_mem>>) src(%dma_wait3A_1563 : memref<512x2048xf32, #tpu.memory_space<any>>) dst(%dma_wait3A_1560 : memref<512x2048xf32, #tpu.memory_space<vmem>>)
    %dma_start3A_1564 = arith.constant 2 : i32
    %dma_start3A_1565 = arith.constant 2 : i32
    %dma_start3A_1566 = tpu.memref_slice %arg23[%dma_start3A_1565] : memref<3x!tpu.dma_semaphore, #tpu.memory_space<semaphore_mem>> -> memref<1x!tpu.dma_semaphore, #tpu.memory_space<semaphore_mem>>
    %dma_start3A_1567 = tpu.memref_squeeze %dma_start3A_1566 : memref<1x!tpu.dma_semaphore, #tpu.memory_space<semaphore_mem>> -> memref<!tpu.dma_semaphore, #tpu.memory_space<semaphore_mem>>
    %dma_start3A_1568 = arith.constant 13312 : i32
    %dma_start3A_1569 = arith.constant 0 : i32
    %dma_start3A_1570 = tpu.memref_slice %arg13[%dma_start3A_1568, %dma_start3A_1569] : memref<16384x2048xf32, #tpu.memory_space<any>> -> memref<512x2048xf32, #tpu.memory_space<any>>
    %dma_start3A_1571 = arith.constant 0 : i32
    %dma_start3A_1572 = arith.constant 0 : i32
    %dma_start3A_1573 = tpu.memref_slice %arg21[%dma_start3A_1564, %dma_start3A_1571, %dma_start3A_1572] : memref<3x512x2048xf32, #tpu.memory_space<vmem>> -> memref<1x512x2048xf32, #tpu.memory_space<vmem>>
    %dma_start3A_1574 = tpu.memref_squeeze %dma_start3A_1573 : memref<1x512x2048xf32, #tpu.memory_space<vmem>> -> memref<512x2048xf32, #tpu.memory_space<vmem>>
    tpu.enqueue_dma source(%dma_start3A_1574 : memref<512x2048xf32, #tpu.memory_space<vmem>>) target(%dma_start3A_1570 : memref<512x2048xf32, #tpu.memory_space<any>>) target_semaphore(%dma_start3A_1567 : memref<!tpu.dma_semaphore, #tpu.memory_space<semaphore_mem>>)
    %dma_wait3A_1575 = arith.constant 2 : i32
    %dma_wait3A_1576 = arith.constant 2 : i32
    %dma_wait3A_1577 = tpu.memref_slice %arg23[%dma_wait3A_1576] : memref<3x!tpu.dma_semaphore, #tpu.memory_space<semaphore_mem>> -> memref<1x!tpu.dma_semaphore, #tpu.memory_space<semaphore_mem>>
    %dma_wait3A_1578 = tpu.memref_squeeze %dma_wait3A_1577 : memref<1x!tpu.dma_semaphore, #tpu.memory_space<semaphore_mem>> -> memref<!tpu.dma_semaphore, #tpu.memory_space<semaphore_mem>>
    %dma_wait3A_1579 = arith.constant 13312 : i32
    %dma_wait3A_1580 = arith.constant 0 : i32
    %dma_wait3A_1581 = tpu.memref_slice %arg13[%dma_wait3A_1579, %dma_wait3A_1580] : memref<16384x2048xf32, #tpu.memory_space<any>> -> memref<512x2048xf32, #tpu.memory_space<any>>
    %dma_wait3A_1582 = arith.constant 0 : i32
    %dma_wait3A_1583 = arith.constant 0 : i32
    %dma_wait3A_1584 = tpu.memref_slice %arg21[%dma_wait3A_1575, %dma_wait3A_1582, %dma_wait3A_1583] : memref<3x512x2048xf32, #tpu.memory_space<vmem>> -> memref<1x512x2048xf32, #tpu.memory_space<vmem>>
    %dma_wait3A_1585 = tpu.memref_squeeze %dma_wait3A_1584 : memref<1x512x2048xf32, #tpu.memory_space<vmem>> -> memref<512x2048xf32, #tpu.memory_space<vmem>>
    tpu.wait_dma2 semaphore(%dma_wait3A_1578 : memref<!tpu.dma_semaphore, #tpu.memory_space<semaphore_mem>>) src(%dma_wait3A_1585 : memref<512x2048xf32, #tpu.memory_space<vmem>>) dst(%dma_wait3A_1581 : memref<512x2048xf32, #tpu.memory_space<any>>)
    %dma_start3A_1586 = arith.constant 2 : i32
    %dma_start3A_1587 = arith.constant 2 : i32
    %dma_start3A_1588 = tpu.memref_slice %arg22[%dma_start3A_1587] : memref<3x!tpu.dma_semaphore, #tpu.memory_space<semaphore_mem>> -> memref<1x!tpu.dma_semaphore, #tpu.memory_space<semaphore_mem>>
    %dma_start3A_1589 = tpu.memref_squeeze %dma_start3A_1588 : memref<1x!tpu.dma_semaphore, #tpu.memory_space<semaphore_mem>> -> memref<!tpu.dma_semaphore, #tpu.memory_space<semaphore_mem>>
    %dma_start3A_1590 = arith.constant 0 : i32
    %dma_start3A_1591 = arith.constant 0 : i32
    %dma_start3A_1592 = tpu.memref_slice %arg21[%dma_start3A_1586, %dma_start3A_1590, %dma_start3A_1591] : memref<3x512x2048xf32, #tpu.memory_space<vmem>> -> memref<1x512x2048xf32, #tpu.memory_space<vmem>>
    %dma_start3A_1593 = tpu.memref_squeeze %dma_start3A_1592 : memref<1x512x2048xf32, #tpu.memory_space<vmem>> -> memref<512x2048xf32, #tpu.memory_space<vmem>>
    %dma_start3A_1594 = arith.constant 14848 : i32
    %dma_start3A_1595 = arith.constant 0 : i32
    %dma_start3A_1596 = tpu.memref_slice %arg10[%dma_start3A_1594, %dma_start3A_1595] : memref<16384x2048xf32, #tpu.memory_space<any>> -> memref<512x2048xf32, #tpu.memory_space<any>>
    tpu.enqueue_dma source(%dma_start3A_1596 : memref<512x2048xf32, #tpu.memory_space<any>>) target(%dma_start3A_1593 : memref<512x2048xf32, #tpu.memory_space<vmem>>) target_semaphore(%dma_start3A_1589 : memref<!tpu.dma_semaphore, #tpu.memory_space<semaphore_mem>>)
    %dma_wait3A_1597 = arith.constant 0 : i32
    %dma_wait3A_1598 = arith.constant 0 : i32
    %dma_wait3A_1599 = tpu.memref_slice %arg22[%dma_wait3A_1598] : memref<3x!tpu.dma_semaphore, #tpu.memory_space<semaphore_mem>> -> memref<1x!tpu.dma_semaphore, #tpu.memory_space<semaphore_mem>>
    %dma_wait3A_1600 = tpu.memref_squeeze %dma_wait3A_1599 : memref<1x!tpu.dma_semaphore, #tpu.memory_space<semaphore_mem>> -> memref<!tpu.dma_semaphore, #tpu.memory_space<semaphore_mem>>
    %dma_wait3A_1601 = arith.constant 0 : i32
    %dma_wait3A_1602 = arith.constant 0 : i32
    %dma_wait3A_1603 = tpu.memref_slice %arg21[%dma_wait3A_1597, %dma_wait3A_1601, %dma_wait3A_1602] : memref<3x512x2048xf32, #tpu.memory_space<vmem>> -> memref<1x512x2048xf32, #tpu.memory_space<vmem>>
    %dma_wait3A_1604 = tpu.memref_squeeze %dma_wait3A_1603 : memref<1x512x2048xf32, #tpu.memory_space<vmem>> -> memref<512x2048xf32, #tpu.memory_space<vmem>>
    %dma_wait3A_1605 = arith.constant 13824 : i32
    %dma_wait3A_1606 = arith.constant 0 : i32
    %dma_wait3A_1607 = tpu.memref_slice %arg10[%dma_wait3A_1605, %dma_wait3A_1606] : memref<16384x2048xf32, #tpu.memory_space<any>> -> memref<512x2048xf32, #tpu.memory_space<any>>
    tpu.wait_dma2 semaphore(%dma_wait3A_1600 : memref<!tpu.dma_semaphore, #tpu.memory_space<semaphore_mem>>) src(%dma_wait3A_1607 : memref<512x2048xf32, #tpu.memory_space<any>>) dst(%dma_wait3A_1604 : memref<512x2048xf32, #tpu.memory_space<vmem>>)
    %dma_start3A_1608 = arith.constant 0 : i32
    %dma_start3A_1609 = arith.constant 0 : i32
    %dma_start3A_1610 = tpu.memref_slice %arg23[%dma_start3A_1609] : memref<3x!tpu.dma_semaphore, #tpu.memory_space<semaphore_mem>> -> memref<1x!tpu.dma_semaphore, #tpu.memory_space<semaphore_mem>>
    %dma_start3A_1611 = tpu.memref_squeeze %dma_start3A_1610 : memref<1x!tpu.dma_semaphore, #tpu.memory_space<semaphore_mem>> -> memref<!tpu.dma_semaphore, #tpu.memory_space<semaphore_mem>>
    %dma_start3A_1612 = arith.constant 13824 : i32
    %dma_start3A_1613 = arith.constant 0 : i32
    %dma_start3A_1614 = tpu.memref_slice %arg13[%dma_start3A_1612, %dma_start3A_1613] : memref<16384x2048xf32, #tpu.memory_space<any>> -> memref<512x2048xf32, #tpu.memory_space<any>>
    %dma_start3A_1615 = arith.constant 0 : i32
    %dma_start3A_1616 = arith.constant 0 : i32
    %dma_start3A_1617 = tpu.memref_slice %arg21[%dma_start3A_1608, %dma_start3A_1615, %dma_start3A_1616] : memref<3x512x2048xf32, #tpu.memory_space<vmem>> -> memref<1x512x2048xf32, #tpu.memory_space<vmem>>
    %dma_start3A_1618 = tpu.memref_squeeze %dma_start3A_1617 : memref<1x512x2048xf32, #tpu.memory_space<vmem>> -> memref<512x2048xf32, #tpu.memory_space<vmem>>
    tpu.enqueue_dma source(%dma_start3A_1618 : memref<512x2048xf32, #tpu.memory_space<vmem>>) target(%dma_start3A_1614 : memref<512x2048xf32, #tpu.memory_space<any>>) target_semaphore(%dma_start3A_1611 : memref<!tpu.dma_semaphore, #tpu.memory_space<semaphore_mem>>)
    %dma_wait3A_1619 = arith.constant 0 : i32
    %dma_wait3A_1620 = arith.constant 0 : i32
    %dma_wait3A_1621 = tpu.memref_slice %arg23[%dma_wait3A_1620] : memref<3x!tpu.dma_semaphore, #tpu.memory_space<semaphore_mem>> -> memref<1x!tpu.dma_semaphore, #tpu.memory_space<semaphore_mem>>
    %dma_wait3A_1622 = tpu.memref_squeeze %dma_wait3A_1621 : memref<1x!tpu.dma_semaphore, #tpu.memory_space<semaphore_mem>> -> memref<!tpu.dma_semaphore, #tpu.memory_space<semaphore_mem>>
    %dma_wait3A_1623 = arith.constant 13824 : i32
    %dma_wait3A_1624 = arith.constant 0 : i32
    %dma_wait3A_1625 = tpu.memref_slice %arg13[%dma_wait3A_1623, %dma_wait3A_1624] : memref<16384x2048xf32, #tpu.memory_space<any>> -> memref<512x2048xf32, #tpu.memory_space<any>>
    %dma_wait3A_1626 = arith.constant 0 : i32
    %dma_wait3A_1627 = arith.constant 0 : i32
    %dma_wait3A_1628 = tpu.memref_slice %arg21[%dma_wait3A_1619, %dma_wait3A_1626, %dma_wait3A_1627] : memref<3x512x2048xf32, #tpu.memory_space<vmem>> -> memref<1x512x2048xf32, #tpu.memory_space<vmem>>
    %dma_wait3A_1629 = tpu.memref_squeeze %dma_wait3A_1628 : memref<1x512x2048xf32, #tpu.memory_space<vmem>> -> memref<512x2048xf32, #tpu.memory_space<vmem>>
    tpu.wait_dma2 semaphore(%dma_wait3A_1622 : memref<!tpu.dma_semaphore, #tpu.memory_space<semaphore_mem>>) src(%dma_wait3A_1629 : memref<512x2048xf32, #tpu.memory_space<vmem>>) dst(%dma_wait3A_1625 : memref<512x2048xf32, #tpu.memory_space<any>>)
    %dma_start3A_1630 = arith.constant 0 : i32
    %dma_start3A_1631 = arith.constant 0 : i32
    %dma_start3A_1632 = tpu.memref_slice %arg22[%dma_start3A_1631] : memref<3x!tpu.dma_semaphore, #tpu.memory_space<semaphore_mem>> -> memref<1x!tpu.dma_semaphore, #tpu.memory_space<semaphore_mem>>
    %dma_start3A_1633 = tpu.memref_squeeze %dma_start3A_1632 : memref<1x!tpu.dma_semaphore, #tpu.memory_space<semaphore_mem>> -> memref<!tpu.dma_semaphore, #tpu.memory_space<semaphore_mem>>
    %dma_start3A_1634 = arith.constant 0 : i32
    %dma_start3A_1635 = arith.constant 0 : i32
    %dma_start3A_1636 = tpu.memref_slice %arg21[%dma_start3A_1630, %dma_start3A_1634, %dma_start3A_1635] : memref<3x512x2048xf32, #tpu.memory_space<vmem>> -> memref<1x512x2048xf32, #tpu.memory_space<vmem>>
    %dma_start3A_1637 = tpu.memref_squeeze %dma_start3A_1636 : memref<1x512x2048xf32, #tpu.memory_space<vmem>> -> memref<512x2048xf32, #tpu.memory_space<vmem>>
    %dma_start3A_1638 = arith.constant 15360 : i32
    %dma_start3A_1639 = arith.constant 0 : i32
    %dma_start3A_1640 = tpu.memref_slice %arg10[%dma_start3A_1638, %dma_start3A_1639] : memref<16384x2048xf32, #tpu.memory_space<any>> -> memref<512x2048xf32, #tpu.memory_space<any>>
    tpu.enqueue_dma source(%dma_start3A_1640 : memref<512x2048xf32, #tpu.memory_space<any>>) target(%dma_start3A_1637 : memref<512x2048xf32, #tpu.memory_space<vmem>>) target_semaphore(%dma_start3A_1633 : memref<!tpu.dma_semaphore, #tpu.memory_space<semaphore_mem>>)
    %dma_wait3A_1641 = arith.constant 1 : i32
    %dma_wait3A_1642 = arith.constant 1 : i32
    %dma_wait3A_1643 = tpu.memref_slice %arg22[%dma_wait3A_1642] : memref<3x!tpu.dma_semaphore, #tpu.memory_space<semaphore_mem>> -> memref<1x!tpu.dma_semaphore, #tpu.memory_space<semaphore_mem>>
    %dma_wait3A_1644 = tpu.memref_squeeze %dma_wait3A_1643 : memref<1x!tpu.dma_semaphore, #tpu.memory_space<semaphore_mem>> -> memref<!tpu.dma_semaphore, #tpu.memory_space<semaphore_mem>>
    %dma_wait3A_1645 = arith.constant 0 : i32
    %dma_wait3A_1646 = arith.constant 0 : i32
    %dma_wait3A_1647 = tpu.memref_slice %arg21[%dma_wait3A_1641, %dma_wait3A_1645, %dma_wait3A_1646] : memref<3x512x2048xf32, #tpu.memory_space<vmem>> -> memref<1x512x2048xf32, #tpu.memory_space<vmem>>
    %dma_wait3A_1648 = tpu.memref_squeeze %dma_wait3A_1647 : memref<1x512x2048xf32, #tpu.memory_space<vmem>> -> memref<512x2048xf32, #tpu.memory_space<vmem>>
    %dma_wait3A_1649 = arith.constant 14336 : i32
    %dma_wait3A_1650 = arith.constant 0 : i32
    %dma_wait3A_1651 = tpu.memref_slice %arg10[%dma_wait3A_1649, %dma_wait3A_1650] : memref<16384x2048xf32, #tpu.memory_space<any>> -> memref<512x2048xf32, #tpu.memory_space<any>>
    tpu.wait_dma2 semaphore(%dma_wait3A_1644 : memref<!tpu.dma_semaphore, #tpu.memory_space<semaphore_mem>>) src(%dma_wait3A_1651 : memref<512x2048xf32, #tpu.memory_space<any>>) dst(%dma_wait3A_1648 : memref<512x2048xf32, #tpu.memory_space<vmem>>)
    %dma_start3A_1652 = arith.constant 1 : i32
    %dma_start3A_1653 = arith.constant 1 : i32
    %dma_start3A_1654 = tpu.memref_slice %arg23[%dma_start3A_1653] : memref<3x!tpu.dma_semaphore, #tpu.memory_space<semaphore_mem>> -> memref<1x!tpu.dma_semaphore, #tpu.memory_space<semaphore_mem>>
    %dma_start3A_1655 = tpu.memref_squeeze %dma_start3A_1654 : memref<1x!tpu.dma_semaphore, #tpu.memory_space<semaphore_mem>> -> memref<!tpu.dma_semaphore, #tpu.memory_space<semaphore_mem>>
    %dma_start3A_1656 = arith.constant 14336 : i32
    %dma_start3A_1657 = arith.constant 0 : i32
    %dma_start3A_1658 = tpu.memref_slice %arg13[%dma_start3A_1656, %dma_start3A_1657] : memref<16384x2048xf32, #tpu.memory_space<any>> -> memref<512x2048xf32, #tpu.memory_space<any>>
    %dma_start3A_1659 = arith.constant 0 : i32
    %dma_start3A_1660 = arith.constant 0 : i32
    %dma_start3A_1661 = tpu.memref_slice %arg21[%dma_start3A_1652, %dma_start3A_1659, %dma_start3A_1660] : memref<3x512x2048xf32, #tpu.memory_space<vmem>> -> memref<1x512x2048xf32, #tpu.memory_space<vmem>>
    %dma_start3A_1662 = tpu.memref_squeeze %dma_start3A_1661 : memref<1x512x2048xf32, #tpu.memory_space<vmem>> -> memref<512x2048xf32, #tpu.memory_space<vmem>>
    tpu.enqueue_dma source(%dma_start3A_1662 : memref<512x2048xf32, #tpu.memory_space<vmem>>) target(%dma_start3A_1658 : memref<512x2048xf32, #tpu.memory_space<any>>) target_semaphore(%dma_start3A_1655 : memref<!tpu.dma_semaphore, #tpu.memory_space<semaphore_mem>>)
    %dma_wait3A_1663 = arith.constant 1 : i32
    %dma_wait3A_1664 = arith.constant 1 : i32
    %dma_wait3A_1665 = tpu.memref_slice %arg23[%dma_wait3A_1664] : memref<3x!tpu.dma_semaphore, #tpu.memory_space<semaphore_mem>> -> memref<1x!tpu.dma_semaphore, #tpu.memory_space<semaphore_mem>>
    %dma_wait3A_1666 = tpu.memref_squeeze %dma_wait3A_1665 : memref<1x!tpu.dma_semaphore, #tpu.memory_space<semaphore_mem>> -> memref<!tpu.dma_semaphore, #tpu.memory_space<semaphore_mem>>
    %dma_wait3A_1667 = arith.constant 14336 : i32
    %dma_wait3A_1668 = arith.constant 0 : i32
    %dma_wait3A_1669 = tpu.memref_slice %arg13[%dma_wait3A_1667, %dma_wait3A_1668] : memref<16384x2048xf32, #tpu.memory_space<any>> -> memref<512x2048xf32, #tpu.memory_space<any>>
    %dma_wait3A_1670 = arith.constant 0 : i32
    %dma_wait3A_1671 = arith.constant 0 : i32
    %dma_wait3A_1672 = tpu.memref_slice %arg21[%dma_wait3A_1663, %dma_wait3A_1670, %dma_wait3A_1671] : memref<3x512x2048xf32, #tpu.memory_space<vmem>> -> memref<1x512x2048xf32, #tpu.memory_space<vmem>>
    %dma_wait3A_1673 = tpu.memref_squeeze %dma_wait3A_1672 : memref<1x512x2048xf32, #tpu.memory_space<vmem>> -> memref<512x2048xf32, #tpu.memory_space<vmem>>
    tpu.wait_dma2 semaphore(%dma_wait3A_1666 : memref<!tpu.dma_semaphore, #tpu.memory_space<semaphore_mem>>) src(%dma_wait3A_1673 : memref<512x2048xf32, #tpu.memory_space<vmem>>) dst(%dma_wait3A_1669 : memref<512x2048xf32, #tpu.memory_space<any>>)
    %dma_start3A_1674 = arith.constant 1 : i32
    %dma_start3A_1675 = arith.constant 1 : i32
    %dma_start3A_1676 = tpu.memref_slice %arg22[%dma_start3A_1675] : memref<3x!tpu.dma_semaphore, #tpu.memory_space<semaphore_mem>> -> memref<1x!tpu.dma_semaphore, #tpu.memory_space<semaphore_mem>>
    %dma_start3A_1677 = tpu.memref_squeeze %dma_start3A_1676 : memref<1x!tpu.dma_semaphore, #tpu.memory_space<semaphore_mem>> -> memref<!tpu.dma_semaphore, #tpu.memory_space<semaphore_mem>>
    %dma_start3A_1678 = arith.constant 0 : i32
    %dma_start3A_1679 = arith.constant 0 : i32
    %dma_start3A_1680 = tpu.memref_slice %arg21[%dma_start3A_1674, %dma_start3A_1678, %dma_start3A_1679] : memref<3x512x2048xf32, #tpu.memory_space<vmem>> -> memref<1x512x2048xf32, #tpu.memory_space<vmem>>
    %dma_start3A_1681 = tpu.memref_squeeze %dma_start3A_1680 : memref<1x512x2048xf32, #tpu.memory_space<vmem>> -> memref<512x2048xf32, #tpu.memory_space<vmem>>
    %dma_start3A_1682 = arith.constant 15872 : i32
    %dma_start3A_1683 = arith.constant 0 : i32
    %dma_start3A_1684 = tpu.memref_slice %arg10[%dma_start3A_1682, %dma_start3A_1683] : memref<16384x2048xf32, #tpu.memory_space<any>> -> memref<512x2048xf32, #tpu.memory_space<any>>
    tpu.enqueue_dma source(%dma_start3A_1684 : memref<512x2048xf32, #tpu.memory_space<any>>) target(%dma_start3A_1681 : memref<512x2048xf32, #tpu.memory_space<vmem>>) target_semaphore(%dma_start3A_1677 : memref<!tpu.dma_semaphore, #tpu.memory_space<semaphore_mem>>)
    %dma_wait3A_1685 = arith.constant 2 : i32
    %dma_wait3A_1686 = arith.constant 2 : i32
    %dma_wait3A_1687 = tpu.memref_slice %arg22[%dma_wait3A_1686] : memref<3x!tpu.dma_semaphore, #tpu.memory_space<semaphore_mem>> -> memref<1x!tpu.dma_semaphore, #tpu.memory_space<semaphore_mem>>
    %dma_wait3A_1688 = tpu.memref_squeeze %dma_wait3A_1687 : memref<1x!tpu.dma_semaphore, #tpu.memory_space<semaphore_mem>> -> memref<!tpu.dma_semaphore, #tpu.memory_space<semaphore_mem>>
    %dma_wait3A_1689 = arith.constant 0 : i32
    %dma_wait3A_1690 = arith.constant 0 : i32
    %dma_wait3A_1691 = tpu.memref_slice %arg21[%dma_wait3A_1685, %dma_wait3A_1689, %dma_wait3A_1690] : memref<3x512x2048xf32, #tpu.memory_space<vmem>> -> memref<1x512x2048xf32, #tpu.memory_space<vmem>>
    %dma_wait3A_1692 = tpu.memref_squeeze %dma_wait3A_1691 : memref<1x512x2048xf32, #tpu.memory_space<vmem>> -> memref<512x2048xf32, #tpu.memory_space<vmem>>
    %dma_wait3A_1693 = arith.constant 14848 : i32
    %dma_wait3A_1694 = arith.constant 0 : i32
    %dma_wait3A_1695 = tpu.memref_slice %arg10[%dma_wait3A_1693, %dma_wait3A_1694] : memref<16384x2048xf32, #tpu.memory_space<any>> -> memref<512x2048xf32, #tpu.memory_space<any>>
    tpu.wait_dma2 semaphore(%dma_wait3A_1688 : memref<!tpu.dma_semaphore, #tpu.memory_space<semaphore_mem>>) src(%dma_wait3A_1695 : memref<512x2048xf32, #tpu.memory_space<any>>) dst(%dma_wait3A_1692 : memref<512x2048xf32, #tpu.memory_space<vmem>>)
    %dma_start3A_1696 = arith.constant 2 : i32
    %dma_start3A_1697 = arith.constant 2 : i32
    %dma_start3A_1698 = tpu.memref_slice %arg23[%dma_start3A_1697] : memref<3x!tpu.dma_semaphore, #tpu.memory_space<semaphore_mem>> -> memref<1x!tpu.dma_semaphore, #tpu.memory_space<semaphore_mem>>
    %dma_start3A_1699 = tpu.memref_squeeze %dma_start3A_1698 : memref<1x!tpu.dma_semaphore, #tpu.memory_space<semaphore_mem>> -> memref<!tpu.dma_semaphore, #tpu.memory_space<semaphore_mem>>
    %dma_start3A_1700 = arith.constant 14848 : i32
    %dma_start3A_1701 = arith.constant 0 : i32
    %dma_start3A_1702 = tpu.memref_slice %arg13[%dma_start3A_1700, %dma_start3A_1701] : memref<16384x2048xf32, #tpu.memory_space<any>> -> memref<512x2048xf32, #tpu.memory_space<any>>
    %dma_start3A_1703 = arith.constant 0 : i32
    %dma_start3A_1704 = arith.constant 0 : i32
    %dma_start3A_1705 = tpu.memref_slice %arg21[%dma_start3A_1696, %dma_start3A_1703, %dma_start3A_1704] : memref<3x512x2048xf32, #tpu.memory_space<vmem>> -> memref<1x512x2048xf32, #tpu.memory_space<vmem>>
    %dma_start3A_1706 = tpu.memref_squeeze %dma_start3A_1705 : memref<1x512x2048xf32, #tpu.memory_space<vmem>> -> memref<512x2048xf32, #tpu.memory_space<vmem>>
    tpu.enqueue_dma source(%dma_start3A_1706 : memref<512x2048xf32, #tpu.memory_space<vmem>>) target(%dma_start3A_1702 : memref<512x2048xf32, #tpu.memory_space<any>>) target_semaphore(%dma_start3A_1699 : memref<!tpu.dma_semaphore, #tpu.memory_space<semaphore_mem>>)
    %dma_wait3A_1707 = arith.constant 0 : i32
    %dma_wait3A_1708 = arith.constant 0 : i32
    %dma_wait3A_1709 = tpu.memref_slice %arg22[%dma_wait3A_1708] : memref<3x!tpu.dma_semaphore, #tpu.memory_space<semaphore_mem>> -> memref<1x!tpu.dma_semaphore, #tpu.memory_space<semaphore_mem>>
    %dma_wait3A_1710 = tpu.memref_squeeze %dma_wait3A_1709 : memref<1x!tpu.dma_semaphore, #tpu.memory_space<semaphore_mem>> -> memref<!tpu.dma_semaphore, #tpu.memory_space<semaphore_mem>>
    %dma_wait3A_1711 = arith.constant 0 : i32
    %dma_wait3A_1712 = arith.constant 0 : i32
    %dma_wait3A_1713 = tpu.memref_slice %arg21[%dma_wait3A_1707, %dma_wait3A_1711, %dma_wait3A_1712] : memref<3x512x2048xf32, #tpu.memory_space<vmem>> -> memref<1x512x2048xf32, #tpu.memory_space<vmem>>
    %dma_wait3A_1714 = tpu.memref_squeeze %dma_wait3A_1713 : memref<1x512x2048xf32, #tpu.memory_space<vmem>> -> memref<512x2048xf32, #tpu.memory_space<vmem>>
    %dma_wait3A_1715 = arith.constant 15360 : i32
    %dma_wait3A_1716 = arith.constant 0 : i32
    %dma_wait3A_1717 = tpu.memref_slice %arg10[%dma_wait3A_1715, %dma_wait3A_1716] : memref<16384x2048xf32, #tpu.memory_space<any>> -> memref<512x2048xf32, #tpu.memory_space<any>>
    tpu.wait_dma2 semaphore(%dma_wait3A_1710 : memref<!tpu.dma_semaphore, #tpu.memory_space<semaphore_mem>>) src(%dma_wait3A_1717 : memref<512x2048xf32, #tpu.memory_space<any>>) dst(%dma_wait3A_1714 : memref<512x2048xf32, #tpu.memory_space<vmem>>)
    %dma_start3A_1718 = arith.constant 0 : i32
    %dma_start3A_1719 = arith.constant 0 : i32
    %dma_start3A_1720 = tpu.memref_slice %arg23[%dma_start3A_1719] : memref<3x!tpu.dma_semaphore, #tpu.memory_space<semaphore_mem>> -> memref<1x!tpu.dma_semaphore, #tpu.memory_space<semaphore_mem>>
    %dma_start3A_1721 = tpu.memref_squeeze %dma_start3A_1720 : memref<1x!tpu.dma_semaphore, #tpu.memory_space<semaphore_mem>> -> memref<!tpu.dma_semaphore, #tpu.memory_space<semaphore_mem>>
    %dma_start3A_1722 = arith.constant 15360 : i32
    %dma_start3A_1723 = arith.constant 0 : i32
    %dma_start3A_1724 = tpu.memref_slice %arg13[%dma_start3A_1722, %dma_start3A_1723] : memref<16384x2048xf32, #tpu.memory_space<any>> -> memref<512x2048xf32, #tpu.memory_space<any>>
    %dma_start3A_1725 = arith.constant 0 : i32
    %dma_start3A_1726 = arith.constant 0 : i32
    %dma_start3A_1727 = tpu.memref_slice %arg21[%dma_start3A_1718, %dma_start3A_1725, %dma_start3A_1726] : memref<3x512x2048xf32, #tpu.memory_space<vmem>> -> memref<1x512x2048xf32, #tpu.memory_space<vmem>>
    %dma_start3A_1728 = tpu.memref_squeeze %dma_start3A_1727 : memref<1x512x2048xf32, #tpu.memory_space<vmem>> -> memref<512x2048xf32, #tpu.memory_space<vmem>>
    tpu.enqueue_dma source(%dma_start3A_1728 : memref<512x2048xf32, #tpu.memory_space<vmem>>) target(%dma_start3A_1724 : memref<512x2048xf32, #tpu.memory_space<any>>) target_semaphore(%dma_start3A_1721 : memref<!tpu.dma_semaphore, #tpu.memory_space<semaphore_mem>>)
    %dma_wait3A_1729 = arith.constant 1 : i32
    %dma_wait3A_1730 = arith.constant 1 : i32
    %dma_wait3A_1731 = tpu.memref_slice %arg22[%dma_wait3A_1730] : memref<3x!tpu.dma_semaphore, #tpu.memory_space<semaphore_mem>> -> memref<1x!tpu.dma_semaphore, #tpu.memory_space<semaphore_mem>>
    %dma_wait3A_1732 = tpu.memref_squeeze %dma_wait3A_1731 : memref<1x!tpu.dma_semaphore, #tpu.memory_space<semaphore_mem>> -> memref<!tpu.dma_semaphore, #tpu.memory_space<semaphore_mem>>
    %dma_wait3A_1733 = arith.constant 0 : i32
    %dma_wait3A_1734 = arith.constant 0 : i32
    %dma_wait3A_1735 = tpu.memref_slice %arg21[%dma_wait3A_1729, %dma_wait3A_1733, %dma_wait3A_1734] : memref<3x512x2048xf32, #tpu.memory_space<vmem>> -> memref<1x512x2048xf32, #tpu.memory_space<vmem>>
    %dma_wait3A_1736 = tpu.memref_squeeze %dma_wait3A_1735 : memref<1x512x2048xf32, #tpu.memory_space<vmem>> -> memref<512x2048xf32, #tpu.memory_space<vmem>>
    %dma_wait3A_1737 = arith.constant 15872 : i32
    %dma_wait3A_1738 = arith.constant 0 : i32
    %dma_wait3A_1739 = tpu.memref_slice %arg10[%dma_wait3A_1737, %dma_wait3A_1738] : memref<16384x2048xf32, #tpu.memory_space<any>> -> memref<512x2048xf32, #tpu.memory_space<any>>
    tpu.wait_dma2 semaphore(%dma_wait3A_1732 : memref<!tpu.dma_semaphore, #tpu.memory_space<semaphore_mem>>) src(%dma_wait3A_1739 : memref<512x2048xf32, #tpu.memory_space<any>>) dst(%dma_wait3A_1736 : memref<512x2048xf32, #tpu.memory_space<vmem>>)
    %dma_start3A_1740 = arith.constant 1 : i32
    %dma_start3A_1741 = arith.constant 1 : i32
    %dma_start3A_1742 = tpu.memref_slice %arg23[%dma_start3A_1741] : memref<3x!tpu.dma_semaphore, #tpu.memory_space<semaphore_mem>> -> memref<1x!tpu.dma_semaphore, #tpu.memory_space<semaphore_mem>>
    %dma_start3A_1743 = tpu.memref_squeeze %dma_start3A_1742 : memref<1x!tpu.dma_semaphore, #tpu.memory_space<semaphore_mem>> -> memref<!tpu.dma_semaphore, #tpu.memory_space<semaphore_mem>>
    %dma_start3A_1744 = arith.constant 15872 : i32
    %dma_start3A_1745 = arith.constant 0 : i32
    %dma_start3A_1746 = tpu.memref_slice %arg13[%dma_start3A_1744, %dma_start3A_1745] : memref<16384x2048xf32, #tpu.memory_space<any>> -> memref<512x2048xf32, #tpu.memory_space<any>>
    %dma_start3A_1747 = arith.constant 0 : i32
    %dma_start3A_1748 = arith.constant 0 : i32
    %dma_start3A_1749 = tpu.memref_slice %arg21[%dma_start3A_1740, %dma_start3A_1747, %dma_start3A_1748] : memref<3x512x2048xf32, #tpu.memory_space<vmem>> -> memref<1x512x2048xf32, #tpu.memory_space<vmem>>
    %dma_start3A_1750 = tpu.memref_squeeze %dma_start3A_1749 : memref<1x512x2048xf32, #tpu.memory_space<vmem>> -> memref<512x2048xf32, #tpu.memory_space<vmem>>
    tpu.enqueue_dma source(%dma_start3A_1750 : memref<512x2048xf32, #tpu.memory_space<vmem>>) target(%dma_start3A_1746 : memref<512x2048xf32, #tpu.memory_space<any>>) target_semaphore(%dma_start3A_1743 : memref<!tpu.dma_semaphore, #tpu.memory_space<semaphore_mem>>)
    %dma_wait3A_1751 = arith.constant 2 : i32
    %dma_wait3A_1752 = arith.constant 2 : i32
    %dma_wait3A_1753 = tpu.memref_slice %arg23[%dma_wait3A_1752] : memref<3x!tpu.dma_semaphore, #tpu.memory_space<semaphore_mem>> -> memref<1x!tpu.dma_semaphore, #tpu.memory_space<semaphore_mem>>
    %dma_wait3A_1754 = tpu.memref_squeeze %dma_wait3A_1753 : memref<1x!tpu.dma_semaphore, #tpu.memory_space<semaphore_mem>> -> memref<!tpu.dma_semaphore, #tpu.memory_space<semaphore_mem>>
    %dma_wait3A_1755 = arith.constant 14848 : i32
    %dma_wait3A_1756 = arith.constant 0 : i32
    %dma_wait3A_1757 = tpu.memref_slice %arg13[%dma_wait3A_1755, %dma_wait3A_1756] : memref<16384x2048xf32, #tpu.memory_space<any>> -> memref<512x2048xf32, #tpu.memory_space<any>>
    %dma_wait3A_1758 = arith.constant 0 : i32
    %dma_wait3A_1759 = arith.constant 0 : i32
    %dma_wait3A_1760 = tpu.memref_slice %arg21[%dma_wait3A_1751, %dma_wait3A_1758, %dma_wait3A_1759] : memref<3x512x2048xf32, #tpu.memory_space<vmem>> -> memref<1x512x2048xf32, #tpu.memory_space<vmem>>
    %dma_wait3A_1761 = tpu.memref_squeeze %dma_wait3A_1760 : memref<1x512x2048xf32, #tpu.memory_space<vmem>> -> memref<512x2048xf32, #tpu.memory_space<vmem>>
    tpu.wait_dma2 semaphore(%dma_wait3A_1754 : memref<!tpu.dma_semaphore, #tpu.memory_space<semaphore_mem>>) src(%dma_wait3A_1761 : memref<512x2048xf32, #tpu.memory_space<vmem>>) dst(%dma_wait3A_1757 : memref<512x2048xf32, #tpu.memory_space<any>>)
    %dma_wait3A_1762 = arith.constant 0 : i32
    %dma_wait3A_1763 = arith.constant 0 : i32
    %dma_wait3A_1764 = tpu.memref_slice %arg23[%dma_wait3A_1763] : memref<3x!tpu.dma_semaphore, #tpu.memory_space<semaphore_mem>> -> memref<1x!tpu.dma_semaphore, #tpu.memory_space<semaphore_mem>>
    %dma_wait3A_1765 = tpu.memref_squeeze %dma_wait3A_1764 : memref<1x!tpu.dma_semaphore, #tpu.memory_space<semaphore_mem>> -> memref<!tpu.dma_semaphore, #tpu.memory_space<semaphore_mem>>
    %dma_wait3A_1766 = arith.constant 15360 : i32
    %dma_wait3A_1767 = arith.constant 0 : i32
    %dma_wait3A_1768 = tpu.memref_slice %arg13[%dma_wait3A_1766, %dma_wait3A_1767] : memref<16384x2048xf32, #tpu.memory_space<any>> -> memref<512x2048xf32, #tpu.memory_space<any>>
    %dma_wait3A_1769 = arith.constant 0 : i32
    %dma_wait3A_1770 = arith.constant 0 : i32
    %dma_wait3A_1771 = tpu.memref_slice %arg21[%dma_wait3A_1762, %dma_wait3A_1769, %dma_wait3A_1770] : memref<3x512x2048xf32, #tpu.memory_space<vmem>> -> memref<1x512x2048xf32, #tpu.memory_space<vmem>>
    %dma_wait3A_1772 = tpu.memref_squeeze %dma_wait3A_1771 : memref<1x512x2048xf32, #tpu.memory_space<vmem>> -> memref<512x2048xf32, #tpu.memory_space<vmem>>
    tpu.wait_dma2 semaphore(%dma_wait3A_1765 : memref<!tpu.dma_semaphore, #tpu.memory_space<semaphore_mem>>) src(%dma_wait3A_1772 : memref<512x2048xf32, #tpu.memory_space<vmem>>) dst(%dma_wait3A_1768 : memref<512x2048xf32, #tpu.memory_space<any>>)
    %dma_wait3A_1773 = arith.constant 1 : i32
    %dma_wait3A_1774 = arith.constant 1 : i32
    %dma_wait3A_1775 = tpu.memref_slice %arg23[%dma_wait3A_1774] : memref<3x!tpu.dma_semaphore, #tpu.memory_space<semaphore_mem>> -> memref<1x!tpu.dma_semaphore, #tpu.memory_space<semaphore_mem>>
    %dma_wait3A_1776 = tpu.memref_squeeze %dma_wait3A_1775 : memref<1x!tpu.dma_semaphore, #tpu.memory_space<semaphore_mem>> -> memref<!tpu.dma_semaphore, #tpu.memory_space<semaphore_mem>>
    %dma_wait3A_1777 = arith.constant 15872 : i32
    %dma_wait3A_1778 = arith.constant 0 : i32
    %dma_wait3A_1779 = tpu.memref_slice %arg13[%dma_wait3A_1777, %dma_wait3A_1778] : memref<16384x2048xf32, #tpu.memory_space<any>> -> memref<512x2048xf32, #tpu.memory_space<any>>
    %dma_wait3A_1780 = arith.constant 0 : i32
    %dma_wait3A_1781 = arith.constant 0 : i32
    %dma_wait3A_1782 = tpu.memref_slice %arg21[%dma_wait3A_1773, %dma_wait3A_1780, %dma_wait3A_1781] : memref<3x512x2048xf32, #tpu.memory_space<vmem>> -> memref<1x512x2048xf32, #tpu.memory_space<vmem>>
    %dma_wait3A_1783 = tpu.memref_squeeze %dma_wait3A_1782 : memref<1x512x2048xf32, #tpu.memory_space<vmem>> -> memref<512x2048xf32, #tpu.memory_space<vmem>>
    tpu.wait_dma2 semaphore(%dma_wait3A_1776 : memref<!tpu.dma_semaphore, #tpu.memory_space<semaphore_mem>>) src(%dma_wait3A_1783 : memref<512x2048xf32, #tpu.memory_space<vmem>>) dst(%dma_wait3A_1779 : memref<512x2048xf32, #tpu.memory_space<any>>)
    %scan3A_1784 = arith.constant 0 : i32
    %scan3A_1785 = arith.constant 128 : i32
    %scan3A_1786 = arith.addi %scan3A_1784, %scan3A_1785 : i32
    %scan3A_1787 = arith.constant 1 : i32
    scf.for %scan3A_1794 = %scan3A_1784 to %scan3A_1786 step %scan3A_1787  : i32 {
      %get3A_1795 = arith.constant 0 : index
      %get3A_1796 = arith.index_cast %scan3A_1794 : i32 to index
      %get3A_1797 = memref.load %arg2[%get3A_1795, %get3A_1796] : memref<1x128xi32, #tpu.memory_space<smem>>
      %dma_start3A_1798 = arith.constant 0 : i32
      %dma_start3A_1799 = tpu.memref_slice %arg13[%get3A_1797, %dma_start3A_1798] : memref<16384x2048xf32, #tpu.memory_space<any>> -> memref<1x2048xf32, #tpu.memory_space<any>>
      %dma_start3A_1800 = tpu.memref_squeeze %dma_start3A_1799 : memref<1x2048xf32, #tpu.memory_space<any>> -> memref<2048xf32, #tpu.memory_space<any>>
      %dma_start3A_1801 = arith.constant 0 : i32
      %dma_start3A_1802 = tpu.memref_slice %arg19[%scan3A_1794, %dma_start3A_1801] : memref<128x2048xf32, #tpu.memory_space<vmem>> -> memref<1x2048xf32, #tpu.memory_space<vmem>>
      %dma_start3A_1803 = tpu.memref_squeeze %dma_start3A_1802 : memref<1x2048xf32, #tpu.memory_space<vmem>> -> memref<2048xf32, #tpu.memory_space<vmem>>
      tpu.enqueue_dma source(%dma_start3A_1803 : memref<2048xf32, #tpu.memory_space<vmem>>) target(%dma_start3A_1800 : memref<2048xf32, #tpu.memory_space<any>>) target_semaphore(%arg27 : memref<!tpu.dma_semaphore, #tpu.memory_space<semaphore_mem>>)
    }
    %scan3A_1788 = arith.constant 128 : i32
    %scan3A_1789 = arith.constant 0 : i32
    %scan3A_1790 = arith.constant 128 : i32
    %scan3A_1791 = arith.addi %scan3A_1789, %scan3A_1790 : i32
    %scan3A_1792 = arith.constant 1 : i32
    scf.for %scan3A_1794 = %scan3A_1789 to %scan3A_1791 step %scan3A_1792  : i32 {
      %get3A_1795 = arith.constant 0 : index
      %get3A_1796 = arith.index_cast %scan3A_1794 : i32 to index
      %get3A_1797 = memref.load %arg2[%get3A_1795, %get3A_1796] : memref<1x128xi32, #tpu.memory_space<smem>>
      %dma_wait3A_1798 = arith.constant 0 : i32
      %dma_wait3A_1799 = tpu.memref_slice %arg13[%get3A_1797, %dma_wait3A_1798] : memref<16384x2048xf32, #tpu.memory_space<any>> -> memref<1x2048xf32, #tpu.memory_space<any>>
      %dma_wait3A_1800 = tpu.memref_squeeze %dma_wait3A_1799 : memref<1x2048xf32, #tpu.memory_space<any>> -> memref<2048xf32, #tpu.memory_space<any>>
      %dma_wait3A_1801 = arith.constant 0 : i32
      %dma_wait3A_1802 = tpu.memref_slice %arg19[%scan3A_1794, %dma_wait3A_1801] : memref<128x2048xf32, #tpu.memory_space<vmem>> -> memref<1x2048xf32, #tpu.memory_space<vmem>>
      %dma_wait3A_1803 = tpu.memref_squeeze %dma_wait3A_1802 : memref<1x2048xf32, #tpu.memory_space<vmem>> -> memref<2048xf32, #tpu.memory_space<vmem>>
      tpu.wait_dma2 semaphore(%arg27 : memref<!tpu.dma_semaphore, #tpu.memory_space<semaphore_mem>>) src(%dma_wait3A_1803 : memref<2048xf32, #tpu.memory_space<vmem>>) dst(%dma_wait3A_1800 : memref<2048xf32, #tpu.memory_space<any>>)
    }
    %scan3A_1793 = arith.constant 128 : i32
    return
  }
}

</mosaic_0001>

<sc_bundles>
// kernel: kernel.5.cloned.1.call-start
scs
__scs_entry_jumppad:
0x0: {  	(pc) =	sbr.rel $0x88, $3  }
0x1: {  	(tag) =	ssettag $0x0;
	lr =	simm.s32 $0x1  }
0x2: {  	[smem:$0x3F97] =	sst lr;
	_ =	strace $0xD0000000  }
0x3: {  	_ = 	snop  }
0x4: {  	_ = 	snop  }
0x5: {  	_ = 	snop  }
0x6: {  	_ = 	snop  }
0x7: {  	_ = 	snop  }
__scs_overlays_trampoline_lowered:
0x8: {  	[smem:$0x3FA6] =	sst s0  }
0x9: {  	[smem:$0x3FA7] =	sst s1  }
0xa: {  	[smem:$0x3FA8] =	sst s2  }
0xb: {  	[smem:$0x3FA9] =	sst s3  }
0xc: {  	[smem:$0x3FAA] =	sst s4  }
0xd: {  	[smem:$0x3FAB] =	sst s5  }
0xe: {  	[smem:$0x3FAC] =	sst s6  }
0xf: {  	[smem:$0x3FAD] =	sst s7  }
0x10: {  	[smem:$0x3FAE] =	sst s8  }
0x11: {  	[smem:$0x3FAF] =	sst s9;
	s0 =	simm.s32 @!p0 $0x0  }
0x12: {  	s1 =	sld [smem:$0x3F95];
	s0 =	simm.s32 @p0 $0x1  }
0x13: {  	[smem:$0x3FB0] =	sst s0;
	s0 =	simm.s32 @!p1 $0x0  }
0x14: {  	s2 =	sld [smem:$0x3F94];
	s0 =	simm.s32 @p1 $0x1  }
0x15: {  	[smem:$0x3FB1] =	sst s0;
	s0 =	simm.s32 @!p2 $0x0  }
0x16: {  	s3 =	sld [smem:$0x3FDB];
	s0 =	simm.s32 @p2 $0x1  }
0x17: {  	s4 =	simm.s32 $0x1BF5;
	[smem:$0x3FB3] =	sst s0  }
0x18: {  	s0 =	sld [smem:$0x3F96];
	_ =	swait.ge [sflag:s4], $0x0  }
0x19: {  	s7 =	sld [smem:$0x3F97]  }
0x1a: {  	s8 =	sadd.s32 $0xFFFFE003, lr  }
0x1b: {  	s9 =	sadd.s32 $0xFFFFFEF7, lr;
	s5 =	simm.s32 $0xFFFFFFFF;
	p2 =	slt.u32 s8, $0xFFFFF086  }
0x1c: {  	p1 =	slt.u32 s9, $0xF7A;
	s5 =	simm.s32 @!p2 $0x0  }
0x1d: {  	s5 =	simm.s32 @p1 $0x1;
	p0 =	seq.s32 s7, s2  }
0x1e: {  	s7 =	smul.u32 @!p0 $0xF7A, s2;
	p2 =	seq.s32 @!p0 s5, $0x0  }
0x1f: {  	s9 =	smul.u32 $0xF7A, s1;
	s8 =	simm.s32 @!p0 $0x1BF5;
	p2 =	por !p2, p0  }
0x20: {  	[sflag:s8] =	ssyncset.s32 @!p0 $0xFFFFF086;
	s6 =	sadd.s32 @!p0 s3, s7;
	s7 =	simm.s32 @!p0 $0x108  }
0x21: {  	s3 =	sadd.s32 s3, s9;
	s6 =	sadd.s32 @!p0 $0x88, s6;
	s7 =	simm.s32 @p2 $0x1082  }
0x22: {  	[simem:s7], [sflag:s8] =	dma.local @!p0 [hbm:s6], $0xF7A  }
0x23: {  	s9 =	sor.u32 $0xD0000000, s2;
	s6 =	simm.s32 $0x108;
	_ =	swait.ge @!p0 [sflag:s8], $0x0  }
0x24: {  	s3 =	sadd.s32 $0x88, s3;
	s6 =	simm.s32 @!p1 $0x1082;
	[sflag:s4] =	ssyncset.s32 $0xFFFFF086  }
0x25: {  	[simem:s6], [sflag:s4] =	dma.local [hbm:s3], $0xF7A  }
0x26: {  	[smem:$0x3F97] =	sst s1;
	(tag) =	ssettag s2;
	_ =	strace s9  }
0x27: {  	s1 =	sld [smem:$0x3FA7]  }
0x28: {  	s2 =	sld [smem:$0x3FA8]  }
0x29: {  	s4 =	sld [smem:$0x3FAA]  }
0x2a: {  	p0 =	seq.s32 s5, $0x0;
	s5 =	sld [smem:$0x3FAB]  }
0x2b: {  	s6 =	sld [smem:$0x3FAC]  }
0x2c: {  	s7 =	sld [smem:$0x3FAD]  }
0x2d: {  	s3 =	simm.s32 $0x108;
	s8 =	sld [smem:$0x3FAE]  }
0x2e: {  	s3 =	simm.s32 @!p0 $0x1082;
	s9 =	sld [smem:$0x3FAF]  }
0x2f: {  	lr =	sadd.s32 s0, s3;
	s0 =	sld [smem:$0x3FA6]  }
0x30: {  	s3 =	sld [smem:$0x3FA9]  }
0x31: {  	[smem:$0x3FB2] =	sst s10  }
0x32: {  	s10 =	sld [smem:$0x3FB0];
	_ =	sdelay $0x3  }
0x33: {  	p0 =	seq.s32 s10, $0x1;
	s10 =	sld [smem:$0x3FB2];
	_ =	sdelay $0x3  }
0x34: {  	[smem:$0x3FB2] =	sst s10  }
0x35: {  	s10 =	sld [smem:$0x3FB1];
	_ =	sdelay $0x3  }
0x36: {  	p1 =	seq.s32 s10, $0x1;
	s10 =	sld [smem:$0x3FB2];
	_ =	sdelay $0x3  }
0x37: {  	[smem:$0x3FB2] =	sst s10  }
0x38: {  	s10 =	sld [smem:$0x3FB3]  }
0x39: {  	_ = 	snop;
	(pc) =	sbr.ind lr, $3  }
0x3a: {  	_ = 	snop  }
0x3b: {  	_ = 	snop  }
0x3c: {  	p2 =	seq.s32 s10, $0x1;
	s10 =	sld [smem:$0x3FB2]  }
0x3d: {  	_ =	shalt  }
0x3e: {  	_ =	shalt  }
0x3f: {  	_ =	shalt  }
0x40: {  	_ =	shalt  }
0x41: {  	_ =	shalt  }
0x42: {  	_ =	shalt  }
0x43: {  	_ =	shalt  }
0x44: {  	_ =	shalt  }
0x45: {  	_ =	shalt  }
0x46: {  	_ =	shalt  }
0x47: {  	_ =	shalt  }
0x48: {  	_ =	shalt  }
0x49: {  	_ =	shalt  }
0x4a: {  	_ =	shalt  }
0x4b: {  	_ =	shalt  }
0x4c: {  	_ =	shalt  }
0x4d: {  	_ =	shalt  }
0x4e: {  	_ =	shalt  }
0x4f: {  	_ =	shalt  }
0x50: {  	_ =	shalt  }
0x51: {  	_ =	shalt  }
0x52: {  	_ =	shalt  }
0x53: {  	_ =	shalt  }
0x54: {  	_ =	shalt  }
0x55: {  	_ =	shalt  }
0x56: {  	_ =	shalt  }
0x57: {  	_ =	shalt  }
0x58: {  	_ =	shalt  }
0x59: {  	_ =	shalt  }
0x5a: {  	_ =	shalt  }
0x5b: {  	_ =	shalt  }
0x5c: {  	_ =	shalt  }
0x5d: {  	_ =	shalt  }
0x5e: {  	_ =	shalt  }
0x5f: {  	_ =	shalt  }
0x60: {  	_ =	shalt  }
0x61: {  	_ =	shalt  }
0x62: {  	_ =	shalt  }
0x63: {  	_ =	shalt  }
0x64: {  	_ =	shalt  }
0x65: {  	_ =	shalt  }
0x66: {  	_ =	shalt  }
0x67: {  	_ =	shalt  }
0x68: {  	_ =	shalt  }
0x69: {  	_ =	shalt  }
0x6a: {  	_ =	shalt  }
0x6b: {  	_ =	shalt  }
0x6c: {  	_ =	shalt  }
0x6d: {  	_ =	shalt  }
0x6e: {  	_ =	shalt  }
0x6f: {  	_ =	shalt  }
0x70: {  	_ =	shalt  }
0x71: {  	_ =	shalt  }
0x72: {  	_ =	shalt  }
0x73: {  	_ =	shalt  }
0x74: {  	_ =	shalt  }
0x75: {  	_ =	shalt  }
0x76: {  	_ =	shalt  }
0x77: {  	_ =	shalt  }
0x78: {  	_ =	shalt  }
0x79: {  	_ =	shalt  }
0x7a: {  	_ =	shalt  }
0x7b: {  	_ =	shalt  }
0x7c: {  	_ =	shalt  }
0x7d: {  	_ =	shalt  }
0x7e: {  	_ =	shalt  }
0x7f: {  	_ =	shalt  }
0x80: {  	_ =	shalt  }
0x81: {  	_ =	shalt  }
0x82: {  	_ =	shalt  }
0x83: {  	_ =	shalt  }
0x84: {  	_ =	shalt  }
0x85: {  	_ =	shalt  }
0x86: {  	_ =	shalt  }
0x87: {  	_ =	shalt  }
.Lfunc_end0:
.L_simem_size_0:
called_computation_lowered:
.L_overlay_start_0:
0x88: {  	s2 =	sld [smem:$0x3FD9]  }
0x89: {  	s3 =	sld [smem:$0x3FFE];
	_ =	sdelay $0x1  }
0x8a: {  	s1 =	srdreg.scid  }
0x8b: {  	s0 =	sand.u32 $0x1, s1  }
0x8c: {  	s15 =	sshll.u32 s0, $0xA;
	s2 =	sadd.s32 s3, s2  }
0x8d: {  	s2 =	sadd.s32 s2, s15  }
0x8e: {  	[smem:$0x3FBE] =	sst s2  }
0x8f: {  	_ = 	snop  }
0x90: {  	s2 =	sld [smem:$0x3FD0];
	_ =	sdelay $0x2  }
0x91: {  	s4 =	simm.s32 $0xA;
	s5 =	simm.s32 $0x10;
	s16 =	sld [smem:$0x3FC1]  }
0x92: {  	[smem:s5], [sflag:s4] =	dma.local [hbm:s2], $0x1  }
0x93: {  	_ =	swait.eq [sflag:s4], $0x1  }
0x94: {  	[sflag:s4] =	ssyncset.done $0x0  }
0x95: {  	[sflag:s4] =	ssyncadd.s32 $0xFFFFFFFF  }
0x96: {  	s17 =	sld [smem:$0x12];
	(tm) =	ssettm $0x1  }
0x97: {  	s18 =	sld [smem:$0x3FFB];
	_ =	sdelay $0x3  }
0x98: {  	_ =	strace s18  }
0x99: {  	s4 =	sld [smem:$0x3FFC];
	_ =	sdelay $0x3  }
0x9a: {  	_ =	strace s4  }
0x9b: {  	s4 =	sld [smem:$0x3FFD];
	_ =	sdelay $0x3  }
0x9c: {  	_ =	strace s4  }
0x9d: {  	_ =	strace $0x8FFFFFFF  }
0x9e: {  	s19 =	sld [smem:$0x3FDB];
	_ =	sdelay $0x1  }
0x9f: {  	s20 =	simm.s32 $_scs_section_size  }
0xa0: {  	s6 =	simm.s32 $_size__tile_overlayer_lowered;
	s7 =	simm.s32 $_tile_overlayer_lowered  }
0xa1: {  	s23 =	simm.s32 $0x1BFF;
	s22 =	sshll.u32 s7, $0x1;
	s4 =	sadd.s32 s20, s19  }
0xa2: {  	s8 =	simm.s32 $0x0;
	s21 =	sshll.u32 s6, $0x1;
	s6 =	sadd.s32 s22, s4  }
0xa3: {  	[timem:s8], [sflag:s23] =	dma.local [hbm:s6], s21  }
0xa4: {  	_ =	swait.ge [sflag:s23], s21  }
0xa5: {  	s5 =	ssub.s32 $0x0, s21;
	[sflag:s23] =	ssyncset.done $0x0  }
0xa6: {  	[sflag:s23] =	ssyncadd.s32 s5;
	_ =	sdelay $0x1  }
0xa7: {  	s24 =	simm.s32 $0x1B8B  }
0xa8: {  	_ =	swait.ge [sflag:s24], $0x1  }
0xa9: {  	[sflag:s24] =	ssyncset.done $0x0  }
0xaa: {  	s25 =	simm.s32 $0x1B8E;
	[sflag:s24] =	ssyncadd.s32 $0xFFFFFFFF  }
0xab: {  	s26 =	simm.s32 $execute0_lowered;
	[smem:$0x3FD2] =	sst s25  }
0xac: {  	s5 =	sshll.u32 s26, $0x1;
	_ =	strace $0x80000046;
	[dreg:$0x1] =	wrdreg $0xFFFFFFFF  }
0xad: {  	s28 =	simm.s32 $_size_execute0_lowered;
	s4 =	sadd.s32 s4, s5;
	[dreg:$0x0] =	wrdreg $0x0  }
0xae: {  	s5 =	sshll.u32 s28, $0x1;
	[dreg:$0x2] =	wrdreg s4  }
0xaf: {  	[dreg:$0x3] =	wrdreg s5  }
0xb0: {  	[dreg:$0x4] =	wrdreg $0xC0  }
0xb1: {  	_ =	task [dreg:s8], $0x5FFFF  }
0xb2: {  	[dreg:$0x1] =	wrdreg $0xFFFFFFFF  }
0xb3: {  	[dreg:$0x0] =	wrdreg $0x60  }
0xb4: {  	[dreg:$0x2] =	wrdreg s16  }
0xb5: {  	[dreg:$0x3] =	wrdreg s17  }
0xb6: {  	[dreg:$0x4] =	wrdreg $0x9  }
0xb7: {  	_ =	task.clear_ibuf [dreg:s8], $0x5FFFF;
	_ =	strace $0x90000046  }
0xb8: {  	s29 =	simm.s32 $0x9;
	_ =	strace $0x80000048  }
0xb9: {  	_ =	swait.ge [sflag:s29], $0x1  }
0xba: {  	[sflag:s29] =	ssyncadd.s32 $0xFFFFFFFF  }
0xbb: {  	_ =	strace $0x90000048  }
0xbc: {  	_ =	sfence  }
0xbd: {  	s30 =	sld [smem:$0x0];
	_ =	sdelay $0x2  }
0xbe: {  	s31 =	sshll.u32 s1, $0xD;
	s1 =	sshrl.u32 s1, $0x2  }
0xbf: {  	s3 =	sand.u32 $0x4000, s31;
	s1 =	sadd.s32 s1, s30  }
0xc0: {  	s0 =	sor.u32 s3, s0;
	s1 =	sshll.u32 s1, $0x11  }
0xc1: {  	s0 =	sor.u32 s1, s0  }
0xc2: {  	s0 =	sadd.s32 $0x8F2B, s0  }
0xc3: {  	[sflag:s0] =	ssyncadd.remote.s32 $0x1  }
0xc4: {  	_ =	sfence.sel $0xFFFF  }
0xc5: {  	[dreg:$0x0] =	wrdreg $0xFFFFFFFF;
	(pc) =	sbr.abs _section_cstart, $3  }
0xc6: {  	[dreg:$0x1] =	wrdreg $0xFFFFFFFF  }
0xc7: {  	_ =	task.clear_ibuf [dreg:s8], $0x2FFFF;
	_ =	strace $0x9FFFFFFF  }
0xc8: {  	(tm) =	ssettm $0x7FFFFFFF  }
0xc9: {  	_ =	shalt  }
tec
execute0_lowered:
.L_overlay_start_1:
0x0: {  	(tag) =	ssettag $0x1  }
0x1: {  	s1 =	srdreg.scid;
	s0 =	stileid.u32  }
0x2: {  	s23 =	rddreg [dreg:$0x0];
	s26 =	sand.u32 $0x1, s1;
	s3 =	sshll.u32 s0, $0x1  }
0x3: {  	s25 =	rddreg [dreg:$0x1];
	s2 =	simm.s32 $0x0;
	s4 =	sor.u32 s26, s3  }
0x4: {  	[smem:$0x7FF] =	sst s2;
	s7 =	smul.u32 $0x9000, s4  }
0x5: {  	s1 =	rddreg [dreg:$0x2];
	_ =	strace $0x80000047  }
0x6: {  	s5 =	smul.u32 $0x48000, s4;
	s4 =	simm.s32 $0x1;
	s3 =	sadd.s32 s23, s7  }
0x7: {  	[tilespmem:s2], [sflag:$0x1] =	stream.linear.gather [hbm4b:s3+s2], $0x8000, $0x38;
	[tilespmem:$0x10000] =	vst v63  }
0x8: {  	s24 =	sshrl.u32 s5, $0x3;
	_ =	swait.ge [sflag:s4], $0x8000  }
0x9: {  	s11 =	sadd.s32 $0x1000, s24;
	[sflag:s4] =	ssyncset.done $0x0  }
0xa: {  	s6 =	simm.s32 $0x8000;
	s5 =	sadd.s32 s23, s11;
	[sflag:s4] =	ssyncadd.s32 $0xFFFF8000  }
0xb: {  	[tilespmem:s6], [sflag:$0x2] =	stream.linear.gather [hbm4b:s5+s2], $0x8000, $0x38;
	[tilespmem:$0x10000] =	vst v63  }
0xc: {  	s8 =	simm.s32 $0x2;
	s7 =	sadd.s32 s25, s7  }
0xd: {  	[hbm4b:s7+s2] =	stream.linear.scatter [tilespmem:s2], [sflag:$0x3], $0x8000, $0x38;
	[tilespmem:$0x10000] =	vst v63  }
0xe: {  	_ =	swait.ge [sflag:s8], $0x8000  }
0xf: {  	[sflag:s8] =	ssyncset.done $0x0  }
0x10: {  	s9 =	simm.s32 $0x3;
	[sflag:s8] =	ssyncadd.s32 $0xFFFF8000  }
0x11: {  	_ =	swait.ge [sflag:s9], $0x8000  }
0x12: {  	s14 =	sadd.s32 $0x2000, s24;
	[sflag:s9] =	ssyncset.done $0x0  }
0x13: {  	s10 =	sadd.s32 s23, s14;
	[sflag:s9] =	ssyncadd.s32 $0xFFFF8000  }
0x14: {  	[tilespmem:s2], [sflag:$0x1] =	stream.linear.gather [hbm4b:s10+s2], $0x8000, $0x38;
	[tilespmem:$0x10000] =	vst v63  }
0x15: {  	s11 =	sadd.s32 s25, s11  }
0x16: {  	[hbm4b:s11+s2] =	stream.linear.scatter [tilespmem:s6], [sflag:$0x4], $0x8000, $0x38;
	[tilespmem:$0x10000] =	vst v63  }
0x17: {  	_ =	swait.ge [sflag:s4], $0x8000  }
0x18: {  	[sflag:s4] =	ssyncset.done $0x0  }
0x19: {  	s12 =	simm.s32 $0x4;
	[sflag:s4] =	ssyncadd.s32 $0xFFFF8000  }
0x1a: {  	_ =	swait.ge [sflag:s12], $0x8000  }
0x1b: {  	s16 =	sadd.s32 $0x3000, s24;
	[sflag:s12] =	ssyncset.done $0x0  }
0x1c: {  	s13 =	sadd.s32 s23, s16;
	[sflag:s12] =	ssyncadd.s32 $0xFFFF8000  }
0x1d: {  	[tilespmem:s6], [sflag:$0x2] =	stream.linear.gather [hbm4b:s13+s2], $0x8000, $0x38;
	[tilespmem:$0x10000] =	vst v63  }
0x1e: {  	s14 =	sadd.s32 s25, s14  }
0x1f: {  	[hbm4b:s14+s2] =	stream.linear.scatter [tilespmem:s2], [sflag:$0x3], $0x8000, $0x38;
	[tilespmem:$0x10000] =	vst v63  }
0x20: {  	_ =	swait.ge [sflag:s8], $0x8000  }
0x21: {  	[sflag:s8] =	ssyncset.done $0x0  }
0x22: {  	[sflag:s8] =	ssyncadd.s32 $0xFFFF8000  }
0x23: {  	_ =	swait.ge [sflag:s9], $0x8000  }
0x24: {  	s18 =	sadd.s32 $0x4000, s24;
	[sflag:s9] =	ssyncset.done $0x0  }
0x25: {  	s15 =	sadd.s32 s23, s18;
	[sflag:s9] =	ssyncadd.s32 $0xFFFF8000  }
0x26: {  	[tilespmem:s2], [sflag:$0x1] =	stream.linear.gather [hbm4b:s15+s2], $0x8000, $0x38;
	[tilespmem:$0x10000] =	vst v63  }
0x27: {  	s16 =	sadd.s32 s25, s16  }
0x28: {  	[hbm4b:s16+s2] =	stream.linear.scatter [tilespmem:s6], [sflag:$0x4], $0x8000, $0x38;
	[tilespmem:$0x10000] =	vst v63  }
0x29: {  	_ =	swait.ge [sflag:s4], $0x8000  }
0x2a: {  	[sflag:s4] =	ssyncset.done $0x0  }
0x2b: {  	[sflag:s4] =	ssyncadd.s32 $0xFFFF8000  }
0x2c: {  	_ =	swait.ge [sflag:s12], $0x8000  }
0x2d: {  	s20 =	sadd.s32 $0x5000, s24;
	[sflag:s12] =	ssyncset.done $0x0  }
0x2e: {  	s17 =	sadd.s32 s23, s20;
	[sflag:s12] =	ssyncadd.s32 $0xFFFF8000  }
0x2f: {  	[tilespmem:s6], [sflag:$0x2] =	stream.linear.gather [hbm4b:s17+s2], $0x8000, $0x38;
	[tilespmem:$0x10000] =	vst v63  }
0x30: {  	s18 =	sadd.s32 s25, s18  }
0x31: {  	[hbm4b:s18+s2] =	stream.linear.scatter [tilespmem:s2], [sflag:$0x3], $0x8000, $0x38;
	[tilespmem:$0x10000] =	vst v63  }
0x32: {  	_ =	swait.ge [sflag:s8], $0x8000  }
0x33: {  	[sflag:s8] =	ssyncset.done $0x0  }
0x34: {  	[sflag:s8] =	ssyncadd.s32 $0xFFFF8000  }
0x35: {  	_ =	swait.ge [sflag:s9], $0x8000  }
0x36: {  	s22 =	sadd.s32 $0x6000, s24;
	[sflag:s9] =	ssyncset.done $0x0  }
0x37: {  	s19 =	sadd.s32 s23, s22;
	[sflag:s9] =	ssyncadd.s32 $0xFFFF8000  }
0x38: {  	[tilespmem:s2], [sflag:$0x1] =	stream.linear.gather [hbm4b:s19+s2], $0x8000, $0x38;
	[tilespmem:$0x10000] =	vst v63  }
0x39: {  	s20 =	sadd.s32 s25, s20  }
0x3a: {  	[hbm4b:s20+s2] =	stream.linear.scatter [tilespmem:s6], [sflag:$0x4], $0x8000, $0x38;
	[tilespmem:$0x10000] =	vst v63  }
0x3b: {  	_ =	swait.ge [sflag:s4], $0x8000  }
0x3c: {  	[sflag:s4] =	ssyncset.done $0x0  }
0x3d: {  	[sflag:s4] =	ssyncadd.s32 $0xFFFF8000  }
0x3e: {  	_ =	swait.ge [sflag:s12], $0x8000  }
0x3f: {  	s28 =	sadd.s32 $0x7000, s24;
	[sflag:s12] =	ssyncset.done $0x0  }
0x40: {  	s21 =	sadd.s32 s23, s28;
	[sflag:s12] =	ssyncadd.s32 $0xFFFF8000  }
0x41: {  	[tilespmem:s6], [sflag:$0x2] =	stream.linear.gather [hbm4b:s21+s2], $0x8000, $0x38;
	[tilespmem:$0x10000] =	vst v63  }
0x42: {  	s22 =	sadd.s32 s25, s22  }
0x43: {  	[hbm4b:s22+s2] =	stream.linear.scatter [tilespmem:s2], [sflag:$0x3], $0x8000, $0x38;
	[tilespmem:$0x10000] =	vst v63  }
0x44: {  	_ =	swait.ge [sflag:s8], $0x8000  }
0x45: {  	[sflag:s8] =	ssyncset.done $0x0  }
0x46: {  	[sflag:s8] =	ssyncadd.s32 $0xFFFF8000  }
0x47: {  	_ =	swait.ge [sflag:s9], $0x8000  }
0x48: {  	s29 =	sadd.s32 $0x8000, s24;
	[sflag:s9] =	ssyncset.done $0x0  }
0x49: {  	s26 =	ssub.s32 $0x2, s26;
	s23 =	sadd.s32 s23, s29;
	[sflag:s9] =	ssyncadd.s32 $0xFFFF8000  }
0x4a: {  	[tilespmem:s2], [sflag:$0x1] =	stream.linear.gather [hbm4b:s23+s2], $0x8000, $0x38;
	[tilespmem:$0x10000] =	vst v63  }
0x4b: {  	s31 =	sshrl.u32 s26, $0x1;
	s24 =	sadd.s32 s25, s28  }
0x4c: {  	[hbm4b:s24+s2] =	stream.linear.scatter [tilespmem:s6], [sflag:$0x4], $0x8000, $0x38;
	[tilespmem:$0x10000] =	vst v63  }
0x4d: {  	s26 =	ssub.s32 s26, s31;
	_ =	swait.ge [sflag:s4], $0x8000  }
0x4e: {  	s26 =	smax.u32 s26, $0x1;
	[sflag:s4] =	ssyncset.done $0x0  }
0x4f: {  	p0 =	sne.s32 s26, $0x1;
	s25 =	sadd.s32 s25, s29;
	[sflag:s4] =	ssyncadd.s32 $0xFFFF8000  }
0x50: {  	[hbm4b:s25+s2] =	stream.linear.scatter [tilespmem:s2], [sflag:$0x3], $0x8000, $0x38;
	[tilespmem:$0x10000] =	vst v63  }
.Ltmp0:
0x51: {  	_ =	swait.ge [sflag:s9], $0x8000;
	(pc) =	sbr.rel @!p0 .LBB2_2-.Ltmp0, $4  }
0x52: {  	[sflag:s9] =	ssyncset.done $0x0  }
0x53: {  	[sflag:s9] =	ssyncadd.s32 $0xFFFF8000  }
0x54: {  	_ =	swait.ge [sflag:s12], $0x8000  }
0x55: {  	s26 =	sadd.s32 $0xFFFFFFFF, s26;
	[sflag:s12] =	ssyncset.done $0x0  }
.LBB2_1:
0x56: {  	p0 =	sne.s32 s26, $0x1;
	s26 =	sadd.s32 $0xFFFFFFFF, s26;
	[sflag:s12] =	ssyncadd.s32 $0xFFFF8000  }
0x57: {  	[tilespmem:s2], [sflag:$0x1] =	stream.linear.gather [hbm4b:s3+s2], $0x8000, $0x38;
	[tilespmem:$0x10000] =	vst v63  }
0x58: {  	_ =	swait.ge [sflag:s4], $0x8000  }
0x59: {  	[sflag:s4] =	ssyncset.done $0x0  }
0x5a: {  	[sflag:s4] =	ssyncadd.s32 $0xFFFF8000  }
0x5b: {  	[tilespmem:s6], [sflag:$0x2] =	stream.linear.gather [hbm4b:s5+s2], $0x8000, $0x38;
	[tilespmem:$0x10000] =	vst v63  }
0x5c: {  	_ = 	snop  }
0x5d: {  	[hbm4b:s7+s2] =	stream.linear.scatter [tilespmem:s2], [sflag:$0x3], $0x8000, $0x38;
	[tilespmem:$0x10000] =	vst v63  }
0x5e: {  	_ =	swait.ge [sflag:s8], $0x8000  }
0x5f: {  	[sflag:s8] =	ssyncset.done $0x0  }
0x60: {  	[sflag:s8] =	ssyncadd.s32 $0xFFFF8000  }
0x61: {  	_ =	swait.ge [sflag:s9], $0x8000  }
0x62: {  	[sflag:s9] =	ssyncset.done $0x0  }
0x63: {  	[sflag:s9] =	ssyncadd.s32 $0xFFFF8000  }
0x64: {  	[tilespmem:s2], [sflag:$0x1] =	stream.linear.gather [hbm4b:s10+s2], $0x8000, $0x38;
	[tilespmem:$0x10000] =	vst v63  }
0x65: {  	_ = 	snop  }
0x66: {  	[hbm4b:s11+s2] =	stream.linear.scatter [tilespmem:s6], [sflag:$0x4], $0x8000, $0x38;
	[tilespmem:$0x10000] =	vst v63  }
0x67: {  	_ =	swait.ge [sflag:s4], $0x8000  }
0x68: {  	[sflag:s4] =	ssyncset.done $0x0  }
0x69: {  	[sflag:s4] =	ssyncadd.s32 $0xFFFF8000  }
0x6a: {  	_ =	swait.ge [sflag:s12], $0x8000  }
0x6b: {  	[sflag:s12] =	ssyncset.done $0x0  }
0x6c: {  	[sflag:s12] =	ssyncadd.s32 $0xFFFF8000  }
0x6d: {  	[tilespmem:s6], [sflag:$0x2] =	stream.linear.gather [hbm4b:s13+s2], $0x8000, $0x38;
	[tilespmem:$0x10000] =	vst v63  }
0x6e: {  	_ = 	snop  }
0x6f: {  	[hbm4b:s14+s2] =	stream.linear.scatter [tilespmem:s2], [sflag:$0x3], $0x8000, $0x38;
	[tilespmem:$0x10000] =	vst v63  }
0x70: {  	_ =	swait.ge [sflag:s8], $0x8000  }
0x71: {  	[sflag:s8] =	ssyncset.done $0x0  }
0x72: {  	[sflag:s8] =	ssyncadd.s32 $0xFFFF8000  }
0x73: {  	_ =	swait.ge [sflag:s9], $0x8000  }
0x74: {  	[sflag:s9] =	ssyncset.done $0x0  }
0x75: {  	[sflag:s9] =	ssyncadd.s32 $0xFFFF8000  }
0x76: {  	[tilespmem:s2], [sflag:$0x1] =	stream.linear.gather [hbm4b:s15+s2], $0x8000, $0x38;
	[tilespmem:$0x10000] =	vst v63  }
0x77: {  	_ = 	snop  }
0x78: {  	[hbm4b:s16+s2] =	stream.linear.scatter [tilespmem:s6], [sflag:$0x4], $0x8000, $0x38;
	[tilespmem:$0x10000] =	vst v63  }
0x79: {  	_ =	swait.ge [sflag:s4], $0x8000  }
0x7a: {  	[sflag:s4] =	ssyncset.done $0x0  }
0x7b: {  	[sflag:s4] =	ssyncadd.s32 $0xFFFF8000  }
0x7c: {  	_ =	swait.ge [sflag:s12], $0x8000  }
0x7d: {  	[sflag:s12] =	ssyncset.done $0x0  }
0x7e: {  	[sflag:s12] =	ssyncadd.s32 $0xFFFF8000  }
0x7f: {  	[tilespmem:s6], [sflag:$0x2] =	stream.linear.gather [hbm4b:s17+s2], $0x8000, $0x38;
	[tilespmem:$0x10000] =	vst v63  }
0x80: {  	_ = 	snop  }
0x81: {  	[hbm4b:s18+s2] =	stream.linear.scatter [tilespmem:s2], [sflag:$0x3], $0x8000, $0x38;
	[tilespmem:$0x10000] =	vst v63  }
0x82: {  	_ =	swait.ge [sflag:s8], $0x8000  }
0x83: {  	[sflag:s8] =	ssyncset.done $0x0  }
0x84: {  	[sflag:s8] =	ssyncadd.s32 $0xFFFF8000  }
0x85: {  	_ =	swait.ge [sflag:s9], $0x8000  }
0x86: {  	[sflag:s9] =	ssyncset.done $0x0  }
0x87: {  	[sflag:s9] =	ssyncadd.s32 $0xFFFF8000  }
0x88: {  	[tilespmem:s2], [sflag:$0x1] =	stream.linear.gather [hbm4b:s19+s2], $0x8000, $0x38;
	[tilespmem:$0x10000] =	vst v63  }
0x89: {  	_ = 	snop  }
0x8a: {  	[hbm4b:s20+s2] =	stream.linear.scatter [tilespmem:s6], [sflag:$0x4], $0x8000, $0x38;
	[tilespmem:$0x10000] =	vst v63  }
0x8b: {  	_ =	swait.ge [sflag:s4], $0x8000  }
0x8c: {  	[sflag:s4] =	ssyncset.done $0x0  }
0x8d: {  	[sflag:s4] =	ssyncadd.s32 $0xFFFF8000  }
0x8e: {  	_ =	swait.ge [sflag:s12], $0x8000  }
0x8f: {  	[sflag:s12] =	ssyncset.done $0x0  }
0x90: {  	[sflag:s12] =	ssyncadd.s32 $0xFFFF8000  }
0x91: {  	[tilespmem:s6], [sflag:$0x2] =	stream.linear.gather [hbm4b:s21+s2], $0x8000, $0x38;
	[tilespmem:$0x10000] =	vst v63  }
0x92: {  	_ = 	snop  }
0x93: {  	[hbm4b:s22+s2] =	stream.linear.scatter [tilespmem:s2], [sflag:$0x3], $0x8000, $0x38;
	[tilespmem:$0x10000] =	vst v63  }
0x94: {  	_ =	swait.ge [sflag:s8], $0x8000  }
0x95: {  	[sflag:s8] =	ssyncset.done $0x0  }
0x96: {  	[sflag:s8] =	ssyncadd.s32 $0xFFFF8000  }
0x97: {  	_ =	swait.ge [sflag:s9], $0x8000  }
0x98: {  	[sflag:s9] =	ssyncset.done $0x0  }
0x99: {  	[sflag:s9] =	ssyncadd.s32 $0xFFFF8000  }
0x9a: {  	[tilespmem:s2], [sflag:$0x1] =	stream.linear.gather [hbm4b:s23+s2], $0x8000, $0x38;
	[tilespmem:$0x10000] =	vst v63  }
0x9b: {  	_ = 	snop  }
0x9c: {  	[hbm4b:s24+s2] =	stream.linear.scatter [tilespmem:s6], [sflag:$0x4], $0x8000, $0x38;
	[tilespmem:$0x10000] =	vst v63  }
0x9d: {  	_ =	swait.ge [sflag:s4], $0x8000  }
0x9e: {  	[sflag:s4] =	ssyncset.done $0x0  }
0x9f: {  	[sflag:s4] =	ssyncadd.s32 $0xFFFF8000  }
0xa0: {  	[hbm4b:s25+s2] =	stream.linear.scatter [tilespmem:s2], [sflag:$0x3], $0x8000, $0x38;
	[tilespmem:$0x10000] =	vst v63  }
.Ltmp1:
0xa1: {  	_ =	swait.ge [sflag:s9], $0x8000;
	(pc) =	sbr.rel @p0 .LBB2_1-.Ltmp1, $4  }
0xa2: {  	[sflag:s9] =	ssyncset.done $0x0  }
0xa3: {  	[sflag:s9] =	ssyncadd.s32 $0xFFFF8000  }
0xa4: {  	_ =	swait.ge [sflag:s12], $0x8000  }
0xa5: {  	[sflag:s12] =	ssyncset.done $0x0  }
.LBB2_2:
0xa6: {  	[sflag:s12] =	ssyncadd.s32 $0xFFFF8000  }
0xa7: {  	_ =	sfence.sel $0x180000  }
0xa8: {  	[bflag:$0x0] =	sbarrier.arrive $0xFFFF  }
0xa9: {  	p0 =	sne.s32 s0, $0x0;
	_ =	strace $0x90000047  }
0xaa: {  	s0 =	sadd.s32 @!p0 $0x100000, s1;
	[bflag:$0x2] =	sbarrier.arrive $0xFFFF  }
0xab: {  	[sflag:s0] =	ssyncadd.tile.s32 @!p0 $0x1;
	_ =	shalt  }
.Lfunc_end2:
_tile_overlayer_lowered:
.L_overlay_start_2:
0xac: {  	(tag) =	ssettag $0x2  }
0xad: {  	s0 =	rddreg [dreg:$0x0];
	s2 =	stileid.u32  }
0xae: {  	s1 =	rddreg [dreg:$0x1];
	p0 =	sne.s32 s2, $0x0  }
0xaf: {  	s3 =	rddreg [dreg:$0x2];
	[bflag:$0x3] =	sbarrier.arrive $0xFFFF;
	s2 =	simm.s32 @!p0 $0x1C05  }
0xb0: {  	[timem:s3], [sflag:s2] =	dma.local @!p0 [hbm:s0], s1  }
0xb1: {  	s0 =	simm.s32 @!p0 $0x5  }
0xb2: {  	_ =	swait.ge @!p0 [sflag:s0], s1  }
0xb3: {  	s1 =	ssub.s32 @!p0 $0x0, s1;
	[sflag:s0] =	ssyncset.done @!p0 $0x0  }
0xb4: {  	[sflag:s0] =	ssyncadd.s32 @!p0 s1  }
0xb5: {  	[bflag:$0x3] =	sbarrier.arrive $0xFFFF  }
0xb6: {  	_ =	shalt  }

</sc_bundles>
